<compile_context>
chip_gen: v7x
topology: tpu7x:2x2x1
jax: 0.10.2.dev20260603
libtpu: 0.0.44.dev20260713+nightly
codegen_flags: <defaults>
</compile_context>

<pallas_src>
import functools

import jax
import jax.numpy as jnp
from jax import lax
from jax.experimental import pallas as pl
from jax.experimental.pallas import tpu as pltpu
from jax.experimental.pallas import tpu_sc as plsc

N = 10000
E = 160000
DIN = 256
H = 256
DOUT = 64
G = 64
EPS = 1e-5

NC = 2
NS = 16
L = 16
HH = H // 2
CHUNK = 128

BN = 1000
NB = N // BN

_mesh = lambda: plsc.VectorSubcoreMesh(core_axis_name="c", subcore_axis_name="s")


def _fill(ref, n, val):
  v = jnp.full((L,), val, jnp.float32)

  def body(i, _):
    ref[pl.ds(i * L, L)] = v
    return 0

  lax.fori_loop(0, n // L, body, 0)


def _sc_deg_body(dst_hbm, out_hbm, hist, ones_v, idx_v, zbuf):
  c = lax.axis_index("c")
  s = lax.axis_index("s")
  w = c * NS + s
  epw = 4992
  nfull = epw // CHUNK

  _fill(zbuf, CHUNK, 0.0)
  _fill(ones_v, CHUNK, 1.0)

  stripe = s * 624
  for k in range(5):
    pltpu.sync_copy(zbuf, hist.at[pl.ds(stripe + k * CHUNK, CHUNK)])
  plsc.subcore_barrier()

  base0 = w * epw

  def chunk(base):
    pltpu.sync_copy(dst_hbm.at[pl.ds(base, CHUNK)], idx_v)
    pltpu.sync_copy(ones_v, hist.at[idx_v], add=True)

  def body(i, _):
    chunk(base0 + i * CHUNK)
    return 0

  lax.fori_loop(0, nfull, body, 0)

  @pl.when(s == 0)
  def _():
    chunk(NC * NS * epw + c * CHUNK)

  plsc.subcore_barrier()

  @pl.when(s == 0)
  def _():
    pltpu.sync_copy(hist, out_hbm.at[c])


def _sc_deg(dst):
  return pl.kernel(
      _sc_deg_body,
      out_type=jax.ShapeDtypeStruct((NC, N), jnp.float32),
      mesh=_mesh(),
      scratch_types=[
          pltpu.VMEM_SHARED((N,), jnp.float32),
          pltpu.VMEM((CHUNK,), jnp.float32),
          pltpu.VMEM((CHUNK,), jnp.int32),
          pltpu.VMEM((CHUNK,), jnp.float32),
      ],
  )(dst)


def _sc_agg_body(src_hbm, dst_hbm, zs_hbm, out_hbm, acc, idx_s, idx_d,
                 rows, sem_i, sem_g, sem_sc):
  c = lax.axis_index("c")
  s = lax.axis_index("s")
  n = 78 + jnp.where(s < 2, 1, 0)
  r0 = 78 * s + jnp.minimum(s, 2)

  zv = jnp.zeros((L,), jnp.float32)

  def zbody(r, _):
    for jj in range(HH // L):
      rows[0, r, pl.ds(jj * L, L)] = zv
    return 0

  lax.fori_loop(0, CHUNK, zbody, 0)
  z0 = s * 624
  for k in range(5):
    pltpu.sync_copy(rows.at[0], acc.at[pl.ds(z0 + k * CHUNK, CHUNK)])
  plsc.subcore_barrier()

  def idx_stage(i):
    q = lax.rem(i, 4)
    pltpu.async_copy(src_hbm.at[r0 + i], idx_s.at[q], sem_i.at[q])
    pltpu.async_copy(dst_hbm.at[r0 + i], idx_d.at[q], sem_i.at[q])

  def idx_wait(i):
    q = lax.rem(i, 4)
    pltpu.make_async_copy(src_hbm.at[r0 + i], idx_s.at[q], sem_i.at[q]).wait()
    pltpu.make_async_copy(dst_hbm.at[r0 + i], idx_d.at[q], sem_i.at[q]).wait()

  def gather_fire(i, slot):
    q = lax.rem(i, 4)
    pltpu.async_copy(zs_hbm.at[c].at[idx_s.at[q]], rows.at[slot],
                     sem_g.at[slot])

  def gather_wait(i, slot):
    q = lax.rem(i, 4)
    pltpu.make_async_copy(zs_hbm.at[c].at[idx_s.at[q]], rows.at[slot],
                          sem_g.at[slot]).wait()

  def scatter_fire(i, slot):
    q = lax.rem(i, 4)
    pltpu.async_copy(rows.at[slot], acc.at[idx_d.at[q]], sem_sc.at[slot],
                     add=True)

  def scatter_wait(i, slot):
    q = lax.rem(i, 4)
    pltpu.make_async_copy(rows.at[slot], acc.at[idx_d.at[q]],
                          sem_sc.at[slot]).wait()

  idx_stage(0)
  idx_stage(1)
  idx_wait(0)
  gather_fire(0, 0)

  def body(i, _):
    slot = lax.rem(i, 2)
    nxt = lax.rem(i + 1, 2)

    @pl.when(i + 1 < n)
    def _():
      @pl.when(i >= 1)
      def _():
        scatter_wait(i - 1, nxt)
      idx_wait(i + 1)
      gather_fire(i + 1, nxt)

    gather_wait(i, slot)
    scatter_fire(i, slot)

    @pl.when(i + 2 < n)
    def _():
      idx_stage(i + 2)

    return 0

  lax.fori_loop(0, n, body, 0)

  scatter_wait(n - 2, lax.rem(n - 2, 2))
  scatter_wait(n - 1, lax.rem(n - 1, 2))

  plsc.subcore_barrier()
  ro = s * 624

  @pl.when(s < NS - 1)
  def _():
    pltpu.sync_copy(acc.at[pl.ds(ro, 624)], out_hbm.at[c].at[pl.ds(ro, 624)])

  @pl.when(s == NS - 1)
  def _():
    pltpu.sync_copy(acc.at[pl.ds(9360, 640)],
                    out_hbm.at[c].at[pl.ds(9360, 640)])


def _sc_agg(src2, dst2, zs):
  return pl.kernel(
      _sc_agg_body,
      out_type=jax.ShapeDtypeStruct((NC, N, HH), jnp.float32),
      mesh=_mesh(),
      scratch_types=[
          pltpu.VMEM_SHARED((N, HH), jnp.float32),
          pltpu.VMEM((4, CHUNK), jnp.int32),
          pltpu.VMEM((4, CHUNK), jnp.int32),
          pltpu.VMEM((2, CHUNK, HH), jnp.float32),
          pltpu.SemaphoreType.DMA((4,)),
          pltpu.SemaphoreType.DMA((2,)),
          pltpu.SemaphoreType.DMA((2,)),
      ],
  )(src2, dst2, zs)


def _tc_prep_body(x_ref, w_ref, da_ref, db_ref, zs_ref, dinv_ref):
  dinv = lax.rsqrt(da_ref[...] + db_ref[...] + 1.0)
  z = lax.dot_general(x_ref[...], w_ref[...], (((1,), (1,)), ((), ())),
                      preferred_element_type=jnp.float32)
  zs = z * dinv
  zs_ref[0] = zs[:, :HH]
  zs_ref[1] = zs[:, HH:]
  dinv_ref[...] = dinv


def _tc_prep(x, W0, degA, degB):
  return pl.pallas_call(
      _tc_prep_body,
      grid=(NB,),
      in_specs=[
          pl.BlockSpec((BN, DIN), lambda j: (j, 0)),
          pl.BlockSpec((H, DIN), lambda j: (0, 0)),
          pl.BlockSpec((BN, 1), lambda j: (j, 0)),
          pl.BlockSpec((BN, 1), lambda j: (j, 0)),
      ],
      out_specs=[
          pl.BlockSpec((NC, BN, HH), lambda j: (0, j, 0)),
          pl.BlockSpec((BN, 1), lambda j: (j, 0)),
      ],
      out_shape=[
          jax.ShapeDtypeStruct((NC, N, HH), jnp.float32),
          jax.ShapeDtypeStruct((N, 1), jnp.float32),
      ],
  )(x, W0, degA, degB)


def _pre_act(acc_ref, zs_ref, dinv_ref, c_ref):
  a = jnp.concatenate([acc_ref[0] + zs_ref[0], acc_ref[1] + zs_ref[1]],
                      axis=-1)
  return a * dinv_ref[...] + c_ref[...]


def _bn_relu(t, sums_ref, sumsq_ref, g_ref, be_ref):
  mean = sums_ref[...] * (1.0 / N)
  var = sumsq_ref[...] * (1.0 / N) - mean * mean
  return jnp.maximum((t - mean) * lax.rsqrt(var + EPS) * g_ref[...]
                     + be_ref[...], 0.0)


def _tc_layer_body(acc_ref, zs_ref, dinv_ref, c_ref, g_ref, be_ref, w_ref,
                   out_ref, sums_ref, sumsq_ref, t_ref):
  p = pl.program_id(0)
  j = pl.program_id(1)

  @pl.when(p == 0)
  def _():
    t = _pre_act(acc_ref, zs_ref, dinv_ref, c_ref)
    t_ref[j] = t

    @pl.when(j == 0)
    def _():
      sums_ref[...] = jnp.zeros_like(sums_ref)
      sumsq_ref[...] = jnp.zeros_like(sumsq_ref)

    sums_ref[...] += jnp.sum(t, axis=0, keepdims=True)
    sumsq_ref[...] += jnp.sum(t * t, axis=0, keepdims=True)

  @pl.when(p == 1)
  def _():
    h = _bn_relu(t_ref[j], sums_ref, sumsq_ref, g_ref, be_ref)
    z = lax.dot_general(h, w_ref[...], (((1,), (1,)), ((), ())),
                        preferred_element_type=jnp.float32)
    zsn = z * dinv_ref[...]
    out_ref[0] = zsn[:, :HH]
    out_ref[1] = zsn[:, HH:]


def _tc_layer(acc, zs, dinv, c, g, be, Wn):
  return pl.pallas_call(
      _tc_layer_body,
      grid=(2, NB),
      in_specs=[
          pl.BlockSpec((NC, BN, HH),
                       lambda p, j: (0, jnp.where(p == 0, j, 0), 0)),
          pl.BlockSpec((NC, BN, HH),
                       lambda p, j: (0, jnp.where(p == 0, j, 0), 0)),
          pl.BlockSpec((BN, 1), lambda p, j: (j, 0)),
          pl.BlockSpec((1, H), lambda p, j: (0, 0)),
          pl.BlockSpec((1, H), lambda p, j: (0, 0)),
          pl.BlockSpec((1, H), lambda p, j: (0, 0)),
          pl.BlockSpec((H, H), lambda p, j: (0, 0)),
      ],
      out_specs=pl.BlockSpec((NC, BN, HH), lambda p, j: (0, j, 0)),
      out_shape=jax.ShapeDtypeStruct((NC, N, HH), jnp.float32),
      scratch_shapes=[
          pltpu.VMEM((1, H), jnp.float32),
          pltpu.VMEM((1, H), jnp.float32),
          pltpu.VMEM((NB, BN, H), jnp.float32),
      ],
  )(acc, zs, dinv, c, g, be, Wn)


def _tc_head_body(acc_ref, zs_ref, dinv_ref, c_ref, g_ref, be_ref, b_ref,
                  wh1_ref, bh1_ref, wh2_ref, bh2_ref, out_ref,
                  sums_ref, sumsq_ref, psum_ref, pcnt_ref, t_ref):
  p = pl.program_id(0)
  j = pl.program_id(1)

  @pl.when(p < 2)
  def _():
    @pl.when(p == 0)
    def _():
      t = _pre_act(acc_ref, zs_ref, dinv_ref, c_ref)
      t_ref[j] = t

      @pl.when(j == 0)
      def _():
        sums_ref[...] = jnp.zeros_like(sums_ref)
        sumsq_ref[...] = jnp.zeros_like(sumsq_ref)

      sums_ref[...] += jnp.sum(t, axis=0, keepdims=True)
      sumsq_ref[...] += jnp.sum(t * t, axis=0, keepdims=True)

    @pl.when(p == 1)
    def _():
      @pl.when(j == 0)
      def _():
        psum_ref[...] = jnp.zeros_like(psum_ref)
        pcnt_ref[...] = jnp.zeros_like(pcnt_ref)

      h = _bn_relu(t_ref[j], sums_ref, sumsq_ref, g_ref, be_ref)
      gids = lax.broadcasted_iota(jnp.int32, (1, G), 1)
      mask = (b_ref[...] == gids).astype(jnp.float32)
      psum_ref[...] += lax.dot_general(
          mask, h, (((0,), (0,)), ((), ())),
          preferred_element_type=jnp.float32)
      pcnt_ref[...] += lax.dot_general(
          mask, jnp.ones((BN, 1), jnp.float32), (((0,), (0,)), ((), ())),
          preferred_element_type=jnp.float32)

  @pl.when((p == 2) & (j == 0))
  def _():
    pool = psum_ref[...] / jnp.maximum(pcnt_ref[...], 1.0)
    hid = jnp.maximum(
        lax.dot_general(pool, wh1_ref[...], (((1,), (1,)), ((), ())),
                        preferred_element_type=jnp.float32) + bh1_ref[...],
        0.0)
    out_ref[...] = lax.dot_general(
        hid, wh2_ref[...], (((1,), (1,)), ((), ())),
        preferred_element_type=jnp.float32) + bh2_ref[...]


def _tc_head(acc, zs, dinv, c, g, be, b2, Wh1, bh1, Wh2, bh2):
  return pl.pallas_call(
      _tc_head_body,
      grid=(3, NB),
      in_specs=[
          pl.BlockSpec((NC, BN, HH),
                       lambda p, j: (0, jnp.where(p == 0, j, 0), 0)),
          pl.BlockSpec((NC, BN, HH),
                       lambda p, j: (0, jnp.where(p == 0, j, 0), 0)),
          pl.BlockSpec((BN, 1), lambda p, j: (j, 0)),
          pl.BlockSpec((1, H), lambda p, j: (0, 0)),
          pl.BlockSpec((1, H), lambda p, j: (0, 0)),
          pl.BlockSpec((1, H), lambda p, j: (0, 0)),
          pl.BlockSpec((BN, 1), lambda p, j: (j, 0)),
          pl.BlockSpec((H, H), lambda p, j: (0, 0)),
          pl.BlockSpec((1, H), lambda p, j: (0, 0)),
          pl.BlockSpec((DOUT, H), lambda p, j: (0, 0)),
          pl.BlockSpec((1, DOUT), lambda p, j: (0, 0)),
      ],
      out_specs=pl.BlockSpec((G, DOUT), lambda p, j: (0, 0)),
      out_shape=jax.ShapeDtypeStruct((G, DOUT), jnp.float32),
      scratch_shapes=[
          pltpu.VMEM((1, H), jnp.float32),
          pltpu.VMEM((1, H), jnp.float32),
          pltpu.VMEM((G, H), jnp.float32),
          pltpu.VMEM((G, 1), jnp.float32),
          pltpu.VMEM((NB, BN, H), jnp.float32),
      ],
  )(acc, zs, dinv, c, g, be, b2, Wh1, bh1, Wh2, bh2)


def kernel(x, ei, b, W0, c0, W1, c1, W2, c2, g0, be0, g1, be1, g2, be2,
           Wh1, bh1, Wh2, bh2):
  src = ei[0]
  dst = ei[1]
  src2 = src.reshape(E // CHUNK, CHUNK)
  dst2 = dst.reshape(E // CHUNK, CHUNK)
  deg2 = _sc_deg(dst)
  degA = deg2[0].reshape(N, 1)
  degB = deg2[1].reshape(N, 1)
  zs, dinv = _tc_prep(x, W0, degA, degB)
  acc = _sc_agg(src2, dst2, zs)
  zs = _tc_layer(acc, zs, dinv, c0.reshape(1, H), g0.reshape(1, H),
                 be0.reshape(1, H), W1)
  acc = _sc_agg(src2, dst2, zs)
  zs = _tc_layer(acc, zs, dinv, c1.reshape(1, H), g1.reshape(1, H),
                 be1.reshape(1, H), W2)
  acc = _sc_agg(src2, dst2, zs)
  return _tc_head(acc, zs, dinv, c2.reshape(1, H), g2.reshape(1, H),
                  be2.reshape(1, H), b.reshape(N, 1).astype(jnp.int32),
                  Wh1, bh1.reshape(1, H), Wh2, bh2.reshape(1, DOUT))

# --- scband reference (transcript-rebuilt; emitter-appended) ---
"""Pipeline reference for scband-gcn-3951369912895 (READ-ONLY COPY).

The authoritative reference and input builder live on the scoring server;
editing this copy changes nothing except your own understanding.
"""

import jax, jax.numpy as jnp
import numpy as np

N = 10000
E = 160000
DIN = 256
H = 256
DOUT = 64
G = 64
EPS = 1e-5


def setup_inputs(seed: int = 0) -> dict:
    key = jax.random.key(seed)
    ks = jax.random.split(key, 24)
    inp = {}
    inp["x"] = jax.random.normal(ks[0], (N, DIN), dtype=jnp.float32)
    inp["ei"] = jax.random.randint(ks[1], (2, E), 0, N, dtype=jnp.int32)
    inp["b"] = jnp.sort(jax.random.randint(ks[2], (N,), 0, G, dtype=jnp.int32))
    # GCNConv layer params: weight [out, in], bias [out]
    inp["W0"] = jax.random.normal(ks[3], (H, DIN), dtype=jnp.float32) * 0.05
    inp["c0"] = jnp.zeros((H,), jnp.float32)
    inp["W1"] = jax.random.normal(ks[4], (H, H), dtype=jnp.float32) * 0.05
    inp["c1"] = jnp.zeros((H,), jnp.float32)
    inp["W2"] = jax.random.normal(ks[5], (H, H), dtype=jnp.float32) * 0.05
    inp["c2"] = jnp.zeros((H,), jnp.float32)
    # BatchNorm params per layer
    inp["g0"] = jnp.ones((H,), jnp.float32)
    inp["be0"] = jnp.zeros((H,), jnp.float32)
    inp["g1"] = jnp.ones((H,), jnp.float32)
    inp["be1"] = jnp.zeros((H,), jnp.float32)
    inp["g2"] = jnp.ones((H,), jnp.float32)
    inp["be2"] = jnp.zeros((H,), jnp.float32)
    # head: Linear(H,H) -> ReLU -> Linear(H,DOUT)
    inp["Wh1"] = jax.random.normal(ks[6], (H, H), dtype=jnp.float32) * 0.05
    inp["bh1"] = jnp.zeros((H,), jnp.float32)
    inp["Wh2"] = jax.random.normal(ks[7], (DOUT, H), dtype=jnp.float32) * 0.05
    inp["bh2"] = jnp.zeros((DOUT,), jnp.float32)
    return inp


def _gcn_conv(x, W, c, src, dst):
    h = x @ W.T
    loop = jnp.arange(N, dtype=src.dtype)
    s = jnp.concatenate([src, loop])
    d = jnp.concatenate([dst, loop])
    deg = jax.ops.segment_sum(jnp.ones(s.shape[0], jnp.float32), d, num_segments=N)
    dinv = jnp.where(deg > 0, 1.0 / jnp.sqrt(deg), 0.0)
    norm = dinv[s] * dinv[d]
    msg = h[s] * norm[:, None]
    out = jax.ops.segment_sum(msg, d, num_segments=N)
    return out + c


def _batchnorm(x, g, be):
    mu = jnp.mean(x, axis=0)
    var = jnp.var(x, axis=0)
    return (x - mu) / jnp.sqrt(var + EPS) * g + be


def _global_mean_pool(x, b):
    sums = jax.ops.segment_sum(x, b, num_segments=G)
    cnts = jax.ops.segment_sum(jnp.ones((x.shape[0],), jnp.float32), b, num_segments=G)
    return sums / jnp.maximum(cnts, 1.0)[:, None]


def reference(x, ei, b, W0, c0, W1, c1, W2, c2, g0, be0, g1, be1, g2, be2, Wh1, bh1, Wh2, bh2):
    src, dst = ei[0], ei[1]
    h = x
    for W, c, g, be in ((W0, c0, g0, be0), (W1, c1, g1, be1), (W2, c2, g2, be2)):
        h = _gcn_conv(h, W, c, src, dst)
        h = _batchnorm(h, g, be)
        h = jax.nn.relu(h)
        # dropout disabled (eval-mode reference)
    p = _global_mean_pool(h, b)
    p = jax.nn.relu(p @ Wh1.T + bh1)
    return p @ Wh2.T + bh2

if __name__ == "__main__":
    import jax
    _d = setup_inputs()
    print(jax.jit(kernel)(*tuple(_d.values())))

</pallas_src>

<mosaic_0001>
#map = affine_map<(d0, d1) -> (0, 0)>
#map1 = affine_map<(d0, d1) -> (0, 0, 0)>
module attributes {stable_mosaic.version = 14 : i64} {
  func.func @_sc_agg_body(%arg0: i32, %arg1: i32, %arg2: memref<1250x128xi32, #tpu.memory_space<hbm>>, %arg3: memref<1250x128xi32, #tpu.memory_space<hbm>>, %arg4: memref<2x10000x128xf32, #tpu.memory_space<hbm>>, %arg5: memref<2x10000x128xf32, #tpu.memory_space<hbm>>, %arg6: memref<10000x128xf32, #tpu.memory_space<vmem_shared>>, %arg7: memref<4x128xi32, #tpu.memory_space<vmem>>, %arg8: memref<4x128xi32, #tpu.memory_space<vmem>>, %arg9: memref<2x128x128xf32, #tpu.memory_space<vmem>>, %arg10: memref<4x!tpu.dma_semaphore, #tpu.memory_space<semaphore_mem>>, %arg11: memref<2x!tpu.dma_semaphore, #tpu.memory_space<semaphore_mem>>, %arg12: memref<2x!tpu.dma_semaphore, #tpu.memory_space<semaphore_mem>>) attributes {dimension_semantics = [#tpu.dimension_semantics<core_parallel>, #tpu.dimension_semantics<subcore_parallel>], iteration_bounds = array<i64: 2, 16>, scalar_prefetch = 0 : i64, scratch_operands = 7 : i64, tpu.core_type = #tpu.core_type<sc_vector_subcore>, window_params = [{transform_indices = #map}, {transform_indices = #map}, {transform_indices = #map1}, {transform_indices = #map1}]} {
    %lt3A = arith.constant 2 : i32
    %lt3A_0 = arith.cmpi slt, %arg1, %lt3A : i32
    %jit3A = arith.constant 1 : i32
    %jit3A_1 = arith.constant 0 : i32
    %select_n3A = arith.select %lt3A_0, %jit3A, %jit3A_1 : i32
    %add3A = arith.constant 78 : i32
    %add3A_2 = arith.addi %add3A, %select_n3A : i32
    %mul3A = arith.constant 78 : i32
    %mul3A_3 = arith.muli %mul3A, %arg1 : i32
    %min3A = arith.constant 2 : i32
    %min3A_4 = arith.minsi %arg1, %min3A : i32
    %add3A_5 = arith.addi %mul3A_3, %min3A_4 : i32
    %broadcast_in_dim3A = arith.constant 0.000000e+00 : f32
    %broadcast_in_dim3A_6 = vector.broadcast %broadcast_in_dim3A : f32 to vector<16xf32>
    %scan3A = arith.constant 0 : i32
    %scan3A_7 = arith.constant 0 : i32
    %scan3A_8 = arith.constant 128 : i32
    %scan3A_9 = arith.addi %scan3A_7, %scan3A_8 : i32
    %scan3A_10 = arith.constant 1 : i32
    %scan3A_11 = scf.for %scan3A_212 = %scan3A_7 to %scan3A_9 step %scan3A_10 iter_args(%scan3A_213 = %scan3A) -> (i32)  : i32 {
      %swap3A = arith.constant 0 : i32
      %swap3A_214 = arith.index_cast %swap3A : i32 to index
      %swap3A_215 = arith.index_cast %scan3A_212 : i32 to index
      %swap3A_216 = arith.constant 0 : index
      %swap3A_217 = tpu.vector_load %arg9[%swap3A_214, %swap3A_215, %swap3A_216] {strides = array<i32>} : memref<2x128x128xf32, #tpu.memory_space<vmem>>, vector<1x1x16xf32>,
      %swap3A_218 = vector.shape_cast %swap3A_217 : vector<1x1x16xf32> to vector<16xf32>
      %swap3A_219 = vector.shape_cast %broadcast_in_dim3A_6 : vector<16xf32> to vector<1x1x16xf32>
      tpu.vector_store %arg9[%swap3A_214, %swap3A_215, %swap3A_216], %swap3A_219 {strides = array<i32>} : memref<2x128x128xf32, #tpu.memory_space<vmem>>, vector<1x1x16xf32>,
      %swap3A_220 = arith.constant 0 : i32
      %swap3A_221 = arith.index_cast %swap3A_220 : i32 to index
      %swap3A_222 = arith.index_cast %scan3A_212 : i32 to index
      %swap3A_223 = arith.constant 16 : index
      %swap3A_224 = tpu.vector_load %arg9[%swap3A_221, %swap3A_222, %swap3A_223] {strides = array<i32>} : memref<2x128x128xf32, #tpu.memory_space<vmem>>, vector<1x1x16xf32>,
      %swap3A_225 = vector.shape_cast %swap3A_224 : vector<1x1x16xf32> to vector<16xf32>
      %swap3A_226 = vector.shape_cast %broadcast_in_dim3A_6 : vector<16xf32> to vector<1x1x16xf32>
      tpu.vector_store %arg9[%swap3A_221, %swap3A_222, %swap3A_223], %swap3A_226 {strides = array<i32>} : memref<2x128x128xf32, #tpu.memory_space<vmem>>, vector<1x1x16xf32>,
      %swap3A_227 = arith.constant 0 : i32
      %swap3A_228 = arith.index_cast %swap3A_227 : i32 to index
      %swap3A_229 = arith.index_cast %scan3A_212 : i32 to index
      %swap3A_230 = arith.constant 32 : index
      %swap3A_231 = tpu.vector_load %arg9[%swap3A_228, %swap3A_229, %swap3A_230] {strides = array<i32>} : memref<2x128x128xf32, #tpu.memory_space<vmem>>, vector<1x1x16xf32>,
      %swap3A_232 = vector.shape_cast %swap3A_231 : vector<1x1x16xf32> to vector<16xf32>
      %swap3A_233 = vector.shape_cast %broadcast_in_dim3A_6 : vector<16xf32> to vector<1x1x16xf32>
      tpu.vector_store %arg9[%swap3A_228, %swap3A_229, %swap3A_230], %swap3A_233 {strides = array<i32>} : memref<2x128x128xf32, #tpu.memory_space<vmem>>, vector<1x1x16xf32>,
      %swap3A_234 = arith.constant 0 : i32
      %swap3A_235 = arith.index_cast %swap3A_234 : i32 to index
      %swap3A_236 = arith.index_cast %scan3A_212 : i32 to index
      %swap3A_237 = arith.constant 48 : index
      %swap3A_238 = tpu.vector_load %arg9[%swap3A_235, %swap3A_236, %swap3A_237] {strides = array<i32>} : memref<2x128x128xf32, #tpu.memory_space<vmem>>, vector<1x1x16xf32>,
      %swap3A_239 = vector.shape_cast %swap3A_238 : vector<1x1x16xf32> to vector<16xf32>
      %swap3A_240 = vector.shape_cast %broadcast_in_dim3A_6 : vector<16xf32> to vector<1x1x16xf32>
      tpu.vector_store %arg9[%swap3A_235, %swap3A_236, %swap3A_237], %swap3A_240 {strides = array<i32>} : memref<2x128x128xf32, #tpu.memory_space<vmem>>, vector<1x1x16xf32>,
      %swap3A_241 = arith.constant 0 : i32
      %swap3A_242 = arith.index_cast %swap3A_241 : i32 to index
      %swap3A_243 = arith.index_cast %scan3A_212 : i32 to index
      %swap3A_244 = arith.constant 64 : index
      %swap3A_245 = tpu.vector_load %arg9[%swap3A_242, %swap3A_243, %swap3A_244] {strides = array<i32>} : memref<2x128x128xf32, #tpu.memory_space<vmem>>, vector<1x1x16xf32>,
      %swap3A_246 = vector.shape_cast %swap3A_245 : vector<1x1x16xf32> to vector<16xf32>
      %swap3A_247 = vector.shape_cast %broadcast_in_dim3A_6 : vector<16xf32> to vector<1x1x16xf32>
      tpu.vector_store %arg9[%swap3A_242, %swap3A_243, %swap3A_244], %swap3A_247 {strides = array<i32>} : memref<2x128x128xf32, #tpu.memory_space<vmem>>, vector<1x1x16xf32>,
      %swap3A_248 = arith.constant 0 : i32
      %swap3A_249 = arith.index_cast %swap3A_248 : i32 to index
      %swap3A_250 = arith.index_cast %scan3A_212 : i32 to index
      %swap3A_251 = arith.constant 80 : index
      %swap3A_252 = tpu.vector_load %arg9[%swap3A_249, %swap3A_250, %swap3A_251] {strides = array<i32>} : memref<2x128x128xf32, #tpu.memory_space<vmem>>, vector<1x1x16xf32>,
      %swap3A_253 = vector.shape_cast %swap3A_252 : vector<1x1x16xf32> to vector<16xf32>
      %swap3A_254 = vector.shape_cast %broadcast_in_dim3A_6 : vector<16xf32> to vector<1x1x16xf32>
      tpu.vector_store %arg9[%swap3A_249, %swap3A_250, %swap3A_251], %swap3A_254 {strides = array<i32>} : memref<2x128x128xf32, #tpu.memory_space<vmem>>, vector<1x1x16xf32>,
      %swap3A_255 = arith.constant 0 : i32
      %swap3A_256 = arith.index_cast %swap3A_255 : i32 to index
      %swap3A_257 = arith.index_cast %scan3A_212 : i32 to index
      %swap3A_258 = arith.constant 96 : index
      %swap3A_259 = tpu.vector_load %arg9[%swap3A_256, %swap3A_257, %swap3A_258] {strides = array<i32>} : memref<2x128x128xf32, #tpu.memory_space<vmem>>, vector<1x1x16xf32>,
      %swap3A_260 = vector.shape_cast %swap3A_259 : vector<1x1x16xf32> to vector<16xf32>
      %swap3A_261 = vector.shape_cast %broadcast_in_dim3A_6 : vector<16xf32> to vector<1x1x16xf32>
      tpu.vector_store %arg9[%swap3A_256, %swap3A_257, %swap3A_258], %swap3A_261 {strides = array<i32>} : memref<2x128x128xf32, #tpu.memory_space<vmem>>, vector<1x1x16xf32>,
      %swap3A_262 = arith.constant 0 : i32
      %swap3A_263 = arith.index_cast %swap3A_262 : i32 to index
      %swap3A_264 = arith.index_cast %scan3A_212 : i32 to index
      %swap3A_265 = arith.constant 112 : index
      %swap3A_266 = tpu.vector_load %arg9[%swap3A_263, %swap3A_264, %swap3A_265] {strides = array<i32>} : memref<2x128x128xf32, #tpu.memory_space<vmem>>, vector<1x1x16xf32>,
      %swap3A_267 = vector.shape_cast %swap3A_266 : vector<1x1x16xf32> to vector<16xf32>
      %swap3A_268 = vector.shape_cast %broadcast_in_dim3A_6 : vector<16xf32> to vector<1x1x16xf32>
      tpu.vector_store %arg9[%swap3A_263, %swap3A_264, %swap3A_265], %swap3A_268 {strides = array<i32>} : memref<2x128x128xf32, #tpu.memory_space<vmem>>, vector<1x1x16xf32>,
      %scan3A_269 = arith.constant 0 : i32
      scf.yield %scan3A_269 : i32
    }
    %scan3A_12 = arith.constant 128 : i32
    %mul3A_13 = arith.constant 624 : i32
    %mul3A_14 = arith.muli %arg1, %mul3A_13 : i32
    %add3A_15 = arith.constant 0 : i32
    %add3A_16 = arith.addi %mul3A_14, %add3A_15 : i32
    %run_scoped3A = arith.constant 0 : i32
    "tpu.region"() ({
      %run_scoped3A_212 = tpu.sem_alloc : memref<!tpu.dma_semaphore, #tpu.memory_space<semaphore_mem>>
      %dma_start3A_213 = arith.constant 0 : i32
      %dma_start3A_214 = arith.constant 0 : i32
      %dma_start3A_215 = tpu.memref_slice %arg9[%run_scoped3A, %dma_start3A_213, %dma_start3A_214] : memref<2x128x128xf32, #tpu.memory_space<vmem>> -> memref<1x128x128xf32, #tpu.memory_space<vmem>>
      %dma_start3A_216 = tpu.memref_squeeze %dma_start3A_215 : memref<1x128x128xf32, #tpu.memory_space<vmem>> -> memref<128x128xf32, #tpu.memory_space<vmem>>
      %dma_start3A_217 = arith.constant 0 : i32
      %dma_start3A_218 = tpu.memref_slice %arg6[%add3A_16, %dma_start3A_217] : memref<10000x128xf32, #tpu.memory_space<vmem_shared>> -> memref<128x128xf32, #tpu.memory_space<vmem_shared>>
      %dma_start3A_219 = arith.constant 0 : i32
      %dma_start3A_220 = tpu.memref_slice %arg6[%add3A_16, %dma_start3A_219] : memref<10000x128xf32, #tpu.memory_space<vmem_shared>> -> memref<128x128xf32, #tpu.memory_space<vmem_shared>>
      %dma_start3A_221 = arith.constant 0 : i32
      %dma_start3A_222 = arith.constant 0 : i32
      %dma_start3A_223 = tpu.memref_slice %arg9[%run_scoped3A, %dma_start3A_221, %dma_start3A_222] : memref<2x128x128xf32, #tpu.memory_space<vmem>> -> memref<1x128x128xf32, #tpu.memory_space<vmem>>
      %dma_start3A_224 = tpu.memref_squeeze %dma_start3A_223 : memref<1x128x128xf32, #tpu.memory_space<vmem>> -> memref<128x128xf32, #tpu.memory_space<vmem>>
      tpu.enqueue_dma source(%dma_start3A_224 : memref<128x128xf32, #tpu.memory_space<vmem>>) target(%dma_start3A_220 : memref<128x128xf32, #tpu.memory_space<vmem_shared>>) target_semaphore(%run_scoped3A_212 : memref<!tpu.dma_semaphore, #tpu.memory_space<semaphore_mem>>)
      %dma_wait3A_225 = arith.constant 0 : i32
      %dma_wait3A_226 = arith.constant 0 : i32
      %dma_wait3A_227 = tpu.memref_slice %arg9[%run_scoped3A, %dma_wait3A_225, %dma_wait3A_226] : memref<2x128x128xf32, #tpu.memory_space<vmem>> -> memref<1x128x128xf32, #tpu.memory_space<vmem>>
      %dma_wait3A_228 = tpu.memref_squeeze %dma_wait3A_227 : memref<1x128x128xf32, #tpu.memory_space<vmem>> -> memref<128x128xf32, #tpu.memory_space<vmem>>
      %dma_wait3A_229 = arith.constant 0 : i32
      %dma_wait3A_230 = tpu.memref_slice %arg6[%add3A_16, %dma_wait3A_229] : memref<10000x128xf32, #tpu.memory_space<vmem_shared>> -> memref<128x128xf32, #tpu.memory_space<vmem_shared>>
      %dma_wait3A_231 = arith.constant 0 : i32
      %dma_wait3A_232 = tpu.memref_slice %arg6[%add3A_16, %dma_wait3A_231] : memref<10000x128xf32, #tpu.memory_space<vmem_shared>> -> memref<128x128xf32, #tpu.memory_space<vmem_shared>>
      %dma_wait3A_233 = arith.constant 0 : i32
      %dma_wait3A_234 = arith.constant 0 : i32
      %dma_wait3A_235 = tpu.memref_slice %arg9[%run_scoped3A, %dma_wait3A_233, %dma_wait3A_234] : memref<2x128x128xf32, #tpu.memory_space<vmem>> -> memref<1x128x128xf32, #tpu.memory_space<vmem>>
      %dma_wait3A_236 = tpu.memref_squeeze %dma_wait3A_235 : memref<1x128x128xf32, #tpu.memory_space<vmem>> -> memref<128x128xf32, #tpu.memory_space<vmem>>
      tpu.wait_dma2 semaphore(%run_scoped3A_212 : memref<!tpu.dma_semaphore, #tpu.memory_space<semaphore_mem>>) src(%dma_wait3A_236 : memref<128x128xf32, #tpu.memory_space<vmem>>) dst(%dma_wait3A_232 : memref<128x128xf32, #tpu.memory_space<vmem_shared>>)
      tpu.yield
    }) : () -> ()
    %add3A_17 = arith.constant 128 : i32
    %add3A_18 = arith.addi %mul3A_14, %add3A_17 : i32
    %run_scoped3A_19 = arith.constant 0 : i32
    "tpu.region"() ({
      %run_scoped3A_212 = tpu.sem_alloc : memref<!tpu.dma_semaphore, #tpu.memory_space<semaphore_mem>>
      %dma_start3A_213 = arith.constant 0 : i32
      %dma_start3A_214 = arith.constant 0 : i32
      %dma_start3A_215 = tpu.memref_slice %arg9[%run_scoped3A_19, %dma_start3A_213, %dma_start3A_214] : memref<2x128x128xf32, #tpu.memory_space<vmem>> -> memref<1x128x128xf32, #tpu.memory_space<vmem>>
      %dma_start3A_216 = tpu.memref_squeeze %dma_start3A_215 : memref<1x128x128xf32, #tpu.memory_space<vmem>> -> memref<128x128xf32, #tpu.memory_space<vmem>>
      %dma_start3A_217 = arith.constant 0 : i32
      %dma_start3A_218 = tpu.memref_slice %arg6[%add3A_18, %dma_start3A_217] : memref<10000x128xf32, #tpu.memory_space<vmem_shared>> -> memref<128x128xf32, #tpu.memory_space<vmem_shared>>
      %dma_start3A_219 = arith.constant 0 : i32
      %dma_start3A_220 = tpu.memref_slice %arg6[%add3A_18, %dma_start3A_219] : memref<10000x128xf32, #tpu.memory_space<vmem_shared>> -> memref<128x128xf32, #tpu.memory_space<vmem_shared>>
      %dma_start3A_221 = arith.constant 0 : i32
      %dma_start3A_222 = arith.constant 0 : i32
      %dma_start3A_223 = tpu.memref_slice %arg9[%run_scoped3A_19, %dma_start3A_221, %dma_start3A_222] : memref<2x128x128xf32, #tpu.memory_space<vmem>> -> memref<1x128x128xf32, #tpu.memory_space<vmem>>
      %dma_start3A_224 = tpu.memref_squeeze %dma_start3A_223 : memref<1x128x128xf32, #tpu.memory_space<vmem>> -> memref<128x128xf32, #tpu.memory_space<vmem>>
      tpu.enqueue_dma source(%dma_start3A_224 : memref<128x128xf32, #tpu.memory_space<vmem>>) target(%dma_start3A_220 : memref<128x128xf32, #tpu.memory_space<vmem_shared>>) target_semaphore(%run_scoped3A_212 : memref<!tpu.dma_semaphore, #tpu.memory_space<semaphore_mem>>)
      %dma_wait3A_225 = arith.constant 0 : i32
      %dma_wait3A_226 = arith.constant 0 : i32
      %dma_wait3A_227 = tpu.memref_slice %arg9[%run_scoped3A_19, %dma_wait3A_225, %dma_wait3A_226] : memref<2x128x128xf32, #tpu.memory_space<vmem>> -> memref<1x128x128xf32, #tpu.memory_space<vmem>>
      %dma_wait3A_228 = tpu.memref_squeeze %dma_wait3A_227 : memref<1x128x128xf32, #tpu.memory_space<vmem>> -> memref<128x128xf32, #tpu.memory_space<vmem>>
      %dma_wait3A_229 = arith.constant 0 : i32
      %dma_wait3A_230 = tpu.memref_slice %arg6[%add3A_18, %dma_wait3A_229] : memref<10000x128xf32, #tpu.memory_space<vmem_shared>> -> memref<128x128xf32, #tpu.memory_space<vmem_shared>>
      %dma_wait3A_231 = arith.constant 0 : i32
      %dma_wait3A_232 = tpu.memref_slice %arg6[%add3A_18, %dma_wait3A_231] : memref<10000x128xf32, #tpu.memory_space<vmem_shared>> -> memref<128x128xf32, #tpu.memory_space<vmem_shared>>
      %dma_wait3A_233 = arith.constant 0 : i32
      %dma_wait3A_234 = arith.constant 0 : i32
      %dma_wait3A_235 = tpu.memref_slice %arg9[%run_scoped3A_19, %dma_wait3A_233, %dma_wait3A_234] : memref<2x128x128xf32, #tpu.memory_space<vmem>> -> memref<1x128x128xf32, #tpu.memory_space<vmem>>
      %dma_wait3A_236 = tpu.memref_squeeze %dma_wait3A_235 : memref<1x128x128xf32, #tpu.memory_space<vmem>> -> memref<128x128xf32, #tpu.memory_space<vmem>>
      tpu.wait_dma2 semaphore(%run_scoped3A_212 : memref<!tpu.dma_semaphore, #tpu.memory_space<semaphore_mem>>) src(%dma_wait3A_236 : memref<128x128xf32, #tpu.memory_space<vmem>>) dst(%dma_wait3A_232 : memref<128x128xf32, #tpu.memory_space<vmem_shared>>)
      tpu.yield
    }) : () -> ()
    %add3A_20 = arith.constant 256 : i32
    %add3A_21 = arith.addi %mul3A_14, %add3A_20 : i32
    %run_scoped3A_22 = arith.constant 0 : i32
    "tpu.region"() ({
      %run_scoped3A_212 = tpu.sem_alloc : memref<!tpu.dma_semaphore, #tpu.memory_space<semaphore_mem>>
      %dma_start3A_213 = arith.constant 0 : i32
      %dma_start3A_214 = arith.constant 0 : i32
      %dma_start3A_215 = tpu.memref_slice %arg9[%run_scoped3A_22, %dma_start3A_213, %dma_start3A_214] : memref<2x128x128xf32, #tpu.memory_space<vmem>> -> memref<1x128x128xf32, #tpu.memory_space<vmem>>
      %dma_start3A_216 = tpu.memref_squeeze %dma_start3A_215 : memref<1x128x128xf32, #tpu.memory_space<vmem>> -> memref<128x128xf32, #tpu.memory_space<vmem>>
      %dma_start3A_217 = arith.constant 0 : i32
      %dma_start3A_218 = tpu.memref_slice %arg6[%add3A_21, %dma_start3A_217] : memref<10000x128xf32, #tpu.memory_space<vmem_shared>> -> memref<128x128xf32, #tpu.memory_space<vmem_shared>>
      %dma_start3A_219 = arith.constant 0 : i32
      %dma_start3A_220 = tpu.memref_slice %arg6[%add3A_21, %dma_start3A_219] : memref<10000x128xf32, #tpu.memory_space<vmem_shared>> -> memref<128x128xf32, #tpu.memory_space<vmem_shared>>
      %dma_start3A_221 = arith.constant 0 : i32
      %dma_start3A_222 = arith.constant 0 : i32
      %dma_start3A_223 = tpu.memref_slice %arg9[%run_scoped3A_22, %dma_start3A_221, %dma_start3A_222] : memref<2x128x128xf32, #tpu.memory_space<vmem>> -> memref<1x128x128xf32, #tpu.memory_space<vmem>>
      %dma_start3A_224 = tpu.memref_squeeze %dma_start3A_223 : memref<1x128x128xf32, #tpu.memory_space<vmem>> -> memref<128x128xf32, #tpu.memory_space<vmem>>
      tpu.enqueue_dma source(%dma_start3A_224 : memref<128x128xf32, #tpu.memory_space<vmem>>) target(%dma_start3A_220 : memref<128x128xf32, #tpu.memory_space<vmem_shared>>) target_semaphore(%run_scoped3A_212 : memref<!tpu.dma_semaphore, #tpu.memory_space<semaphore_mem>>)
      %dma_wait3A_225 = arith.constant 0 : i32
      %dma_wait3A_226 = arith.constant 0 : i32
      %dma_wait3A_227 = tpu.memref_slice %arg9[%run_scoped3A_22, %dma_wait3A_225, %dma_wait3A_226] : memref<2x128x128xf32, #tpu.memory_space<vmem>> -> memref<1x128x128xf32, #tpu.memory_space<vmem>>
      %dma_wait3A_228 = tpu.memref_squeeze %dma_wait3A_227 : memref<1x128x128xf32, #tpu.memory_space<vmem>> -> memref<128x128xf32, #tpu.memory_space<vmem>>
      %dma_wait3A_229 = arith.constant 0 : i32
      %dma_wait3A_230 = tpu.memref_slice %arg6[%add3A_21, %dma_wait3A_229] : memref<10000x128xf32, #tpu.memory_space<vmem_shared>> -> memref<128x128xf32, #tpu.memory_space<vmem_shared>>
      %dma_wait3A_231 = arith.constant 0 : i32
      %dma_wait3A_232 = tpu.memref_slice %arg6[%add3A_21, %dma_wait3A_231] : memref<10000x128xf32, #tpu.memory_space<vmem_shared>> -> memref<128x128xf32, #tpu.memory_space<vmem_shared>>
      %dma_wait3A_233 = arith.constant 0 : i32
      %dma_wait3A_234 = arith.constant 0 : i32
      %dma_wait3A_235 = tpu.memref_slice %arg9[%run_scoped3A_22, %dma_wait3A_233, %dma_wait3A_234] : memref<2x128x128xf32, #tpu.memory_space<vmem>> -> memref<1x128x128xf32, #tpu.memory_space<vmem>>
      %dma_wait3A_236 = tpu.memref_squeeze %dma_wait3A_235 : memref<1x128x128xf32, #tpu.memory_space<vmem>> -> memref<128x128xf32, #tpu.memory_space<vmem>>
      tpu.wait_dma2 semaphore(%run_scoped3A_212 : memref<!tpu.dma_semaphore, #tpu.memory_space<semaphore_mem>>) src(%dma_wait3A_236 : memref<128x128xf32, #tpu.memory_space<vmem>>) dst(%dma_wait3A_232 : memref<128x128xf32, #tpu.memory_space<vmem_shared>>)
      tpu.yield
    }) : () -> ()
    %add3A_23 = arith.constant 384 : i32
    %add3A_24 = arith.addi %mul3A_14, %add3A_23 : i32
    %run_scoped3A_25 = arith.constant 0 : i32
    "tpu.region"() ({
      %run_scoped3A_212 = tpu.sem_alloc : memref<!tpu.dma_semaphore, #tpu.memory_space<semaphore_mem>>
      %dma_start3A_213 = arith.constant 0 : i32
      %dma_start3A_214 = arith.constant 0 : i32
      %dma_start3A_215 = tpu.memref_slice %arg9[%run_scoped3A_25, %dma_start3A_213, %dma_start3A_214] : memref<2x128x128xf32, #tpu.memory_space<vmem>> -> memref<1x128x128xf32, #tpu.memory_space<vmem>>
      %dma_start3A_216 = tpu.memref_squeeze %dma_start3A_215 : memref<1x128x128xf32, #tpu.memory_space<vmem>> -> memref<128x128xf32, #tpu.memory_space<vmem>>
      %dma_start3A_217 = arith.constant 0 : i32
      %dma_start3A_218 = tpu.memref_slice %arg6[%add3A_24, %dma_start3A_217] : memref<10000x128xf32, #tpu.memory_space<vmem_shared>> -> memref<128x128xf32, #tpu.memory_space<vmem_shared>>
      %dma_start3A_219 = arith.constant 0 : i32
      %dma_start3A_220 = tpu.memref_slice %arg6[%add3A_24, %dma_start3A_219] : memref<10000x128xf32, #tpu.memory_space<vmem_shared>> -> memref<128x128xf32, #tpu.memory_space<vmem_shared>>
      %dma_start3A_221 = arith.constant 0 : i32
      %dma_start3A_222 = arith.constant 0 : i32
      %dma_start3A_223 = tpu.memref_slice %arg9[%run_scoped3A_25, %dma_start3A_221, %dma_start3A_222] : memref<2x128x128xf32, #tpu.memory_space<vmem>> -> memref<1x128x128xf32, #tpu.memory_space<vmem>>
      %dma_start3A_224 = tpu.memref_squeeze %dma_start3A_223 : memref<1x128x128xf32, #tpu.memory_space<vmem>> -> memref<128x128xf32, #tpu.memory_space<vmem>>
      tpu.enqueue_dma source(%dma_start3A_224 : memref<128x128xf32, #tpu.memory_space<vmem>>) target(%dma_start3A_220 : memref<128x128xf32, #tpu.memory_space<vmem_shared>>) target_semaphore(%run_scoped3A_212 : memref<!tpu.dma_semaphore, #tpu.memory_space<semaphore_mem>>)
      %dma_wait3A_225 = arith.constant 0 : i32
      %dma_wait3A_226 = arith.constant 0 : i32
      %dma_wait3A_227 = tpu.memref_slice %arg9[%run_scoped3A_25, %dma_wait3A_225, %dma_wait3A_226] : memref<2x128x128xf32, #tpu.memory_space<vmem>> -> memref<1x128x128xf32, #tpu.memory_space<vmem>>
      %dma_wait3A_228 = tpu.memref_squeeze %dma_wait3A_227 : memref<1x128x128xf32, #tpu.memory_space<vmem>> -> memref<128x128xf32, #tpu.memory_space<vmem>>
      %dma_wait3A_229 = arith.constant 0 : i32
      %dma_wait3A_230 = tpu.memref_slice %arg6[%add3A_24, %dma_wait3A_229] : memref<10000x128xf32, #tpu.memory_space<vmem_shared>> -> memref<128x128xf32, #tpu.memory_space<vmem_shared>>
      %dma_wait3A_231 = arith.constant 0 : i32
      %dma_wait3A_232 = tpu.memref_slice %arg6[%add3A_24, %dma_wait3A_231] : memref<10000x128xf32, #tpu.memory_space<vmem_shared>> -> memref<128x128xf32, #tpu.memory_space<vmem_shared>>
      %dma_wait3A_233 = arith.constant 0 : i32
      %dma_wait3A_234 = arith.constant 0 : i32
      %dma_wait3A_235 = tpu.memref_slice %arg9[%run_scoped3A_25, %dma_wait3A_233, %dma_wait3A_234] : memref<2x128x128xf32, #tpu.memory_space<vmem>> -> memref<1x128x128xf32, #tpu.memory_space<vmem>>
      %dma_wait3A_236 = tpu.memref_squeeze %dma_wait3A_235 : memref<1x128x128xf32, #tpu.memory_space<vmem>> -> memref<128x128xf32, #tpu.memory_space<vmem>>
      tpu.wait_dma2 semaphore(%run_scoped3A_212 : memref<!tpu.dma_semaphore, #tpu.memory_space<semaphore_mem>>) src(%dma_wait3A_236 : memref<128x128xf32, #tpu.memory_space<vmem>>) dst(%dma_wait3A_232 : memref<128x128xf32, #tpu.memory_space<vmem_shared>>)
      tpu.yield
    }) : () -> ()
    %add3A_26 = arith.constant 512 : i32
    %add3A_27 = arith.addi %mul3A_14, %add3A_26 : i32
    %run_scoped3A_28 = arith.constant 0 : i32
    "tpu.region"() ({
      %run_scoped3A_212 = tpu.sem_alloc : memref<!tpu.dma_semaphore, #tpu.memory_space<semaphore_mem>>
      %dma_start3A_213 = arith.constant 0 : i32
      %dma_start3A_214 = arith.constant 0 : i32
      %dma_start3A_215 = tpu.memref_slice %arg9[%run_scoped3A_28, %dma_start3A_213, %dma_start3A_214] : memref<2x128x128xf32, #tpu.memory_space<vmem>> -> memref<1x128x128xf32, #tpu.memory_space<vmem>>
      %dma_start3A_216 = tpu.memref_squeeze %dma_start3A_215 : memref<1x128x128xf32, #tpu.memory_space<vmem>> -> memref<128x128xf32, #tpu.memory_space<vmem>>
      %dma_start3A_217 = arith.constant 0 : i32
      %dma_start3A_218 = tpu.memref_slice %arg6[%add3A_27, %dma_start3A_217] : memref<10000x128xf32, #tpu.memory_space<vmem_shared>> -> memref<128x128xf32, #tpu.memory_space<vmem_shared>>
      %dma_start3A_219 = arith.constant 0 : i32
      %dma_start3A_220 = tpu.memref_slice %arg6[%add3A_27, %dma_start3A_219] : memref<10000x128xf32, #tpu.memory_space<vmem_shared>> -> memref<128x128xf32, #tpu.memory_space<vmem_shared>>
      %dma_start3A_221 = arith.constant 0 : i32
      %dma_start3A_222 = arith.constant 0 : i32
      %dma_start3A_223 = tpu.memref_slice %arg9[%run_scoped3A_28, %dma_start3A_221, %dma_start3A_222] : memref<2x128x128xf32, #tpu.memory_space<vmem>> -> memref<1x128x128xf32, #tpu.memory_space<vmem>>
      %dma_start3A_224 = tpu.memref_squeeze %dma_start3A_223 : memref<1x128x128xf32, #tpu.memory_space<vmem>> -> memref<128x128xf32, #tpu.memory_space<vmem>>
      tpu.enqueue_dma source(%dma_start3A_224 : memref<128x128xf32, #tpu.memory_space<vmem>>) target(%dma_start3A_220 : memref<128x128xf32, #tpu.memory_space<vmem_shared>>) target_semaphore(%run_scoped3A_212 : memref<!tpu.dma_semaphore, #tpu.memory_space<semaphore_mem>>)
      %dma_wait3A_225 = arith.constant 0 : i32
      %dma_wait3A_226 = arith.constant 0 : i32
      %dma_wait3A_227 = tpu.memref_slice %arg9[%run_scoped3A_28, %dma_wait3A_225, %dma_wait3A_226] : memref<2x128x128xf32, #tpu.memory_space<vmem>> -> memref<1x128x128xf32, #tpu.memory_space<vmem>>
      %dma_wait3A_228 = tpu.memref_squeeze %dma_wait3A_227 : memref<1x128x128xf32, #tpu.memory_space<vmem>> -> memref<128x128xf32, #tpu.memory_space<vmem>>
      %dma_wait3A_229 = arith.constant 0 : i32
      %dma_wait3A_230 = tpu.memref_slice %arg6[%add3A_27, %dma_wait3A_229] : memref<10000x128xf32, #tpu.memory_space<vmem_shared>> -> memref<128x128xf32, #tpu.memory_space<vmem_shared>>
      %dma_wait3A_231 = arith.constant 0 : i32
      %dma_wait3A_232 = tpu.memref_slice %arg6[%add3A_27, %dma_wait3A_231] : memref<10000x128xf32, #tpu.memory_space<vmem_shared>> -> memref<128x128xf32, #tpu.memory_space<vmem_shared>>
      %dma_wait3A_233 = arith.constant 0 : i32
      %dma_wait3A_234 = arith.constant 0 : i32
      %dma_wait3A_235 = tpu.memref_slice %arg9[%run_scoped3A_28, %dma_wait3A_233, %dma_wait3A_234] : memref<2x128x128xf32, #tpu.memory_space<vmem>> -> memref<1x128x128xf32, #tpu.memory_space<vmem>>
      %dma_wait3A_236 = tpu.memref_squeeze %dma_wait3A_235 : memref<1x128x128xf32, #tpu.memory_space<vmem>> -> memref<128x128xf32, #tpu.memory_space<vmem>>
      tpu.wait_dma2 semaphore(%run_scoped3A_212 : memref<!tpu.dma_semaphore, #tpu.memory_space<semaphore_mem>>) src(%dma_wait3A_236 : memref<128x128xf32, #tpu.memory_space<vmem>>) dst(%dma_wait3A_232 : memref<128x128xf32, #tpu.memory_space<vmem_shared>>)
      tpu.yield
    }) : () -> ()
    %barrier3A = arith.constant 0 : index
    tpu.barrier barrier_id(%barrier3A)
    %rem3A = arith.constant 0 : i32
    %rem3A_29 = arith.constant 4 : i32
    %rem3A_30 = arith.remsi %rem3A, %rem3A_29 : i32
    %add3A_31 = arith.constant 0 : i32
    %add3A_32 = arith.addi %add3A_5, %add3A_31 : i32
    %dma_start3A = arith.constant 0 : i32
    %dma_start3A_33 = tpu.memref_slice %arg7[%rem3A_30, %dma_start3A] : memref<4x128xi32, #tpu.memory_space<vmem>> -> memref<1x128xi32, #tpu.memory_space<vmem>>
    %dma_start3A_34 = tpu.memref_squeeze %dma_start3A_33 : memref<1x128xi32, #tpu.memory_space<vmem>> -> memref<128xi32, #tpu.memory_space<vmem>>
    %dma_start3A_35 = arith.constant 0 : i32
    %dma_start3A_36 = tpu.memref_slice %arg2[%add3A_32, %dma_start3A_35] : memref<1250x128xi32, #tpu.memory_space<hbm>> -> memref<1x128xi32, #tpu.memory_space<hbm>>
    %dma_start3A_37 = tpu.memref_squeeze %dma_start3A_36 : memref<1x128xi32, #tpu.memory_space<hbm>> -> memref<128xi32, #tpu.memory_space<hbm>>
    %dma_start3A_38 = tpu.memref_slice %arg10[%rem3A_30] : memref<4x!tpu.dma_semaphore, #tpu.memory_space<semaphore_mem>> -> memref<1x!tpu.dma_semaphore, #tpu.memory_space<semaphore_mem>>
    %dma_start3A_39 = tpu.memref_squeeze %dma_start3A_38 : memref<1x!tpu.dma_semaphore, #tpu.memory_space<semaphore_mem>> -> memref<!tpu.dma_semaphore, #tpu.memory_space<semaphore_mem>>
    %dma_start3A_40 = arith.constant 0 : i32
    %dma_start3A_41 = tpu.memref_slice %arg7[%rem3A_30, %dma_start3A_40] : memref<4x128xi32, #tpu.memory_space<vmem>> -> memref<1x128xi32, #tpu.memory_space<vmem>>
    %dma_start3A_42 = tpu.memref_squeeze %dma_start3A_41 : memref<1x128xi32, #tpu.memory_space<vmem>> -> memref<128xi32, #tpu.memory_space<vmem>>
    %dma_start3A_43 = arith.constant 0 : i32
    %dma_start3A_44 = tpu.memref_slice %arg2[%add3A_32, %dma_start3A_43] : memref<1250x128xi32, #tpu.memory_space<hbm>> -> memref<1x128xi32, #tpu.memory_space<hbm>>
    %dma_start3A_45 = tpu.memref_squeeze %dma_start3A_44 : memref<1x128xi32, #tpu.memory_space<hbm>> -> memref<128xi32, #tpu.memory_space<hbm>>
    tpu.enqueue_dma source(%dma_start3A_45 : memref<128xi32, #tpu.memory_space<hbm>>) target(%dma_start3A_42 : memref<128xi32, #tpu.memory_space<vmem>>) target_semaphore(%dma_start3A_39 : memref<!tpu.dma_semaphore, #tpu.memory_space<semaphore_mem>>)
    %add3A_46 = arith.constant 0 : i32
    %add3A_47 = arith.addi %add3A_5, %add3A_46 : i32
    %dma_start3A_48 = arith.constant 0 : i32
    %dma_start3A_49 = tpu.memref_slice %arg8[%rem3A_30, %dma_start3A_48] : memref<4x128xi32, #tpu.memory_space<vmem>> -> memref<1x128xi32, #tpu.memory_space<vmem>>
    %dma_start3A_50 = tpu.memref_squeeze %dma_start3A_49 : memref<1x128xi32, #tpu.memory_space<vmem>> -> memref<128xi32, #tpu.memory_space<vmem>>
    %dma_start3A_51 = arith.constant 0 : i32
    %dma_start3A_52 = tpu.memref_slice %arg3[%add3A_47, %dma_start3A_51] : memref<1250x128xi32, #tpu.memory_space<hbm>> -> memref<1x128xi32, #tpu.memory_space<hbm>>
    %dma_start3A_53 = tpu.memref_squeeze %dma_start3A_52 : memref<1x128xi32, #tpu.memory_space<hbm>> -> memref<128xi32, #tpu.memory_space<hbm>>
    %dma_start3A_54 = tpu.memref_slice %arg10[%rem3A_30] : memref<4x!tpu.dma_semaphore, #tpu.memory_space<semaphore_mem>> -> memref<1x!tpu.dma_semaphore, #tpu.memory_space<semaphore_mem>>
    %dma_start3A_55 = tpu.memref_squeeze %dma_start3A_54 : memref<1x!tpu.dma_semaphore, #tpu.memory_space<semaphore_mem>> -> memref<!tpu.dma_semaphore, #tpu.memory_space<semaphore_mem>>
    %dma_start3A_56 = arith.constant 0 : i32
    %dma_start3A_57 = tpu.memref_slice %arg8[%rem3A_30, %dma_start3A_56] : memref<4x128xi32, #tpu.memory_space<vmem>> -> memref<1x128xi32, #tpu.memory_space<vmem>>
    %dma_start3A_58 = tpu.memref_squeeze %dma_start3A_57 : memref<1x128xi32, #tpu.memory_space<vmem>> -> memref<128xi32, #tpu.memory_space<vmem>>
    %dma_start3A_59 = arith.constant 0 : i32
    %dma_start3A_60 = tpu.memref_slice %arg3[%add3A_47, %dma_start3A_59] : memref<1250x128xi32, #tpu.memory_space<hbm>> -> memref<1x128xi32, #tpu.memory_space<hbm>>
    %dma_start3A_61 = tpu.memref_squeeze %dma_start3A_60 : memref<1x128xi32, #tpu.memory_space<hbm>> -> memref<128xi32, #tpu.memory_space<hbm>>
    tpu.enqueue_dma source(%dma_start3A_61 : memref<128xi32, #tpu.memory_space<hbm>>) target(%dma_start3A_58 : memref<128xi32, #tpu.memory_space<vmem>>) target_semaphore(%dma_start3A_55 : memref<!tpu.dma_semaphore, #tpu.memory_space<semaphore_mem>>)
    %rem3A_62 = arith.constant 1 : i32
    %rem3A_63 = arith.constant 4 : i32
    %rem3A_64 = arith.remsi %rem3A_62, %rem3A_63 : i32
    %add3A_65 = arith.constant 1 : i32
    %add3A_66 = arith.addi %add3A_5, %add3A_65 : i32
    %dma_start3A_67 = arith.constant 0 : i32
    %dma_start3A_68 = tpu.memref_slice %arg7[%rem3A_64, %dma_start3A_67] : memref<4x128xi32, #tpu.memory_space<vmem>> -> memref<1x128xi32, #tpu.memory_space<vmem>>
    %dma_start3A_69 = tpu.memref_squeeze %dma_start3A_68 : memref<1x128xi32, #tpu.memory_space<vmem>> -> memref<128xi32, #tpu.memory_space<vmem>>
    %dma_start3A_70 = arith.constant 0 : i32
    %dma_start3A_71 = tpu.memref_slice %arg2[%add3A_66, %dma_start3A_70] : memref<1250x128xi32, #tpu.memory_space<hbm>> -> memref<1x128xi32, #tpu.memory_space<hbm>>
    %dma_start3A_72 = tpu.memref_squeeze %dma_start3A_71 : memref<1x128xi32, #tpu.memory_space<hbm>> -> memref<128xi32, #tpu.memory_space<hbm>>
    %dma_start3A_73 = tpu.memref_slice %arg10[%rem3A_64] : memref<4x!tpu.dma_semaphore, #tpu.memory_space<semaphore_mem>> -> memref<1x!tpu.dma_semaphore, #tpu.memory_space<semaphore_mem>>
    %dma_start3A_74 = tpu.memref_squeeze %dma_start3A_73 : memref<1x!tpu.dma_semaphore, #tpu.memory_space<semaphore_mem>> -> memref<!tpu.dma_semaphore, #tpu.memory_space<semaphore_mem>>
    %dma_start3A_75 = arith.constant 0 : i32
    %dma_start3A_76 = tpu.memref_slice %arg7[%rem3A_64, %dma_start3A_75] : memref<4x128xi32, #tpu.memory_space<vmem>> -> memref<1x128xi32, #tpu.memory_space<vmem>>
    %dma_start3A_77 = tpu.memref_squeeze %dma_start3A_76 : memref<1x128xi32, #tpu.memory_space<vmem>> -> memref<128xi32, #tpu.memory_space<vmem>>
    %dma_start3A_78 = arith.constant 0 : i32
    %dma_start3A_79 = tpu.memref_slice %arg2[%add3A_66, %dma_start3A_78] : memref<1250x128xi32, #tpu.memory_space<hbm>> -> memref<1x128xi32, #tpu.memory_space<hbm>>
    %dma_start3A_80 = tpu.memref_squeeze %dma_start3A_79 : memref<1x128xi32, #tpu.memory_space<hbm>> -> memref<128xi32, #tpu.memory_space<hbm>>
    tpu.enqueue_dma source(%dma_start3A_80 : memref<128xi32, #tpu.memory_space<hbm>>) target(%dma_start3A_77 : memref<128xi32, #tpu.memory_space<vmem>>) target_semaphore(%dma_start3A_74 : memref<!tpu.dma_semaphore, #tpu.memory_space<semaphore_mem>>)
    %add3A_81 = arith.constant 1 : i32
    %add3A_82 = arith.addi %add3A_5, %add3A_81 : i32
    %dma_start3A_83 = arith.constant 0 : i32
    %dma_start3A_84 = tpu.memref_slice %arg8[%rem3A_64, %dma_start3A_83] : memref<4x128xi32, #tpu.memory_space<vmem>> -> memref<1x128xi32, #tpu.memory_space<vmem>>
    %dma_start3A_85 = tpu.memref_squeeze %dma_start3A_84 : memref<1x128xi32, #tpu.memory_space<vmem>> -> memref<128xi32, #tpu.memory_space<vmem>>
    %dma_start3A_86 = arith.constant 0 : i32
    %dma_start3A_87 = tpu.memref_slice %arg3[%add3A_82, %dma_start3A_86] : memref<1250x128xi32, #tpu.memory_space<hbm>> -> memref<1x128xi32, #tpu.memory_space<hbm>>
    %dma_start3A_88 = tpu.memref_squeeze %dma_start3A_87 : memref<1x128xi32, #tpu.memory_space<hbm>> -> memref<128xi32, #tpu.memory_space<hbm>>
    %dma_start3A_89 = tpu.memref_slice %arg10[%rem3A_64] : memref<4x!tpu.dma_semaphore, #tpu.memory_space<semaphore_mem>> -> memref<1x!tpu.dma_semaphore, #tpu.memory_space<semaphore_mem>>
    %dma_start3A_90 = tpu.memref_squeeze %dma_start3A_89 : memref<1x!tpu.dma_semaphore, #tpu.memory_space<semaphore_mem>> -> memref<!tpu.dma_semaphore, #tpu.memory_space<semaphore_mem>>
    %dma_start3A_91 = arith.constant 0 : i32
    %dma_start3A_92 = tpu.memref_slice %arg8[%rem3A_64, %dma_start3A_91] : memref<4x128xi32, #tpu.memory_space<vmem>> -> memref<1x128xi32, #tpu.memory_space<vmem>>
    %dma_start3A_93 = tpu.memref_squeeze %dma_start3A_92 : memref<1x128xi32, #tpu.memory_space<vmem>> -> memref<128xi32, #tpu.memory_space<vmem>>
    %dma_start3A_94 = arith.constant 0 : i32
    %dma_start3A_95 = tpu.memref_slice %arg3[%add3A_82, %dma_start3A_94] : memref<1250x128xi32, #tpu.memory_space<hbm>> -> memref<1x128xi32, #tpu.memory_space<hbm>>
    %dma_start3A_96 = tpu.memref_squeeze %dma_start3A_95 : memref<1x128xi32, #tpu.memory_space<hbm>> -> memref<128xi32, #tpu.memory_space<hbm>>
    tpu.enqueue_dma source(%dma_start3A_96 : memref<128xi32, #tpu.memory_space<hbm>>) target(%dma_start3A_93 : memref<128xi32, #tpu.memory_space<vmem>>) target_semaphore(%dma_start3A_90 : memref<!tpu.dma_semaphore, #tpu.memory_space<semaphore_mem>>)
    %rem3A_97 = arith.constant 0 : i32
    %rem3A_98 = arith.constant 4 : i32
    %rem3A_99 = arith.remsi %rem3A_97, %rem3A_98 : i32
    %add3A_100 = arith.constant 0 : i32
    %add3A_101 = arith.addi %add3A_5, %add3A_100 : i32
    %dma_wait3A = arith.constant 0 : i32
    %dma_wait3A_102 = tpu.memref_slice %arg7[%rem3A_99, %dma_wait3A] : memref<4x128xi32, #tpu.memory_space<vmem>> -> memref<1x128xi32, #tpu.memory_space<vmem>>
    %dma_wait3A_103 = tpu.memref_squeeze %dma_wait3A_102 : memref<1x128xi32, #tpu.memory_space<vmem>> -> memref<128xi32, #tpu.memory_space<vmem>>
    %dma_wait3A_104 = arith.constant 0 : i32
    %dma_wait3A_105 = tpu.memref_slice %arg2[%add3A_101, %dma_wait3A_104] : memref<1250x128xi32, #tpu.memory_space<hbm>> -> memref<1x128xi32, #tpu.memory_space<hbm>>
    %dma_wait3A_106 = tpu.memref_squeeze %dma_wait3A_105 : memref<1x128xi32, #tpu.memory_space<hbm>> -> memref<128xi32, #tpu.memory_space<hbm>>
    %dma_wait3A_107 = tpu.memref_slice %arg10[%rem3A_99] : memref<4x!tpu.dma_semaphore, #tpu.memory_space<semaphore_mem>> -> memref<1x!tpu.dma_semaphore, #tpu.memory_space<semaphore_mem>>
    %dma_wait3A_108 = tpu.memref_squeeze %dma_wait3A_107 : memref<1x!tpu.dma_semaphore, #tpu.memory_space<semaphore_mem>> -> memref<!tpu.dma_semaphore, #tpu.memory_space<semaphore_mem>>
    %dma_wait3A_109 = arith.constant 0 : i32
    %dma_wait3A_110 = tpu.memref_slice %arg7[%rem3A_99, %dma_wait3A_109] : memref<4x128xi32, #tpu.memory_space<vmem>> -> memref<1x128xi32, #tpu.memory_space<vmem>>
    %dma_wait3A_111 = tpu.memref_squeeze %dma_wait3A_110 : memref<1x128xi32, #tpu.memory_space<vmem>> -> memref<128xi32, #tpu.memory_space<vmem>>
    %dma_wait3A_112 = arith.constant 0 : i32
    %dma_wait3A_113 = tpu.memref_slice %arg2[%add3A_101, %dma_wait3A_112] : memref<1250x128xi32, #tpu.memory_space<hbm>> -> memref<1x128xi32, #tpu.memory_space<hbm>>
    %dma_wait3A_114 = tpu.memref_squeeze %dma_wait3A_113 : memref<1x128xi32, #tpu.memory_space<hbm>> -> memref<128xi32, #tpu.memory_space<hbm>>
    tpu.wait_dma2 semaphore(%dma_wait3A_108 : memref<!tpu.dma_semaphore, #tpu.memory_space<semaphore_mem>>) src(%dma_wait3A_114 : memref<128xi32, #tpu.memory_space<hbm>>) dst(%dma_wait3A_111 : memref<128xi32, #tpu.memory_space<vmem>>)
    %add3A_115 = arith.constant 0 : i32
    %add3A_116 = arith.addi %add3A_5, %add3A_115 : i32
    %dma_wait3A_117 = arith.constant 0 : i32
    %dma_wait3A_118 = tpu.memref_slice %arg8[%rem3A_99, %dma_wait3A_117] : memref<4x128xi32, #tpu.memory_space<vmem>> -> memref<1x128xi32, #tpu.memory_space<vmem>>
    %dma_wait3A_119 = tpu.memref_squeeze %dma_wait3A_118 : memref<1x128xi32, #tpu.memory_space<vmem>> -> memref<128xi32, #tpu.memory_space<vmem>>
    %dma_wait3A_120 = arith.constant 0 : i32
    %dma_wait3A_121 = tpu.memref_slice %arg3[%add3A_116, %dma_wait3A_120] : memref<1250x128xi32, #tpu.memory_space<hbm>> -> memref<1x128xi32, #tpu.memory_space<hbm>>
    %dma_wait3A_122 = tpu.memref_squeeze %dma_wait3A_121 : memref<1x128xi32, #tpu.memory_space<hbm>> -> memref<128xi32, #tpu.memory_space<hbm>>
    %dma_wait3A_123 = tpu.memref_slice %arg10[%rem3A_99] : memref<4x!tpu.dma_semaphore, #tpu.memory_space<semaphore_mem>> -> memref<1x!tpu.dma_semaphore, #tpu.memory_space<semaphore_mem>>
    %dma_wait3A_124 = tpu.memref_squeeze %dma_wait3A_123 : memref<1x!tpu.dma_semaphore, #tpu.memory_space<semaphore_mem>> -> memref<!tpu.dma_semaphore, #tpu.memory_space<semaphore_mem>>
    %dma_wait3A_125 = arith.constant 0 : i32
    %dma_wait3A_126 = tpu.memref_slice %arg8[%rem3A_99, %dma_wait3A_125] : memref<4x128xi32, #tpu.memory_space<vmem>> -> memref<1x128xi32, #tpu.memory_space<vmem>>
    %dma_wait3A_127 = tpu.memref_squeeze %dma_wait3A_126 : memref<1x128xi32, #tpu.memory_space<vmem>> -> memref<128xi32, #tpu.memory_space<vmem>>
    %dma_wait3A_128 = arith.constant 0 : i32
    %dma_wait3A_129 = tpu.memref_slice %arg3[%add3A_116, %dma_wait3A_128] : memref<1250x128xi32, #tpu.memory_space<hbm>> -> memref<1x128xi32, #tpu.memory_space<hbm>>
    %dma_wait3A_130 = tpu.memref_squeeze %dma_wait3A_129 : memref<1x128xi32, #tpu.memory_space<hbm>> -> memref<128xi32, #tpu.memory_space<hbm>>
    tpu.wait_dma2 semaphore(%dma_wait3A_124 : memref<!tpu.dma_semaphore, #tpu.memory_space<semaphore_mem>>) src(%dma_wait3A_130 : memref<128xi32, #tpu.memory_space<hbm>>) dst(%dma_wait3A_127 : memref<128xi32, #tpu.memory_space<vmem>>)
    %rem3A_131 = arith.constant 0 : i32
    %rem3A_132 = arith.constant 4 : i32
    %rem3A_133 = arith.remsi %rem3A_131, %rem3A_132 : i32
    %dma_start3A_134 = arith.constant 0 : i32
    %dma_start3A_135 = arith.constant 0 : i32
    %dma_start3A_136 = arith.constant 0 : i32
    %dma_start3A_137 = arith.constant 0 : i32
    %dma_start3A_138 = tpu.memref_slice %arg9[%dma_start3A_134, %dma_start3A_136, %dma_start3A_137] : memref<2x128x128xf32, #tpu.memory_space<vmem>> -> memref<1x128x128xf32, #tpu.memory_space<vmem>>
    %dma_start3A_139 = tpu.memref_squeeze %dma_start3A_138 : memref<1x128x128xf32, #tpu.memory_space<vmem>> -> memref<128x128xf32, #tpu.memory_space<vmem>>
    %dma_start3A_140 = arith.constant 0 : i32
    %dma_start3A_141 = tpu.memref_slice %arg7[%rem3A_133, %dma_start3A_140] : memref<4x128xi32, #tpu.memory_space<vmem>> -> memref<1x128xi32, #tpu.memory_space<vmem>>
    %dma_start3A_142 = tpu.memref_squeeze %dma_start3A_141 : memref<1x128xi32, #tpu.memory_space<vmem>> -> memref<128xi32, #tpu.memory_space<vmem>>
    %dma_start3A_143 = arith.constant 0 : i32
    %dma_start3A_144 = arith.constant 0 : i32
    %dma_start3A_145 = tpu.memref_slice %arg4[%arg0, %dma_start3A_143, %dma_start3A_144] : memref<2x10000x128xf32, #tpu.memory_space<hbm>> -> memref<1x10000x128xf32, #tpu.memory_space<hbm>>
    %dma_start3A_146 = tpu.memref_squeeze %dma_start3A_145 : memref<1x10000x128xf32, #tpu.memory_space<hbm>> -> memref<10000x128xf32, #tpu.memory_space<hbm>>
    %dma_start3A_147 = arith.constant 0 : i32
    %dma_start3A_148 = arith.constant 0 : i32
    %dma_start3A_149 = tpu.memref_slice %dma_start3A_146[%dma_start3A_147, %dma_start3A_148] : memref<10000x128xf32, #tpu.memory_space<hbm>> -> memref<10000x128xf32, #tpu.memory_space<hbm>>
    %dma_start3A_150 = tpu.memref_slice %arg11[%dma_start3A_135] : memref<2x!tpu.dma_semaphore, #tpu.memory_space<semaphore_mem>> -> memref<1x!tpu.dma_semaphore, #tpu.memory_space<semaphore_mem>>
    %dma_start3A_151 = tpu.memref_squeeze %dma_start3A_150 : memref<1x!tpu.dma_semaphore, #tpu.memory_space<semaphore_mem>> -> memref<!tpu.dma_semaphore, #tpu.memory_space<semaphore_mem>>
    tpu.enqueue_indirect_dma source(%dma_start3A_149 : memref<10000x128xf32, #tpu.memory_space<hbm>>) target(%dma_start3A_139 : memref<128x128xf32, #tpu.memory_space<vmem>>) offsets(%dma_start3A_142 : memref<128xi32, #tpu.memory_space<vmem>>) semaphore(%dma_start3A_151 : memref<!tpu.dma_semaphore, #tpu.memory_space<semaphore_mem>>)
    %while3A = arith.constant 0 : i32
    %while3A_152 = arith.constant 0 : i32
    %while3A_153 = arith.subi %add3A_2, %while3A : i32
    %while3A_154 = arith.addi %while3A, %while3A_153 : i32
    %while3A_155 = arith.constant 1 : i32
    %while3A_156 = arith.divsi %while3A_153, %while3A_155 : i32
    %while3A_157 = arith.muli %while3A_156, %while3A_155 : i32
    %while3A_158 = arith.addi %while3A, %while3A_157 : i32
    %while3A_159 = arith.constant 1 : i32
    %while3A_160 = scf.for %while3A_212 = %while3A to %while3A_158 step %while3A_159 iter_args(%while3A_213 = %while3A_152) -> (i32)  : i32 {
      %rem3A_214 = arith.constant 2 : i32
      %rem3A_215 = arith.remsi %while3A_212, %rem3A_214 : i32
      %add3A_216 = arith.constant 1 : i32
      %add3A_217 = arith.addi %while3A_212, %add3A_216 : i32
      %rem3A_218 = arith.constant 2 : i32
      %rem3A_219 = arith.remsi %add3A_217, %rem3A_218 : i32
      %add3A_220 = arith.constant 1 : i32
      %add3A_221 = arith.addi %while3A_212, %add3A_220 : i32
      %lt3A_222 = arith.cmpi slt, %add3A_221, %add3A_2 : i32
      %convert_element_type3A_223 = arith.extui %lt3A_222 : i1 to i32
      %cond3A_224 = arith.constant 0 : i32
      %cond3A_225 = arith.cmpi ne, %convert_element_type3A_223, %cond3A_224 : i32
      scf.if %cond3A_225 {
        %ge3A = arith.constant 1 : i32
        %ge3A_265 = arith.cmpi sge, %while3A_212, %ge3A : i32
        %convert_element_type3A_266 = arith.extui %ge3A_265 : i1 to i32
        %cond3A_267 = arith.constant 0 : i32
        %cond3A_268 = arith.cmpi ne, %convert_element_type3A_266, %cond3A_267 : i32
        scf.if %cond3A_268 {
          %sub3A_323 = arith.constant 1 : i32
          %sub3A_324 = arith.subi %while3A_212, %sub3A_323 : i32
          %rem3A_325 = arith.constant 4 : i32
          %rem3A_326 = arith.remsi %sub3A_324, %rem3A_325 : i32
          %dma_wait3A_327 = arith.constant 0 : i32
          %dma_wait3A_328 = arith.constant 0 : i32
          %dma_wait3A_329 = tpu.memref_slice %arg9[%rem3A_219, %dma_wait3A_327, %dma_wait3A_328] : memref<2x128x128xf32, #tpu.memory_space<vmem>> -> memref<1x128x128xf32, #tpu.memory_space<vmem>>
          %dma_wait3A_330 = tpu.memref_squeeze %dma_wait3A_329 : memref<1x128x128xf32, #tpu.memory_space<vmem>> -> memref<128x128xf32, #tpu.memory_space<vmem>>
          %dma_wait3A_331 = arith.constant 0 : i32
          %dma_wait3A_332 = tpu.memref_slice %arg8[%rem3A_326, %dma_wait3A_331] : memref<4x128xi32, #tpu.memory_space<vmem>> -> memref<1x128xi32, #tpu.memory_space<vmem>>
          %dma_wait3A_333 = tpu.memref_squeeze %dma_wait3A_332 : memref<1x128xi32, #tpu.memory_space<vmem>> -> memref<128xi32, #tpu.memory_space<vmem>>
          %dma_wait3A_334 = arith.constant 0 : i32
          %dma_wait3A_335 = arith.constant 0 : i32
          %dma_wait3A_336 = tpu.memref_slice %arg6[%dma_wait3A_334, %dma_wait3A_335] : memref<10000x128xf32, #tpu.memory_space<vmem_shared>> -> memref<10000x128xf32, #tpu.memory_space<vmem_shared>>
          %dma_wait3A_337 = tpu.memref_slice %arg12[%rem3A_219] : memref<2x!tpu.dma_semaphore, #tpu.memory_space<semaphore_mem>> -> memref<1x!tpu.dma_semaphore, #tpu.memory_space<semaphore_mem>>
          %dma_wait3A_338 = tpu.memref_squeeze %dma_wait3A_337 : memref<1x!tpu.dma_semaphore, #tpu.memory_space<semaphore_mem>> -> memref<!tpu.dma_semaphore, #tpu.memory_space<semaphore_mem>>
          tpu.wait_indirect_dma semaphore(%dma_wait3A_338 : memref<!tpu.dma_semaphore, #tpu.memory_space<semaphore_mem>>) src(%dma_wait3A_330 : memref<128x128xf32, #tpu.memory_space<vmem>>) dst(%dma_wait3A_336 : memref<10000x128xf32, #tpu.memory_space<vmem_shared>>)
        } else {
        }
        %add3A_269 = arith.constant 1 : i32
        %add3A_270 = arith.addi %while3A_212, %add3A_269 : i32
        %rem3A_271 = arith.constant 4 : i32
        %rem3A_272 = arith.remsi %add3A_270, %rem3A_271 : i32
        %add3A_273 = arith.addi %add3A_5, %add3A_270 : i32
        %dma_wait3A_274 = arith.constant 0 : i32
        %dma_wait3A_275 = tpu.memref_slice %arg7[%rem3A_272, %dma_wait3A_274] : memref<4x128xi32, #tpu.memory_space<vmem>> -> memref<1x128xi32, #tpu.memory_space<vmem>>
        %dma_wait3A_276 = tpu.memref_squeeze %dma_wait3A_275 : memref<1x128xi32, #tpu.memory_space<vmem>> -> memref<128xi32, #tpu.memory_space<vmem>>
        %dma_wait3A_277 = arith.constant 0 : i32
        %dma_wait3A_278 = tpu.memref_slice %arg2[%add3A_273, %dma_wait3A_277] : memref<1250x128xi32, #tpu.memory_space<hbm>> -> memref<1x128xi32, #tpu.memory_space<hbm>>
        %dma_wait3A_279 = tpu.memref_squeeze %dma_wait3A_278 : memref<1x128xi32, #tpu.memory_space<hbm>> -> memref<128xi32, #tpu.memory_space<hbm>>
        %dma_wait3A_280 = tpu.memref_slice %arg10[%rem3A_272] : memref<4x!tpu.dma_semaphore, #tpu.memory_space<semaphore_mem>> -> memref<1x!tpu.dma_semaphore, #tpu.memory_space<semaphore_mem>>
        %dma_wait3A_281 = tpu.memref_squeeze %dma_wait3A_280 : memref<1x!tpu.dma_semaphore, #tpu.memory_space<semaphore_mem>> -> memref<!tpu.dma_semaphore, #tpu.memory_space<semaphore_mem>>
        %dma_wait3A_282 = arith.constant 0 : i32
        %dma_wait3A_283 = tpu.memref_slice %arg7[%rem3A_272, %dma_wait3A_282] : memref<4x128xi32, #tpu.memory_space<vmem>> -> memref<1x128xi32, #tpu.memory_space<vmem>>
        %dma_wait3A_284 = tpu.memref_squeeze %dma_wait3A_283 : memref<1x128xi32, #tpu.memory_space<vmem>> -> memref<128xi32, #tpu.memory_space<vmem>>
        %dma_wait3A_285 = arith.constant 0 : i32
        %dma_wait3A_286 = tpu.memref_slice %arg2[%add3A_273, %dma_wait3A_285] : memref<1250x128xi32, #tpu.memory_space<hbm>> -> memref<1x128xi32, #tpu.memory_space<hbm>>
        %dma_wait3A_287 = tpu.memref_squeeze %dma_wait3A_286 : memref<1x128xi32, #tpu.memory_space<hbm>> -> memref<128xi32, #tpu.memory_space<hbm>>
        tpu.wait_dma2 semaphore(%dma_wait3A_281 : memref<!tpu.dma_semaphore, #tpu.memory_space<semaphore_mem>>) src(%dma_wait3A_287 : memref<128xi32, #tpu.memory_space<hbm>>) dst(%dma_wait3A_284 : memref<128xi32, #tpu.memory_space<vmem>>)
        %add3A_288 = arith.addi %add3A_5, %add3A_270 : i32
        %dma_wait3A_289 = arith.constant 0 : i32
        %dma_wait3A_290 = tpu.memref_slice %arg8[%rem3A_272, %dma_wait3A_289] : memref<4x128xi32, #tpu.memory_space<vmem>> -> memref<1x128xi32, #tpu.memory_space<vmem>>
        %dma_wait3A_291 = tpu.memref_squeeze %dma_wait3A_290 : memref<1x128xi32, #tpu.memory_space<vmem>> -> memref<128xi32, #tpu.memory_space<vmem>>
        %dma_wait3A_292 = arith.constant 0 : i32
        %dma_wait3A_293 = tpu.memref_slice %arg3[%add3A_288, %dma_wait3A_292] : memref<1250x128xi32, #tpu.memory_space<hbm>> -> memref<1x128xi32, #tpu.memory_space<hbm>>
        %dma_wait3A_294 = tpu.memref_squeeze %dma_wait3A_293 : memref<1x128xi32, #tpu.memory_space<hbm>> -> memref<128xi32, #tpu.memory_space<hbm>>
        %dma_wait3A_295 = tpu.memref_slice %arg10[%rem3A_272] : memref<4x!tpu.dma_semaphore, #tpu.memory_space<semaphore_mem>> -> memref<1x!tpu.dma_semaphore, #tpu.memory_space<semaphore_mem>>
        %dma_wait3A_296 = tpu.memref_squeeze %dma_wait3A_295 : memref<1x!tpu.dma_semaphore, #tpu.memory_space<semaphore_mem>> -> memref<!tpu.dma_semaphore, #tpu.memory_space<semaphore_mem>>
        %dma_wait3A_297 = arith.constant 0 : i32
        %dma_wait3A_298 = tpu.memref_slice %arg8[%rem3A_272, %dma_wait3A_297] : memref<4x128xi32, #tpu.memory_space<vmem>> -> memref<1x128xi32, #tpu.memory_space<vmem>>
        %dma_wait3A_299 = tpu.memref_squeeze %dma_wait3A_298 : memref<1x128xi32, #tpu.memory_space<vmem>> -> memref<128xi32, #tpu.memory_space<vmem>>
        %dma_wait3A_300 = arith.constant 0 : i32
        %dma_wait3A_301 = tpu.memref_slice %arg3[%add3A_288, %dma_wait3A_300] : memref<1250x128xi32, #tpu.memory_space<hbm>> -> memref<1x128xi32, #tpu.memory_space<hbm>>
        %dma_wait3A_302 = tpu.memref_squeeze %dma_wait3A_301 : memref<1x128xi32, #tpu.memory_space<hbm>> -> memref<128xi32, #tpu.memory_space<hbm>>
        tpu.wait_dma2 semaphore(%dma_wait3A_296 : memref<!tpu.dma_semaphore, #tpu.memory_space<semaphore_mem>>) src(%dma_wait3A_302 : memref<128xi32, #tpu.memory_space<hbm>>) dst(%dma_wait3A_299 : memref<128xi32, #tpu.memory_space<vmem>>)
        %add3A_303 = arith.constant 1 : i32
        %add3A_304 = arith.addi %while3A_212, %add3A_303 : i32
        %rem3A_305 = arith.constant 4 : i32
        %rem3A_306 = arith.remsi %add3A_304, %rem3A_305 : i32
        %dma_start3A_307 = arith.constant 0 : i32
        %dma_start3A_308 = arith.constant 0 : i32
        %dma_start3A_309 = tpu.memref_slice %arg9[%rem3A_219, %dma_start3A_307, %dma_start3A_308] : memref<2x128x128xf32, #tpu.memory_space<vmem>> -> memref<1x128x128xf32, #tpu.memory_space<vmem>>
        %dma_start3A_310 = tpu.memref_squeeze %dma_start3A_309 : memref<1x128x128xf32, #tpu.memory_space<vmem>> -> memref<128x128xf32, #tpu.memory_space<vmem>>
        %dma_start3A_311 = arith.constant 0 : i32
        %dma_start3A_312 = tpu.memref_slice %arg7[%rem3A_306, %dma_start3A_311] : memref<4x128xi32, #tpu.memory_space<vmem>> -> memref<1x128xi32, #tpu.memory_space<vmem>>
        %dma_start3A_313 = tpu.memref_squeeze %dma_start3A_312 : memref<1x128xi32, #tpu.memory_space<vmem>> -> memref<128xi32, #tpu.memory_space<vmem>>
        %dma_start3A_314 = arith.constant 0 : i32
        %dma_start3A_315 = arith.constant 0 : i32
        %dma_start3A_316 = tpu.memref_slice %arg4[%arg0, %dma_start3A_314, %dma_start3A_315] : memref<2x10000x128xf32, #tpu.memory_space<hbm>> -> memref<1x10000x128xf32, #tpu.memory_space<hbm>>
        %dma_start3A_317 = tpu.memref_squeeze %dma_start3A_316 : memref<1x10000x128xf32, #tpu.memory_space<hbm>> -> memref<10000x128xf32, #tpu.memory_space<hbm>>
        %dma_start3A_318 = arith.constant 0 : i32
        %dma_start3A_319 = arith.constant 0 : i32
        %dma_start3A_320 = tpu.memref_slice %dma_start3A_317[%dma_start3A_318, %dma_start3A_319] : memref<10000x128xf32, #tpu.memory_space<hbm>> -> memref<10000x128xf32, #tpu.memory_space<hbm>>
        %dma_start3A_321 = tpu.memref_slice %arg11[%rem3A_219] : memref<2x!tpu.dma_semaphore, #tpu.memory_space<semaphore_mem>> -> memref<1x!tpu.dma_semaphore, #tpu.memory_space<semaphore_mem>>
        %dma_start3A_322 = tpu.memref_squeeze %dma_start3A_321 : memref<1x!tpu.dma_semaphore, #tpu.memory_space<semaphore_mem>> -> memref<!tpu.dma_semaphore, #tpu.memory_space<semaphore_mem>>
        tpu.enqueue_indirect_dma source(%dma_start3A_320 : memref<10000x128xf32, #tpu.memory_space<hbm>>) target(%dma_start3A_310 : memref<128x128xf32, #tpu.memory_space<vmem>>) offsets(%dma_start3A_313 : memref<128xi32, #tpu.memory_space<vmem>>) semaphore(%dma_start3A_322 : memref<!tpu.dma_semaphore, #tpu.memory_space<semaphore_mem>>)
      } else {
      }
      %rem3A_226 = arith.constant 4 : i32
      %rem3A_227 = arith.remsi %while3A_212, %rem3A_226 : i32
      %dma_wait3A_228 = arith.constant 0 : i32
      %dma_wait3A_229 = arith.constant 0 : i32
      %dma_wait3A_230 = tpu.memref_slice %arg9[%rem3A_215, %dma_wait3A_228, %dma_wait3A_229] : memref<2x128x128xf32, #tpu.memory_space<vmem>> -> memref<1x128x128xf32, #tpu.memory_space<vmem>>
      %dma_wait3A_231 = tpu.memref_squeeze %dma_wait3A_230 : memref<1x128x128xf32, #tpu.memory_space<vmem>> -> memref<128x128xf32, #tpu.memory_space<vmem>>
      %dma_wait3A_232 = arith.constant 0 : i32
      %dma_wait3A_233 = tpu.memref_slice %arg7[%rem3A_227, %dma_wait3A_232] : memref<4x128xi32, #tpu.memory_space<vmem>> -> memref<1x128xi32, #tpu.memory_space<vmem>>
      %dma_wait3A_234 = tpu.memref_squeeze %dma_wait3A_233 : memref<1x128xi32, #tpu.memory_space<vmem>> -> memref<128xi32, #tpu.memory_space<vmem>>
      %dma_wait3A_235 = arith.constant 0 : i32
      %dma_wait3A_236 = arith.constant 0 : i32
      %dma_wait3A_237 = tpu.memref_slice %arg4[%arg0, %dma_wait3A_235, %dma_wait3A_236] : memref<2x10000x128xf32, #tpu.memory_space<hbm>> -> memref<1x10000x128xf32, #tpu.memory_space<hbm>>
      %dma_wait3A_238 = tpu.memref_squeeze %dma_wait3A_237 : memref<1x10000x128xf32, #tpu.memory_space<hbm>> -> memref<10000x128xf32, #tpu.memory_space<hbm>>
      %dma_wait3A_239 = arith.constant 0 : i32
      %dma_wait3A_240 = arith.constant 0 : i32
      %dma_wait3A_241 = tpu.memref_slice %dma_wait3A_238[%dma_wait3A_239, %dma_wait3A_240] : memref<10000x128xf32, #tpu.memory_space<hbm>> -> memref<10000x128xf32, #tpu.memory_space<hbm>>
      %dma_wait3A_242 = tpu.memref_slice %arg11[%rem3A_215] : memref<2x!tpu.dma_semaphore, #tpu.memory_space<semaphore_mem>> -> memref<1x!tpu.dma_semaphore, #tpu.memory_space<semaphore_mem>>
      %dma_wait3A_243 = tpu.memref_squeeze %dma_wait3A_242 : memref<1x!tpu.dma_semaphore, #tpu.memory_space<semaphore_mem>> -> memref<!tpu.dma_semaphore, #tpu.memory_space<semaphore_mem>>
      tpu.wait_indirect_dma semaphore(%dma_wait3A_243 : memref<!tpu.dma_semaphore, #tpu.memory_space<semaphore_mem>>) src(%dma_wait3A_241 : memref<10000x128xf32, #tpu.memory_space<hbm>>) dst(%dma_wait3A_231 : memref<128x128xf32, #tpu.memory_space<vmem>>)
      %rem3A_244 = arith.constant 4 : i32
      %rem3A_245 = arith.remsi %while3A_212, %rem3A_244 : i32
      %dma_start3A_246 = arith.constant 0 : i32
      %dma_start3A_247 = arith.constant 0 : i32
      %dma_start3A_248 = tpu.memref_slice %arg9[%rem3A_215, %dma_start3A_246, %dma_start3A_247] : memref<2x128x128xf32, #tpu.memory_space<vmem>> -> memref<1x128x128xf32, #tpu.memory_space<vmem>>
      %dma_start3A_249 = tpu.memref_squeeze %dma_start3A_248 : memref<1x128x128xf32, #tpu.memory_space<vmem>> -> memref<128x128xf32, #tpu.memory_space<vmem>>
      %dma_start3A_250 = arith.constant 0 : i32
      %dma_start3A_251 = tpu.memref_slice %arg8[%rem3A_245, %dma_start3A_250] : memref<4x128xi32, #tpu.memory_space<vmem>> -> memref<1x128xi32, #tpu.memory_space<vmem>>
      %dma_start3A_252 = tpu.memref_squeeze %dma_start3A_251 : memref<1x128xi32, #tpu.memory_space<vmem>> -> memref<128xi32, #tpu.memory_space<vmem>>
      %dma_start3A_253 = arith.constant 0 : i32
      %dma_start3A_254 = arith.constant 0 : i32
      %dma_start3A_255 = tpu.memref_slice %arg6[%dma_start3A_253, %dma_start3A_254] : memref<10000x128xf32, #tpu.memory_space<vmem_shared>> -> memref<10000x128xf32, #tpu.memory_space<vmem_shared>>
      %dma_start3A_256 = tpu.memref_slice %arg12[%rem3A_215] : memref<2x!tpu.dma_semaphore, #tpu.memory_space<semaphore_mem>> -> memref<1x!tpu.dma_semaphore, #tpu.memory_space<semaphore_mem>>
      %dma_start3A_257 = tpu.memref_squeeze %dma_start3A_256 : memref<1x!tpu.dma_semaphore, #tpu.memory_space<semaphore_mem>> -> memref<!tpu.dma_semaphore, #tpu.memory_space<semaphore_mem>>
      tpu.enqueue_indirect_dma source(%dma_start3A_249 : memref<128x128xf32, #tpu.memory_space<vmem>>) target(%dma_start3A_255 : memref<10000x128xf32, #tpu.memory_space<vmem_shared>>) offsets(%dma_start3A_252 : memref<128xi32, #tpu.memory_space<vmem>>) semaphore(%dma_start3A_257 : memref<!tpu.dma_semaphore, #tpu.memory_space<semaphore_mem>>) {add = true}
      %add3A_258 = arith.constant 2 : i32
      %add3A_259 = arith.addi %while3A_212, %add3A_258 : i32
      %lt3A_260 = arith.cmpi slt, %add3A_259, %add3A_2 : i32
      %convert_element_type3A_261 = arith.extui %lt3A_260 : i1 to i32
      %cond3A_262 = arith.constant 0 : i32
      %cond3A_263 = arith.cmpi ne, %convert_element_type3A_261, %cond3A_262 : i32
      scf.if %cond3A_263 {
        %add3A_265 = arith.constant 2 : i32
        %add3A_266 = arith.addi %while3A_212, %add3A_265 : i32
        %rem3A_267 = arith.constant 4 : i32
        %rem3A_268 = arith.remsi %add3A_266, %rem3A_267 : i32
        %add3A_269 = arith.addi %add3A_5, %add3A_266 : i32
        %dma_start3A_270 = arith.constant 0 : i32
        %dma_start3A_271 = tpu.memref_slice %arg7[%rem3A_268, %dma_start3A_270] : memref<4x128xi32, #tpu.memory_space<vmem>> -> memref<1x128xi32, #tpu.memory_space<vmem>>
        %dma_start3A_272 = tpu.memref_squeeze %dma_start3A_271 : memref<1x128xi32, #tpu.memory_space<vmem>> -> memref<128xi32, #tpu.memory_space<vmem>>
        %dma_start3A_273 = arith.constant 0 : i32
        %dma_start3A_274 = tpu.memref_slice %arg2[%add3A_269, %dma_start3A_273] : memref<1250x128xi32, #tpu.memory_space<hbm>> -> memref<1x128xi32, #tpu.memory_space<hbm>>
        %dma_start3A_275 = tpu.memref_squeeze %dma_start3A_274 : memref<1x128xi32, #tpu.memory_space<hbm>> -> memref<128xi32, #tpu.memory_space<hbm>>
        %dma_start3A_276 = tpu.memref_slice %arg10[%rem3A_268] : memref<4x!tpu.dma_semaphore, #tpu.memory_space<semaphore_mem>> -> memref<1x!tpu.dma_semaphore, #tpu.memory_space<semaphore_mem>>
        %dma_start3A_277 = tpu.memref_squeeze %dma_start3A_276 : memref<1x!tpu.dma_semaphore, #tpu.memory_space<semaphore_mem>> -> memref<!tpu.dma_semaphore, #tpu.memory_space<semaphore_mem>>
        %dma_start3A_278 = arith.constant 0 : i32
        %dma_start3A_279 = tpu.memref_slice %arg7[%rem3A_268, %dma_start3A_278] : memref<4x128xi32, #tpu.memory_space<vmem>> -> memref<1x128xi32, #tpu.memory_space<vmem>>
        %dma_start3A_280 = tpu.memref_squeeze %dma_start3A_279 : memref<1x128xi32, #tpu.memory_space<vmem>> -> memref<128xi32, #tpu.memory_space<vmem>>
        %dma_start3A_281 = arith.constant 0 : i32
        %dma_start3A_282 = tpu.memref_slice %arg2[%add3A_269, %dma_start3A_281] : memref<1250x128xi32, #tpu.memory_space<hbm>> -> memref<1x128xi32, #tpu.memory_space<hbm>>
        %dma_start3A_283 = tpu.memref_squeeze %dma_start3A_282 : memref<1x128xi32, #tpu.memory_space<hbm>> -> memref<128xi32, #tpu.memory_space<hbm>>
        tpu.enqueue_dma source(%dma_start3A_283 : memref<128xi32, #tpu.memory_space<hbm>>) target(%dma_start3A_280 : memref<128xi32, #tpu.memory_space<vmem>>) target_semaphore(%dma_start3A_277 : memref<!tpu.dma_semaphore, #tpu.memory_space<semaphore_mem>>)
        %add3A_284 = arith.addi %add3A_5, %add3A_266 : i32
        %dma_start3A_285 = arith.constant 0 : i32
        %dma_start3A_286 = tpu.memref_slice %arg8[%rem3A_268, %dma_start3A_285] : memref<4x128xi32, #tpu.memory_space<vmem>> -> memref<1x128xi32, #tpu.memory_space<vmem>>
        %dma_start3A_287 = tpu.memref_squeeze %dma_start3A_286 : memref<1x128xi32, #tpu.memory_space<vmem>> -> memref<128xi32, #tpu.memory_space<vmem>>
        %dma_start3A_288 = arith.constant 0 : i32
        %dma_start3A_289 = tpu.memref_slice %arg3[%add3A_284, %dma_start3A_288] : memref<1250x128xi32, #tpu.memory_space<hbm>> -> memref<1x128xi32, #tpu.memory_space<hbm>>
        %dma_start3A_290 = tpu.memref_squeeze %dma_start3A_289 : memref<1x128xi32, #tpu.memory_space<hbm>> -> memref<128xi32, #tpu.memory_space<hbm>>
        %dma_start3A_291 = tpu.memref_slice %arg10[%rem3A_268] : memref<4x!tpu.dma_semaphore, #tpu.memory_space<semaphore_mem>> -> memref<1x!tpu.dma_semaphore, #tpu.memory_space<semaphore_mem>>
        %dma_start3A_292 = tpu.memref_squeeze %dma_start3A_291 : memref<1x!tpu.dma_semaphore, #tpu.memory_space<semaphore_mem>> -> memref<!tpu.dma_semaphore, #tpu.memory_space<semaphore_mem>>
        %dma_start3A_293 = arith.constant 0 : i32
        %dma_start3A_294 = tpu.memref_slice %arg8[%rem3A_268, %dma_start3A_293] : memref<4x128xi32, #tpu.memory_space<vmem>> -> memref<1x128xi32, #tpu.memory_space<vmem>>
        %dma_start3A_295 = tpu.memref_squeeze %dma_start3A_294 : memref<1x128xi32, #tpu.memory_space<vmem>> -> memref<128xi32, #tpu.memory_space<vmem>>
        %dma_start3A_296 = arith.constant 0 : i32
        %dma_start3A_297 = tpu.memref_slice %arg3[%add3A_284, %dma_start3A_296] : memref<1250x128xi32, #tpu.memory_space<hbm>> -> memref<1x128xi32, #tpu.memory_space<hbm>>
        %dma_start3A_298 = tpu.memref_squeeze %dma_start3A_297 : memref<1x128xi32, #tpu.memory_space<hbm>> -> memref<128xi32, #tpu.memory_space<hbm>>
        tpu.enqueue_dma source(%dma_start3A_298 : memref<128xi32, #tpu.memory_space<hbm>>) target(%dma_start3A_295 : memref<128xi32, #tpu.memory_space<vmem>>) target_semaphore(%dma_start3A_292 : memref<!tpu.dma_semaphore, #tpu.memory_space<semaphore_mem>>)
      } else {
      }
      %while3A_264 = arith.constant 0 : i32
      scf.yield %while3A_264 : i32
    }
    %while3A_161 = arith.constant 1 : i32
    %while3A_162 = scf.for %while3A_212 = %while3A_158 to %while3A_154 step %while3A_161 iter_args(%while3A_213 = %while3A_160) -> (i32)  : i32 {
      %rem3A_214 = arith.constant 2 : i32
      %rem3A_215 = arith.remsi %while3A_212, %rem3A_214 : i32
      %add3A_216 = arith.constant 1 : i32
      %add3A_217 = arith.addi %while3A_212, %add3A_216 : i32
      %rem3A_218 = arith.constant 2 : i32
      %rem3A_219 = arith.remsi %add3A_217, %rem3A_218 : i32
      %add3A_220 = arith.constant 1 : i32
      %add3A_221 = arith.addi %while3A_212, %add3A_220 : i32
      %lt3A_222 = arith.cmpi slt, %add3A_221, %add3A_2 : i32
      %convert_element_type3A_223 = arith.extui %lt3A_222 : i1 to i32
      %cond3A_224 = arith.constant 0 : i32
      %cond3A_225 = arith.cmpi ne, %convert_element_type3A_223, %cond3A_224 : i32
      scf.if %cond3A_225 {
        %ge3A = arith.constant 1 : i32
        %ge3A_265 = arith.cmpi sge, %while3A_212, %ge3A : i32
        %convert_element_type3A_266 = arith.extui %ge3A_265 : i1 to i32
        %cond3A_267 = arith.constant 0 : i32
        %cond3A_268 = arith.cmpi ne, %convert_element_type3A_266, %cond3A_267 : i32
        scf.if %cond3A_268 {
          %sub3A_323 = arith.constant 1 : i32
          %sub3A_324 = arith.subi %while3A_212, %sub3A_323 : i32
          %rem3A_325 = arith.constant 4 : i32
          %rem3A_326 = arith.remsi %sub3A_324, %rem3A_325 : i32
          %dma_wait3A_327 = arith.constant 0 : i32
          %dma_wait3A_328 = arith.constant 0 : i32
          %dma_wait3A_329 = tpu.memref_slice %arg9[%rem3A_219, %dma_wait3A_327, %dma_wait3A_328] : memref<2x128x128xf32, #tpu.memory_space<vmem>> -> memref<1x128x128xf32, #tpu.memory_space<vmem>>
          %dma_wait3A_330 = tpu.memref_squeeze %dma_wait3A_329 : memref<1x128x128xf32, #tpu.memory_space<vmem>> -> memref<128x128xf32, #tpu.memory_space<vmem>>
          %dma_wait3A_331 = arith.constant 0 : i32
          %dma_wait3A_332 = tpu.memref_slice %arg8[%rem3A_326, %dma_wait3A_331] : memref<4x128xi32, #tpu.memory_space<vmem>> -> memref<1x128xi32, #tpu.memory_space<vmem>>
          %dma_wait3A_333 = tpu.memref_squeeze %dma_wait3A_332 : memref<1x128xi32, #tpu.memory_space<vmem>> -> memref<128xi32, #tpu.memory_space<vmem>>
          %dma_wait3A_334 = arith.constant 0 : i32
          %dma_wait3A_335 = arith.constant 0 : i32
          %dma_wait3A_336 = tpu.memref_slice %arg6[%dma_wait3A_334, %dma_wait3A_335] : memref<10000x128xf32, #tpu.memory_space<vmem_shared>> -> memref<10000x128xf32, #tpu.memory_space<vmem_shared>>
          %dma_wait3A_337 = tpu.memref_slice %arg12[%rem3A_219] : memref<2x!tpu.dma_semaphore, #tpu.memory_space<semaphore_mem>> -> memref<1x!tpu.dma_semaphore, #tpu.memory_space<semaphore_mem>>
          %dma_wait3A_338 = tpu.memref_squeeze %dma_wait3A_337 : memref<1x!tpu.dma_semaphore, #tpu.memory_space<semaphore_mem>> -> memref<!tpu.dma_semaphore, #tpu.memory_space<semaphore_mem>>
          tpu.wait_indirect_dma semaphore(%dma_wait3A_338 : memref<!tpu.dma_semaphore, #tpu.memory_space<semaphore_mem>>) src(%dma_wait3A_330 : memref<128x128xf32, #tpu.memory_space<vmem>>) dst(%dma_wait3A_336 : memref<10000x128xf32, #tpu.memory_space<vmem_shared>>)
        } else {
        }
        %add3A_269 = arith.constant 1 : i32
        %add3A_270 = arith.addi %while3A_212, %add3A_269 : i32
        %rem3A_271 = arith.constant 4 : i32
        %rem3A_272 = arith.remsi %add3A_270, %rem3A_271 : i32
        %add3A_273 = arith.addi %add3A_5, %add3A_270 : i32
        %dma_wait3A_274 = arith.constant 0 : i32
        %dma_wait3A_275 = tpu.memref_slice %arg7[%rem3A_272, %dma_wait3A_274] : memref<4x128xi32, #tpu.memory_space<vmem>> -> memref<1x128xi32, #tpu.memory_space<vmem>>
        %dma_wait3A_276 = tpu.memref_squeeze %dma_wait3A_275 : memref<1x128xi32, #tpu.memory_space<vmem>> -> memref<128xi32, #tpu.memory_space<vmem>>
        %dma_wait3A_277 = arith.constant 0 : i32
        %dma_wait3A_278 = tpu.memref_slice %arg2[%add3A_273, %dma_wait3A_277] : memref<1250x128xi32, #tpu.memory_space<hbm>> -> memref<1x128xi32, #tpu.memory_space<hbm>>
        %dma_wait3A_279 = tpu.memref_squeeze %dma_wait3A_278 : memref<1x128xi32, #tpu.memory_space<hbm>> -> memref<128xi32, #tpu.memory_space<hbm>>
        %dma_wait3A_280 = tpu.memref_slice %arg10[%rem3A_272] : memref<4x!tpu.dma_semaphore, #tpu.memory_space<semaphore_mem>> -> memref<1x!tpu.dma_semaphore, #tpu.memory_space<semaphore_mem>>
        %dma_wait3A_281 = tpu.memref_squeeze %dma_wait3A_280 : memref<1x!tpu.dma_semaphore, #tpu.memory_space<semaphore_mem>> -> memref<!tpu.dma_semaphore, #tpu.memory_space<semaphore_mem>>
        %dma_wait3A_282 = arith.constant 0 : i32
        %dma_wait3A_283 = tpu.memref_slice %arg7[%rem3A_272, %dma_wait3A_282] : memref<4x128xi32, #tpu.memory_space<vmem>> -> memref<1x128xi32, #tpu.memory_space<vmem>>
        %dma_wait3A_284 = tpu.memref_squeeze %dma_wait3A_283 : memref<1x128xi32, #tpu.memory_space<vmem>> -> memref<128xi32, #tpu.memory_space<vmem>>
        %dma_wait3A_285 = arith.constant 0 : i32
        %dma_wait3A_286 = tpu.memref_slice %arg2[%add3A_273, %dma_wait3A_285] : memref<1250x128xi32, #tpu.memory_space<hbm>> -> memref<1x128xi32, #tpu.memory_space<hbm>>
        %dma_wait3A_287 = tpu.memref_squeeze %dma_wait3A_286 : memref<1x128xi32, #tpu.memory_space<hbm>> -> memref<128xi32, #tpu.memory_space<hbm>>
        tpu.wait_dma2 semaphore(%dma_wait3A_281 : memref<!tpu.dma_semaphore, #tpu.memory_space<semaphore_mem>>) src(%dma_wait3A_287 : memref<128xi32, #tpu.memory_space<hbm>>) dst(%dma_wait3A_284 : memref<128xi32, #tpu.memory_space<vmem>>)
        %add3A_288 = arith.addi %add3A_5, %add3A_270 : i32
        %dma_wait3A_289 = arith.constant 0 : i32
        %dma_wait3A_290 = tpu.memref_slice %arg8[%rem3A_272, %dma_wait3A_289] : memref<4x128xi32, #tpu.memory_space<vmem>> -> memref<1x128xi32, #tpu.memory_space<vmem>>
        %dma_wait3A_291 = tpu.memref_squeeze %dma_wait3A_290 : memref<1x128xi32, #tpu.memory_space<vmem>> -> memref<128xi32, #tpu.memory_space<vmem>>
        %dma_wait3A_292 = arith.constant 0 : i32
        %dma_wait3A_293 = tpu.memref_slice %arg3[%add3A_288, %dma_wait3A_292] : memref<1250x128xi32, #tpu.memory_space<hbm>> -> memref<1x128xi32, #tpu.memory_space<hbm>>
        %dma_wait3A_294 = tpu.memref_squeeze %dma_wait3A_293 : memref<1x128xi32, #tpu.memory_space<hbm>> -> memref<128xi32, #tpu.memory_space<hbm>>
        %dma_wait3A_295 = tpu.memref_slice %arg10[%rem3A_272] : memref<4x!tpu.dma_semaphore, #tpu.memory_space<semaphore_mem>> -> memref<1x!tpu.dma_semaphore, #tpu.memory_space<semaphore_mem>>
        %dma_wait3A_296 = tpu.memref_squeeze %dma_wait3A_295 : memref<1x!tpu.dma_semaphore, #tpu.memory_space<semaphore_mem>> -> memref<!tpu.dma_semaphore, #tpu.memory_space<semaphore_mem>>
        %dma_wait3A_297 = arith.constant 0 : i32
        %dma_wait3A_298 = tpu.memref_slice %arg8[%rem3A_272, %dma_wait3A_297] : memref<4x128xi32, #tpu.memory_space<vmem>> -> memref<1x128xi32, #tpu.memory_space<vmem>>
        %dma_wait3A_299 = tpu.memref_squeeze %dma_wait3A_298 : memref<1x128xi32, #tpu.memory_space<vmem>> -> memref<128xi32, #tpu.memory_space<vmem>>
        %dma_wait3A_300 = arith.constant 0 : i32
        %dma_wait3A_301 = tpu.memref_slice %arg3[%add3A_288, %dma_wait3A_300] : memref<1250x128xi32, #tpu.memory_space<hbm>> -> memref<1x128xi32, #tpu.memory_space<hbm>>
        %dma_wait3A_302 = tpu.memref_squeeze %dma_wait3A_301 : memref<1x128xi32, #tpu.memory_space<hbm>> -> memref<128xi32, #tpu.memory_space<hbm>>
        tpu.wait_dma2 semaphore(%dma_wait3A_296 : memref<!tpu.dma_semaphore, #tpu.memory_space<semaphore_mem>>) src(%dma_wait3A_302 : memref<128xi32, #tpu.memory_space<hbm>>) dst(%dma_wait3A_299 : memref<128xi32, #tpu.memory_space<vmem>>)
        %add3A_303 = arith.constant 1 : i32
        %add3A_304 = arith.addi %while3A_212, %add3A_303 : i32
        %rem3A_305 = arith.constant 4 : i32
        %rem3A_306 = arith.remsi %add3A_304, %rem3A_305 : i32
        %dma_start3A_307 = arith.constant 0 : i32
        %dma_start3A_308 = arith.constant 0 : i32
        %dma_start3A_309 = tpu.memref_slice %arg9[%rem3A_219, %dma_start3A_307, %dma_start3A_308] : memref<2x128x128xf32, #tpu.memory_space<vmem>> -> memref<1x128x128xf32, #tpu.memory_space<vmem>>
        %dma_start3A_310 = tpu.memref_squeeze %dma_start3A_309 : memref<1x128x128xf32, #tpu.memory_space<vmem>> -> memref<128x128xf32, #tpu.memory_space<vmem>>
        %dma_start3A_311 = arith.constant 0 : i32
        %dma_start3A_312 = tpu.memref_slice %arg7[%rem3A_306, %dma_start3A_311] : memref<4x128xi32, #tpu.memory_space<vmem>> -> memref<1x128xi32, #tpu.memory_space<vmem>>
        %dma_start3A_313 = tpu.memref_squeeze %dma_start3A_312 : memref<1x128xi32, #tpu.memory_space<vmem>> -> memref<128xi32, #tpu.memory_space<vmem>>
        %dma_start3A_314 = arith.constant 0 : i32
        %dma_start3A_315 = arith.constant 0 : i32
        %dma_start3A_316 = tpu.memref_slice %arg4[%arg0, %dma_start3A_314, %dma_start3A_315] : memref<2x10000x128xf32, #tpu.memory_space<hbm>> -> memref<1x10000x128xf32, #tpu.memory_space<hbm>>
        %dma_start3A_317 = tpu.memref_squeeze %dma_start3A_316 : memref<1x10000x128xf32, #tpu.memory_space<hbm>> -> memref<10000x128xf32, #tpu.memory_space<hbm>>
        %dma_start3A_318 = arith.constant 0 : i32
        %dma_start3A_319 = arith.constant 0 : i32
        %dma_start3A_320 = tpu.memref_slice %dma_start3A_317[%dma_start3A_318, %dma_start3A_319] : memref<10000x128xf32, #tpu.memory_space<hbm>> -> memref<10000x128xf32, #tpu.memory_space<hbm>>
        %dma_start3A_321 = tpu.memref_slice %arg11[%rem3A_219] : memref<2x!tpu.dma_semaphore, #tpu.memory_space<semaphore_mem>> -> memref<1x!tpu.dma_semaphore, #tpu.memory_space<semaphore_mem>>
        %dma_start3A_322 = tpu.memref_squeeze %dma_start3A_321 : memref<1x!tpu.dma_semaphore, #tpu.memory_space<semaphore_mem>> -> memref<!tpu.dma_semaphore, #tpu.memory_space<semaphore_mem>>
        tpu.enqueue_indirect_dma source(%dma_start3A_320 : memref<10000x128xf32, #tpu.memory_space<hbm>>) target(%dma_start3A_310 : memref<128x128xf32, #tpu.memory_space<vmem>>) offsets(%dma_start3A_313 : memref<128xi32, #tpu.memory_space<vmem>>) semaphore(%dma_start3A_322 : memref<!tpu.dma_semaphore, #tpu.memory_space<semaphore_mem>>)
      } else {
      }
      %rem3A_226 = arith.constant 4 : i32
      %rem3A_227 = arith.remsi %while3A_212, %rem3A_226 : i32
      %dma_wait3A_228 = arith.constant 0 : i32
      %dma_wait3A_229 = arith.constant 0 : i32
      %dma_wait3A_230 = tpu.memref_slice %arg9[%rem3A_215, %dma_wait3A_228, %dma_wait3A_229] : memref<2x128x128xf32, #tpu.memory_space<vmem>> -> memref<1x128x128xf32, #tpu.memory_space<vmem>>
      %dma_wait3A_231 = tpu.memref_squeeze %dma_wait3A_230 : memref<1x128x128xf32, #tpu.memory_space<vmem>> -> memref<128x128xf32, #tpu.memory_space<vmem>>
      %dma_wait3A_232 = arith.constant 0 : i32
      %dma_wait3A_233 = tpu.memref_slice %arg7[%rem3A_227, %dma_wait3A_232] : memref<4x128xi32, #tpu.memory_space<vmem>> -> memref<1x128xi32, #tpu.memory_space<vmem>>
      %dma_wait3A_234 = tpu.memref_squeeze %dma_wait3A_233 : memref<1x128xi32, #tpu.memory_space<vmem>> -> memref<128xi32, #tpu.memory_space<vmem>>
      %dma_wait3A_235 = arith.constant 0 : i32
      %dma_wait3A_236 = arith.constant 0 : i32
      %dma_wait3A_237 = tpu.memref_slice %arg4[%arg0, %dma_wait3A_235, %dma_wait3A_236] : memref<2x10000x128xf32, #tpu.memory_space<hbm>> -> memref<1x10000x128xf32, #tpu.memory_space<hbm>>
      %dma_wait3A_238 = tpu.memref_squeeze %dma_wait3A_237 : memref<1x10000x128xf32, #tpu.memory_space<hbm>> -> memref<10000x128xf32, #tpu.memory_space<hbm>>
      %dma_wait3A_239 = arith.constant 0 : i32
      %dma_wait3A_240 = arith.constant 0 : i32
      %dma_wait3A_241 = tpu.memref_slice %dma_wait3A_238[%dma_wait3A_239, %dma_wait3A_240] : memref<10000x128xf32, #tpu.memory_space<hbm>> -> memref<10000x128xf32, #tpu.memory_space<hbm>>
      %dma_wait3A_242 = tpu.memref_slice %arg11[%rem3A_215] : memref<2x!tpu.dma_semaphore, #tpu.memory_space<semaphore_mem>> -> memref<1x!tpu.dma_semaphore, #tpu.memory_space<semaphore_mem>>
      %dma_wait3A_243 = tpu.memref_squeeze %dma_wait3A_242 : memref<1x!tpu.dma_semaphore, #tpu.memory_space<semaphore_mem>> -> memref<!tpu.dma_semaphore, #tpu.memory_space<semaphore_mem>>
      tpu.wait_indirect_dma semaphore(%dma_wait3A_243 : memref<!tpu.dma_semaphore, #tpu.memory_space<semaphore_mem>>) src(%dma_wait3A_241 : memref<10000x128xf32, #tpu.memory_space<hbm>>) dst(%dma_wait3A_231 : memref<128x128xf32, #tpu.memory_space<vmem>>)
      %rem3A_244 = arith.constant 4 : i32
      %rem3A_245 = arith.remsi %while3A_212, %rem3A_244 : i32
      %dma_start3A_246 = arith.constant 0 : i32
      %dma_start3A_247 = arith.constant 0 : i32
      %dma_start3A_248 = tpu.memref_slice %arg9[%rem3A_215, %dma_start3A_246, %dma_start3A_247] : memref<2x128x128xf32, #tpu.memory_space<vmem>> -> memref<1x128x128xf32, #tpu.memory_space<vmem>>
      %dma_start3A_249 = tpu.memref_squeeze %dma_start3A_248 : memref<1x128x128xf32, #tpu.memory_space<vmem>> -> memref<128x128xf32, #tpu.memory_space<vmem>>
      %dma_start3A_250 = arith.constant 0 : i32
      %dma_start3A_251 = tpu.memref_slice %arg8[%rem3A_245, %dma_start3A_250] : memref<4x128xi32, #tpu.memory_space<vmem>> -> memref<1x128xi32, #tpu.memory_space<vmem>>
      %dma_start3A_252 = tpu.memref_squeeze %dma_start3A_251 : memref<1x128xi32, #tpu.memory_space<vmem>> -> memref<128xi32, #tpu.memory_space<vmem>>
      %dma_start3A_253 = arith.constant 0 : i32
      %dma_start3A_254 = arith.constant 0 : i32
      %dma_start3A_255 = tpu.memref_slice %arg6[%dma_start3A_253, %dma_start3A_254] : memref<10000x128xf32, #tpu.memory_space<vmem_shared>> -> memref<10000x128xf32, #tpu.memory_space<vmem_shared>>
      %dma_start3A_256 = tpu.memref_slice %arg12[%rem3A_215] : memref<2x!tpu.dma_semaphore, #tpu.memory_space<semaphore_mem>> -> memref<1x!tpu.dma_semaphore, #tpu.memory_space<semaphore_mem>>
      %dma_start3A_257 = tpu.memref_squeeze %dma_start3A_256 : memref<1x!tpu.dma_semaphore, #tpu.memory_space<semaphore_mem>> -> memref<!tpu.dma_semaphore, #tpu.memory_space<semaphore_mem>>
      tpu.enqueue_indirect_dma source(%dma_start3A_249 : memref<128x128xf32, #tpu.memory_space<vmem>>) target(%dma_start3A_255 : memref<10000x128xf32, #tpu.memory_space<vmem_shared>>) offsets(%dma_start3A_252 : memref<128xi32, #tpu.memory_space<vmem>>) semaphore(%dma_start3A_257 : memref<!tpu.dma_semaphore, #tpu.memory_space<semaphore_mem>>) {add = true}
      %add3A_258 = arith.constant 2 : i32
      %add3A_259 = arith.addi %while3A_212, %add3A_258 : i32
      %lt3A_260 = arith.cmpi slt, %add3A_259, %add3A_2 : i32
      %convert_element_type3A_261 = arith.extui %lt3A_260 : i1 to i32
      %cond3A_262 = arith.constant 0 : i32
      %cond3A_263 = arith.cmpi ne, %convert_element_type3A_261, %cond3A_262 : i32
      scf.if %cond3A_263 {
        %add3A_265 = arith.constant 2 : i32
        %add3A_266 = arith.addi %while3A_212, %add3A_265 : i32
        %rem3A_267 = arith.constant 4 : i32
        %rem3A_268 = arith.remsi %add3A_266, %rem3A_267 : i32
        %add3A_269 = arith.addi %add3A_5, %add3A_266 : i32
        %dma_start3A_270 = arith.constant 0 : i32
        %dma_start3A_271 = tpu.memref_slice %arg7[%rem3A_268, %dma_start3A_270] : memref<4x128xi32, #tpu.memory_space<vmem>> -> memref<1x128xi32, #tpu.memory_space<vmem>>
        %dma_start3A_272 = tpu.memref_squeeze %dma_start3A_271 : memref<1x128xi32, #tpu.memory_space<vmem>> -> memref<128xi32, #tpu.memory_space<vmem>>
        %dma_start3A_273 = arith.constant 0 : i32
        %dma_start3A_274 = tpu.memref_slice %arg2[%add3A_269, %dma_start3A_273] : memref<1250x128xi32, #tpu.memory_space<hbm>> -> memref<1x128xi32, #tpu.memory_space<hbm>>
        %dma_start3A_275 = tpu.memref_squeeze %dma_start3A_274 : memref<1x128xi32, #tpu.memory_space<hbm>> -> memref<128xi32, #tpu.memory_space<hbm>>
        %dma_start3A_276 = tpu.memref_slice %arg10[%rem3A_268] : memref<4x!tpu.dma_semaphore, #tpu.memory_space<semaphore_mem>> -> memref<1x!tpu.dma_semaphore, #tpu.memory_space<semaphore_mem>>
        %dma_start3A_277 = tpu.memref_squeeze %dma_start3A_276 : memref<1x!tpu.dma_semaphore, #tpu.memory_space<semaphore_mem>> -> memref<!tpu.dma_semaphore, #tpu.memory_space<semaphore_mem>>
        %dma_start3A_278 = arith.constant 0 : i32
        %dma_start3A_279 = tpu.memref_slice %arg7[%rem3A_268, %dma_start3A_278] : memref<4x128xi32, #tpu.memory_space<vmem>> -> memref<1x128xi32, #tpu.memory_space<vmem>>
        %dma_start3A_280 = tpu.memref_squeeze %dma_start3A_279 : memref<1x128xi32, #tpu.memory_space<vmem>> -> memref<128xi32, #tpu.memory_space<vmem>>
        %dma_start3A_281 = arith.constant 0 : i32
        %dma_start3A_282 = tpu.memref_slice %arg2[%add3A_269, %dma_start3A_281] : memref<1250x128xi32, #tpu.memory_space<hbm>> -> memref<1x128xi32, #tpu.memory_space<hbm>>
        %dma_start3A_283 = tpu.memref_squeeze %dma_start3A_282 : memref<1x128xi32, #tpu.memory_space<hbm>> -> memref<128xi32, #tpu.memory_space<hbm>>
        tpu.enqueue_dma source(%dma_start3A_283 : memref<128xi32, #tpu.memory_space<hbm>>) target(%dma_start3A_280 : memref<128xi32, #tpu.memory_space<vmem>>) target_semaphore(%dma_start3A_277 : memref<!tpu.dma_semaphore, #tpu.memory_space<semaphore_mem>>)
        %add3A_284 = arith.addi %add3A_5, %add3A_266 : i32
        %dma_start3A_285 = arith.constant 0 : i32
        %dma_start3A_286 = tpu.memref_slice %arg8[%rem3A_268, %dma_start3A_285] : memref<4x128xi32, #tpu.memory_space<vmem>> -> memref<1x128xi32, #tpu.memory_space<vmem>>
        %dma_start3A_287 = tpu.memref_squeeze %dma_start3A_286 : memref<1x128xi32, #tpu.memory_space<vmem>> -> memref<128xi32, #tpu.memory_space<vmem>>
        %dma_start3A_288 = arith.constant 0 : i32
        %dma_start3A_289 = tpu.memref_slice %arg3[%add3A_284, %dma_start3A_288] : memref<1250x128xi32, #tpu.memory_space<hbm>> -> memref<1x128xi32, #tpu.memory_space<hbm>>
        %dma_start3A_290 = tpu.memref_squeeze %dma_start3A_289 : memref<1x128xi32, #tpu.memory_space<hbm>> -> memref<128xi32, #tpu.memory_space<hbm>>
        %dma_start3A_291 = tpu.memref_slice %arg10[%rem3A_268] : memref<4x!tpu.dma_semaphore, #tpu.memory_space<semaphore_mem>> -> memref<1x!tpu.dma_semaphore, #tpu.memory_space<semaphore_mem>>
        %dma_start3A_292 = tpu.memref_squeeze %dma_start3A_291 : memref<1x!tpu.dma_semaphore, #tpu.memory_space<semaphore_mem>> -> memref<!tpu.dma_semaphore, #tpu.memory_space<semaphore_mem>>
        %dma_start3A_293 = arith.constant 0 : i32
        %dma_start3A_294 = tpu.memref_slice %arg8[%rem3A_268, %dma_start3A_293] : memref<4x128xi32, #tpu.memory_space<vmem>> -> memref<1x128xi32, #tpu.memory_space<vmem>>
        %dma_start3A_295 = tpu.memref_squeeze %dma_start3A_294 : memref<1x128xi32, #tpu.memory_space<vmem>> -> memref<128xi32, #tpu.memory_space<vmem>>
        %dma_start3A_296 = arith.constant 0 : i32
        %dma_start3A_297 = tpu.memref_slice %arg3[%add3A_284, %dma_start3A_296] : memref<1250x128xi32, #tpu.memory_space<hbm>> -> memref<1x128xi32, #tpu.memory_space<hbm>>
        %dma_start3A_298 = tpu.memref_squeeze %dma_start3A_297 : memref<1x128xi32, #tpu.memory_space<hbm>> -> memref<128xi32, #tpu.memory_space<hbm>>
        tpu.enqueue_dma source(%dma_start3A_298 : memref<128xi32, #tpu.memory_space<hbm>>) target(%dma_start3A_295 : memref<128xi32, #tpu.memory_space<vmem>>) target_semaphore(%dma_start3A_292 : memref<!tpu.dma_semaphore, #tpu.memory_space<semaphore_mem>>)
      } else {
      }
      %while3A_264 = arith.constant 0 : i32
      scf.yield %while3A_264 : i32
    }
    %sub3A = arith.constant 2 : i32
    %sub3A_163 = arith.subi %add3A_2, %sub3A : i32
    %sub3A_164 = arith.constant 2 : i32
    %sub3A_165 = arith.subi %add3A_2, %sub3A_164 : i32
    %rem3A_166 = arith.constant 2 : i32
    %rem3A_167 = arith.remsi %sub3A_165, %rem3A_166 : i32
    %rem3A_168 = arith.constant 4 : i32
    %rem3A_169 = arith.remsi %sub3A_163, %rem3A_168 : i32
    %dma_wait3A_170 = arith.constant 0 : i32
    %dma_wait3A_171 = arith.constant 0 : i32
    %dma_wait3A_172 = tpu.memref_slice %arg9[%rem3A_167, %dma_wait3A_170, %dma_wait3A_171] : memref<2x128x128xf32, #tpu.memory_space<vmem>> -> memref<1x128x128xf32, #tpu.memory_space<vmem>>
    %dma_wait3A_173 = tpu.memref_squeeze %dma_wait3A_172 : memref<1x128x128xf32, #tpu.memory_space<vmem>> -> memref<128x128xf32, #tpu.memory_space<vmem>>
    %dma_wait3A_174 = arith.constant 0 : i32
    %dma_wait3A_175 = tpu.memref_slice %arg8[%rem3A_169, %dma_wait3A_174] : memref<4x128xi32, #tpu.memory_space<vmem>> -> memref<1x128xi32, #tpu.memory_space<vmem>>
    %dma_wait3A_176 = tpu.memref_squeeze %dma_wait3A_175 : memref<1x128xi32, #tpu.memory_space<vmem>> -> memref<128xi32, #tpu.memory_space<vmem>>
    %dma_wait3A_177 = arith.constant 0 : i32
    %dma_wait3A_178 = arith.constant 0 : i32
    %dma_wait3A_179 = tpu.memref_slice %arg6[%dma_wait3A_177, %dma_wait3A_178] : memref<10000x128xf32, #tpu.memory_space<vmem_shared>> -> memref<10000x128xf32, #tpu.memory_space<vmem_shared>>
    %dma_wait3A_180 = tpu.memref_slice %arg12[%rem3A_167] : memref<2x!tpu.dma_semaphore, #tpu.memory_space<semaphore_mem>> -> memref<1x!tpu.dma_semaphore, #tpu.memory_space<semaphore_mem>>
    %dma_wait3A_181 = tpu.memref_squeeze %dma_wait3A_180 : memref<1x!tpu.dma_semaphore, #tpu.memory_space<semaphore_mem>> -> memref<!tpu.dma_semaphore, #tpu.memory_space<semaphore_mem>>
    tpu.wait_indirect_dma semaphore(%dma_wait3A_181 : memref<!tpu.dma_semaphore, #tpu.memory_space<semaphore_mem>>) src(%dma_wait3A_173 : memref<128x128xf32, #tpu.memory_space<vmem>>) dst(%dma_wait3A_179 : memref<10000x128xf32, #tpu.memory_space<vmem_shared>>)
    %sub3A_182 = arith.constant 1 : i32
    %sub3A_183 = arith.subi %add3A_2, %sub3A_182 : i32
    %sub3A_184 = arith.constant 1 : i32
    %sub3A_185 = arith.subi %add3A_2, %sub3A_184 : i32
    %rem3A_186 = arith.constant 2 : i32
    %rem3A_187 = arith.remsi %sub3A_185, %rem3A_186 : i32
    %rem3A_188 = arith.constant 4 : i32
    %rem3A_189 = arith.remsi %sub3A_183, %rem3A_188 : i32
    %dma_wait3A_190 = arith.constant 0 : i32
    %dma_wait3A_191 = arith.constant 0 : i32
    %dma_wait3A_192 = tpu.memref_slice %arg9[%rem3A_187, %dma_wait3A_190, %dma_wait3A_191] : memref<2x128x128xf32, #tpu.memory_space<vmem>> -> memref<1x128x128xf32, #tpu.memory_space<vmem>>
    %dma_wait3A_193 = tpu.memref_squeeze %dma_wait3A_192 : memref<1x128x128xf32, #tpu.memory_space<vmem>> -> memref<128x128xf32, #tpu.memory_space<vmem>>
    %dma_wait3A_194 = arith.constant 0 : i32
    %dma_wait3A_195 = tpu.memref_slice %arg8[%rem3A_189, %dma_wait3A_194] : memref<4x128xi32, #tpu.memory_space<vmem>> -> memref<1x128xi32, #tpu.memory_space<vmem>>
    %dma_wait3A_196 = tpu.memref_squeeze %dma_wait3A_195 : memref<1x128xi32, #tpu.memory_space<vmem>> -> memref<128xi32, #tpu.memory_space<vmem>>
    %dma_wait3A_197 = arith.constant 0 : i32
    %dma_wait3A_198 = arith.constant 0 : i32
    %dma_wait3A_199 = tpu.memref_slice %arg6[%dma_wait3A_197, %dma_wait3A_198] : memref<10000x128xf32, #tpu.memory_space<vmem_shared>> -> memref<10000x128xf32, #tpu.memory_space<vmem_shared>>
    %dma_wait3A_200 = tpu.memref_slice %arg12[%rem3A_187] : memref<2x!tpu.dma_semaphore, #tpu.memory_space<semaphore_mem>> -> memref<1x!tpu.dma_semaphore, #tpu.memory_space<semaphore_mem>>
    %dma_wait3A_201 = tpu.memref_squeeze %dma_wait3A_200 : memref<1x!tpu.dma_semaphore, #tpu.memory_space<semaphore_mem>> -> memref<!tpu.dma_semaphore, #tpu.memory_space<semaphore_mem>>
    tpu.wait_indirect_dma semaphore(%dma_wait3A_201 : memref<!tpu.dma_semaphore, #tpu.memory_space<semaphore_mem>>) src(%dma_wait3A_193 : memref<128x128xf32, #tpu.memory_space<vmem>>) dst(%dma_wait3A_199 : memref<10000x128xf32, #tpu.memory_space<vmem_shared>>)
    %barrier3A_202 = arith.constant 0 : index
    tpu.barrier barrier_id(%barrier3A_202)
    %mul3A_203 = arith.constant 624 : i32
    %mul3A_204 = arith.muli %arg1, %mul3A_203 : i32
    %lt3A_205 = arith.constant 15 : i32
    %lt3A_206 = arith.cmpi slt, %arg1, %lt3A_205 : i32
    %convert_element_type3A = arith.extui %lt3A_206 : i1 to i32
    %cond3A = arith.constant 0 : i32
    %cond3A_207 = arith.cmpi ne, %convert_element_type3A, %cond3A : i32
    scf.if %cond3A_207 {
      "tpu.region"() ({
        %run_scoped3A_212 = tpu.sem_alloc : memref<!tpu.dma_semaphore, #tpu.memory_space<semaphore_mem>>
        %dma_start3A_213 = arith.constant 0 : i32
        %dma_start3A_214 = arith.constant 0 : i32
        %dma_start3A_215 = tpu.memref_slice %arg5[%arg0, %dma_start3A_213, %dma_start3A_214] : memref<2x10000x128xf32, #tpu.memory_space<hbm>> -> memref<1x10000x128xf32, #tpu.memory_space<hbm>>
        %dma_start3A_216 = tpu.memref_squeeze %dma_start3A_215 : memref<1x10000x128xf32, #tpu.memory_space<hbm>> -> memref<10000x128xf32, #tpu.memory_space<hbm>>
        %dma_start3A_217 = arith.constant 0 : i32
        %dma_start3A_218 = tpu.memref_slice %dma_start3A_216[%mul3A_204, %dma_start3A_217] : memref<10000x128xf32, #tpu.memory_space<hbm>> -> memref<624x128xf32, #tpu.memory_space<hbm>>
        %dma_start3A_219 = arith.constant 0 : i32
        %dma_start3A_220 = tpu.memref_slice %arg6[%mul3A_204, %dma_start3A_219] : memref<10000x128xf32, #tpu.memory_space<vmem_shared>> -> memref<624x128xf32, #tpu.memory_space<vmem_shared>>
        tpu.enqueue_dma source(%dma_start3A_220 : memref<624x128xf32, #tpu.memory_space<vmem_shared>>) target(%dma_start3A_218 : memref<624x128xf32, #tpu.memory_space<hbm>>) target_semaphore(%run_scoped3A_212 : memref<!tpu.dma_semaphore, #tpu.memory_space<semaphore_mem>>)
        %dma_wait3A_221 = arith.constant 0 : i32
        %dma_wait3A_222 = arith.constant 0 : i32
        %dma_wait3A_223 = tpu.memref_slice %arg5[%arg0, %dma_wait3A_221, %dma_wait3A_222] : memref<2x10000x128xf32, #tpu.memory_space<hbm>> -> memref<1x10000x128xf32, #tpu.memory_space<hbm>>
        %dma_wait3A_224 = tpu.memref_squeeze %dma_wait3A_223 : memref<1x10000x128xf32, #tpu.memory_space<hbm>> -> memref<10000x128xf32, #tpu.memory_space<hbm>>
        %dma_wait3A_225 = arith.constant 0 : i32
        %dma_wait3A_226 = tpu.memref_slice %dma_wait3A_224[%mul3A_204, %dma_wait3A_225] : memref<10000x128xf32, #tpu.memory_space<hbm>> -> memref<624x128xf32, #tpu.memory_space<hbm>>
        %dma_wait3A_227 = arith.constant 0 : i32
        %dma_wait3A_228 = tpu.memref_slice %arg6[%mul3A_204, %dma_wait3A_227] : memref<10000x128xf32, #tpu.memory_space<vmem_shared>> -> memref<624x128xf32, #tpu.memory_space<vmem_shared>>
        tpu.wait_dma2 semaphore(%run_scoped3A_212 : memref<!tpu.dma_semaphore, #tpu.memory_space<semaphore_mem>>) src(%dma_wait3A_228 : memref<624x128xf32, #tpu.memory_space<vmem_shared>>) dst(%dma_wait3A_226 : memref<624x128xf32, #tpu.memory_space<hbm>>)
        tpu.yield
      }) : () -> ()
    } else {
    }
    %eq3A = arith.constant 15 : i32
    %eq3A_208 = arith.cmpi eq, %arg1, %eq3A : i32
    %convert_element_type3A_209 = arith.extui %eq3A_208 : i1 to i32
    %cond3A_210 = arith.constant 0 : i32
    %cond3A_211 = arith.cmpi ne, %convert_element_type3A_209, %cond3A_210 : i32
    scf.if %cond3A_211 {
      "tpu.region"() ({
        %run_scoped3A_212 = tpu.sem_alloc : memref<!tpu.dma_semaphore, #tpu.memory_space<semaphore_mem>>
        %dma_start3A_213 = arith.constant 0 : i32
        %dma_start3A_214 = arith.constant 0 : i32
        %dma_start3A_215 = tpu.memref_slice %arg5[%arg0, %dma_start3A_213, %dma_start3A_214] : memref<2x10000x128xf32, #tpu.memory_space<hbm>> -> memref<1x10000x128xf32, #tpu.memory_space<hbm>>
        %dma_start3A_216 = tpu.memref_squeeze %dma_start3A_215 : memref<1x10000x128xf32, #tpu.memory_space<hbm>> -> memref<10000x128xf32, #tpu.memory_space<hbm>>
        %dma_start3A_217 = arith.constant 9360 : i32
        %dma_start3A_218 = arith.constant 0 : i32
        %dma_start3A_219 = tpu.memref_slice %dma_start3A_216[%dma_start3A_217, %dma_start3A_218] : memref<10000x128xf32, #tpu.memory_space<hbm>> -> memref<640x128xf32, #tpu.memory_space<hbm>>
        %dma_start3A_220 = arith.constant 9360 : i32
        %dma_start3A_221 = arith.constant 0 : i32
        %dma_start3A_222 = tpu.memref_slice %arg6[%dma_start3A_220, %dma_start3A_221] : memref<10000x128xf32, #tpu.memory_space<vmem_shared>> -> memref<640x128xf32, #tpu.memory_space<vmem_shared>>
        tpu.enqueue_dma source(%dma_start3A_222 : memref<640x128xf32, #tpu.memory_space<vmem_shared>>) target(%dma_start3A_219 : memref<640x128xf32, #tpu.memory_space<hbm>>) target_semaphore(%run_scoped3A_212 : memref<!tpu.dma_semaphore, #tpu.memory_space<semaphore_mem>>)
        %dma_wait3A_223 = arith.constant 0 : i32
        %dma_wait3A_224 = arith.constant 0 : i32
        %dma_wait3A_225 = tpu.memref_slice %arg5[%arg0, %dma_wait3A_223, %dma_wait3A_224] : memref<2x10000x128xf32, #tpu.memory_space<hbm>> -> memref<1x10000x128xf32, #tpu.memory_space<hbm>>
        %dma_wait3A_226 = tpu.memref_squeeze %dma_wait3A_225 : memref<1x10000x128xf32, #tpu.memory_space<hbm>> -> memref<10000x128xf32, #tpu.memory_space<hbm>>
        %dma_wait3A_227 = arith.constant 9360 : i32
        %dma_wait3A_228 = arith.constant 0 : i32
        %dma_wait3A_229 = tpu.memref_slice %dma_wait3A_226[%dma_wait3A_227, %dma_wait3A_228] : memref<10000x128xf32, #tpu.memory_space<hbm>> -> memref<640x128xf32, #tpu.memory_space<hbm>>
        %dma_wait3A_230 = arith.constant 9360 : i32
        %dma_wait3A_231 = arith.constant 0 : i32
        %dma_wait3A_232 = tpu.memref_slice %arg6[%dma_wait3A_230, %dma_wait3A_231] : memref<10000x128xf32, #tpu.memory_space<vmem_shared>> -> memref<640x128xf32, #tpu.memory_space<vmem_shared>>
        tpu.wait_dma2 semaphore(%run_scoped3A_212 : memref<!tpu.dma_semaphore, #tpu.memory_space<semaphore_mem>>) src(%dma_wait3A_232 : memref<640x128xf32, #tpu.memory_space<vmem_shared>>) dst(%dma_wait3A_229 : memref<640x128xf32, #tpu.memory_space<hbm>>)
        tpu.yield
      }) : () -> ()
    } else {
    }
    return
  }
}

#map = affine_map<(d0, d1) -> (0)>
#map1 = affine_map<(d0, d1) -> (0, 0)>
module attributes {stable_mosaic.version = 14 : i64} {
  func.func @_sc_deg_body(%arg0: i32, %arg1: i32, %arg2: memref<160000xi32, #tpu.memory_space<hbm>>, %arg3: memref<2x10000xf32, #tpu.memory_space<hbm>>, %arg4: memref<10000xf32, #tpu.memory_space<vmem_shared>>, %arg5: memref<128xf32, #tpu.memory_space<vmem>>, %arg6: memref<128xi32, #tpu.memory_space<vmem>>, %arg7: memref<128xf32, #tpu.memory_space<vmem>>) attributes {dimension_semantics = [#tpu.dimension_semantics<core_parallel>, #tpu.dimension_semantics<subcore_parallel>], iteration_bounds = array<i64: 2, 16>, scalar_prefetch = 0 : i64, scratch_operands = 4 : i64, tpu.core_type = #tpu.core_type<sc_vector_subcore>, window_params = [{transform_indices = #map}, {transform_indices = #map1}]} {
    %mul3A = arith.constant 16 : i32
    %mul3A_0 = arith.muli %arg0, %mul3A : i32
    %add3A = arith.addi %mul3A_0, %arg1 : i32
    %broadcast_in_dim3A = arith.constant 0.000000e+00 : f32
    %broadcast_in_dim3A_1 = vector.broadcast %broadcast_in_dim3A : f32 to vector<16xf32>
    %scan3A = arith.constant 0 : i32
    %scan3A_2 = arith.constant 0 : i32
    %scan3A_3 = arith.constant 8 : i32
    %scan3A_4 = arith.addi %scan3A_2, %scan3A_3 : i32
    %scan3A_5 = arith.constant 1 : i32
    %scan3A_6 = scf.for %scan3A_46 = %scan3A_2 to %scan3A_4 step %scan3A_5 iter_args(%scan3A_47 = %scan3A) -> (i32)  : i32 {
      %mul3A_48 = arith.constant 16 : i32
      %mul3A_49 = arith.muli %scan3A_46, %mul3A_48 : i32
      %swap3A = arith.index_cast %mul3A_49 : i32 to index
      %swap3A_50 = tpu.vector_load %arg7[%swap3A] {strides = array<i32>} : memref<128xf32, #tpu.memory_space<vmem>>, vector<16xf32>,
      %swap3A_51 = vector.shape_cast %swap3A_50 : vector<16xf32> to vector<16xf32>
      %swap3A_52 = vector.shape_cast %broadcast_in_dim3A_1 : vector<16xf32> to vector<16xf32>
      tpu.vector_store %arg7[%swap3A], %swap3A_52 {strides = array<i32>} : memref<128xf32, #tpu.memory_space<vmem>>, vector<16xf32>,
      %scan3A_53 = arith.constant 0 : i32
      scf.yield %scan3A_53 : i32
    }
    %scan3A_7 = arith.constant 8 : i32
    %broadcast_in_dim3A_8 = arith.constant 1.000000e+00 : f32
    %broadcast_in_dim3A_9 = vector.broadcast %broadcast_in_dim3A_8 : f32 to vector<16xf32>
    %scan3A_10 = arith.constant 0 : i32
    %scan3A_11 = arith.constant 0 : i32
    %scan3A_12 = arith.constant 8 : i32
    %scan3A_13 = arith.addi %scan3A_11, %scan3A_12 : i32
    %scan3A_14 = arith.constant 1 : i32
    %scan3A_15 = scf.for %scan3A_46 = %scan3A_11 to %scan3A_13 step %scan3A_14 iter_args(%scan3A_47 = %scan3A_10) -> (i32)  : i32 {
      %mul3A_48 = arith.constant 16 : i32
      %mul3A_49 = arith.muli %scan3A_46, %mul3A_48 : i32
      %swap3A = arith.index_cast %mul3A_49 : i32 to index
      %swap3A_50 = tpu.vector_load %arg5[%swap3A] {strides = array<i32>} : memref<128xf32, #tpu.memory_space<vmem>>, vector<16xf32>,
      %swap3A_51 = vector.shape_cast %swap3A_50 : vector<16xf32> to vector<16xf32>
      %swap3A_52 = vector.shape_cast %broadcast_in_dim3A_9 : vector<16xf32> to vector<16xf32>
      tpu.vector_store %arg5[%swap3A], %swap3A_52 {strides = array<i32>} : memref<128xf32, #tpu.memory_space<vmem>>, vector<16xf32>,
      %scan3A_53 = arith.constant 0 : i32
      scf.yield %scan3A_53 : i32
    }
    %scan3A_16 = arith.constant 8 : i32
    %mul3A_17 = arith.constant 624 : i32
    %mul3A_18 = arith.muli %arg1, %mul3A_17 : i32
    %add3A_19 = arith.constant 0 : i32
    %add3A_20 = arith.addi %mul3A_18, %add3A_19 : i32
    "tpu.region"() ({
      %run_scoped3A = tpu.sem_alloc : memref<!tpu.dma_semaphore, #tpu.memory_space<semaphore_mem>>
      %dma_start3A = tpu.memref_slice %arg4[%add3A_20] : memref<10000xf32, #tpu.memory_space<vmem_shared>> -> memref<128xf32, #tpu.memory_space<vmem_shared>>
      %dma_start3A_46 = tpu.memref_slice %arg4[%add3A_20] : memref<10000xf32, #tpu.memory_space<vmem_shared>> -> memref<128xf32, #tpu.memory_space<vmem_shared>>
      tpu.enqueue_dma source(%arg7 : memref<128xf32, #tpu.memory_space<vmem>>) target(%dma_start3A_46 : memref<128xf32, #tpu.memory_space<vmem_shared>>) target_semaphore(%run_scoped3A : memref<!tpu.dma_semaphore, #tpu.memory_space<semaphore_mem>>)
      %dma_wait3A = tpu.memref_slice %arg4[%add3A_20] : memref<10000xf32, #tpu.memory_space<vmem_shared>> -> memref<128xf32, #tpu.memory_space<vmem_shared>>
      %dma_wait3A_47 = tpu.memref_slice %arg4[%add3A_20] : memref<10000xf32, #tpu.memory_space<vmem_shared>> -> memref<128xf32, #tpu.memory_space<vmem_shared>>
      tpu.wait_dma2 semaphore(%run_scoped3A : memref<!tpu.dma_semaphore, #tpu.memory_space<semaphore_mem>>) src(%arg7 : memref<128xf32, #tpu.memory_space<vmem>>) dst(%dma_wait3A_47 : memref<128xf32, #tpu.memory_space<vmem_shared>>)
      tpu.yield
    }) : () -> ()
    %add3A_21 = arith.constant 128 : i32
    %add3A_22 = arith.addi %mul3A_18, %add3A_21 : i32
    "tpu.region"() ({
      %run_scoped3A = tpu.sem_alloc : memref<!tpu.dma_semaphore, #tpu.memory_space<semaphore_mem>>
      %dma_start3A = tpu.memref_slice %arg4[%add3A_22] : memref<10000xf32, #tpu.memory_space<vmem_shared>> -> memref<128xf32, #tpu.memory_space<vmem_shared>>
      %dma_start3A_46 = tpu.memref_slice %arg4[%add3A_22] : memref<10000xf32, #tpu.memory_space<vmem_shared>> -> memref<128xf32, #tpu.memory_space<vmem_shared>>
      tpu.enqueue_dma source(%arg7 : memref<128xf32, #tpu.memory_space<vmem>>) target(%dma_start3A_46 : memref<128xf32, #tpu.memory_space<vmem_shared>>) target_semaphore(%run_scoped3A : memref<!tpu.dma_semaphore, #tpu.memory_space<semaphore_mem>>)
      %dma_wait3A = tpu.memref_slice %arg4[%add3A_22] : memref<10000xf32, #tpu.memory_space<vmem_shared>> -> memref<128xf32, #tpu.memory_space<vmem_shared>>
      %dma_wait3A_47 = tpu.memref_slice %arg4[%add3A_22] : memref<10000xf32, #tpu.memory_space<vmem_shared>> -> memref<128xf32, #tpu.memory_space<vmem_shared>>
      tpu.wait_dma2 semaphore(%run_scoped3A : memref<!tpu.dma_semaphore, #tpu.memory_space<semaphore_mem>>) src(%arg7 : memref<128xf32, #tpu.memory_space<vmem>>) dst(%dma_wait3A_47 : memref<128xf32, #tpu.memory_space<vmem_shared>>)
      tpu.yield
    }) : () -> ()
    %add3A_23 = arith.constant 256 : i32
    %add3A_24 = arith.addi %mul3A_18, %add3A_23 : i32
    "tpu.region"() ({
      %run_scoped3A = tpu.sem_alloc : memref<!tpu.dma_semaphore, #tpu.memory_space<semaphore_mem>>
      %dma_start3A = tpu.memref_slice %arg4[%add3A_24] : memref<10000xf32, #tpu.memory_space<vmem_shared>> -> memref<128xf32, #tpu.memory_space<vmem_shared>>
      %dma_start3A_46 = tpu.memref_slice %arg4[%add3A_24] : memref<10000xf32, #tpu.memory_space<vmem_shared>> -> memref<128xf32, #tpu.memory_space<vmem_shared>>
      tpu.enqueue_dma source(%arg7 : memref<128xf32, #tpu.memory_space<vmem>>) target(%dma_start3A_46 : memref<128xf32, #tpu.memory_space<vmem_shared>>) target_semaphore(%run_scoped3A : memref<!tpu.dma_semaphore, #tpu.memory_space<semaphore_mem>>)
      %dma_wait3A = tpu.memref_slice %arg4[%add3A_24] : memref<10000xf32, #tpu.memory_space<vmem_shared>> -> memref<128xf32, #tpu.memory_space<vmem_shared>>
      %dma_wait3A_47 = tpu.memref_slice %arg4[%add3A_24] : memref<10000xf32, #tpu.memory_space<vmem_shared>> -> memref<128xf32, #tpu.memory_space<vmem_shared>>
      tpu.wait_dma2 semaphore(%run_scoped3A : memref<!tpu.dma_semaphore, #tpu.memory_space<semaphore_mem>>) src(%arg7 : memref<128xf32, #tpu.memory_space<vmem>>) dst(%dma_wait3A_47 : memref<128xf32, #tpu.memory_space<vmem_shared>>)
      tpu.yield
    }) : () -> ()
    %add3A_25 = arith.constant 384 : i32
    %add3A_26 = arith.addi %mul3A_18, %add3A_25 : i32
    "tpu.region"() ({
      %run_scoped3A = tpu.sem_alloc : memref<!tpu.dma_semaphore, #tpu.memory_space<semaphore_mem>>
      %dma_start3A = tpu.memref_slice %arg4[%add3A_26] : memref<10000xf32, #tpu.memory_space<vmem_shared>> -> memref<128xf32, #tpu.memory_space<vmem_shared>>
      %dma_start3A_46 = tpu.memref_slice %arg4[%add3A_26] : memref<10000xf32, #tpu.memory_space<vmem_shared>> -> memref<128xf32, #tpu.memory_space<vmem_shared>>
      tpu.enqueue_dma source(%arg7 : memref<128xf32, #tpu.memory_space<vmem>>) target(%dma_start3A_46 : memref<128xf32, #tpu.memory_space<vmem_shared>>) target_semaphore(%run_scoped3A : memref<!tpu.dma_semaphore, #tpu.memory_space<semaphore_mem>>)
      %dma_wait3A = tpu.memref_slice %arg4[%add3A_26] : memref<10000xf32, #tpu.memory_space<vmem_shared>> -> memref<128xf32, #tpu.memory_space<vmem_shared>>
      %dma_wait3A_47 = tpu.memref_slice %arg4[%add3A_26] : memref<10000xf32, #tpu.memory_space<vmem_shared>> -> memref<128xf32, #tpu.memory_space<vmem_shared>>
      tpu.wait_dma2 semaphore(%run_scoped3A : memref<!tpu.dma_semaphore, #tpu.memory_space<semaphore_mem>>) src(%arg7 : memref<128xf32, #tpu.memory_space<vmem>>) dst(%dma_wait3A_47 : memref<128xf32, #tpu.memory_space<vmem_shared>>)
      tpu.yield
    }) : () -> ()
    %add3A_27 = arith.constant 512 : i32
    %add3A_28 = arith.addi %mul3A_18, %add3A_27 : i32
    "tpu.region"() ({
      %run_scoped3A = tpu.sem_alloc : memref<!tpu.dma_semaphore, #tpu.memory_space<semaphore_mem>>
      %dma_start3A = tpu.memref_slice %arg4[%add3A_28] : memref<10000xf32, #tpu.memory_space<vmem_shared>> -> memref<128xf32, #tpu.memory_space<vmem_shared>>
      %dma_start3A_46 = tpu.memref_slice %arg4[%add3A_28] : memref<10000xf32, #tpu.memory_space<vmem_shared>> -> memref<128xf32, #tpu.memory_space<vmem_shared>>
      tpu.enqueue_dma source(%arg7 : memref<128xf32, #tpu.memory_space<vmem>>) target(%dma_start3A_46 : memref<128xf32, #tpu.memory_space<vmem_shared>>) target_semaphore(%run_scoped3A : memref<!tpu.dma_semaphore, #tpu.memory_space<semaphore_mem>>)
      %dma_wait3A = tpu.memref_slice %arg4[%add3A_28] : memref<10000xf32, #tpu.memory_space<vmem_shared>> -> memref<128xf32, #tpu.memory_space<vmem_shared>>
      %dma_wait3A_47 = tpu.memref_slice %arg4[%add3A_28] : memref<10000xf32, #tpu.memory_space<vmem_shared>> -> memref<128xf32, #tpu.memory_space<vmem_shared>>
      tpu.wait_dma2 semaphore(%run_scoped3A : memref<!tpu.dma_semaphore, #tpu.memory_space<semaphore_mem>>) src(%arg7 : memref<128xf32, #tpu.memory_space<vmem>>) dst(%dma_wait3A_47 : memref<128xf32, #tpu.memory_space<vmem_shared>>)
      tpu.yield
    }) : () -> ()
    %barrier3A = arith.constant 0 : index
    tpu.barrier barrier_id(%barrier3A)
    %mul3A_29 = arith.constant 4992 : i32
    %mul3A_30 = arith.muli %add3A, %mul3A_29 : i32
    %scan3A_31 = arith.constant 0 : i32
    %scan3A_32 = arith.constant 0 : i32
    %scan3A_33 = arith.constant 39 : i32
    %scan3A_34 = arith.addi %scan3A_32, %scan3A_33 : i32
    %scan3A_35 = arith.constant 1 : i32
    %scan3A_36 = scf.for %scan3A_46 = %scan3A_32 to %scan3A_34 step %scan3A_35 iter_args(%scan3A_47 = %scan3A_31) -> (i32)  : i32 {
      %mul3A_48 = arith.constant 128 : i32
      %mul3A_49 = arith.muli %scan3A_46, %mul3A_48 : i32
      %add3A_50 = arith.addi %mul3A_30, %mul3A_49 : i32
      "tpu.region"() ({
        %run_scoped3A = tpu.sem_alloc : memref<!tpu.dma_semaphore, #tpu.memory_space<semaphore_mem>>
        %dma_start3A = tpu.memref_slice %arg2[%add3A_50] : memref<160000xi32, #tpu.memory_space<hbm>> -> memref<128xi32, #tpu.memory_space<hbm>>
        %dma_start3A_52 = tpu.memref_slice %arg2[%add3A_50] : memref<160000xi32, #tpu.memory_space<hbm>> -> memref<128xi32, #tpu.memory_space<hbm>>
        tpu.enqueue_dma source(%dma_start3A_52 : memref<128xi32, #tpu.memory_space<hbm>>) target(%arg6 : memref<128xi32, #tpu.memory_space<vmem>>) target_semaphore(%run_scoped3A : memref<!tpu.dma_semaphore, #tpu.memory_space<semaphore_mem>>)
        %dma_wait3A = tpu.memref_slice %arg2[%add3A_50] : memref<160000xi32, #tpu.memory_space<hbm>> -> memref<128xi32, #tpu.memory_space<hbm>>
        %dma_wait3A_53 = tpu.memref_slice %arg2[%add3A_50] : memref<160000xi32, #tpu.memory_space<hbm>> -> memref<128xi32, #tpu.memory_space<hbm>>
        tpu.wait_dma2 semaphore(%run_scoped3A : memref<!tpu.dma_semaphore, #tpu.memory_space<semaphore_mem>>) src(%dma_wait3A_53 : memref<128xi32, #tpu.memory_space<hbm>>) dst(%arg6 : memref<128xi32, #tpu.memory_space<vmem>>)
        tpu.yield
      }) : () -> ()
      "tpu.region"() ({
        %run_scoped3A = tpu.sem_alloc : memref<!tpu.dma_semaphore, #tpu.memory_space<semaphore_mem>>
        %dma_start3A = arith.constant 0 : i32
        %dma_start3A_52 = tpu.memref_slice %arg4[%dma_start3A] : memref<10000xf32, #tpu.memory_space<vmem_shared>> -> memref<10000xf32, #tpu.memory_space<vmem_shared>>
        tpu.enqueue_indirect_dma source(%arg5 : memref<128xf32, #tpu.memory_space<vmem>>) target(%dma_start3A_52 : memref<10000xf32, #tpu.memory_space<vmem_shared>>) offsets(%arg6 : memref<128xi32, #tpu.memory_space<vmem>>) semaphore(%run_scoped3A : memref<!tpu.dma_semaphore, #tpu.memory_space<semaphore_mem>>) {add = true}
        %dma_wait3A = arith.constant 0 : i32
        %dma_wait3A_53 = tpu.memref_slice %arg4[%dma_wait3A] : memref<10000xf32, #tpu.memory_space<vmem_shared>> -> memref<10000xf32, #tpu.memory_space<vmem_shared>>
        tpu.wait_indirect_dma semaphore(%run_scoped3A : memref<!tpu.dma_semaphore, #tpu.memory_space<semaphore_mem>>) src(%arg5 : memref<128xf32, #tpu.memory_space<vmem>>) dst(%dma_wait3A_53 : memref<10000xf32, #tpu.memory_space<vmem_shared>>)
        tpu.yield
      }) : () -> ()
      %scan3A_51 = arith.constant 0 : i32
      scf.yield %scan3A_51 : i32
    }
    %scan3A_37 = arith.constant 39 : i32
    %eq3A = arith.constant 0 : i32
    %eq3A_38 = arith.cmpi eq, %arg1, %eq3A : i32
    %convert_element_type3A = arith.extui %eq3A_38 : i1 to i32
    %cond3A = arith.constant 0 : i32
    %cond3A_39 = arith.cmpi ne, %convert_element_type3A, %cond3A : i32
    scf.if %cond3A_39 {
      %mul3A_46 = arith.constant 128 : i32
      %mul3A_47 = arith.muli %arg0, %mul3A_46 : i32
      %add3A_48 = arith.constant 159744 : i32
      %add3A_49 = arith.addi %add3A_48, %mul3A_47 : i32
      "tpu.region"() ({
        %run_scoped3A = tpu.sem_alloc : memref<!tpu.dma_semaphore, #tpu.memory_space<semaphore_mem>>
        %dma_start3A = tpu.memref_slice %arg2[%add3A_49] : memref<160000xi32, #tpu.memory_space<hbm>> -> memref<128xi32, #tpu.memory_space<hbm>>
        %dma_start3A_50 = tpu.memref_slice %arg2[%add3A_49] : memref<160000xi32, #tpu.memory_space<hbm>> -> memref<128xi32, #tpu.memory_space<hbm>>
        tpu.enqueue_dma source(%dma_start3A_50 : memref<128xi32, #tpu.memory_space<hbm>>) target(%arg6 : memref<128xi32, #tpu.memory_space<vmem>>) target_semaphore(%run_scoped3A : memref<!tpu.dma_semaphore, #tpu.memory_space<semaphore_mem>>)
        %dma_wait3A = tpu.memref_slice %arg2[%add3A_49] : memref<160000xi32, #tpu.memory_space<hbm>> -> memref<128xi32, #tpu.memory_space<hbm>>
        %dma_wait3A_51 = tpu.memref_slice %arg2[%add3A_49] : memref<160000xi32, #tpu.memory_space<hbm>> -> memref<128xi32, #tpu.memory_space<hbm>>
        tpu.wait_dma2 semaphore(%run_scoped3A : memref<!tpu.dma_semaphore, #tpu.memory_space<semaphore_mem>>) src(%dma_wait3A_51 : memref<128xi32, #tpu.memory_space<hbm>>) dst(%arg6 : memref<128xi32, #tpu.memory_space<vmem>>)
        tpu.yield
      }) : () -> ()
      "tpu.region"() ({
        %run_scoped3A = tpu.sem_alloc : memref<!tpu.dma_semaphore, #tpu.memory_space<semaphore_mem>>
        %dma_start3A = arith.constant 0 : i32
        %dma_start3A_50 = tpu.memref_slice %arg4[%dma_start3A] : memref<10000xf32, #tpu.memory_space<vmem_shared>> -> memref<10000xf32, #tpu.memory_space<vmem_shared>>
        tpu.enqueue_indirect_dma source(%arg5 : memref<128xf32, #tpu.memory_space<vmem>>) target(%dma_start3A_50 : memref<10000xf32, #tpu.memory_space<vmem_shared>>) offsets(%arg6 : memref<128xi32, #tpu.memory_space<vmem>>) semaphore(%run_scoped3A : memref<!tpu.dma_semaphore, #tpu.memory_space<semaphore_mem>>) {add = true}
        %dma_wait3A = arith.constant 0 : i32
        %dma_wait3A_51 = tpu.memref_slice %arg4[%dma_wait3A] : memref<10000xf32, #tpu.memory_space<vmem_shared>> -> memref<10000xf32, #tpu.memory_space<vmem_shared>>
        tpu.wait_indirect_dma semaphore(%run_scoped3A : memref<!tpu.dma_semaphore, #tpu.memory_space<semaphore_mem>>) src(%arg5 : memref<128xf32, #tpu.memory_space<vmem>>) dst(%dma_wait3A_51 : memref<10000xf32, #tpu.memory_space<vmem_shared>>)
        tpu.yield
      }) : () -> ()
    } else {
    }
    %barrier3A_40 = arith.constant 0 : index
    tpu.barrier barrier_id(%barrier3A_40)
    %eq3A_41 = arith.constant 0 : i32
    %eq3A_42 = arith.cmpi eq, %arg1, %eq3A_41 : i32
    %convert_element_type3A_43 = arith.extui %eq3A_42 : i1 to i32
    %cond3A_44 = arith.constant 0 : i32
    %cond3A_45 = arith.cmpi ne, %convert_element_type3A_43, %cond3A_44 : i32
    scf.if %cond3A_45 {
      "tpu.region"() ({
        %run_scoped3A = tpu.sem_alloc : memref<!tpu.dma_semaphore, #tpu.memory_space<semaphore_mem>>
        %dma_start3A = arith.constant 0 : i32
        %dma_start3A_46 = tpu.memref_slice %arg3[%arg0, %dma_start3A] : memref<2x10000xf32, #tpu.memory_space<hbm>> -> memref<1x10000xf32, #tpu.memory_space<hbm>>
        %dma_start3A_47 = tpu.memref_squeeze %dma_start3A_46 : memref<1x10000xf32, #tpu.memory_space<hbm>> -> memref<10000xf32, #tpu.memory_space<hbm>>
        tpu.enqueue_dma source(%arg4 : memref<10000xf32, #tpu.memory_space<vmem_shared>>) target(%dma_start3A_47 : memref<10000xf32, #tpu.memory_space<hbm>>) target_semaphore(%run_scoped3A : memref<!tpu.dma_semaphore, #tpu.memory_space<semaphore_mem>>)
        %dma_wait3A = arith.constant 0 : i32
        %dma_wait3A_48 = tpu.memref_slice %arg3[%arg0, %dma_wait3A] : memref<2x10000xf32, #tpu.memory_space<hbm>> -> memref<1x10000xf32, #tpu.memory_space<hbm>>
        %dma_wait3A_49 = tpu.memref_squeeze %dma_wait3A_48 : memref<1x10000xf32, #tpu.memory_space<hbm>> -> memref<10000xf32, #tpu.memory_space<hbm>>
        tpu.wait_dma2 semaphore(%run_scoped3A : memref<!tpu.dma_semaphore, #tpu.memory_space<semaphore_mem>>) src(%arg4 : memref<10000xf32, #tpu.memory_space<vmem_shared>>) dst(%dma_wait3A_49 : memref<10000xf32, #tpu.memory_space<hbm>>)
        tpu.yield
      }) : () -> ()
    } else {
    }
    return
  }
}

#map = affine_map<(d0, d1) -> (0, 0)>
#map1 = affine_map<(d0, d1) -> (0, 0, 0)>
module attributes {stable_mosaic.version = 14 : i64} {
  func.func @_sc_agg_body(%arg0: i32, %arg1: i32, %arg2: memref<1250x128xi32, #tpu.memory_space<hbm>>, %arg3: memref<1250x128xi32, #tpu.memory_space<hbm>>, %arg4: memref<2x10000x128xf32, #tpu.memory_space<hbm>>, %arg5: memref<2x10000x128xf32, #tpu.memory_space<hbm>>, %arg6: memref<10000x128xf32, #tpu.memory_space<vmem_shared>>, %arg7: memref<4x128xi32, #tpu.memory_space<vmem>>, %arg8: memref<4x128xi32, #tpu.memory_space<vmem>>, %arg9: memref<2x128x128xf32, #tpu.memory_space<vmem>>, %arg10: memref<4x!tpu.dma_semaphore, #tpu.memory_space<semaphore_mem>>, %arg11: memref<2x!tpu.dma_semaphore, #tpu.memory_space<semaphore_mem>>, %arg12: memref<2x!tpu.dma_semaphore, #tpu.memory_space<semaphore_mem>>) attributes {dimension_semantics = [#tpu.dimension_semantics<core_parallel>, #tpu.dimension_semantics<subcore_parallel>], iteration_bounds = array<i64: 2, 16>, scalar_prefetch = 0 : i64, scratch_operands = 7 : i64, tpu.core_type = #tpu.core_type<sc_vector_subcore>, window_params = [{transform_indices = #map}, {transform_indices = #map}, {transform_indices = #map1}, {transform_indices = #map1}]} {
    %lt3A = arith.constant 2 : i32
    %lt3A_0 = arith.cmpi slt, %arg1, %lt3A : i32
    %jit3A = arith.constant 1 : i32
    %jit3A_1 = arith.constant 0 : i32
    %select_n3A = arith.select %lt3A_0, %jit3A, %jit3A_1 : i32
    %add3A = arith.constant 78 : i32
    %add3A_2 = arith.addi %add3A, %select_n3A : i32
    %mul3A = arith.constant 78 : i32
    %mul3A_3 = arith.muli %mul3A, %arg1 : i32
    %min3A = arith.constant 2 : i32
    %min3A_4 = arith.minsi %arg1, %min3A : i32
    %add3A_5 = arith.addi %mul3A_3, %min3A_4 : i32
    %broadcast_in_dim3A = arith.constant 0.000000e+00 : f32
    %broadcast_in_dim3A_6 = vector.broadcast %broadcast_in_dim3A : f32 to vector<16xf32>
    %scan3A = arith.constant 0 : i32
    %scan3A_7 = arith.constant 0 : i32
    %scan3A_8 = arith.constant 128 : i32
    %scan3A_9 = arith.addi %scan3A_7, %scan3A_8 : i32
    %scan3A_10 = arith.constant 1 : i32
    %scan3A_11 = scf.for %scan3A_212 = %scan3A_7 to %scan3A_9 step %scan3A_10 iter_args(%scan3A_213 = %scan3A) -> (i32)  : i32 {
      %swap3A = arith.constant 0 : i32
      %swap3A_214 = arith.index_cast %swap3A : i32 to index
      %swap3A_215 = arith.index_cast %scan3A_212 : i32 to index
      %swap3A_216 = arith.constant 0 : index
      %swap3A_217 = tpu.vector_load %arg9[%swap3A_214, %swap3A_215, %swap3A_216] {strides = array<i32>} : memref<2x128x128xf32, #tpu.memory_space<vmem>>, vector<1x1x16xf32>,
      %swap3A_218 = vector.shape_cast %swap3A_217 : vector<1x1x16xf32> to vector<16xf32>
      %swap3A_219 = vector.shape_cast %broadcast_in_dim3A_6 : vector<16xf32> to vector<1x1x16xf32>
      tpu.vector_store %arg9[%swap3A_214, %swap3A_215, %swap3A_216], %swap3A_219 {strides = array<i32>} : memref<2x128x128xf32, #tpu.memory_space<vmem>>, vector<1x1x16xf32>,
      %swap3A_220 = arith.constant 0 : i32
      %swap3A_221 = arith.index_cast %swap3A_220 : i32 to index
      %swap3A_222 = arith.index_cast %scan3A_212 : i32 to index
      %swap3A_223 = arith.constant 16 : index
      %swap3A_224 = tpu.vector_load %arg9[%swap3A_221, %swap3A_222, %swap3A_223] {strides = array<i32>} : memref<2x128x128xf32, #tpu.memory_space<vmem>>, vector<1x1x16xf32>,
      %swap3A_225 = vector.shape_cast %swap3A_224 : vector<1x1x16xf32> to vector<16xf32>
      %swap3A_226 = vector.shape_cast %broadcast_in_dim3A_6 : vector<16xf32> to vector<1x1x16xf32>
      tpu.vector_store %arg9[%swap3A_221, %swap3A_222, %swap3A_223], %swap3A_226 {strides = array<i32>} : memref<2x128x128xf32, #tpu.memory_space<vmem>>, vector<1x1x16xf32>,
      %swap3A_227 = arith.constant 0 : i32
      %swap3A_228 = arith.index_cast %swap3A_227 : i32 to index
      %swap3A_229 = arith.index_cast %scan3A_212 : i32 to index
      %swap3A_230 = arith.constant 32 : index
      %swap3A_231 = tpu.vector_load %arg9[%swap3A_228, %swap3A_229, %swap3A_230] {strides = array<i32>} : memref<2x128x128xf32, #tpu.memory_space<vmem>>, vector<1x1x16xf32>,
      %swap3A_232 = vector.shape_cast %swap3A_231 : vector<1x1x16xf32> to vector<16xf32>
      %swap3A_233 = vector.shape_cast %broadcast_in_dim3A_6 : vector<16xf32> to vector<1x1x16xf32>
      tpu.vector_store %arg9[%swap3A_228, %swap3A_229, %swap3A_230], %swap3A_233 {strides = array<i32>} : memref<2x128x128xf32, #tpu.memory_space<vmem>>, vector<1x1x16xf32>,
      %swap3A_234 = arith.constant 0 : i32
      %swap3A_235 = arith.index_cast %swap3A_234 : i32 to index
      %swap3A_236 = arith.index_cast %scan3A_212 : i32 to index
      %swap3A_237 = arith.constant 48 : index
      %swap3A_238 = tpu.vector_load %arg9[%swap3A_235, %swap3A_236, %swap3A_237] {strides = array<i32>} : memref<2x128x128xf32, #tpu.memory_space<vmem>>, vector<1x1x16xf32>,
      %swap3A_239 = vector.shape_cast %swap3A_238 : vector<1x1x16xf32> to vector<16xf32>
      %swap3A_240 = vector.shape_cast %broadcast_in_dim3A_6 : vector<16xf32> to vector<1x1x16xf32>
      tpu.vector_store %arg9[%swap3A_235, %swap3A_236, %swap3A_237], %swap3A_240 {strides = array<i32>} : memref<2x128x128xf32, #tpu.memory_space<vmem>>, vector<1x1x16xf32>,
      %swap3A_241 = arith.constant 0 : i32
      %swap3A_242 = arith.index_cast %swap3A_241 : i32 to index
      %swap3A_243 = arith.index_cast %scan3A_212 : i32 to index
      %swap3A_244 = arith.constant 64 : index
      %swap3A_245 = tpu.vector_load %arg9[%swap3A_242, %swap3A_243, %swap3A_244] {strides = array<i32>} : memref<2x128x128xf32, #tpu.memory_space<vmem>>, vector<1x1x16xf32>,
      %swap3A_246 = vector.shape_cast %swap3A_245 : vector<1x1x16xf32> to vector<16xf32>
      %swap3A_247 = vector.shape_cast %broadcast_in_dim3A_6 : vector<16xf32> to vector<1x1x16xf32>
      tpu.vector_store %arg9[%swap3A_242, %swap3A_243, %swap3A_244], %swap3A_247 {strides = array<i32>} : memref<2x128x128xf32, #tpu.memory_space<vmem>>, vector<1x1x16xf32>,
      %swap3A_248 = arith.constant 0 : i32
      %swap3A_249 = arith.index_cast %swap3A_248 : i32 to index
      %swap3A_250 = arith.index_cast %scan3A_212 : i32 to index
      %swap3A_251 = arith.constant 80 : index
      %swap3A_252 = tpu.vector_load %arg9[%swap3A_249, %swap3A_250, %swap3A_251] {strides = array<i32>} : memref<2x128x128xf32, #tpu.memory_space<vmem>>, vector<1x1x16xf32>,
      %swap3A_253 = vector.shape_cast %swap3A_252 : vector<1x1x16xf32> to vector<16xf32>
      %swap3A_254 = vector.shape_cast %broadcast_in_dim3A_6 : vector<16xf32> to vector<1x1x16xf32>
      tpu.vector_store %arg9[%swap3A_249, %swap3A_250, %swap3A_251], %swap3A_254 {strides = array<i32>} : memref<2x128x128xf32, #tpu.memory_space<vmem>>, vector<1x1x16xf32>,
      %swap3A_255 = arith.constant 0 : i32
      %swap3A_256 = arith.index_cast %swap3A_255 : i32 to index
      %swap3A_257 = arith.index_cast %scan3A_212 : i32 to index
      %swap3A_258 = arith.constant 96 : index
      %swap3A_259 = tpu.vector_load %arg9[%swap3A_256, %swap3A_257, %swap3A_258] {strides = array<i32>} : memref<2x128x128xf32, #tpu.memory_space<vmem>>, vector<1x1x16xf32>,
      %swap3A_260 = vector.shape_cast %swap3A_259 : vector<1x1x16xf32> to vector<16xf32>
      %swap3A_261 = vector.shape_cast %broadcast_in_dim3A_6 : vector<16xf32> to vector<1x1x16xf32>
      tpu.vector_store %arg9[%swap3A_256, %swap3A_257, %swap3A_258], %swap3A_261 {strides = array<i32>} : memref<2x128x128xf32, #tpu.memory_space<vmem>>, vector<1x1x16xf32>,
      %swap3A_262 = arith.constant 0 : i32
      %swap3A_263 = arith.index_cast %swap3A_262 : i32 to index
      %swap3A_264 = arith.index_cast %scan3A_212 : i32 to index
      %swap3A_265 = arith.constant 112 : index
      %swap3A_266 = tpu.vector_load %arg9[%swap3A_263, %swap3A_264, %swap3A_265] {strides = array<i32>} : memref<2x128x128xf32, #tpu.memory_space<vmem>>, vector<1x1x16xf32>,
      %swap3A_267 = vector.shape_cast %swap3A_266 : vector<1x1x16xf32> to vector<16xf32>
      %swap3A_268 = vector.shape_cast %broadcast_in_dim3A_6 : vector<16xf32> to vector<1x1x16xf32>
      tpu.vector_store %arg9[%swap3A_263, %swap3A_264, %swap3A_265], %swap3A_268 {strides = array<i32>} : memref<2x128x128xf32, #tpu.memory_space<vmem>>, vector<1x1x16xf32>,
      %scan3A_269 = arith.constant 0 : i32
      scf.yield %scan3A_269 : i32
    }
    %scan3A_12 = arith.constant 128 : i32
    %mul3A_13 = arith.constant 624 : i32
    %mul3A_14 = arith.muli %arg1, %mul3A_13 : i32
    %add3A_15 = arith.constant 0 : i32
    %add3A_16 = arith.addi %mul3A_14, %add3A_15 : i32
    %run_scoped3A = arith.constant 0 : i32
    "tpu.region"() ({
      %run_scoped3A_212 = tpu.sem_alloc : memref<!tpu.dma_semaphore, #tpu.memory_space<semaphore_mem>>
      %dma_start3A_213 = arith.constant 0 : i32
      %dma_start3A_214 = arith.constant 0 : i32
      %dma_start3A_215 = tpu.memref_slice %arg9[%run_scoped3A, %dma_start3A_213, %dma_start3A_214] : memref<2x128x128xf32, #tpu.memory_space<vmem>> -> memref<1x128x128xf32, #tpu.memory_space<vmem>>
      %dma_start3A_216 = tpu.memref_squeeze %dma_start3A_215 : memref<1x128x128xf32, #tpu.memory_space<vmem>> -> memref<128x128xf32, #tpu.memory_space<vmem>>
      %dma_start3A_217 = arith.constant 0 : i32
      %dma_start3A_218 = tpu.memref_slice %arg6[%add3A_16, %dma_start3A_217] : memref<10000x128xf32, #tpu.memory_space<vmem_shared>> -> memref<128x128xf32, #tpu.memory_space<vmem_shared>>
      %dma_start3A_219 = arith.constant 0 : i32
      %dma_start3A_220 = tpu.memref_slice %arg6[%add3A_16, %dma_start3A_219] : memref<10000x128xf32, #tpu.memory_space<vmem_shared>> -> memref<128x128xf32, #tpu.memory_space<vmem_shared>>
      %dma_start3A_221 = arith.constant 0 : i32
      %dma_start3A_222 = arith.constant 0 : i32
      %dma_start3A_223 = tpu.memref_slice %arg9[%run_scoped3A, %dma_start3A_221, %dma_start3A_222] : memref<2x128x128xf32, #tpu.memory_space<vmem>> -> memref<1x128x128xf32, #tpu.memory_space<vmem>>
      %dma_start3A_224 = tpu.memref_squeeze %dma_start3A_223 : memref<1x128x128xf32, #tpu.memory_space<vmem>> -> memref<128x128xf32, #tpu.memory_space<vmem>>
      tpu.enqueue_dma source(%dma_start3A_224 : memref<128x128xf32, #tpu.memory_space<vmem>>) target(%dma_start3A_220 : memref<128x128xf32, #tpu.memory_space<vmem_shared>>) target_semaphore(%run_scoped3A_212 : memref<!tpu.dma_semaphore, #tpu.memory_space<semaphore_mem>>)
      %dma_wait3A_225 = arith.constant 0 : i32
      %dma_wait3A_226 = arith.constant 0 : i32
      %dma_wait3A_227 = tpu.memref_slice %arg9[%run_scoped3A, %dma_wait3A_225, %dma_wait3A_226] : memref<2x128x128xf32, #tpu.memory_space<vmem>> -> memref<1x128x128xf32, #tpu.memory_space<vmem>>
      %dma_wait3A_228 = tpu.memref_squeeze %dma_wait3A_227 : memref<1x128x128xf32, #tpu.memory_space<vmem>> -> memref<128x128xf32, #tpu.memory_space<vmem>>
      %dma_wait3A_229 = arith.constant 0 : i32
      %dma_wait3A_230 = tpu.memref_slice %arg6[%add3A_16, %dma_wait3A_229] : memref<10000x128xf32, #tpu.memory_space<vmem_shared>> -> memref<128x128xf32, #tpu.memory_space<vmem_shared>>
      %dma_wait3A_231 = arith.constant 0 : i32
      %dma_wait3A_232 = tpu.memref_slice %arg6[%add3A_16, %dma_wait3A_231] : memref<10000x128xf32, #tpu.memory_space<vmem_shared>> -> memref<128x128xf32, #tpu.memory_space<vmem_shared>>
      %dma_wait3A_233 = arith.constant 0 : i32
      %dma_wait3A_234 = arith.constant 0 : i32
      %dma_wait3A_235 = tpu.memref_slice %arg9[%run_scoped3A, %dma_wait3A_233, %dma_wait3A_234] : memref<2x128x128xf32, #tpu.memory_space<vmem>> -> memref<1x128x128xf32, #tpu.memory_space<vmem>>
      %dma_wait3A_236 = tpu.memref_squeeze %dma_wait3A_235 : memref<1x128x128xf32, #tpu.memory_space<vmem>> -> memref<128x128xf32, #tpu.memory_space<vmem>>
      tpu.wait_dma2 semaphore(%run_scoped3A_212 : memref<!tpu.dma_semaphore, #tpu.memory_space<semaphore_mem>>) src(%dma_wait3A_236 : memref<128x128xf32, #tpu.memory_space<vmem>>) dst(%dma_wait3A_232 : memref<128x128xf32, #tpu.memory_space<vmem_shared>>)
      tpu.yield
    }) : () -> ()
    %add3A_17 = arith.constant 128 : i32
    %add3A_18 = arith.addi %mul3A_14, %add3A_17 : i32
    %run_scoped3A_19 = arith.constant 0 : i32
    "tpu.region"() ({
      %run_scoped3A_212 = tpu.sem_alloc : memref<!tpu.dma_semaphore, #tpu.memory_space<semaphore_mem>>
      %dma_start3A_213 = arith.constant 0 : i32
      %dma_start3A_214 = arith.constant 0 : i32
      %dma_start3A_215 = tpu.memref_slice %arg9[%run_scoped3A_19, %dma_start3A_213, %dma_start3A_214] : memref<2x128x128xf32, #tpu.memory_space<vmem>> -> memref<1x128x128xf32, #tpu.memory_space<vmem>>
      %dma_start3A_216 = tpu.memref_squeeze %dma_start3A_215 : memref<1x128x128xf32, #tpu.memory_space<vmem>> -> memref<128x128xf32, #tpu.memory_space<vmem>>
      %dma_start3A_217 = arith.constant 0 : i32
      %dma_start3A_218 = tpu.memref_slice %arg6[%add3A_18, %dma_start3A_217] : memref<10000x128xf32, #tpu.memory_space<vmem_shared>> -> memref<128x128xf32, #tpu.memory_space<vmem_shared>>
      %dma_start3A_219 = arith.constant 0 : i32
      %dma_start3A_220 = tpu.memref_slice %arg6[%add3A_18, %dma_start3A_219] : memref<10000x128xf32, #tpu.memory_space<vmem_shared>> -> memref<128x128xf32, #tpu.memory_space<vmem_shared>>
      %dma_start3A_221 = arith.constant 0 : i32
      %dma_start3A_222 = arith.constant 0 : i32
      %dma_start3A_223 = tpu.memref_slice %arg9[%run_scoped3A_19, %dma_start3A_221, %dma_start3A_222] : memref<2x128x128xf32, #tpu.memory_space<vmem>> -> memref<1x128x128xf32, #tpu.memory_space<vmem>>
      %dma_start3A_224 = tpu.memref_squeeze %dma_start3A_223 : memref<1x128x128xf32, #tpu.memory_space<vmem>> -> memref<128x128xf32, #tpu.memory_space<vmem>>
      tpu.enqueue_dma source(%dma_start3A_224 : memref<128x128xf32, #tpu.memory_space<vmem>>) target(%dma_start3A_220 : memref<128x128xf32, #tpu.memory_space<vmem_shared>>) target_semaphore(%run_scoped3A_212 : memref<!tpu.dma_semaphore, #tpu.memory_space<semaphore_mem>>)
      %dma_wait3A_225 = arith.constant 0 : i32
      %dma_wait3A_226 = arith.constant 0 : i32
      %dma_wait3A_227 = tpu.memref_slice %arg9[%run_scoped3A_19, %dma_wait3A_225, %dma_wait3A_226] : memref<2x128x128xf32, #tpu.memory_space<vmem>> -> memref<1x128x128xf32, #tpu.memory_space<vmem>>
      %dma_wait3A_228 = tpu.memref_squeeze %dma_wait3A_227 : memref<1x128x128xf32, #tpu.memory_space<vmem>> -> memref<128x128xf32, #tpu.memory_space<vmem>>
      %dma_wait3A_229 = arith.constant 0 : i32
      %dma_wait3A_230 = tpu.memref_slice %arg6[%add3A_18, %dma_wait3A_229] : memref<10000x128xf32, #tpu.memory_space<vmem_shared>> -> memref<128x128xf32, #tpu.memory_space<vmem_shared>>
      %dma_wait3A_231 = arith.constant 0 : i32
      %dma_wait3A_232 = tpu.memref_slice %arg6[%add3A_18, %dma_wait3A_231] : memref<10000x128xf32, #tpu.memory_space<vmem_shared>> -> memref<128x128xf32, #tpu.memory_space<vmem_shared>>
      %dma_wait3A_233 = arith.constant 0 : i32
      %dma_wait3A_234 = arith.constant 0 : i32
      %dma_wait3A_235 = tpu.memref_slice %arg9[%run_scoped3A_19, %dma_wait3A_233, %dma_wait3A_234] : memref<2x128x128xf32, #tpu.memory_space<vmem>> -> memref<1x128x128xf32, #tpu.memory_space<vmem>>
      %dma_wait3A_236 = tpu.memref_squeeze %dma_wait3A_235 : memref<1x128x128xf32, #tpu.memory_space<vmem>> -> memref<128x128xf32, #tpu.memory_space<vmem>>
      tpu.wait_dma2 semaphore(%run_scoped3A_212 : memref<!tpu.dma_semaphore, #tpu.memory_space<semaphore_mem>>) src(%dma_wait3A_236 : memref<128x128xf32, #tpu.memory_space<vmem>>) dst(%dma_wait3A_232 : memref<128x128xf32, #tpu.memory_space<vmem_shared>>)
      tpu.yield
    }) : () -> ()
    %add3A_20 = arith.constant 256 : i32
    %add3A_21 = arith.addi %mul3A_14, %add3A_20 : i32
    %run_scoped3A_22 = arith.constant 0 : i32
    "tpu.region"() ({
      %run_scoped3A_212 = tpu.sem_alloc : memref<!tpu.dma_semaphore, #tpu.memory_space<semaphore_mem>>
      %dma_start3A_213 = arith.constant 0 : i32
      %dma_start3A_214 = arith.constant 0 : i32
      %dma_start3A_215 = tpu.memref_slice %arg9[%run_scoped3A_22, %dma_start3A_213, %dma_start3A_214] : memref<2x128x128xf32, #tpu.memory_space<vmem>> -> memref<1x128x128xf32, #tpu.memory_space<vmem>>
      %dma_start3A_216 = tpu.memref_squeeze %dma_start3A_215 : memref<1x128x128xf32, #tpu.memory_space<vmem>> -> memref<128x128xf32, #tpu.memory_space<vmem>>
      %dma_start3A_217 = arith.constant 0 : i32
      %dma_start3A_218 = tpu.memref_slice %arg6[%add3A_21, %dma_start3A_217] : memref<10000x128xf32, #tpu.memory_space<vmem_shared>> -> memref<128x128xf32, #tpu.memory_space<vmem_shared>>
      %dma_start3A_219 = arith.constant 0 : i32
      %dma_start3A_220 = tpu.memref_slice %arg6[%add3A_21, %dma_start3A_219] : memref<10000x128xf32, #tpu.memory_space<vmem_shared>> -> memref<128x128xf32, #tpu.memory_space<vmem_shared>>
      %dma_start3A_221 = arith.constant 0 : i32
      %dma_start3A_222 = arith.constant 0 : i32
      %dma_start3A_223 = tpu.memref_slice %arg9[%run_scoped3A_22, %dma_start3A_221, %dma_start3A_222] : memref<2x128x128xf32, #tpu.memory_space<vmem>> -> memref<1x128x128xf32, #tpu.memory_space<vmem>>
      %dma_start3A_224 = tpu.memref_squeeze %dma_start3A_223 : memref<1x128x128xf32, #tpu.memory_space<vmem>> -> memref<128x128xf32, #tpu.memory_space<vmem>>
      tpu.enqueue_dma source(%dma_start3A_224 : memref<128x128xf32, #tpu.memory_space<vmem>>) target(%dma_start3A_220 : memref<128x128xf32, #tpu.memory_space<vmem_shared>>) target_semaphore(%run_scoped3A_212 : memref<!tpu.dma_semaphore, #tpu.memory_space<semaphore_mem>>)
      %dma_wait3A_225 = arith.constant 0 : i32
      %dma_wait3A_226 = arith.constant 0 : i32
      %dma_wait3A_227 = tpu.memref_slice %arg9[%run_scoped3A_22, %dma_wait3A_225, %dma_wait3A_226] : memref<2x128x128xf32, #tpu.memory_space<vmem>> -> memref<1x128x128xf32, #tpu.memory_space<vmem>>
      %dma_wait3A_228 = tpu.memref_squeeze %dma_wait3A_227 : memref<1x128x128xf32, #tpu.memory_space<vmem>> -> memref<128x128xf32, #tpu.memory_space<vmem>>
      %dma_wait3A_229 = arith.constant 0 : i32
      %dma_wait3A_230 = tpu.memref_slice %arg6[%add3A_21, %dma_wait3A_229] : memref<10000x128xf32, #tpu.memory_space<vmem_shared>> -> memref<128x128xf32, #tpu.memory_space<vmem_shared>>
      %dma_wait3A_231 = arith.constant 0 : i32
      %dma_wait3A_232 = tpu.memref_slice %arg6[%add3A_21, %dma_wait3A_231] : memref<10000x128xf32, #tpu.memory_space<vmem_shared>> -> memref<128x128xf32, #tpu.memory_space<vmem_shared>>
      %dma_wait3A_233 = arith.constant 0 : i32
      %dma_wait3A_234 = arith.constant 0 : i32
      %dma_wait3A_235 = tpu.memref_slice %arg9[%run_scoped3A_22, %dma_wait3A_233, %dma_wait3A_234] : memref<2x128x128xf32, #tpu.memory_space<vmem>> -> memref<1x128x128xf32, #tpu.memory_space<vmem>>
      %dma_wait3A_236 = tpu.memref_squeeze %dma_wait3A_235 : memref<1x128x128xf32, #tpu.memory_space<vmem>> -> memref<128x128xf32, #tpu.memory_space<vmem>>
      tpu.wait_dma2 semaphore(%run_scoped3A_212 : memref<!tpu.dma_semaphore, #tpu.memory_space<semaphore_mem>>) src(%dma_wait3A_236 : memref<128x128xf32, #tpu.memory_space<vmem>>) dst(%dma_wait3A_232 : memref<128x128xf32, #tpu.memory_space<vmem_shared>>)
      tpu.yield
    }) : () -> ()
    %add3A_23 = arith.constant 384 : i32
    %add3A_24 = arith.addi %mul3A_14, %add3A_23 : i32
    %run_scoped3A_25 = arith.constant 0 : i32
    "tpu.region"() ({
      %run_scoped3A_212 = tpu.sem_alloc : memref<!tpu.dma_semaphore, #tpu.memory_space<semaphore_mem>>
      %dma_start3A_213 = arith.constant 0 : i32
      %dma_start3A_214 = arith.constant 0 : i32
      %dma_start3A_215 = tpu.memref_slice %arg9[%run_scoped3A_25, %dma_start3A_213, %dma_start3A_214] : memref<2x128x128xf32, #tpu.memory_space<vmem>> -> memref<1x128x128xf32, #tpu.memory_space<vmem>>
      %dma_start3A_216 = tpu.memref_squeeze %dma_start3A_215 : memref<1x128x128xf32, #tpu.memory_space<vmem>> -> memref<128x128xf32, #tpu.memory_space<vmem>>
      %dma_start3A_217 = arith.constant 0 : i32
      %dma_start3A_218 = tpu.memref_slice %arg6[%add3A_24, %dma_start3A_217] : memref<10000x128xf32, #tpu.memory_space<vmem_shared>> -> memref<128x128xf32, #tpu.memory_space<vmem_shared>>
      %dma_start3A_219 = arith.constant 0 : i32
      %dma_start3A_220 = tpu.memref_slice %arg6[%add3A_24, %dma_start3A_219] : memref<10000x128xf32, #tpu.memory_space<vmem_shared>> -> memref<128x128xf32, #tpu.memory_space<vmem_shared>>
      %dma_start3A_221 = arith.constant 0 : i32
      %dma_start3A_222 = arith.constant 0 : i32
      %dma_start3A_223 = tpu.memref_slice %arg9[%run_scoped3A_25, %dma_start3A_221, %dma_start3A_222] : memref<2x128x128xf32, #tpu.memory_space<vmem>> -> memref<1x128x128xf32, #tpu.memory_space<vmem>>
      %dma_start3A_224 = tpu.memref_squeeze %dma_start3A_223 : memref<1x128x128xf32, #tpu.memory_space<vmem>> -> memref<128x128xf32, #tpu.memory_space<vmem>>
      tpu.enqueue_dma source(%dma_start3A_224 : memref<128x128xf32, #tpu.memory_space<vmem>>) target(%dma_start3A_220 : memref<128x128xf32, #tpu.memory_space<vmem_shared>>) target_semaphore(%run_scoped3A_212 : memref<!tpu.dma_semaphore, #tpu.memory_space<semaphore_mem>>)
      %dma_wait3A_225 = arith.constant 0 : i32
      %dma_wait3A_226 = arith.constant 0 : i32
      %dma_wait3A_227 = tpu.memref_slice %arg9[%run_scoped3A_25, %dma_wait3A_225, %dma_wait3A_226] : memref<2x128x128xf32, #tpu.memory_space<vmem>> -> memref<1x128x128xf32, #tpu.memory_space<vmem>>
      %dma_wait3A_228 = tpu.memref_squeeze %dma_wait3A_227 : memref<1x128x128xf32, #tpu.memory_space<vmem>> -> memref<128x128xf32, #tpu.memory_space<vmem>>
      %dma_wait3A_229 = arith.constant 0 : i32
      %dma_wait3A_230 = tpu.memref_slice %arg6[%add3A_24, %dma_wait3A_229] : memref<10000x128xf32, #tpu.memory_space<vmem_shared>> -> memref<128x128xf32, #tpu.memory_space<vmem_shared>>
      %dma_wait3A_231 = arith.constant 0 : i32
      %dma_wait3A_232 = tpu.memref_slice %arg6[%add3A_24, %dma_wait3A_231] : memref<10000x128xf32, #tpu.memory_space<vmem_shared>> -> memref<128x128xf32, #tpu.memory_space<vmem_shared>>
      %dma_wait3A_233 = arith.constant 0 : i32
      %dma_wait3A_234 = arith.constant 0 : i32
      %dma_wait3A_235 = tpu.memref_slice %arg9[%run_scoped3A_25, %dma_wait3A_233, %dma_wait3A_234] : memref<2x128x128xf32, #tpu.memory_space<vmem>> -> memref<1x128x128xf32, #tpu.memory_space<vmem>>
      %dma_wait3A_236 = tpu.memref_squeeze %dma_wait3A_235 : memref<1x128x128xf32, #tpu.memory_space<vmem>> -> memref<128x128xf32, #tpu.memory_space<vmem>>
      tpu.wait_dma2 semaphore(%run_scoped3A_212 : memref<!tpu.dma_semaphore, #tpu.memory_space<semaphore_mem>>) src(%dma_wait3A_236 : memref<128x128xf32, #tpu.memory_space<vmem>>) dst(%dma_wait3A_232 : memref<128x128xf32, #tpu.memory_space<vmem_shared>>)
      tpu.yield
    }) : () -> ()
    %add3A_26 = arith.constant 512 : i32
    %add3A_27 = arith.addi %mul3A_14, %add3A_26 : i32
    %run_scoped3A_28 = arith.constant 0 : i32
    "tpu.region"() ({
      %run_scoped3A_212 = tpu.sem_alloc : memref<!tpu.dma_semaphore, #tpu.memory_space<semaphore_mem>>
      %dma_start3A_213 = arith.constant 0 : i32
      %dma_start3A_214 = arith.constant 0 : i32
      %dma_start3A_215 = tpu.memref_slice %arg9[%run_scoped3A_28, %dma_start3A_213, %dma_start3A_214] : memref<2x128x128xf32, #tpu.memory_space<vmem>> -> memref<1x128x128xf32, #tpu.memory_space<vmem>>
      %dma_start3A_216 = tpu.memref_squeeze %dma_start3A_215 : memref<1x128x128xf32, #tpu.memory_space<vmem>> -> memref<128x128xf32, #tpu.memory_space<vmem>>
      %dma_start3A_217 = arith.constant 0 : i32
      %dma_start3A_218 = tpu.memref_slice %arg6[%add3A_27, %dma_start3A_217] : memref<10000x128xf32, #tpu.memory_space<vmem_shared>> -> memref<128x128xf32, #tpu.memory_space<vmem_shared>>
      %dma_start3A_219 = arith.constant 0 : i32
      %dma_start3A_220 = tpu.memref_slice %arg6[%add3A_27, %dma_start3A_219] : memref<10000x128xf32, #tpu.memory_space<vmem_shared>> -> memref<128x128xf32, #tpu.memory_space<vmem_shared>>
      %dma_start3A_221 = arith.constant 0 : i32
      %dma_start3A_222 = arith.constant 0 : i32
      %dma_start3A_223 = tpu.memref_slice %arg9[%run_scoped3A_28, %dma_start3A_221, %dma_start3A_222] : memref<2x128x128xf32, #tpu.memory_space<vmem>> -> memref<1x128x128xf32, #tpu.memory_space<vmem>>
      %dma_start3A_224 = tpu.memref_squeeze %dma_start3A_223 : memref<1x128x128xf32, #tpu.memory_space<vmem>> -> memref<128x128xf32, #tpu.memory_space<vmem>>
      tpu.enqueue_dma source(%dma_start3A_224 : memref<128x128xf32, #tpu.memory_space<vmem>>) target(%dma_start3A_220 : memref<128x128xf32, #tpu.memory_space<vmem_shared>>) target_semaphore(%run_scoped3A_212 : memref<!tpu.dma_semaphore, #tpu.memory_space<semaphore_mem>>)
      %dma_wait3A_225 = arith.constant 0 : i32
      %dma_wait3A_226 = arith.constant 0 : i32
      %dma_wait3A_227 = tpu.memref_slice %arg9[%run_scoped3A_28, %dma_wait3A_225, %dma_wait3A_226] : memref<2x128x128xf32, #tpu.memory_space<vmem>> -> memref<1x128x128xf32, #tpu.memory_space<vmem>>
      %dma_wait3A_228 = tpu.memref_squeeze %dma_wait3A_227 : memref<1x128x128xf32, #tpu.memory_space<vmem>> -> memref<128x128xf32, #tpu.memory_space<vmem>>
      %dma_wait3A_229 = arith.constant 0 : i32
      %dma_wait3A_230 = tpu.memref_slice %arg6[%add3A_27, %dma_wait3A_229] : memref<10000x128xf32, #tpu.memory_space<vmem_shared>> -> memref<128x128xf32, #tpu.memory_space<vmem_shared>>
      %dma_wait3A_231 = arith.constant 0 : i32
      %dma_wait3A_232 = tpu.memref_slice %arg6[%add3A_27, %dma_wait3A_231] : memref<10000x128xf32, #tpu.memory_space<vmem_shared>> -> memref<128x128xf32, #tpu.memory_space<vmem_shared>>
      %dma_wait3A_233 = arith.constant 0 : i32
      %dma_wait3A_234 = arith.constant 0 : i32
      %dma_wait3A_235 = tpu.memref_slice %arg9[%run_scoped3A_28, %dma_wait3A_233, %dma_wait3A_234] : memref<2x128x128xf32, #tpu.memory_space<vmem>> -> memref<1x128x128xf32, #tpu.memory_space<vmem>>
      %dma_wait3A_236 = tpu.memref_squeeze %dma_wait3A_235 : memref<1x128x128xf32, #tpu.memory_space<vmem>> -> memref<128x128xf32, #tpu.memory_space<vmem>>
      tpu.wait_dma2 semaphore(%run_scoped3A_212 : memref<!tpu.dma_semaphore, #tpu.memory_space<semaphore_mem>>) src(%dma_wait3A_236 : memref<128x128xf32, #tpu.memory_space<vmem>>) dst(%dma_wait3A_232 : memref<128x128xf32, #tpu.memory_space<vmem_shared>>)
      tpu.yield
    }) : () -> ()
    %barrier3A = arith.constant 0 : index
    tpu.barrier barrier_id(%barrier3A)
    %rem3A = arith.constant 0 : i32
    %rem3A_29 = arith.constant 4 : i32
    %rem3A_30 = arith.remsi %rem3A, %rem3A_29 : i32
    %add3A_31 = arith.constant 0 : i32
    %add3A_32 = arith.addi %add3A_5, %add3A_31 : i32
    %dma_start3A = arith.constant 0 : i32
    %dma_start3A_33 = tpu.memref_slice %arg7[%rem3A_30, %dma_start3A] : memref<4x128xi32, #tpu.memory_space<vmem>> -> memref<1x128xi32, #tpu.memory_space<vmem>>
    %dma_start3A_34 = tpu.memref_squeeze %dma_start3A_33 : memref<1x128xi32, #tpu.memory_space<vmem>> -> memref<128xi32, #tpu.memory_space<vmem>>
    %dma_start3A_35 = arith.constant 0 : i32
    %dma_start3A_36 = tpu.memref_slice %arg2[%add3A_32, %dma_start3A_35] : memref<1250x128xi32, #tpu.memory_space<hbm>> -> memref<1x128xi32, #tpu.memory_space<hbm>>
    %dma_start3A_37 = tpu.memref_squeeze %dma_start3A_36 : memref<1x128xi32, #tpu.memory_space<hbm>> -> memref<128xi32, #tpu.memory_space<hbm>>
    %dma_start3A_38 = tpu.memref_slice %arg10[%rem3A_30] : memref<4x!tpu.dma_semaphore, #tpu.memory_space<semaphore_mem>> -> memref<1x!tpu.dma_semaphore, #tpu.memory_space<semaphore_mem>>
    %dma_start3A_39 = tpu.memref_squeeze %dma_start3A_38 : memref<1x!tpu.dma_semaphore, #tpu.memory_space<semaphore_mem>> -> memref<!tpu.dma_semaphore, #tpu.memory_space<semaphore_mem>>
    %dma_start3A_40 = arith.constant 0 : i32
    %dma_start3A_41 = tpu.memref_slice %arg7[%rem3A_30, %dma_start3A_40] : memref<4x128xi32, #tpu.memory_space<vmem>> -> memref<1x128xi32, #tpu.memory_space<vmem>>
    %dma_start3A_42 = tpu.memref_squeeze %dma_start3A_41 : memref<1x128xi32, #tpu.memory_space<vmem>> -> memref<128xi32, #tpu.memory_space<vmem>>
    %dma_start3A_43 = arith.constant 0 : i32
    %dma_start3A_44 = tpu.memref_slice %arg2[%add3A_32, %dma_start3A_43] : memref<1250x128xi32, #tpu.memory_space<hbm>> -> memref<1x128xi32, #tpu.memory_space<hbm>>
    %dma_start3A_45 = tpu.memref_squeeze %dma_start3A_44 : memref<1x128xi32, #tpu.memory_space<hbm>> -> memref<128xi32, #tpu.memory_space<hbm>>
    tpu.enqueue_dma source(%dma_start3A_45 : memref<128xi32, #tpu.memory_space<hbm>>) target(%dma_start3A_42 : memref<128xi32, #tpu.memory_space<vmem>>) target_semaphore(%dma_start3A_39 : memref<!tpu.dma_semaphore, #tpu.memory_space<semaphore_mem>>)
    %add3A_46 = arith.constant 0 : i32
    %add3A_47 = arith.addi %add3A_5, %add3A_46 : i32
    %dma_start3A_48 = arith.constant 0 : i32
    %dma_start3A_49 = tpu.memref_slice %arg8[%rem3A_30, %dma_start3A_48] : memref<4x128xi32, #tpu.memory_space<vmem>> -> memref<1x128xi32, #tpu.memory_space<vmem>>
    %dma_start3A_50 = tpu.memref_squeeze %dma_start3A_49 : memref<1x128xi32, #tpu.memory_space<vmem>> -> memref<128xi32, #tpu.memory_space<vmem>>
    %dma_start3A_51 = arith.constant 0 : i32
    %dma_start3A_52 = tpu.memref_slice %arg3[%add3A_47, %dma_start3A_51] : memref<1250x128xi32, #tpu.memory_space<hbm>> -> memref<1x128xi32, #tpu.memory_space<hbm>>
    %dma_start3A_53 = tpu.memref_squeeze %dma_start3A_52 : memref<1x128xi32, #tpu.memory_space<hbm>> -> memref<128xi32, #tpu.memory_space<hbm>>
    %dma_start3A_54 = tpu.memref_slice %arg10[%rem3A_30] : memref<4x!tpu.dma_semaphore, #tpu.memory_space<semaphore_mem>> -> memref<1x!tpu.dma_semaphore, #tpu.memory_space<semaphore_mem>>
    %dma_start3A_55 = tpu.memref_squeeze %dma_start3A_54 : memref<1x!tpu.dma_semaphore, #tpu.memory_space<semaphore_mem>> -> memref<!tpu.dma_semaphore, #tpu.memory_space<semaphore_mem>>
    %dma_start3A_56 = arith.constant 0 : i32
    %dma_start3A_57 = tpu.memref_slice %arg8[%rem3A_30, %dma_start3A_56] : memref<4x128xi32, #tpu.memory_space<vmem>> -> memref<1x128xi32, #tpu.memory_space<vmem>>
    %dma_start3A_58 = tpu.memref_squeeze %dma_start3A_57 : memref<1x128xi32, #tpu.memory_space<vmem>> -> memref<128xi32, #tpu.memory_space<vmem>>
    %dma_start3A_59 = arith.constant 0 : i32
    %dma_start3A_60 = tpu.memref_slice %arg3[%add3A_47, %dma_start3A_59] : memref<1250x128xi32, #tpu.memory_space<hbm>> -> memref<1x128xi32, #tpu.memory_space<hbm>>
    %dma_start3A_61 = tpu.memref_squeeze %dma_start3A_60 : memref<1x128xi32, #tpu.memory_space<hbm>> -> memref<128xi32, #tpu.memory_space<hbm>>
    tpu.enqueue_dma source(%dma_start3A_61 : memref<128xi32, #tpu.memory_space<hbm>>) target(%dma_start3A_58 : memref<128xi32, #tpu.memory_space<vmem>>) target_semaphore(%dma_start3A_55 : memref<!tpu.dma_semaphore, #tpu.memory_space<semaphore_mem>>)
    %rem3A_62 = arith.constant 1 : i32
    %rem3A_63 = arith.constant 4 : i32
    %rem3A_64 = arith.remsi %rem3A_62, %rem3A_63 : i32
    %add3A_65 = arith.constant 1 : i32
    %add3A_66 = arith.addi %add3A_5, %add3A_65 : i32
    %dma_start3A_67 = arith.constant 0 : i32
    %dma_start3A_68 = tpu.memref_slice %arg7[%rem3A_64, %dma_start3A_67] : memref<4x128xi32, #tpu.memory_space<vmem>> -> memref<1x128xi32, #tpu.memory_space<vmem>>
    %dma_start3A_69 = tpu.memref_squeeze %dma_start3A_68 : memref<1x128xi32, #tpu.memory_space<vmem>> -> memref<128xi32, #tpu.memory_space<vmem>>
    %dma_start3A_70 = arith.constant 0 : i32
    %dma_start3A_71 = tpu.memref_slice %arg2[%add3A_66, %dma_start3A_70] : memref<1250x128xi32, #tpu.memory_space<hbm>> -> memref<1x128xi32, #tpu.memory_space<hbm>>
    %dma_start3A_72 = tpu.memref_squeeze %dma_start3A_71 : memref<1x128xi32, #tpu.memory_space<hbm>> -> memref<128xi32, #tpu.memory_space<hbm>>
    %dma_start3A_73 = tpu.memref_slice %arg10[%rem3A_64] : memref<4x!tpu.dma_semaphore, #tpu.memory_space<semaphore_mem>> -> memref<1x!tpu.dma_semaphore, #tpu.memory_space<semaphore_mem>>
    %dma_start3A_74 = tpu.memref_squeeze %dma_start3A_73 : memref<1x!tpu.dma_semaphore, #tpu.memory_space<semaphore_mem>> -> memref<!tpu.dma_semaphore, #tpu.memory_space<semaphore_mem>>
    %dma_start3A_75 = arith.constant 0 : i32
    %dma_start3A_76 = tpu.memref_slice %arg7[%rem3A_64, %dma_start3A_75] : memref<4x128xi32, #tpu.memory_space<vmem>> -> memref<1x128xi32, #tpu.memory_space<vmem>>
    %dma_start3A_77 = tpu.memref_squeeze %dma_start3A_76 : memref<1x128xi32, #tpu.memory_space<vmem>> -> memref<128xi32, #tpu.memory_space<vmem>>
    %dma_start3A_78 = arith.constant 0 : i32
    %dma_start3A_79 = tpu.memref_slice %arg2[%add3A_66, %dma_start3A_78] : memref<1250x128xi32, #tpu.memory_space<hbm>> -> memref<1x128xi32, #tpu.memory_space<hbm>>
    %dma_start3A_80 = tpu.memref_squeeze %dma_start3A_79 : memref<1x128xi32, #tpu.memory_space<hbm>> -> memref<128xi32, #tpu.memory_space<hbm>>
    tpu.enqueue_dma source(%dma_start3A_80 : memref<128xi32, #tpu.memory_space<hbm>>) target(%dma_start3A_77 : memref<128xi32, #tpu.memory_space<vmem>>) target_semaphore(%dma_start3A_74 : memref<!tpu.dma_semaphore, #tpu.memory_space<semaphore_mem>>)
    %add3A_81 = arith.constant 1 : i32
    %add3A_82 = arith.addi %add3A_5, %add3A_81 : i32
    %dma_start3A_83 = arith.constant 0 : i32
    %dma_start3A_84 = tpu.memref_slice %arg8[%rem3A_64, %dma_start3A_83] : memref<4x128xi32, #tpu.memory_space<vmem>> -> memref<1x128xi32, #tpu.memory_space<vmem>>
    %dma_start3A_85 = tpu.memref_squeeze %dma_start3A_84 : memref<1x128xi32, #tpu.memory_space<vmem>> -> memref<128xi32, #tpu.memory_space<vmem>>
    %dma_start3A_86 = arith.constant 0 : i32
    %dma_start3A_87 = tpu.memref_slice %arg3[%add3A_82, %dma_start3A_86] : memref<1250x128xi32, #tpu.memory_space<hbm>> -> memref<1x128xi32, #tpu.memory_space<hbm>>
    %dma_start3A_88 = tpu.memref_squeeze %dma_start3A_87 : memref<1x128xi32, #tpu.memory_space<hbm>> -> memref<128xi32, #tpu.memory_space<hbm>>
    %dma_start3A_89 = tpu.memref_slice %arg10[%rem3A_64] : memref<4x!tpu.dma_semaphore, #tpu.memory_space<semaphore_mem>> -> memref<1x!tpu.dma_semaphore, #tpu.memory_space<semaphore_mem>>
    %dma_start3A_90 = tpu.memref_squeeze %dma_start3A_89 : memref<1x!tpu.dma_semaphore, #tpu.memory_space<semaphore_mem>> -> memref<!tpu.dma_semaphore, #tpu.memory_space<semaphore_mem>>
    %dma_start3A_91 = arith.constant 0 : i32
    %dma_start3A_92 = tpu.memref_slice %arg8[%rem3A_64, %dma_start3A_91] : memref<4x128xi32, #tpu.memory_space<vmem>> -> memref<1x128xi32, #tpu.memory_space<vmem>>
    %dma_start3A_93 = tpu.memref_squeeze %dma_start3A_92 : memref<1x128xi32, #tpu.memory_space<vmem>> -> memref<128xi32, #tpu.memory_space<vmem>>
    %dma_start3A_94 = arith.constant 0 : i32
    %dma_start3A_95 = tpu.memref_slice %arg3[%add3A_82, %dma_start3A_94] : memref<1250x128xi32, #tpu.memory_space<hbm>> -> memref<1x128xi32, #tpu.memory_space<hbm>>
    %dma_start3A_96 = tpu.memref_squeeze %dma_start3A_95 : memref<1x128xi32, #tpu.memory_space<hbm>> -> memref<128xi32, #tpu.memory_space<hbm>>
    tpu.enqueue_dma source(%dma_start3A_96 : memref<128xi32, #tpu.memory_space<hbm>>) target(%dma_start3A_93 : memref<128xi32, #tpu.memory_space<vmem>>) target_semaphore(%dma_start3A_90 : memref<!tpu.dma_semaphore, #tpu.memory_space<semaphore_mem>>)
    %rem3A_97 = arith.constant 0 : i32
    %rem3A_98 = arith.constant 4 : i32
    %rem3A_99 = arith.remsi %rem3A_97, %rem3A_98 : i32
    %add3A_100 = arith.constant 0 : i32
    %add3A_101 = arith.addi %add3A_5, %add3A_100 : i32
    %dma_wait3A = arith.constant 0 : i32
    %dma_wait3A_102 = tpu.memref_slice %arg7[%rem3A_99, %dma_wait3A] : memref<4x128xi32, #tpu.memory_space<vmem>> -> memref<1x128xi32, #tpu.memory_space<vmem>>
    %dma_wait3A_103 = tpu.memref_squeeze %dma_wait3A_102 : memref<1x128xi32, #tpu.memory_space<vmem>> -> memref<128xi32, #tpu.memory_space<vmem>>
    %dma_wait3A_104 = arith.constant 0 : i32
    %dma_wait3A_105 = tpu.memref_slice %arg2[%add3A_101, %dma_wait3A_104] : memref<1250x128xi32, #tpu.memory_space<hbm>> -> memref<1x128xi32, #tpu.memory_space<hbm>>
    %dma_wait3A_106 = tpu.memref_squeeze %dma_wait3A_105 : memref<1x128xi32, #tpu.memory_space<hbm>> -> memref<128xi32, #tpu.memory_space<hbm>>
    %dma_wait3A_107 = tpu.memref_slice %arg10[%rem3A_99] : memref<4x!tpu.dma_semaphore, #tpu.memory_space<semaphore_mem>> -> memref<1x!tpu.dma_semaphore, #tpu.memory_space<semaphore_mem>>
    %dma_wait3A_108 = tpu.memref_squeeze %dma_wait3A_107 : memref<1x!tpu.dma_semaphore, #tpu.memory_space<semaphore_mem>> -> memref<!tpu.dma_semaphore, #tpu.memory_space<semaphore_mem>>
    %dma_wait3A_109 = arith.constant 0 : i32
    %dma_wait3A_110 = tpu.memref_slice %arg7[%rem3A_99, %dma_wait3A_109] : memref<4x128xi32, #tpu.memory_space<vmem>> -> memref<1x128xi32, #tpu.memory_space<vmem>>
    %dma_wait3A_111 = tpu.memref_squeeze %dma_wait3A_110 : memref<1x128xi32, #tpu.memory_space<vmem>> -> memref<128xi32, #tpu.memory_space<vmem>>
    %dma_wait3A_112 = arith.constant 0 : i32
    %dma_wait3A_113 = tpu.memref_slice %arg2[%add3A_101, %dma_wait3A_112] : memref<1250x128xi32, #tpu.memory_space<hbm>> -> memref<1x128xi32, #tpu.memory_space<hbm>>
    %dma_wait3A_114 = tpu.memref_squeeze %dma_wait3A_113 : memref<1x128xi32, #tpu.memory_space<hbm>> -> memref<128xi32, #tpu.memory_space<hbm>>
    tpu.wait_dma2 semaphore(%dma_wait3A_108 : memref<!tpu.dma_semaphore, #tpu.memory_space<semaphore_mem>>) src(%dma_wait3A_114 : memref<128xi32, #tpu.memory_space<hbm>>) dst(%dma_wait3A_111 : memref<128xi32, #tpu.memory_space<vmem>>)
    %add3A_115 = arith.constant 0 : i32
    %add3A_116 = arith.addi %add3A_5, %add3A_115 : i32
    %dma_wait3A_117 = arith.constant 0 : i32
    %dma_wait3A_118 = tpu.memref_slice %arg8[%rem3A_99, %dma_wait3A_117] : memref<4x128xi32, #tpu.memory_space<vmem>> -> memref<1x128xi32, #tpu.memory_space<vmem>>
    %dma_wait3A_119 = tpu.memref_squeeze %dma_wait3A_118 : memref<1x128xi32, #tpu.memory_space<vmem>> -> memref<128xi32, #tpu.memory_space<vmem>>
    %dma_wait3A_120 = arith.constant 0 : i32
    %dma_wait3A_121 = tpu.memref_slice %arg3[%add3A_116, %dma_wait3A_120] : memref<1250x128xi32, #tpu.memory_space<hbm>> -> memref<1x128xi32, #tpu.memory_space<hbm>>
    %dma_wait3A_122 = tpu.memref_squeeze %dma_wait3A_121 : memref<1x128xi32, #tpu.memory_space<hbm>> -> memref<128xi32, #tpu.memory_space<hbm>>
    %dma_wait3A_123 = tpu.memref_slice %arg10[%rem3A_99] : memref<4x!tpu.dma_semaphore, #tpu.memory_space<semaphore_mem>> -> memref<1x!tpu.dma_semaphore, #tpu.memory_space<semaphore_mem>>
    %dma_wait3A_124 = tpu.memref_squeeze %dma_wait3A_123 : memref<1x!tpu.dma_semaphore, #tpu.memory_space<semaphore_mem>> -> memref<!tpu.dma_semaphore, #tpu.memory_space<semaphore_mem>>
    %dma_wait3A_125 = arith.constant 0 : i32
    %dma_wait3A_126 = tpu.memref_slice %arg8[%rem3A_99, %dma_wait3A_125] : memref<4x128xi32, #tpu.memory_space<vmem>> -> memref<1x128xi32, #tpu.memory_space<vmem>>
    %dma_wait3A_127 = tpu.memref_squeeze %dma_wait3A_126 : memref<1x128xi32, #tpu.memory_space<vmem>> -> memref<128xi32, #tpu.memory_space<vmem>>
    %dma_wait3A_128 = arith.constant 0 : i32
    %dma_wait3A_129 = tpu.memref_slice %arg3[%add3A_116, %dma_wait3A_128] : memref<1250x128xi32, #tpu.memory_space<hbm>> -> memref<1x128xi32, #tpu.memory_space<hbm>>
    %dma_wait3A_130 = tpu.memref_squeeze %dma_wait3A_129 : memref<1x128xi32, #tpu.memory_space<hbm>> -> memref<128xi32, #tpu.memory_space<hbm>>
    tpu.wait_dma2 semaphore(%dma_wait3A_124 : memref<!tpu.dma_semaphore, #tpu.memory_space<semaphore_mem>>) src(%dma_wait3A_130 : memref<128xi32, #tpu.memory_space<hbm>>) dst(%dma_wait3A_127 : memref<128xi32, #tpu.memory_space<vmem>>)
    %rem3A_131 = arith.constant 0 : i32
    %rem3A_132 = arith.constant 4 : i32
    %rem3A_133 = arith.remsi %rem3A_131, %rem3A_132 : i32
    %dma_start3A_134 = arith.constant 0 : i32
    %dma_start3A_135 = arith.constant 0 : i32
    %dma_start3A_136 = arith.constant 0 : i32
    %dma_start3A_137 = arith.constant 0 : i32
    %dma_start3A_138 = tpu.memref_slice %arg9[%dma_start3A_134, %dma_start3A_136, %dma_start3A_137] : memref<2x128x128xf32, #tpu.memory_space<vmem>> -> memref<1x128x128xf32, #tpu.memory_space<vmem>>
    %dma_start3A_139 = tpu.memref_squeeze %dma_start3A_138 : memref<1x128x128xf32, #tpu.memory_space<vmem>> -> memref<128x128xf32, #tpu.memory_space<vmem>>
    %dma_start3A_140 = arith.constant 0 : i32
    %dma_start3A_141 = tpu.memref_slice %arg7[%rem3A_133, %dma_start3A_140] : memref<4x128xi32, #tpu.memory_space<vmem>> -> memref<1x128xi32, #tpu.memory_space<vmem>>
    %dma_start3A_142 = tpu.memref_squeeze %dma_start3A_141 : memref<1x128xi32, #tpu.memory_space<vmem>> -> memref<128xi32, #tpu.memory_space<vmem>>
    %dma_start3A_143 = arith.constant 0 : i32
    %dma_start3A_144 = arith.constant 0 : i32
    %dma_start3A_145 = tpu.memref_slice %arg4[%arg0, %dma_start3A_143, %dma_start3A_144] : memref<2x10000x128xf32, #tpu.memory_space<hbm>> -> memref<1x10000x128xf32, #tpu.memory_space<hbm>>
    %dma_start3A_146 = tpu.memref_squeeze %dma_start3A_145 : memref<1x10000x128xf32, #tpu.memory_space<hbm>> -> memref<10000x128xf32, #tpu.memory_space<hbm>>
    %dma_start3A_147 = arith.constant 0 : i32
    %dma_start3A_148 = arith.constant 0 : i32
    %dma_start3A_149 = tpu.memref_slice %dma_start3A_146[%dma_start3A_147, %dma_start3A_148] : memref<10000x128xf32, #tpu.memory_space<hbm>> -> memref<10000x128xf32, #tpu.memory_space<hbm>>
    %dma_start3A_150 = tpu.memref_slice %arg11[%dma_start3A_135] : memref<2x!tpu.dma_semaphore, #tpu.memory_space<semaphore_mem>> -> memref<1x!tpu.dma_semaphore, #tpu.memory_space<semaphore_mem>>
    %dma_start3A_151 = tpu.memref_squeeze %dma_start3A_150 : memref<1x!tpu.dma_semaphore, #tpu.memory_space<semaphore_mem>> -> memref<!tpu.dma_semaphore, #tpu.memory_space<semaphore_mem>>
    tpu.enqueue_indirect_dma source(%dma_start3A_149 : memref<10000x128xf32, #tpu.memory_space<hbm>>) target(%dma_start3A_139 : memref<128x128xf32, #tpu.memory_space<vmem>>) offsets(%dma_start3A_142 : memref<128xi32, #tpu.memory_space<vmem>>) semaphore(%dma_start3A_151 : memref<!tpu.dma_semaphore, #tpu.memory_space<semaphore_mem>>)
    %while3A = arith.constant 0 : i32
    %while3A_152 = arith.constant 0 : i32
    %while3A_153 = arith.subi %add3A_2, %while3A : i32
    %while3A_154 = arith.addi %while3A, %while3A_153 : i32
    %while3A_155 = arith.constant 1 : i32
    %while3A_156 = arith.divsi %while3A_153, %while3A_155 : i32
    %while3A_157 = arith.muli %while3A_156, %while3A_155 : i32
    %while3A_158 = arith.addi %while3A, %while3A_157 : i32
    %while3A_159 = arith.constant 1 : i32
    %while3A_160 = scf.for %while3A_212 = %while3A to %while3A_158 step %while3A_159 iter_args(%while3A_213 = %while3A_152) -> (i32)  : i32 {
      %rem3A_214 = arith.constant 2 : i32
      %rem3A_215 = arith.remsi %while3A_212, %rem3A_214 : i32
      %add3A_216 = arith.constant 1 : i32
      %add3A_217 = arith.addi %while3A_212, %add3A_216 : i32
      %rem3A_218 = arith.constant 2 : i32
      %rem3A_219 = arith.remsi %add3A_217, %rem3A_218 : i32
      %add3A_220 = arith.constant 1 : i32
      %add3A_221 = arith.addi %while3A_212, %add3A_220 : i32
      %lt3A_222 = arith.cmpi slt, %add3A_221, %add3A_2 : i32
      %convert_element_type3A_223 = arith.extui %lt3A_222 : i1 to i32
      %cond3A_224 = arith.constant 0 : i32
      %cond3A_225 = arith.cmpi ne, %convert_element_type3A_223, %cond3A_224 : i32
      scf.if %cond3A_225 {
        %ge3A = arith.constant 1 : i32
        %ge3A_265 = arith.cmpi sge, %while3A_212, %ge3A : i32
        %convert_element_type3A_266 = arith.extui %ge3A_265 : i1 to i32
        %cond3A_267 = arith.constant 0 : i32
        %cond3A_268 = arith.cmpi ne, %convert_element_type3A_266, %cond3A_267 : i32
        scf.if %cond3A_268 {
          %sub3A_323 = arith.constant 1 : i32
          %sub3A_324 = arith.subi %while3A_212, %sub3A_323 : i32
          %rem3A_325 = arith.constant 4 : i32
          %rem3A_326 = arith.remsi %sub3A_324, %rem3A_325 : i32
          %dma_wait3A_327 = arith.constant 0 : i32
          %dma_wait3A_328 = arith.constant 0 : i32
          %dma_wait3A_329 = tpu.memref_slice %arg9[%rem3A_219, %dma_wait3A_327, %dma_wait3A_328] : memref<2x128x128xf32, #tpu.memory_space<vmem>> -> memref<1x128x128xf32, #tpu.memory_space<vmem>>
          %dma_wait3A_330 = tpu.memref_squeeze %dma_wait3A_329 : memref<1x128x128xf32, #tpu.memory_space<vmem>> -> memref<128x128xf32, #tpu.memory_space<vmem>>
          %dma_wait3A_331 = arith.constant 0 : i32
          %dma_wait3A_332 = tpu.memref_slice %arg8[%rem3A_326, %dma_wait3A_331] : memref<4x128xi32, #tpu.memory_space<vmem>> -> memref<1x128xi32, #tpu.memory_space<vmem>>
          %dma_wait3A_333 = tpu.memref_squeeze %dma_wait3A_332 : memref<1x128xi32, #tpu.memory_space<vmem>> -> memref<128xi32, #tpu.memory_space<vmem>>
          %dma_wait3A_334 = arith.constant 0 : i32
          %dma_wait3A_335 = arith.constant 0 : i32
          %dma_wait3A_336 = tpu.memref_slice %arg6[%dma_wait3A_334, %dma_wait3A_335] : memref<10000x128xf32, #tpu.memory_space<vmem_shared>> -> memref<10000x128xf32, #tpu.memory_space<vmem_shared>>
          %dma_wait3A_337 = tpu.memref_slice %arg12[%rem3A_219] : memref<2x!tpu.dma_semaphore, #tpu.memory_space<semaphore_mem>> -> memref<1x!tpu.dma_semaphore, #tpu.memory_space<semaphore_mem>>
          %dma_wait3A_338 = tpu.memref_squeeze %dma_wait3A_337 : memref<1x!tpu.dma_semaphore, #tpu.memory_space<semaphore_mem>> -> memref<!tpu.dma_semaphore, #tpu.memory_space<semaphore_mem>>
          tpu.wait_indirect_dma semaphore(%dma_wait3A_338 : memref<!tpu.dma_semaphore, #tpu.memory_space<semaphore_mem>>) src(%dma_wait3A_330 : memref<128x128xf32, #tpu.memory_space<vmem>>) dst(%dma_wait3A_336 : memref<10000x128xf32, #tpu.memory_space<vmem_shared>>)
        } else {
        }
        %add3A_269 = arith.constant 1 : i32
        %add3A_270 = arith.addi %while3A_212, %add3A_269 : i32
        %rem3A_271 = arith.constant 4 : i32
        %rem3A_272 = arith.remsi %add3A_270, %rem3A_271 : i32
        %add3A_273 = arith.addi %add3A_5, %add3A_270 : i32
        %dma_wait3A_274 = arith.constant 0 : i32
        %dma_wait3A_275 = tpu.memref_slice %arg7[%rem3A_272, %dma_wait3A_274] : memref<4x128xi32, #tpu.memory_space<vmem>> -> memref<1x128xi32, #tpu.memory_space<vmem>>
        %dma_wait3A_276 = tpu.memref_squeeze %dma_wait3A_275 : memref<1x128xi32, #tpu.memory_space<vmem>> -> memref<128xi32, #tpu.memory_space<vmem>>
        %dma_wait3A_277 = arith.constant 0 : i32
        %dma_wait3A_278 = tpu.memref_slice %arg2[%add3A_273, %dma_wait3A_277] : memref<1250x128xi32, #tpu.memory_space<hbm>> -> memref<1x128xi32, #tpu.memory_space<hbm>>
        %dma_wait3A_279 = tpu.memref_squeeze %dma_wait3A_278 : memref<1x128xi32, #tpu.memory_space<hbm>> -> memref<128xi32, #tpu.memory_space<hbm>>
        %dma_wait3A_280 = tpu.memref_slice %arg10[%rem3A_272] : memref<4x!tpu.dma_semaphore, #tpu.memory_space<semaphore_mem>> -> memref<1x!tpu.dma_semaphore, #tpu.memory_space<semaphore_mem>>
        %dma_wait3A_281 = tpu.memref_squeeze %dma_wait3A_280 : memref<1x!tpu.dma_semaphore, #tpu.memory_space<semaphore_mem>> -> memref<!tpu.dma_semaphore, #tpu.memory_space<semaphore_mem>>
        %dma_wait3A_282 = arith.constant 0 : i32
        %dma_wait3A_283 = tpu.memref_slice %arg7[%rem3A_272, %dma_wait3A_282] : memref<4x128xi32, #tpu.memory_space<vmem>> -> memref<1x128xi32, #tpu.memory_space<vmem>>
        %dma_wait3A_284 = tpu.memref_squeeze %dma_wait3A_283 : memref<1x128xi32, #tpu.memory_space<vmem>> -> memref<128xi32, #tpu.memory_space<vmem>>
        %dma_wait3A_285 = arith.constant 0 : i32
        %dma_wait3A_286 = tpu.memref_slice %arg2[%add3A_273, %dma_wait3A_285] : memref<1250x128xi32, #tpu.memory_space<hbm>> -> memref<1x128xi32, #tpu.memory_space<hbm>>
        %dma_wait3A_287 = tpu.memref_squeeze %dma_wait3A_286 : memref<1x128xi32, #tpu.memory_space<hbm>> -> memref<128xi32, #tpu.memory_space<hbm>>
        tpu.wait_dma2 semaphore(%dma_wait3A_281 : memref<!tpu.dma_semaphore, #tpu.memory_space<semaphore_mem>>) src(%dma_wait3A_287 : memref<128xi32, #tpu.memory_space<hbm>>) dst(%dma_wait3A_284 : memref<128xi32, #tpu.memory_space<vmem>>)
        %add3A_288 = arith.addi %add3A_5, %add3A_270 : i32
        %dma_wait3A_289 = arith.constant 0 : i32
        %dma_wait3A_290 = tpu.memref_slice %arg8[%rem3A_272, %dma_wait3A_289] : memref<4x128xi32, #tpu.memory_space<vmem>> -> memref<1x128xi32, #tpu.memory_space<vmem>>
        %dma_wait3A_291 = tpu.memref_squeeze %dma_wait3A_290 : memref<1x128xi32, #tpu.memory_space<vmem>> -> memref<128xi32, #tpu.memory_space<vmem>>
        %dma_wait3A_292 = arith.constant 0 : i32
        %dma_wait3A_293 = tpu.memref_slice %arg3[%add3A_288, %dma_wait3A_292] : memref<1250x128xi32, #tpu.memory_space<hbm>> -> memref<1x128xi32, #tpu.memory_space<hbm>>
        %dma_wait3A_294 = tpu.memref_squeeze %dma_wait3A_293 : memref<1x128xi32, #tpu.memory_space<hbm>> -> memref<128xi32, #tpu.memory_space<hbm>>
        %dma_wait3A_295 = tpu.memref_slice %arg10[%rem3A_272] : memref<4x!tpu.dma_semaphore, #tpu.memory_space<semaphore_mem>> -> memref<1x!tpu.dma_semaphore, #tpu.memory_space<semaphore_mem>>
        %dma_wait3A_296 = tpu.memref_squeeze %dma_wait3A_295 : memref<1x!tpu.dma_semaphore, #tpu.memory_space<semaphore_mem>> -> memref<!tpu.dma_semaphore, #tpu.memory_space<semaphore_mem>>
        %dma_wait3A_297 = arith.constant 0 : i32
        %dma_wait3A_298 = tpu.memref_slice %arg8[%rem3A_272, %dma_wait3A_297] : memref<4x128xi32, #tpu.memory_space<vmem>> -> memref<1x128xi32, #tpu.memory_space<vmem>>
        %dma_wait3A_299 = tpu.memref_squeeze %dma_wait3A_298 : memref<1x128xi32, #tpu.memory_space<vmem>> -> memref<128xi32, #tpu.memory_space<vmem>>
        %dma_wait3A_300 = arith.constant 0 : i32
        %dma_wait3A_301 = tpu.memref_slice %arg3[%add3A_288, %dma_wait3A_300] : memref<1250x128xi32, #tpu.memory_space<hbm>> -> memref<1x128xi32, #tpu.memory_space<hbm>>
        %dma_wait3A_302 = tpu.memref_squeeze %dma_wait3A_301 : memref<1x128xi32, #tpu.memory_space<hbm>> -> memref<128xi32, #tpu.memory_space<hbm>>
        tpu.wait_dma2 semaphore(%dma_wait3A_296 : memref<!tpu.dma_semaphore, #tpu.memory_space<semaphore_mem>>) src(%dma_wait3A_302 : memref<128xi32, #tpu.memory_space<hbm>>) dst(%dma_wait3A_299 : memref<128xi32, #tpu.memory_space<vmem>>)
        %add3A_303 = arith.constant 1 : i32
        %add3A_304 = arith.addi %while3A_212, %add3A_303 : i32
        %rem3A_305 = arith.constant 4 : i32
        %rem3A_306 = arith.remsi %add3A_304, %rem3A_305 : i32
        %dma_start3A_307 = arith.constant 0 : i32
        %dma_start3A_308 = arith.constant 0 : i32
        %dma_start3A_309 = tpu.memref_slice %arg9[%rem3A_219, %dma_start3A_307, %dma_start3A_308] : memref<2x128x128xf32, #tpu.memory_space<vmem>> -> memref<1x128x128xf32, #tpu.memory_space<vmem>>
        %dma_start3A_310 = tpu.memref_squeeze %dma_start3A_309 : memref<1x128x128xf32, #tpu.memory_space<vmem>> -> memref<128x128xf32, #tpu.memory_space<vmem>>
        %dma_start3A_311 = arith.constant 0 : i32
        %dma_start3A_312 = tpu.memref_slice %arg7[%rem3A_306, %dma_start3A_311] : memref<4x128xi32, #tpu.memory_space<vmem>> -> memref<1x128xi32, #tpu.memory_space<vmem>>
        %dma_start3A_313 = tpu.memref_squeeze %dma_start3A_312 : memref<1x128xi32, #tpu.memory_space<vmem>> -> memref<128xi32, #tpu.memory_space<vmem>>
        %dma_start3A_314 = arith.constant 0 : i32
        %dma_start3A_315 = arith.constant 0 : i32
        %dma_start3A_316 = tpu.memref_slice %arg4[%arg0, %dma_start3A_314, %dma_start3A_315] : memref<2x10000x128xf32, #tpu.memory_space<hbm>> -> memref<1x10000x128xf32, #tpu.memory_space<hbm>>
        %dma_start3A_317 = tpu.memref_squeeze %dma_start3A_316 : memref<1x10000x128xf32, #tpu.memory_space<hbm>> -> memref<10000x128xf32, #tpu.memory_space<hbm>>
        %dma_start3A_318 = arith.constant 0 : i32
        %dma_start3A_319 = arith.constant 0 : i32
        %dma_start3A_320 = tpu.memref_slice %dma_start3A_317[%dma_start3A_318, %dma_start3A_319] : memref<10000x128xf32, #tpu.memory_space<hbm>> -> memref<10000x128xf32, #tpu.memory_space<hbm>>
        %dma_start3A_321 = tpu.memref_slice %arg11[%rem3A_219] : memref<2x!tpu.dma_semaphore, #tpu.memory_space<semaphore_mem>> -> memref<1x!tpu.dma_semaphore, #tpu.memory_space<semaphore_mem>>
        %dma_start3A_322 = tpu.memref_squeeze %dma_start3A_321 : memref<1x!tpu.dma_semaphore, #tpu.memory_space<semaphore_mem>> -> memref<!tpu.dma_semaphore, #tpu.memory_space<semaphore_mem>>
        tpu.enqueue_indirect_dma source(%dma_start3A_320 : memref<10000x128xf32, #tpu.memory_space<hbm>>) target(%dma_start3A_310 : memref<128x128xf32, #tpu.memory_space<vmem>>) offsets(%dma_start3A_313 : memref<128xi32, #tpu.memory_space<vmem>>) semaphore(%dma_start3A_322 : memref<!tpu.dma_semaphore, #tpu.memory_space<semaphore_mem>>)
      } else {
      }
      %rem3A_226 = arith.constant 4 : i32
      %rem3A_227 = arith.remsi %while3A_212, %rem3A_226 : i32
      %dma_wait3A_228 = arith.constant 0 : i32
      %dma_wait3A_229 = arith.constant 0 : i32
      %dma_wait3A_230 = tpu.memref_slice %arg9[%rem3A_215, %dma_wait3A_228, %dma_wait3A_229] : memref<2x128x128xf32, #tpu.memory_space<vmem>> -> memref<1x128x128xf32, #tpu.memory_space<vmem>>
      %dma_wait3A_231 = tpu.memref_squeeze %dma_wait3A_230 : memref<1x128x128xf32, #tpu.memory_space<vmem>> -> memref<128x128xf32, #tpu.memory_space<vmem>>
      %dma_wait3A_232 = arith.constant 0 : i32
      %dma_wait3A_233 = tpu.memref_slice %arg7[%rem3A_227, %dma_wait3A_232] : memref<4x128xi32, #tpu.memory_space<vmem>> -> memref<1x128xi32, #tpu.memory_space<vmem>>
      %dma_wait3A_234 = tpu.memref_squeeze %dma_wait3A_233 : memref<1x128xi32, #tpu.memory_space<vmem>> -> memref<128xi32, #tpu.memory_space<vmem>>
      %dma_wait3A_235 = arith.constant 0 : i32
      %dma_wait3A_236 = arith.constant 0 : i32
      %dma_wait3A_237 = tpu.memref_slice %arg4[%arg0, %dma_wait3A_235, %dma_wait3A_236] : memref<2x10000x128xf32, #tpu.memory_space<hbm>> -> memref<1x10000x128xf32, #tpu.memory_space<hbm>>
      %dma_wait3A_238 = tpu.memref_squeeze %dma_wait3A_237 : memref<1x10000x128xf32, #tpu.memory_space<hbm>> -> memref<10000x128xf32, #tpu.memory_space<hbm>>
      %dma_wait3A_239 = arith.constant 0 : i32
      %dma_wait3A_240 = arith.constant 0 : i32
      %dma_wait3A_241 = tpu.memref_slice %dma_wait3A_238[%dma_wait3A_239, %dma_wait3A_240] : memref<10000x128xf32, #tpu.memory_space<hbm>> -> memref<10000x128xf32, #tpu.memory_space<hbm>>
      %dma_wait3A_242 = tpu.memref_slice %arg11[%rem3A_215] : memref<2x!tpu.dma_semaphore, #tpu.memory_space<semaphore_mem>> -> memref<1x!tpu.dma_semaphore, #tpu.memory_space<semaphore_mem>>
      %dma_wait3A_243 = tpu.memref_squeeze %dma_wait3A_242 : memref<1x!tpu.dma_semaphore, #tpu.memory_space<semaphore_mem>> -> memref<!tpu.dma_semaphore, #tpu.memory_space<semaphore_mem>>
      tpu.wait_indirect_dma semaphore(%dma_wait3A_243 : memref<!tpu.dma_semaphore, #tpu.memory_space<semaphore_mem>>) src(%dma_wait3A_241 : memref<10000x128xf32, #tpu.memory_space<hbm>>) dst(%dma_wait3A_231 : memref<128x128xf32, #tpu.memory_space<vmem>>)
      %rem3A_244 = arith.constant 4 : i32
      %rem3A_245 = arith.remsi %while3A_212, %rem3A_244 : i32
      %dma_start3A_246 = arith.constant 0 : i32
      %dma_start3A_247 = arith.constant 0 : i32
      %dma_start3A_248 = tpu.memref_slice %arg9[%rem3A_215, %dma_start3A_246, %dma_start3A_247] : memref<2x128x128xf32, #tpu.memory_space<vmem>> -> memref<1x128x128xf32, #tpu.memory_space<vmem>>
      %dma_start3A_249 = tpu.memref_squeeze %dma_start3A_248 : memref<1x128x128xf32, #tpu.memory_space<vmem>> -> memref<128x128xf32, #tpu.memory_space<vmem>>
      %dma_start3A_250 = arith.constant 0 : i32
      %dma_start3A_251 = tpu.memref_slice %arg8[%rem3A_245, %dma_start3A_250] : memref<4x128xi32, #tpu.memory_space<vmem>> -> memref<1x128xi32, #tpu.memory_space<vmem>>
      %dma_start3A_252 = tpu.memref_squeeze %dma_start3A_251 : memref<1x128xi32, #tpu.memory_space<vmem>> -> memref<128xi32, #tpu.memory_space<vmem>>
      %dma_start3A_253 = arith.constant 0 : i32
      %dma_start3A_254 = arith.constant 0 : i32
      %dma_start3A_255 = tpu.memref_slice %arg6[%dma_start3A_253, %dma_start3A_254] : memref<10000x128xf32, #tpu.memory_space<vmem_shared>> -> memref<10000x128xf32, #tpu.memory_space<vmem_shared>>
      %dma_start3A_256 = tpu.memref_slice %arg12[%rem3A_215] : memref<2x!tpu.dma_semaphore, #tpu.memory_space<semaphore_mem>> -> memref<1x!tpu.dma_semaphore, #tpu.memory_space<semaphore_mem>>
      %dma_start3A_257 = tpu.memref_squeeze %dma_start3A_256 : memref<1x!tpu.dma_semaphore, #tpu.memory_space<semaphore_mem>> -> memref<!tpu.dma_semaphore, #tpu.memory_space<semaphore_mem>>
      tpu.enqueue_indirect_dma source(%dma_start3A_249 : memref<128x128xf32, #tpu.memory_space<vmem>>) target(%dma_start3A_255 : memref<10000x128xf32, #tpu.memory_space<vmem_shared>>) offsets(%dma_start3A_252 : memref<128xi32, #tpu.memory_space<vmem>>) semaphore(%dma_start3A_257 : memref<!tpu.dma_semaphore, #tpu.memory_space<semaphore_mem>>) {add = true}
      %add3A_258 = arith.constant 2 : i32
      %add3A_259 = arith.addi %while3A_212, %add3A_258 : i32
      %lt3A_260 = arith.cmpi slt, %add3A_259, %add3A_2 : i32
      %convert_element_type3A_261 = arith.extui %lt3A_260 : i1 to i32
      %cond3A_262 = arith.constant 0 : i32
      %cond3A_263 = arith.cmpi ne, %convert_element_type3A_261, %cond3A_262 : i32
      scf.if %cond3A_263 {
        %add3A_265 = arith.constant 2 : i32
        %add3A_266 = arith.addi %while3A_212, %add3A_265 : i32
        %rem3A_267 = arith.constant 4 : i32
        %rem3A_268 = arith.remsi %add3A_266, %rem3A_267 : i32
        %add3A_269 = arith.addi %add3A_5, %add3A_266 : i32
        %dma_start3A_270 = arith.constant 0 : i32
        %dma_start3A_271 = tpu.memref_slice %arg7[%rem3A_268, %dma_start3A_270] : memref<4x128xi32, #tpu.memory_space<vmem>> -> memref<1x128xi32, #tpu.memory_space<vmem>>
        %dma_start3A_272 = tpu.memref_squeeze %dma_start3A_271 : memref<1x128xi32, #tpu.memory_space<vmem>> -> memref<128xi32, #tpu.memory_space<vmem>>
        %dma_start3A_273 = arith.constant 0 : i32
        %dma_start3A_274 = tpu.memref_slice %arg2[%add3A_269, %dma_start3A_273] : memref<1250x128xi32, #tpu.memory_space<hbm>> -> memref<1x128xi32, #tpu.memory_space<hbm>>
        %dma_start3A_275 = tpu.memref_squeeze %dma_start3A_274 : memref<1x128xi32, #tpu.memory_space<hbm>> -> memref<128xi32, #tpu.memory_space<hbm>>
        %dma_start3A_276 = tpu.memref_slice %arg10[%rem3A_268] : memref<4x!tpu.dma_semaphore, #tpu.memory_space<semaphore_mem>> -> memref<1x!tpu.dma_semaphore, #tpu.memory_space<semaphore_mem>>
        %dma_start3A_277 = tpu.memref_squeeze %dma_start3A_276 : memref<1x!tpu.dma_semaphore, #tpu.memory_space<semaphore_mem>> -> memref<!tpu.dma_semaphore, #tpu.memory_space<semaphore_mem>>
        %dma_start3A_278 = arith.constant 0 : i32
        %dma_start3A_279 = tpu.memref_slice %arg7[%rem3A_268, %dma_start3A_278] : memref<4x128xi32, #tpu.memory_space<vmem>> -> memref<1x128xi32, #tpu.memory_space<vmem>>
        %dma_start3A_280 = tpu.memref_squeeze %dma_start3A_279 : memref<1x128xi32, #tpu.memory_space<vmem>> -> memref<128xi32, #tpu.memory_space<vmem>>
        %dma_start3A_281 = arith.constant 0 : i32
        %dma_start3A_282 = tpu.memref_slice %arg2[%add3A_269, %dma_start3A_281] : memref<1250x128xi32, #tpu.memory_space<hbm>> -> memref<1x128xi32, #tpu.memory_space<hbm>>
        %dma_start3A_283 = tpu.memref_squeeze %dma_start3A_282 : memref<1x128xi32, #tpu.memory_space<hbm>> -> memref<128xi32, #tpu.memory_space<hbm>>
        tpu.enqueue_dma source(%dma_start3A_283 : memref<128xi32, #tpu.memory_space<hbm>>) target(%dma_start3A_280 : memref<128xi32, #tpu.memory_space<vmem>>) target_semaphore(%dma_start3A_277 : memref<!tpu.dma_semaphore, #tpu.memory_space<semaphore_mem>>)
        %add3A_284 = arith.addi %add3A_5, %add3A_266 : i32
        %dma_start3A_285 = arith.constant 0 : i32
        %dma_start3A_286 = tpu.memref_slice %arg8[%rem3A_268, %dma_start3A_285] : memref<4x128xi32, #tpu.memory_space<vmem>> -> memref<1x128xi32, #tpu.memory_space<vmem>>
        %dma_start3A_287 = tpu.memref_squeeze %dma_start3A_286 : memref<1x128xi32, #tpu.memory_space<vmem>> -> memref<128xi32, #tpu.memory_space<vmem>>
        %dma_start3A_288 = arith.constant 0 : i32
        %dma_start3A_289 = tpu.memref_slice %arg3[%add3A_284, %dma_start3A_288] : memref<1250x128xi32, #tpu.memory_space<hbm>> -> memref<1x128xi32, #tpu.memory_space<hbm>>
        %dma_start3A_290 = tpu.memref_squeeze %dma_start3A_289 : memref<1x128xi32, #tpu.memory_space<hbm>> -> memref<128xi32, #tpu.memory_space<hbm>>
        %dma_start3A_291 = tpu.memref_slice %arg10[%rem3A_268] : memref<4x!tpu.dma_semaphore, #tpu.memory_space<semaphore_mem>> -> memref<1x!tpu.dma_semaphore, #tpu.memory_space<semaphore_mem>>
        %dma_start3A_292 = tpu.memref_squeeze %dma_start3A_291 : memref<1x!tpu.dma_semaphore, #tpu.memory_space<semaphore_mem>> -> memref<!tpu.dma_semaphore, #tpu.memory_space<semaphore_mem>>
        %dma_start3A_293 = arith.constant 0 : i32
        %dma_start3A_294 = tpu.memref_slice %arg8[%rem3A_268, %dma_start3A_293] : memref<4x128xi32, #tpu.memory_space<vmem>> -> memref<1x128xi32, #tpu.memory_space<vmem>>
        %dma_start3A_295 = tpu.memref_squeeze %dma_start3A_294 : memref<1x128xi32, #tpu.memory_space<vmem>> -> memref<128xi32, #tpu.memory_space<vmem>>
        %dma_start3A_296 = arith.constant 0 : i32
        %dma_start3A_297 = tpu.memref_slice %arg3[%add3A_284, %dma_start3A_296] : memref<1250x128xi32, #tpu.memory_space<hbm>> -> memref<1x128xi32, #tpu.memory_space<hbm>>
        %dma_start3A_298 = tpu.memref_squeeze %dma_start3A_297 : memref<1x128xi32, #tpu.memory_space<hbm>> -> memref<128xi32, #tpu.memory_space<hbm>>
        tpu.enqueue_dma source(%dma_start3A_298 : memref<128xi32, #tpu.memory_space<hbm>>) target(%dma_start3A_295 : memref<128xi32, #tpu.memory_space<vmem>>) target_semaphore(%dma_start3A_292 : memref<!tpu.dma_semaphore, #tpu.memory_space<semaphore_mem>>)
      } else {
      }
      %while3A_264 = arith.constant 0 : i32
      scf.yield %while3A_264 : i32
    }
    %while3A_161 = arith.constant 1 : i32
    %while3A_162 = scf.for %while3A_212 = %while3A_158 to %while3A_154 step %while3A_161 iter_args(%while3A_213 = %while3A_160) -> (i32)  : i32 {
      %rem3A_214 = arith.constant 2 : i32
      %rem3A_215 = arith.remsi %while3A_212, %rem3A_214 : i32
      %add3A_216 = arith.constant 1 : i32
      %add3A_217 = arith.addi %while3A_212, %add3A_216 : i32
      %rem3A_218 = arith.constant 2 : i32
      %rem3A_219 = arith.remsi %add3A_217, %rem3A_218 : i32
      %add3A_220 = arith.constant 1 : i32
      %add3A_221 = arith.addi %while3A_212, %add3A_220 : i32
      %lt3A_222 = arith.cmpi slt, %add3A_221, %add3A_2 : i32
      %convert_element_type3A_223 = arith.extui %lt3A_222 : i1 to i32
      %cond3A_224 = arith.constant 0 : i32
      %cond3A_225 = arith.cmpi ne, %convert_element_type3A_223, %cond3A_224 : i32
      scf.if %cond3A_225 {
        %ge3A = arith.constant 1 : i32
        %ge3A_265 = arith.cmpi sge, %while3A_212, %ge3A : i32
        %convert_element_type3A_266 = arith.extui %ge3A_265 : i1 to i32
        %cond3A_267 = arith.constant 0 : i32
        %cond3A_268 = arith.cmpi ne, %convert_element_type3A_266, %cond3A_267 : i32
        scf.if %cond3A_268 {
          %sub3A_323 = arith.constant 1 : i32
          %sub3A_324 = arith.subi %while3A_212, %sub3A_323 : i32
          %rem3A_325 = arith.constant 4 : i32
          %rem3A_326 = arith.remsi %sub3A_324, %rem3A_325 : i32
          %dma_wait3A_327 = arith.constant 0 : i32
          %dma_wait3A_328 = arith.constant 0 : i32
          %dma_wait3A_329 = tpu.memref_slice %arg9[%rem3A_219, %dma_wait3A_327, %dma_wait3A_328] : memref<2x128x128xf32, #tpu.memory_space<vmem>> -> memref<1x128x128xf32, #tpu.memory_space<vmem>>
          %dma_wait3A_330 = tpu.memref_squeeze %dma_wait3A_329 : memref<1x128x128xf32, #tpu.memory_space<vmem>> -> memref<128x128xf32, #tpu.memory_space<vmem>>
          %dma_wait3A_331 = arith.constant 0 : i32
          %dma_wait3A_332 = tpu.memref_slice %arg8[%rem3A_326, %dma_wait3A_331] : memref<4x128xi32, #tpu.memory_space<vmem>> -> memref<1x128xi32, #tpu.memory_space<vmem>>
          %dma_wait3A_333 = tpu.memref_squeeze %dma_wait3A_332 : memref<1x128xi32, #tpu.memory_space<vmem>> -> memref<128xi32, #tpu.memory_space<vmem>>
          %dma_wait3A_334 = arith.constant 0 : i32
          %dma_wait3A_335 = arith.constant 0 : i32
          %dma_wait3A_336 = tpu.memref_slice %arg6[%dma_wait3A_334, %dma_wait3A_335] : memref<10000x128xf32, #tpu.memory_space<vmem_shared>> -> memref<10000x128xf32, #tpu.memory_space<vmem_shared>>
          %dma_wait3A_337 = tpu.memref_slice %arg12[%rem3A_219] : memref<2x!tpu.dma_semaphore, #tpu.memory_space<semaphore_mem>> -> memref<1x!tpu.dma_semaphore, #tpu.memory_space<semaphore_mem>>
          %dma_wait3A_338 = tpu.memref_squeeze %dma_wait3A_337 : memref<1x!tpu.dma_semaphore, #tpu.memory_space<semaphore_mem>> -> memref<!tpu.dma_semaphore, #tpu.memory_space<semaphore_mem>>
          tpu.wait_indirect_dma semaphore(%dma_wait3A_338 : memref<!tpu.dma_semaphore, #tpu.memory_space<semaphore_mem>>) src(%dma_wait3A_330 : memref<128x128xf32, #tpu.memory_space<vmem>>) dst(%dma_wait3A_336 : memref<10000x128xf32, #tpu.memory_space<vmem_shared>>)
        } else {
        }
        %add3A_269 = arith.constant 1 : i32
        %add3A_270 = arith.addi %while3A_212, %add3A_269 : i32
        %rem3A_271 = arith.constant 4 : i32
        %rem3A_272 = arith.remsi %add3A_270, %rem3A_271 : i32
        %add3A_273 = arith.addi %add3A_5, %add3A_270 : i32
        %dma_wait3A_274 = arith.constant 0 : i32
        %dma_wait3A_275 = tpu.memref_slice %arg7[%rem3A_272, %dma_wait3A_274] : memref<4x128xi32, #tpu.memory_space<vmem>> -> memref<1x128xi32, #tpu.memory_space<vmem>>
        %dma_wait3A_276 = tpu.memref_squeeze %dma_wait3A_275 : memref<1x128xi32, #tpu.memory_space<vmem>> -> memref<128xi32, #tpu.memory_space<vmem>>
        %dma_wait3A_277 = arith.constant 0 : i32
        %dma_wait3A_278 = tpu.memref_slice %arg2[%add3A_273, %dma_wait3A_277] : memref<1250x128xi32, #tpu.memory_space<hbm>> -> memref<1x128xi32, #tpu.memory_space<hbm>>
        %dma_wait3A_279 = tpu.memref_squeeze %dma_wait3A_278 : memref<1x128xi32, #tpu.memory_space<hbm>> -> memref<128xi32, #tpu.memory_space<hbm>>
        %dma_wait3A_280 = tpu.memref_slice %arg10[%rem3A_272] : memref<4x!tpu.dma_semaphore, #tpu.memory_space<semaphore_mem>> -> memref<1x!tpu.dma_semaphore, #tpu.memory_space<semaphore_mem>>
        %dma_wait3A_281 = tpu.memref_squeeze %dma_wait3A_280 : memref<1x!tpu.dma_semaphore, #tpu.memory_space<semaphore_mem>> -> memref<!tpu.dma_semaphore, #tpu.memory_space<semaphore_mem>>
        %dma_wait3A_282 = arith.constant 0 : i32
        %dma_wait3A_283 = tpu.memref_slice %arg7[%rem3A_272, %dma_wait3A_282] : memref<4x128xi32, #tpu.memory_space<vmem>> -> memref<1x128xi32, #tpu.memory_space<vmem>>
        %dma_wait3A_284 = tpu.memref_squeeze %dma_wait3A_283 : memref<1x128xi32, #tpu.memory_space<vmem>> -> memref<128xi32, #tpu.memory_space<vmem>>
        %dma_wait3A_285 = arith.constant 0 : i32
        %dma_wait3A_286 = tpu.memref_slice %arg2[%add3A_273, %dma_wait3A_285] : memref<1250x128xi32, #tpu.memory_space<hbm>> -> memref<1x128xi32, #tpu.memory_space<hbm>>
        %dma_wait3A_287 = tpu.memref_squeeze %dma_wait3A_286 : memref<1x128xi32, #tpu.memory_space<hbm>> -> memref<128xi32, #tpu.memory_space<hbm>>
        tpu.wait_dma2 semaphore(%dma_wait3A_281 : memref<!tpu.dma_semaphore, #tpu.memory_space<semaphore_mem>>) src(%dma_wait3A_287 : memref<128xi32, #tpu.memory_space<hbm>>) dst(%dma_wait3A_284 : memref<128xi32, #tpu.memory_space<vmem>>)
        %add3A_288 = arith.addi %add3A_5, %add3A_270 : i32
        %dma_wait3A_289 = arith.constant 0 : i32
        %dma_wait3A_290 = tpu.memref_slice %arg8[%rem3A_272, %dma_wait3A_289] : memref<4x128xi32, #tpu.memory_space<vmem>> -> memref<1x128xi32, #tpu.memory_space<vmem>>
        %dma_wait3A_291 = tpu.memref_squeeze %dma_wait3A_290 : memref<1x128xi32, #tpu.memory_space<vmem>> -> memref<128xi32, #tpu.memory_space<vmem>>
        %dma_wait3A_292 = arith.constant 0 : i32
        %dma_wait3A_293 = tpu.memref_slice %arg3[%add3A_288, %dma_wait3A_292] : memref<1250x128xi32, #tpu.memory_space<hbm>> -> memref<1x128xi32, #tpu.memory_space<hbm>>
        %dma_wait3A_294 = tpu.memref_squeeze %dma_wait3A_293 : memref<1x128xi32, #tpu.memory_space<hbm>> -> memref<128xi32, #tpu.memory_space<hbm>>
        %dma_wait3A_295 = tpu.memref_slice %arg10[%rem3A_272] : memref<4x!tpu.dma_semaphore, #tpu.memory_space<semaphore_mem>> -> memref<1x!tpu.dma_semaphore, #tpu.memory_space<semaphore_mem>>
        %dma_wait3A_296 = tpu.memref_squeeze %dma_wait3A_295 : memref<1x!tpu.dma_semaphore, #tpu.memory_space<semaphore_mem>> -> memref<!tpu.dma_semaphore, #tpu.memory_space<semaphore_mem>>
        %dma_wait3A_297 = arith.constant 0 : i32
        %dma_wait3A_298 = tpu.memref_slice %arg8[%rem3A_272, %dma_wait3A_297] : memref<4x128xi32, #tpu.memory_space<vmem>> -> memref<1x128xi32, #tpu.memory_space<vmem>>
        %dma_wait3A_299 = tpu.memref_squeeze %dma_wait3A_298 : memref<1x128xi32, #tpu.memory_space<vmem>> -> memref<128xi32, #tpu.memory_space<vmem>>
        %dma_wait3A_300 = arith.constant 0 : i32
        %dma_wait3A_301 = tpu.memref_slice %arg3[%add3A_288, %dma_wait3A_300] : memref<1250x128xi32, #tpu.memory_space<hbm>> -> memref<1x128xi32, #tpu.memory_space<hbm>>
        %dma_wait3A_302 = tpu.memref_squeeze %dma_wait3A_301 : memref<1x128xi32, #tpu.memory_space<hbm>> -> memref<128xi32, #tpu.memory_space<hbm>>
        tpu.wait_dma2 semaphore(%dma_wait3A_296 : memref<!tpu.dma_semaphore, #tpu.memory_space<semaphore_mem>>) src(%dma_wait3A_302 : memref<128xi32, #tpu.memory_space<hbm>>) dst(%dma_wait3A_299 : memref<128xi32, #tpu.memory_space<vmem>>)
        %add3A_303 = arith.constant 1 : i32
        %add3A_304 = arith.addi %while3A_212, %add3A_303 : i32
        %rem3A_305 = arith.constant 4 : i32
        %rem3A_306 = arith.remsi %add3A_304, %rem3A_305 : i32
        %dma_start3A_307 = arith.constant 0 : i32
        %dma_start3A_308 = arith.constant 0 : i32
        %dma_start3A_309 = tpu.memref_slice %arg9[%rem3A_219, %dma_start3A_307, %dma_start3A_308] : memref<2x128x128xf32, #tpu.memory_space<vmem>> -> memref<1x128x128xf32, #tpu.memory_space<vmem>>
        %dma_start3A_310 = tpu.memref_squeeze %dma_start3A_309 : memref<1x128x128xf32, #tpu.memory_space<vmem>> -> memref<128x128xf32, #tpu.memory_space<vmem>>
        %dma_start3A_311 = arith.constant 0 : i32
        %dma_start3A_312 = tpu.memref_slice %arg7[%rem3A_306, %dma_start3A_311] : memref<4x128xi32, #tpu.memory_space<vmem>> -> memref<1x128xi32, #tpu.memory_space<vmem>>
        %dma_start3A_313 = tpu.memref_squeeze %dma_start3A_312 : memref<1x128xi32, #tpu.memory_space<vmem>> -> memref<128xi32, #tpu.memory_space<vmem>>
        %dma_start3A_314 = arith.constant 0 : i32
        %dma_start3A_315 = arith.constant 0 : i32
        %dma_start3A_316 = tpu.memref_slice %arg4[%arg0, %dma_start3A_314, %dma_start3A_315] : memref<2x10000x128xf32, #tpu.memory_space<hbm>> -> memref<1x10000x128xf32, #tpu.memory_space<hbm>>
        %dma_start3A_317 = tpu.memref_squeeze %dma_start3A_316 : memref<1x10000x128xf32, #tpu.memory_space<hbm>> -> memref<10000x128xf32, #tpu.memory_space<hbm>>
        %dma_start3A_318 = arith.constant 0 : i32
        %dma_start3A_319 = arith.constant 0 : i32
        %dma_start3A_320 = tpu.memref_slice %dma_start3A_317[%dma_start3A_318, %dma_start3A_319] : memref<10000x128xf32, #tpu.memory_space<hbm>> -> memref<10000x128xf32, #tpu.memory_space<hbm>>
        %dma_start3A_321 = tpu.memref_slice %arg11[%rem3A_219] : memref<2x!tpu.dma_semaphore, #tpu.memory_space<semaphore_mem>> -> memref<1x!tpu.dma_semaphore, #tpu.memory_space<semaphore_mem>>
        %dma_start3A_322 = tpu.memref_squeeze %dma_start3A_321 : memref<1x!tpu.dma_semaphore, #tpu.memory_space<semaphore_mem>> -> memref<!tpu.dma_semaphore, #tpu.memory_space<semaphore_mem>>
        tpu.enqueue_indirect_dma source(%dma_start3A_320 : memref<10000x128xf32, #tpu.memory_space<hbm>>) target(%dma_start3A_310 : memref<128x128xf32, #tpu.memory_space<vmem>>) offsets(%dma_start3A_313 : memref<128xi32, #tpu.memory_space<vmem>>) semaphore(%dma_start3A_322 : memref<!tpu.dma_semaphore, #tpu.memory_space<semaphore_mem>>)
      } else {
      }
      %rem3A_226 = arith.constant 4 : i32
      %rem3A_227 = arith.remsi %while3A_212, %rem3A_226 : i32
      %dma_wait3A_228 = arith.constant 0 : i32
      %dma_wait3A_229 = arith.constant 0 : i32
      %dma_wait3A_230 = tpu.memref_slice %arg9[%rem3A_215, %dma_wait3A_228, %dma_wait3A_229] : memref<2x128x128xf32, #tpu.memory_space<vmem>> -> memref<1x128x128xf32, #tpu.memory_space<vmem>>
      %dma_wait3A_231 = tpu.memref_squeeze %dma_wait3A_230 : memref<1x128x128xf32, #tpu.memory_space<vmem>> -> memref<128x128xf32, #tpu.memory_space<vmem>>
      %dma_wait3A_232 = arith.constant 0 : i32
      %dma_wait3A_233 = tpu.memref_slice %arg7[%rem3A_227, %dma_wait3A_232] : memref<4x128xi32, #tpu.memory_space<vmem>> -> memref<1x128xi32, #tpu.memory_space<vmem>>
      %dma_wait3A_234 = tpu.memref_squeeze %dma_wait3A_233 : memref<1x128xi32, #tpu.memory_space<vmem>> -> memref<128xi32, #tpu.memory_space<vmem>>
      %dma_wait3A_235 = arith.constant 0 : i32
      %dma_wait3A_236 = arith.constant 0 : i32
      %dma_wait3A_237 = tpu.memref_slice %arg4[%arg0, %dma_wait3A_235, %dma_wait3A_236] : memref<2x10000x128xf32, #tpu.memory_space<hbm>> -> memref<1x10000x128xf32, #tpu.memory_space<hbm>>
      %dma_wait3A_238 = tpu.memref_squeeze %dma_wait3A_237 : memref<1x10000x128xf32, #tpu.memory_space<hbm>> -> memref<10000x128xf32, #tpu.memory_space<hbm>>
      %dma_wait3A_239 = arith.constant 0 : i32
      %dma_wait3A_240 = arith.constant 0 : i32
      %dma_wait3A_241 = tpu.memref_slice %dma_wait3A_238[%dma_wait3A_239, %dma_wait3A_240] : memref<10000x128xf32, #tpu.memory_space<hbm>> -> memref<10000x128xf32, #tpu.memory_space<hbm>>
      %dma_wait3A_242 = tpu.memref_slice %arg11[%rem3A_215] : memref<2x!tpu.dma_semaphore, #tpu.memory_space<semaphore_mem>> -> memref<1x!tpu.dma_semaphore, #tpu.memory_space<semaphore_mem>>
      %dma_wait3A_243 = tpu.memref_squeeze %dma_wait3A_242 : memref<1x!tpu.dma_semaphore, #tpu.memory_space<semaphore_mem>> -> memref<!tpu.dma_semaphore, #tpu.memory_space<semaphore_mem>>
      tpu.wait_indirect_dma semaphore(%dma_wait3A_243 : memref<!tpu.dma_semaphore, #tpu.memory_space<semaphore_mem>>) src(%dma_wait3A_241 : memref<10000x128xf32, #tpu.memory_space<hbm>>) dst(%dma_wait3A_231 : memref<128x128xf32, #tpu.memory_space<vmem>>)
      %rem3A_244 = arith.constant 4 : i32
      %rem3A_245 = arith.remsi %while3A_212, %rem3A_244 : i32
      %dma_start3A_246 = arith.constant 0 : i32
      %dma_start3A_247 = arith.constant 0 : i32
      %dma_start3A_248 = tpu.memref_slice %arg9[%rem3A_215, %dma_start3A_246, %dma_start3A_247] : memref<2x128x128xf32, #tpu.memory_space<vmem>> -> memref<1x128x128xf32, #tpu.memory_space<vmem>>
      %dma_start3A_249 = tpu.memref_squeeze %dma_start3A_248 : memref<1x128x128xf32, #tpu.memory_space<vmem>> -> memref<128x128xf32, #tpu.memory_space<vmem>>
      %dma_start3A_250 = arith.constant 0 : i32
      %dma_start3A_251 = tpu.memref_slice %arg8[%rem3A_245, %dma_start3A_250] : memref<4x128xi32, #tpu.memory_space<vmem>> -> memref<1x128xi32, #tpu.memory_space<vmem>>
      %dma_start3A_252 = tpu.memref_squeeze %dma_start3A_251 : memref<1x128xi32, #tpu.memory_space<vmem>> -> memref<128xi32, #tpu.memory_space<vmem>>
      %dma_start3A_253 = arith.constant 0 : i32
      %dma_start3A_254 = arith.constant 0 : i32
      %dma_start3A_255 = tpu.memref_slice %arg6[%dma_start3A_253, %dma_start3A_254] : memref<10000x128xf32, #tpu.memory_space<vmem_shared>> -> memref<10000x128xf32, #tpu.memory_space<vmem_shared>>
      %dma_start3A_256 = tpu.memref_slice %arg12[%rem3A_215] : memref<2x!tpu.dma_semaphore, #tpu.memory_space<semaphore_mem>> -> memref<1x!tpu.dma_semaphore, #tpu.memory_space<semaphore_mem>>
      %dma_start3A_257 = tpu.memref_squeeze %dma_start3A_256 : memref<1x!tpu.dma_semaphore, #tpu.memory_space<semaphore_mem>> -> memref<!tpu.dma_semaphore, #tpu.memory_space<semaphore_mem>>
      tpu.enqueue_indirect_dma source(%dma_start3A_249 : memref<128x128xf32, #tpu.memory_space<vmem>>) target(%dma_start3A_255 : memref<10000x128xf32, #tpu.memory_space<vmem_shared>>) offsets(%dma_start3A_252 : memref<128xi32, #tpu.memory_space<vmem>>) semaphore(%dma_start3A_257 : memref<!tpu.dma_semaphore, #tpu.memory_space<semaphore_mem>>) {add = true}
      %add3A_258 = arith.constant 2 : i32
      %add3A_259 = arith.addi %while3A_212, %add3A_258 : i32
      %lt3A_260 = arith.cmpi slt, %add3A_259, %add3A_2 : i32
      %convert_element_type3A_261 = arith.extui %lt3A_260 : i1 to i32
      %cond3A_262 = arith.constant 0 : i32
      %cond3A_263 = arith.cmpi ne, %convert_element_type3A_261, %cond3A_262 : i32
      scf.if %cond3A_263 {
        %add3A_265 = arith.constant 2 : i32
        %add3A_266 = arith.addi %while3A_212, %add3A_265 : i32
        %rem3A_267 = arith.constant 4 : i32
        %rem3A_268 = arith.remsi %add3A_266, %rem3A_267 : i32
        %add3A_269 = arith.addi %add3A_5, %add3A_266 : i32
        %dma_start3A_270 = arith.constant 0 : i32
        %dma_start3A_271 = tpu.memref_slice %arg7[%rem3A_268, %dma_start3A_270] : memref<4x128xi32, #tpu.memory_space<vmem>> -> memref<1x128xi32, #tpu.memory_space<vmem>>
        %dma_start3A_272 = tpu.memref_squeeze %dma_start3A_271 : memref<1x128xi32, #tpu.memory_space<vmem>> -> memref<128xi32, #tpu.memory_space<vmem>>
        %dma_start3A_273 = arith.constant 0 : i32
        %dma_start3A_274 = tpu.memref_slice %arg2[%add3A_269, %dma_start3A_273] : memref<1250x128xi32, #tpu.memory_space<hbm>> -> memref<1x128xi32, #tpu.memory_space<hbm>>
        %dma_start3A_275 = tpu.memref_squeeze %dma_start3A_274 : memref<1x128xi32, #tpu.memory_space<hbm>> -> memref<128xi32, #tpu.memory_space<hbm>>
        %dma_start3A_276 = tpu.memref_slice %arg10[%rem3A_268] : memref<4x!tpu.dma_semaphore, #tpu.memory_space<semaphore_mem>> -> memref<1x!tpu.dma_semaphore, #tpu.memory_space<semaphore_mem>>
        %dma_start3A_277 = tpu.memref_squeeze %dma_start3A_276 : memref<1x!tpu.dma_semaphore, #tpu.memory_space<semaphore_mem>> -> memref<!tpu.dma_semaphore, #tpu.memory_space<semaphore_mem>>
        %dma_start3A_278 = arith.constant 0 : i32
        %dma_start3A_279 = tpu.memref_slice %arg7[%rem3A_268, %dma_start3A_278] : memref<4x128xi32, #tpu.memory_space<vmem>> -> memref<1x128xi32, #tpu.memory_space<vmem>>
        %dma_start3A_280 = tpu.memref_squeeze %dma_start3A_279 : memref<1x128xi32, #tpu.memory_space<vmem>> -> memref<128xi32, #tpu.memory_space<vmem>>
        %dma_start3A_281 = arith.constant 0 : i32
        %dma_start3A_282 = tpu.memref_slice %arg2[%add3A_269, %dma_start3A_281] : memref<1250x128xi32, #tpu.memory_space<hbm>> -> memref<1x128xi32, #tpu.memory_space<hbm>>
        %dma_start3A_283 = tpu.memref_squeeze %dma_start3A_282 : memref<1x128xi32, #tpu.memory_space<hbm>> -> memref<128xi32, #tpu.memory_space<hbm>>
        tpu.enqueue_dma source(%dma_start3A_283 : memref<128xi32, #tpu.memory_space<hbm>>) target(%dma_start3A_280 : memref<128xi32, #tpu.memory_space<vmem>>) target_semaphore(%dma_start3A_277 : memref<!tpu.dma_semaphore, #tpu.memory_space<semaphore_mem>>)
        %add3A_284 = arith.addi %add3A_5, %add3A_266 : i32
        %dma_start3A_285 = arith.constant 0 : i32
        %dma_start3A_286 = tpu.memref_slice %arg8[%rem3A_268, %dma_start3A_285] : memref<4x128xi32, #tpu.memory_space<vmem>> -> memref<1x128xi32, #tpu.memory_space<vmem>>
        %dma_start3A_287 = tpu.memref_squeeze %dma_start3A_286 : memref<1x128xi32, #tpu.memory_space<vmem>> -> memref<128xi32, #tpu.memory_space<vmem>>
        %dma_start3A_288 = arith.constant 0 : i32
        %dma_start3A_289 = tpu.memref_slice %arg3[%add3A_284, %dma_start3A_288] : memref<1250x128xi32, #tpu.memory_space<hbm>> -> memref<1x128xi32, #tpu.memory_space<hbm>>
        %dma_start3A_290 = tpu.memref_squeeze %dma_start3A_289 : memref<1x128xi32, #tpu.memory_space<hbm>> -> memref<128xi32, #tpu.memory_space<hbm>>
        %dma_start3A_291 = tpu.memref_slice %arg10[%rem3A_268] : memref<4x!tpu.dma_semaphore, #tpu.memory_space<semaphore_mem>> -> memref<1x!tpu.dma_semaphore, #tpu.memory_space<semaphore_mem>>
        %dma_start3A_292 = tpu.memref_squeeze %dma_start3A_291 : memref<1x!tpu.dma_semaphore, #tpu.memory_space<semaphore_mem>> -> memref<!tpu.dma_semaphore, #tpu.memory_space<semaphore_mem>>
        %dma_start3A_293 = arith.constant 0 : i32
        %dma_start3A_294 = tpu.memref_slice %arg8[%rem3A_268, %dma_start3A_293] : memref<4x128xi32, #tpu.memory_space<vmem>> -> memref<1x128xi32, #tpu.memory_space<vmem>>
        %dma_start3A_295 = tpu.memref_squeeze %dma_start3A_294 : memref<1x128xi32, #tpu.memory_space<vmem>> -> memref<128xi32, #tpu.memory_space<vmem>>
        %dma_start3A_296 = arith.constant 0 : i32
        %dma_start3A_297 = tpu.memref_slice %arg3[%add3A_284, %dma_start3A_296] : memref<1250x128xi32, #tpu.memory_space<hbm>> -> memref<1x128xi32, #tpu.memory_space<hbm>>
        %dma_start3A_298 = tpu.memref_squeeze %dma_start3A_297 : memref<1x128xi32, #tpu.memory_space<hbm>> -> memref<128xi32, #tpu.memory_space<hbm>>
        tpu.enqueue_dma source(%dma_start3A_298 : memref<128xi32, #tpu.memory_space<hbm>>) target(%dma_start3A_295 : memref<128xi32, #tpu.memory_space<vmem>>) target_semaphore(%dma_start3A_292 : memref<!tpu.dma_semaphore, #tpu.memory_space<semaphore_mem>>)
      } else {
      }
      %while3A_264 = arith.constant 0 : i32
      scf.yield %while3A_264 : i32
    }
    %sub3A = arith.constant 2 : i32
    %sub3A_163 = arith.subi %add3A_2, %sub3A : i32
    %sub3A_164 = arith.constant 2 : i32
    %sub3A_165 = arith.subi %add3A_2, %sub3A_164 : i32
    %rem3A_166 = arith.constant 2 : i32
    %rem3A_167 = arith.remsi %sub3A_165, %rem3A_166 : i32
    %rem3A_168 = arith.constant 4 : i32
    %rem3A_169 = arith.remsi %sub3A_163, %rem3A_168 : i32
    %dma_wait3A_170 = arith.constant 0 : i32
    %dma_wait3A_171 = arith.constant 0 : i32
    %dma_wait3A_172 = tpu.memref_slice %arg9[%rem3A_167, %dma_wait3A_170, %dma_wait3A_171] : memref<2x128x128xf32, #tpu.memory_space<vmem>> -> memref<1x128x128xf32, #tpu.memory_space<vmem>>
    %dma_wait3A_173 = tpu.memref_squeeze %dma_wait3A_172 : memref<1x128x128xf32, #tpu.memory_space<vmem>> -> memref<128x128xf32, #tpu.memory_space<vmem>>
    %dma_wait3A_174 = arith.constant 0 : i32
    %dma_wait3A_175 = tpu.memref_slice %arg8[%rem3A_169, %dma_wait3A_174] : memref<4x128xi32, #tpu.memory_space<vmem>> -> memref<1x128xi32, #tpu.memory_space<vmem>>
    %dma_wait3A_176 = tpu.memref_squeeze %dma_wait3A_175 : memref<1x128xi32, #tpu.memory_space<vmem>> -> memref<128xi32, #tpu.memory_space<vmem>>
    %dma_wait3A_177 = arith.constant 0 : i32
    %dma_wait3A_178 = arith.constant 0 : i32
    %dma_wait3A_179 = tpu.memref_slice %arg6[%dma_wait3A_177, %dma_wait3A_178] : memref<10000x128xf32, #tpu.memory_space<vmem_shared>> -> memref<10000x128xf32, #tpu.memory_space<vmem_shared>>
    %dma_wait3A_180 = tpu.memref_slice %arg12[%rem3A_167] : memref<2x!tpu.dma_semaphore, #tpu.memory_space<semaphore_mem>> -> memref<1x!tpu.dma_semaphore, #tpu.memory_space<semaphore_mem>>
    %dma_wait3A_181 = tpu.memref_squeeze %dma_wait3A_180 : memref<1x!tpu.dma_semaphore, #tpu.memory_space<semaphore_mem>> -> memref<!tpu.dma_semaphore, #tpu.memory_space<semaphore_mem>>
    tpu.wait_indirect_dma semaphore(%dma_wait3A_181 : memref<!tpu.dma_semaphore, #tpu.memory_space<semaphore_mem>>) src(%dma_wait3A_173 : memref<128x128xf32, #tpu.memory_space<vmem>>) dst(%dma_wait3A_179 : memref<10000x128xf32, #tpu.memory_space<vmem_shared>>)
    %sub3A_182 = arith.constant 1 : i32
    %sub3A_183 = arith.subi %add3A_2, %sub3A_182 : i32
    %sub3A_184 = arith.constant 1 : i32
    %sub3A_185 = arith.subi %add3A_2, %sub3A_184 : i32
    %rem3A_186 = arith.constant 2 : i32
    %rem3A_187 = arith.remsi %sub3A_185, %rem3A_186 : i32
    %rem3A_188 = arith.constant 4 : i32
    %rem3A_189 = arith.remsi %sub3A_183, %rem3A_188 : i32
    %dma_wait3A_190 = arith.constant 0 : i32
    %dma_wait3A_191 = arith.constant 0 : i32
    %dma_wait3A_192 = tpu.memref_slice %arg9[%rem3A_187, %dma_wait3A_190, %dma_wait3A_191] : memref<2x128x128xf32, #tpu.memory_space<vmem>> -> memref<1x128x128xf32, #tpu.memory_space<vmem>>
    %dma_wait3A_193 = tpu.memref_squeeze %dma_wait3A_192 : memref<1x128x128xf32, #tpu.memory_space<vmem>> -> memref<128x128xf32, #tpu.memory_space<vmem>>
    %dma_wait3A_194 = arith.constant 0 : i32
    %dma_wait3A_195 = tpu.memref_slice %arg8[%rem3A_189, %dma_wait3A_194] : memref<4x128xi32, #tpu.memory_space<vmem>> -> memref<1x128xi32, #tpu.memory_space<vmem>>
    %dma_wait3A_196 = tpu.memref_squeeze %dma_wait3A_195 : memref<1x128xi32, #tpu.memory_space<vmem>> -> memref<128xi32, #tpu.memory_space<vmem>>
    %dma_wait3A_197 = arith.constant 0 : i32
    %dma_wait3A_198 = arith.constant 0 : i32
    %dma_wait3A_199 = tpu.memref_slice %arg6[%dma_wait3A_197, %dma_wait3A_198] : memref<10000x128xf32, #tpu.memory_space<vmem_shared>> -> memref<10000x128xf32, #tpu.memory_space<vmem_shared>>
    %dma_wait3A_200 = tpu.memref_slice %arg12[%rem3A_187] : memref<2x!tpu.dma_semaphore, #tpu.memory_space<semaphore_mem>> -> memref<1x!tpu.dma_semaphore, #tpu.memory_space<semaphore_mem>>
    %dma_wait3A_201 = tpu.memref_squeeze %dma_wait3A_200 : memref<1x!tpu.dma_semaphore, #tpu.memory_space<semaphore_mem>> -> memref<!tpu.dma_semaphore, #tpu.memory_space<semaphore_mem>>
    tpu.wait_indirect_dma semaphore(%dma_wait3A_201 : memref<!tpu.dma_semaphore, #tpu.memory_space<semaphore_mem>>) src(%dma_wait3A_193 : memref<128x128xf32, #tpu.memory_space<vmem>>) dst(%dma_wait3A_199 : memref<10000x128xf32, #tpu.memory_space<vmem_shared>>)
    %barrier3A_202 = arith.constant 0 : index
    tpu.barrier barrier_id(%barrier3A_202)
    %mul3A_203 = arith.constant 624 : i32
    %mul3A_204 = arith.muli %arg1, %mul3A_203 : i32
    %lt3A_205 = arith.constant 15 : i32
    %lt3A_206 = arith.cmpi slt, %arg1, %lt3A_205 : i32
    %convert_element_type3A = arith.extui %lt3A_206 : i1 to i32
    %cond3A = arith.constant 0 : i32
    %cond3A_207 = arith.cmpi ne, %convert_element_type3A, %cond3A : i32
    scf.if %cond3A_207 {
      "tpu.region"() ({
        %run_scoped3A_212 = tpu.sem_alloc : memref<!tpu.dma_semaphore, #tpu.memory_space<semaphore_mem>>
        %dma_start3A_213 = arith.constant 0 : i32
        %dma_start3A_214 = arith.constant 0 : i32
        %dma_start3A_215 = tpu.memref_slice %arg5[%arg0, %dma_start3A_213, %dma_start3A_214] : memref<2x10000x128xf32, #tpu.memory_space<hbm>> -> memref<1x10000x128xf32, #tpu.memory_space<hbm>>
        %dma_start3A_216 = tpu.memref_squeeze %dma_start3A_215 : memref<1x10000x128xf32, #tpu.memory_space<hbm>> -> memref<10000x128xf32, #tpu.memory_space<hbm>>
        %dma_start3A_217 = arith.constant 0 : i32
        %dma_start3A_218 = tpu.memref_slice %dma_start3A_216[%mul3A_204, %dma_start3A_217] : memref<10000x128xf32, #tpu.memory_space<hbm>> -> memref<624x128xf32, #tpu.memory_space<hbm>>
        %dma_start3A_219 = arith.constant 0 : i32
        %dma_start3A_220 = tpu.memref_slice %arg6[%mul3A_204, %dma_start3A_219] : memref<10000x128xf32, #tpu.memory_space<vmem_shared>> -> memref<624x128xf32, #tpu.memory_space<vmem_shared>>
        tpu.enqueue_dma source(%dma_start3A_220 : memref<624x128xf32, #tpu.memory_space<vmem_shared>>) target(%dma_start3A_218 : memref<624x128xf32, #tpu.memory_space<hbm>>) target_semaphore(%run_scoped3A_212 : memref<!tpu.dma_semaphore, #tpu.memory_space<semaphore_mem>>)
        %dma_wait3A_221 = arith.constant 0 : i32
        %dma_wait3A_222 = arith.constant 0 : i32
        %dma_wait3A_223 = tpu.memref_slice %arg5[%arg0, %dma_wait3A_221, %dma_wait3A_222] : memref<2x10000x128xf32, #tpu.memory_space<hbm>> -> memref<1x10000x128xf32, #tpu.memory_space<hbm>>
        %dma_wait3A_224 = tpu.memref_squeeze %dma_wait3A_223 : memref<1x10000x128xf32, #tpu.memory_space<hbm>> -> memref<10000x128xf32, #tpu.memory_space<hbm>>
        %dma_wait3A_225 = arith.constant 0 : i32
        %dma_wait3A_226 = tpu.memref_slice %dma_wait3A_224[%mul3A_204, %dma_wait3A_225] : memref<10000x128xf32, #tpu.memory_space<hbm>> -> memref<624x128xf32, #tpu.memory_space<hbm>>
        %dma_wait3A_227 = arith.constant 0 : i32
        %dma_wait3A_228 = tpu.memref_slice %arg6[%mul3A_204, %dma_wait3A_227] : memref<10000x128xf32, #tpu.memory_space<vmem_shared>> -> memref<624x128xf32, #tpu.memory_space<vmem_shared>>
        tpu.wait_dma2 semaphore(%run_scoped3A_212 : memref<!tpu.dma_semaphore, #tpu.memory_space<semaphore_mem>>) src(%dma_wait3A_228 : memref<624x128xf32, #tpu.memory_space<vmem_shared>>) dst(%dma_wait3A_226 : memref<624x128xf32, #tpu.memory_space<hbm>>)
        tpu.yield
      }) : () -> ()
    } else {
    }
    %eq3A = arith.constant 15 : i32
    %eq3A_208 = arith.cmpi eq, %arg1, %eq3A : i32
    %convert_element_type3A_209 = arith.extui %eq3A_208 : i1 to i32
    %cond3A_210 = arith.constant 0 : i32
    %cond3A_211 = arith.cmpi ne, %convert_element_type3A_209, %cond3A_210 : i32
    scf.if %cond3A_211 {
      "tpu.region"() ({
        %run_scoped3A_212 = tpu.sem_alloc : memref<!tpu.dma_semaphore, #tpu.memory_space<semaphore_mem>>
        %dma_start3A_213 = arith.constant 0 : i32
        %dma_start3A_214 = arith.constant 0 : i32
        %dma_start3A_215 = tpu.memref_slice %arg5[%arg0, %dma_start3A_213, %dma_start3A_214] : memref<2x10000x128xf32, #tpu.memory_space<hbm>> -> memref<1x10000x128xf32, #tpu.memory_space<hbm>>
        %dma_start3A_216 = tpu.memref_squeeze %dma_start3A_215 : memref<1x10000x128xf32, #tpu.memory_space<hbm>> -> memref<10000x128xf32, #tpu.memory_space<hbm>>
        %dma_start3A_217 = arith.constant 9360 : i32
        %dma_start3A_218 = arith.constant 0 : i32
        %dma_start3A_219 = tpu.memref_slice %dma_start3A_216[%dma_start3A_217, %dma_start3A_218] : memref<10000x128xf32, #tpu.memory_space<hbm>> -> memref<640x128xf32, #tpu.memory_space<hbm>>
        %dma_start3A_220 = arith.constant 9360 : i32
        %dma_start3A_221 = arith.constant 0 : i32
        %dma_start3A_222 = tpu.memref_slice %arg6[%dma_start3A_220, %dma_start3A_221] : memref<10000x128xf32, #tpu.memory_space<vmem_shared>> -> memref<640x128xf32, #tpu.memory_space<vmem_shared>>
        tpu.enqueue_dma source(%dma_start3A_222 : memref<640x128xf32, #tpu.memory_space<vmem_shared>>) target(%dma_start3A_219 : memref<640x128xf32, #tpu.memory_space<hbm>>) target_semaphore(%run_scoped3A_212 : memref<!tpu.dma_semaphore, #tpu.memory_space<semaphore_mem>>)
        %dma_wait3A_223 = arith.constant 0 : i32
        %dma_wait3A_224 = arith.constant 0 : i32
        %dma_wait3A_225 = tpu.memref_slice %arg5[%arg0, %dma_wait3A_223, %dma_wait3A_224] : memref<2x10000x128xf32, #tpu.memory_space<hbm>> -> memref<1x10000x128xf32, #tpu.memory_space<hbm>>
        %dma_wait3A_226 = tpu.memref_squeeze %dma_wait3A_225 : memref<1x10000x128xf32, #tpu.memory_space<hbm>> -> memref<10000x128xf32, #tpu.memory_space<hbm>>
        %dma_wait3A_227 = arith.constant 9360 : i32
        %dma_wait3A_228 = arith.constant 0 : i32
        %dma_wait3A_229 = tpu.memref_slice %dma_wait3A_226[%dma_wait3A_227, %dma_wait3A_228] : memref<10000x128xf32, #tpu.memory_space<hbm>> -> memref<640x128xf32, #tpu.memory_space<hbm>>
        %dma_wait3A_230 = arith.constant 9360 : i32
        %dma_wait3A_231 = arith.constant 0 : i32
        %dma_wait3A_232 = tpu.memref_slice %arg6[%dma_wait3A_230, %dma_wait3A_231] : memref<10000x128xf32, #tpu.memory_space<vmem_shared>> -> memref<640x128xf32, #tpu.memory_space<vmem_shared>>
        tpu.wait_dma2 semaphore(%run_scoped3A_212 : memref<!tpu.dma_semaphore, #tpu.memory_space<semaphore_mem>>) src(%dma_wait3A_232 : memref<640x128xf32, #tpu.memory_space<vmem_shared>>) dst(%dma_wait3A_229 : memref<640x128xf32, #tpu.memory_space<hbm>>)
        tpu.yield
      }) : () -> ()
    } else {
    }
    return
  }
}

#map = affine_map<(d0, d1) -> (0, 0)>
#map1 = affine_map<(d0, d1) -> (0, 0, 0)>
module attributes {stable_mosaic.version = 14 : i64} {
  func.func @_sc_agg_body(%arg0: i32, %arg1: i32, %arg2: memref<1250x128xi32, #tpu.memory_space<hbm>>, %arg3: memref<1250x128xi32, #tpu.memory_space<hbm>>, %arg4: memref<2x10000x128xf32, #tpu.memory_space<hbm>>, %arg5: memref<2x10000x128xf32, #tpu.memory_space<hbm>>, %arg6: memref<10000x128xf32, #tpu.memory_space<vmem_shared>>, %arg7: memref<4x128xi32, #tpu.memory_space<vmem>>, %arg8: memref<4x128xi32, #tpu.memory_space<vmem>>, %arg9: memref<2x128x128xf32, #tpu.memory_space<vmem>>, %arg10: memref<4x!tpu.dma_semaphore, #tpu.memory_space<semaphore_mem>>, %arg11: memref<2x!tpu.dma_semaphore, #tpu.memory_space<semaphore_mem>>, %arg12: memref<2x!tpu.dma_semaphore, #tpu.memory_space<semaphore_mem>>) attributes {dimension_semantics = [#tpu.dimension_semantics<core_parallel>, #tpu.dimension_semantics<subcore_parallel>], iteration_bounds = array<i64: 2, 16>, scalar_prefetch = 0 : i64, scratch_operands = 7 : i64, tpu.core_type = #tpu.core_type<sc_vector_subcore>, window_params = [{transform_indices = #map}, {transform_indices = #map}, {transform_indices = #map1}, {transform_indices = #map1}]} {
    %lt3A = arith.constant 2 : i32
    %lt3A_0 = arith.cmpi slt, %arg1, %lt3A : i32
    %jit3A = arith.constant 1 : i32
    %jit3A_1 = arith.constant 0 : i32
    %select_n3A = arith.select %lt3A_0, %jit3A, %jit3A_1 : i32
    %add3A = arith.constant 78 : i32
    %add3A_2 = arith.addi %add3A, %select_n3A : i32
    %mul3A = arith.constant 78 : i32
    %mul3A_3 = arith.muli %mul3A, %arg1 : i32
    %min3A = arith.constant 2 : i32
    %min3A_4 = arith.minsi %arg1, %min3A : i32
    %add3A_5 = arith.addi %mul3A_3, %min3A_4 : i32
    %broadcast_in_dim3A = arith.constant 0.000000e+00 : f32
    %broadcast_in_dim3A_6 = vector.broadcast %broadcast_in_dim3A : f32 to vector<16xf32>
    %scan3A = arith.constant 0 : i32
    %scan3A_7 = arith.constant 0 : i32
    %scan3A_8 = arith.constant 128 : i32
    %scan3A_9 = arith.addi %scan3A_7, %scan3A_8 : i32
    %scan3A_10 = arith.constant 1 : i32
    %scan3A_11 = scf.for %scan3A_212 = %scan3A_7 to %scan3A_9 step %scan3A_10 iter_args(%scan3A_213 = %scan3A) -> (i32)  : i32 {
      %swap3A = arith.constant 0 : i32
      %swap3A_214 = arith.index_cast %swap3A : i32 to index
      %swap3A_215 = arith.index_cast %scan3A_212 : i32 to index
      %swap3A_216 = arith.constant 0 : index
      %swap3A_217 = tpu.vector_load %arg9[%swap3A_214, %swap3A_215, %swap3A_216] {strides = array<i32>} : memref<2x128x128xf32, #tpu.memory_space<vmem>>, vector<1x1x16xf32>,
      %swap3A_218 = vector.shape_cast %swap3A_217 : vector<1x1x16xf32> to vector<16xf32>
      %swap3A_219 = vector.shape_cast %broadcast_in_dim3A_6 : vector<16xf32> to vector<1x1x16xf32>
      tpu.vector_store %arg9[%swap3A_214, %swap3A_215, %swap3A_216], %swap3A_219 {strides = array<i32>} : memref<2x128x128xf32, #tpu.memory_space<vmem>>, vector<1x1x16xf32>,
      %swap3A_220 = arith.constant 0 : i32
      %swap3A_221 = arith.index_cast %swap3A_220 : i32 to index
      %swap3A_222 = arith.index_cast %scan3A_212 : i32 to index
      %swap3A_223 = arith.constant 16 : index
      %swap3A_224 = tpu.vector_load %arg9[%swap3A_221, %swap3A_222, %swap3A_223] {strides = array<i32>} : memref<2x128x128xf32, #tpu.memory_space<vmem>>, vector<1x1x16xf32>,
      %swap3A_225 = vector.shape_cast %swap3A_224 : vector<1x1x16xf32> to vector<16xf32>
      %swap3A_226 = vector.shape_cast %broadcast_in_dim3A_6 : vector<16xf32> to vector<1x1x16xf32>
      tpu.vector_store %arg9[%swap3A_221, %swap3A_222, %swap3A_223], %swap3A_226 {strides = array<i32>} : memref<2x128x128xf32, #tpu.memory_space<vmem>>, vector<1x1x16xf32>,
      %swap3A_227 = arith.constant 0 : i32
      %swap3A_228 = arith.index_cast %swap3A_227 : i32 to index
      %swap3A_229 = arith.index_cast %scan3A_212 : i32 to index
      %swap3A_230 = arith.constant 32 : index
      %swap3A_231 = tpu.vector_load %arg9[%swap3A_228, %swap3A_229, %swap3A_230] {strides = array<i32>} : memref<2x128x128xf32, #tpu.memory_space<vmem>>, vector<1x1x16xf32>,
      %swap3A_232 = vector.shape_cast %swap3A_231 : vector<1x1x16xf32> to vector<16xf32>
      %swap3A_233 = vector.shape_cast %broadcast_in_dim3A_6 : vector<16xf32> to vector<1x1x16xf32>
      tpu.vector_store %arg9[%swap3A_228, %swap3A_229, %swap3A_230], %swap3A_233 {strides = array<i32>} : memref<2x128x128xf32, #tpu.memory_space<vmem>>, vector<1x1x16xf32>,
      %swap3A_234 = arith.constant 0 : i32
      %swap3A_235 = arith.index_cast %swap3A_234 : i32 to index
      %swap3A_236 = arith.index_cast %scan3A_212 : i32 to index
      %swap3A_237 = arith.constant 48 : index
      %swap3A_238 = tpu.vector_load %arg9[%swap3A_235, %swap3A_236, %swap3A_237] {strides = array<i32>} : memref<2x128x128xf32, #tpu.memory_space<vmem>>, vector<1x1x16xf32>,
      %swap3A_239 = vector.shape_cast %swap3A_238 : vector<1x1x16xf32> to vector<16xf32>
      %swap3A_240 = vector.shape_cast %broadcast_in_dim3A_6 : vector<16xf32> to vector<1x1x16xf32>
      tpu.vector_store %arg9[%swap3A_235, %swap3A_236, %swap3A_237], %swap3A_240 {strides = array<i32>} : memref<2x128x128xf32, #tpu.memory_space<vmem>>, vector<1x1x16xf32>,
      %swap3A_241 = arith.constant 0 : i32
      %swap3A_242 = arith.index_cast %swap3A_241 : i32 to index
      %swap3A_243 = arith.index_cast %scan3A_212 : i32 to index
      %swap3A_244 = arith.constant 64 : index
      %swap3A_245 = tpu.vector_load %arg9[%swap3A_242, %swap3A_243, %swap3A_244] {strides = array<i32>} : memref<2x128x128xf32, #tpu.memory_space<vmem>>, vector<1x1x16xf32>,
      %swap3A_246 = vector.shape_cast %swap3A_245 : vector<1x1x16xf32> to vector<16xf32>
      %swap3A_247 = vector.shape_cast %broadcast_in_dim3A_6 : vector<16xf32> to vector<1x1x16xf32>
      tpu.vector_store %arg9[%swap3A_242, %swap3A_243, %swap3A_244], %swap3A_247 {strides = array<i32>} : memref<2x128x128xf32, #tpu.memory_space<vmem>>, vector<1x1x16xf32>,
      %swap3A_248 = arith.constant 0 : i32
      %swap3A_249 = arith.index_cast %swap3A_248 : i32 to index
      %swap3A_250 = arith.index_cast %scan3A_212 : i32 to index
      %swap3A_251 = arith.constant 80 : index
      %swap3A_252 = tpu.vector_load %arg9[%swap3A_249, %swap3A_250, %swap3A_251] {strides = array<i32>} : memref<2x128x128xf32, #tpu.memory_space<vmem>>, vector<1x1x16xf32>,
      %swap3A_253 = vector.shape_cast %swap3A_252 : vector<1x1x16xf32> to vector<16xf32>
      %swap3A_254 = vector.shape_cast %broadcast_in_dim3A_6 : vector<16xf32> to vector<1x1x16xf32>
      tpu.vector_store %arg9[%swap3A_249, %swap3A_250, %swap3A_251], %swap3A_254 {strides = array<i32>} : memref<2x128x128xf32, #tpu.memory_space<vmem>>, vector<1x1x16xf32>,
      %swap3A_255 = arith.constant 0 : i32
      %swap3A_256 = arith.index_cast %swap3A_255 : i32 to index
      %swap3A_257 = arith.index_cast %scan3A_212 : i32 to index
      %swap3A_258 = arith.constant 96 : index
      %swap3A_259 = tpu.vector_load %arg9[%swap3A_256, %swap3A_257, %swap3A_258] {strides = array<i32>} : memref<2x128x128xf32, #tpu.memory_space<vmem>>, vector<1x1x16xf32>,
      %swap3A_260 = vector.shape_cast %swap3A_259 : vector<1x1x16xf32> to vector<16xf32>
      %swap3A_261 = vector.shape_cast %broadcast_in_dim3A_6 : vector<16xf32> to vector<1x1x16xf32>
      tpu.vector_store %arg9[%swap3A_256, %swap3A_257, %swap3A_258], %swap3A_261 {strides = array<i32>} : memref<2x128x128xf32, #tpu.memory_space<vmem>>, vector<1x1x16xf32>,
      %swap3A_262 = arith.constant 0 : i32
      %swap3A_263 = arith.index_cast %swap3A_262 : i32 to index
      %swap3A_264 = arith.index_cast %scan3A_212 : i32 to index
      %swap3A_265 = arith.constant 112 : index
      %swap3A_266 = tpu.vector_load %arg9[%swap3A_263, %swap3A_264, %swap3A_265] {strides = array<i32>} : memref<2x128x128xf32, #tpu.memory_space<vmem>>, vector<1x1x16xf32>,
      %swap3A_267 = vector.shape_cast %swap3A_266 : vector<1x1x16xf32> to vector<16xf32>
      %swap3A_268 = vector.shape_cast %broadcast_in_dim3A_6 : vector<16xf32> to vector<1x1x16xf32>
      tpu.vector_store %arg9[%swap3A_263, %swap3A_264, %swap3A_265], %swap3A_268 {strides = array<i32>} : memref<2x128x128xf32, #tpu.memory_space<vmem>>, vector<1x1x16xf32>,
      %scan3A_269 = arith.constant 0 : i32
      scf.yield %scan3A_269 : i32
    }
    %scan3A_12 = arith.constant 128 : i32
    %mul3A_13 = arith.constant 624 : i32
    %mul3A_14 = arith.muli %arg1, %mul3A_13 : i32
    %add3A_15 = arith.constant 0 : i32
    %add3A_16 = arith.addi %mul3A_14, %add3A_15 : i32
    %run_scoped3A = arith.constant 0 : i32
    "tpu.region"() ({
      %run_scoped3A_212 = tpu.sem_alloc : memref<!tpu.dma_semaphore, #tpu.memory_space<semaphore_mem>>
      %dma_start3A_213 = arith.constant 0 : i32
      %dma_start3A_214 = arith.constant 0 : i32
      %dma_start3A_215 = tpu.memref_slice %arg9[%run_scoped3A, %dma_start3A_213, %dma_start3A_214] : memref<2x128x128xf32, #tpu.memory_space<vmem>> -> memref<1x128x128xf32, #tpu.memory_space<vmem>>
      %dma_start3A_216 = tpu.memref_squeeze %dma_start3A_215 : memref<1x128x128xf32, #tpu.memory_space<vmem>> -> memref<128x128xf32, #tpu.memory_space<vmem>>
      %dma_start3A_217 = arith.constant 0 : i32
      %dma_start3A_218 = tpu.memref_slice %arg6[%add3A_16, %dma_start3A_217] : memref<10000x128xf32, #tpu.memory_space<vmem_shared>> -> memref<128x128xf32, #tpu.memory_space<vmem_shared>>
      %dma_start3A_219 = arith.constant 0 : i32
      %dma_start3A_220 = tpu.memref_slice %arg6[%add3A_16, %dma_start3A_219] : memref<10000x128xf32, #tpu.memory_space<vmem_shared>> -> memref<128x128xf32, #tpu.memory_space<vmem_shared>>
      %dma_start3A_221 = arith.constant 0 : i32
      %dma_start3A_222 = arith.constant 0 : i32
      %dma_start3A_223 = tpu.memref_slice %arg9[%run_scoped3A, %dma_start3A_221, %dma_start3A_222] : memref<2x128x128xf32, #tpu.memory_space<vmem>> -> memref<1x128x128xf32, #tpu.memory_space<vmem>>
      %dma_start3A_224 = tpu.memref_squeeze %dma_start3A_223 : memref<1x128x128xf32, #tpu.memory_space<vmem>> -> memref<128x128xf32, #tpu.memory_space<vmem>>
      tpu.enqueue_dma source(%dma_start3A_224 : memref<128x128xf32, #tpu.memory_space<vmem>>) target(%dma_start3A_220 : memref<128x128xf32, #tpu.memory_space<vmem_shared>>) target_semaphore(%run_scoped3A_212 : memref<!tpu.dma_semaphore, #tpu.memory_space<semaphore_mem>>)
      %dma_wait3A_225 = arith.constant 0 : i32
      %dma_wait3A_226 = arith.constant 0 : i32
      %dma_wait3A_227 = tpu.memref_slice %arg9[%run_scoped3A, %dma_wait3A_225, %dma_wait3A_226] : memref<2x128x128xf32, #tpu.memory_space<vmem>> -> memref<1x128x128xf32, #tpu.memory_space<vmem>>
      %dma_wait3A_228 = tpu.memref_squeeze %dma_wait3A_227 : memref<1x128x128xf32, #tpu.memory_space<vmem>> -> memref<128x128xf32, #tpu.memory_space<vmem>>
      %dma_wait3A_229 = arith.constant 0 : i32
      %dma_wait3A_230 = tpu.memref_slice %arg6[%add3A_16, %dma_wait3A_229] : memref<10000x128xf32, #tpu.memory_space<vmem_shared>> -> memref<128x128xf32, #tpu.memory_space<vmem_shared>>
      %dma_wait3A_231 = arith.constant 0 : i32
      %dma_wait3A_232 = tpu.memref_slice %arg6[%add3A_16, %dma_wait3A_231] : memref<10000x128xf32, #tpu.memory_space<vmem_shared>> -> memref<128x128xf32, #tpu.memory_space<vmem_shared>>
      %dma_wait3A_233 = arith.constant 0 : i32
      %dma_wait3A_234 = arith.constant 0 : i32
      %dma_wait3A_235 = tpu.memref_slice %arg9[%run_scoped3A, %dma_wait3A_233, %dma_wait3A_234] : memref<2x128x128xf32, #tpu.memory_space<vmem>> -> memref<1x128x128xf32, #tpu.memory_space<vmem>>
      %dma_wait3A_236 = tpu.memref_squeeze %dma_wait3A_235 : memref<1x128x128xf32, #tpu.memory_space<vmem>> -> memref<128x128xf32, #tpu.memory_space<vmem>>
      tpu.wait_dma2 semaphore(%run_scoped3A_212 : memref<!tpu.dma_semaphore, #tpu.memory_space<semaphore_mem>>) src(%dma_wait3A_236 : memref<128x128xf32, #tpu.memory_space<vmem>>) dst(%dma_wait3A_232 : memref<128x128xf32, #tpu.memory_space<vmem_shared>>)
      tpu.yield
    }) : () -> ()
    %add3A_17 = arith.constant 128 : i32
    %add3A_18 = arith.addi %mul3A_14, %add3A_17 : i32
    %run_scoped3A_19 = arith.constant 0 : i32
    "tpu.region"() ({
      %run_scoped3A_212 = tpu.sem_alloc : memref<!tpu.dma_semaphore, #tpu.memory_space<semaphore_mem>>
      %dma_start3A_213 = arith.constant 0 : i32
      %dma_start3A_214 = arith.constant 0 : i32
      %dma_start3A_215 = tpu.memref_slice %arg9[%run_scoped3A_19, %dma_start3A_213, %dma_start3A_214] : memref<2x128x128xf32, #tpu.memory_space<vmem>> -> memref<1x128x128xf32, #tpu.memory_space<vmem>>
      %dma_start3A_216 = tpu.memref_squeeze %dma_start3A_215 : memref<1x128x128xf32, #tpu.memory_space<vmem>> -> memref<128x128xf32, #tpu.memory_space<vmem>>
      %dma_start3A_217 = arith.constant 0 : i32
      %dma_start3A_218 = tpu.memref_slice %arg6[%add3A_18, %dma_start3A_217] : memref<10000x128xf32, #tpu.memory_space<vmem_shared>> -> memref<128x128xf32, #tpu.memory_space<vmem_shared>>
      %dma_start3A_219 = arith.constant 0 : i32
      %dma_start3A_220 = tpu.memref_slice %arg6[%add3A_18, %dma_start3A_219] : memref<10000x128xf32, #tpu.memory_space<vmem_shared>> -> memref<128x128xf32, #tpu.memory_space<vmem_shared>>
      %dma_start3A_221 = arith.constant 0 : i32
      %dma_start3A_222 = arith.constant 0 : i32
      %dma_start3A_223 = tpu.memref_slice %arg9[%run_scoped3A_19, %dma_start3A_221, %dma_start3A_222] : memref<2x128x128xf32, #tpu.memory_space<vmem>> -> memref<1x128x128xf32, #tpu.memory_space<vmem>>
      %dma_start3A_224 = tpu.memref_squeeze %dma_start3A_223 : memref<1x128x128xf32, #tpu.memory_space<vmem>> -> memref<128x128xf32, #tpu.memory_space<vmem>>
      tpu.enqueue_dma source(%dma_start3A_224 : memref<128x128xf32, #tpu.memory_space<vmem>>) target(%dma_start3A_220 : memref<128x128xf32, #tpu.memory_space<vmem_shared>>) target_semaphore(%run_scoped3A_212 : memref<!tpu.dma_semaphore, #tpu.memory_space<semaphore_mem>>)
      %dma_wait3A_225 = arith.constant 0 : i32
      %dma_wait3A_226 = arith.constant 0 : i32
      %dma_wait3A_227 = tpu.memref_slice %arg9[%run_scoped3A_19, %dma_wait3A_225, %dma_wait3A_226] : memref<2x128x128xf32, #tpu.memory_space<vmem>> -> memref<1x128x128xf32, #tpu.memory_space<vmem>>
      %dma_wait3A_228 = tpu.memref_squeeze %dma_wait3A_227 : memref<1x128x128xf32, #tpu.memory_space<vmem>> -> memref<128x128xf32, #tpu.memory_space<vmem>>
      %dma_wait3A_229 = arith.constant 0 : i32
      %dma_wait3A_230 = tpu.memref_slice %arg6[%add3A_18, %dma_wait3A_229] : memref<10000x128xf32, #tpu.memory_space<vmem_shared>> -> memref<128x128xf32, #tpu.memory_space<vmem_shared>>
      %dma_wait3A_231 = arith.constant 0 : i32
      %dma_wait3A_232 = tpu.memref_slice %arg6[%add3A_18, %dma_wait3A_231] : memref<10000x128xf32, #tpu.memory_space<vmem_shared>> -> memref<128x128xf32, #tpu.memory_space<vmem_shared>>
      %dma_wait3A_233 = arith.constant 0 : i32
      %dma_wait3A_234 = arith.constant 0 : i32
      %dma_wait3A_235 = tpu.memref_slice %arg9[%run_scoped3A_19, %dma_wait3A_233, %dma_wait3A_234] : memref<2x128x128xf32, #tpu.memory_space<vmem>> -> memref<1x128x128xf32, #tpu.memory_space<vmem>>
      %dma_wait3A_236 = tpu.memref_squeeze %dma_wait3A_235 : memref<1x128x128xf32, #tpu.memory_space<vmem>> -> memref<128x128xf32, #tpu.memory_space<vmem>>
      tpu.wait_dma2 semaphore(%run_scoped3A_212 : memref<!tpu.dma_semaphore, #tpu.memory_space<semaphore_mem>>) src(%dma_wait3A_236 : memref<128x128xf32, #tpu.memory_space<vmem>>) dst(%dma_wait3A_232 : memref<128x128xf32, #tpu.memory_space<vmem_shared>>)
      tpu.yield
    }) : () -> ()
    %add3A_20 = arith.constant 256 : i32
    %add3A_21 = arith.addi %mul3A_14, %add3A_20 : i32
    %run_scoped3A_22 = arith.constant 0 : i32
    "tpu.region"() ({
      %run_scoped3A_212 = tpu.sem_alloc : memref<!tpu.dma_semaphore, #tpu.memory_space<semaphore_mem>>
      %dma_start3A_213 = arith.constant 0 : i32
      %dma_start3A_214 = arith.constant 0 : i32
      %dma_start3A_215 = tpu.memref_slice %arg9[%run_scoped3A_22, %dma_start3A_213, %dma_start3A_214] : memref<2x128x128xf32, #tpu.memory_space<vmem>> -> memref<1x128x128xf32, #tpu.memory_space<vmem>>
      %dma_start3A_216 = tpu.memref_squeeze %dma_start3A_215 : memref<1x128x128xf32, #tpu.memory_space<vmem>> -> memref<128x128xf32, #tpu.memory_space<vmem>>
      %dma_start3A_217 = arith.constant 0 : i32
      %dma_start3A_218 = tpu.memref_slice %arg6[%add3A_21, %dma_start3A_217] : memref<10000x128xf32, #tpu.memory_space<vmem_shared>> -> memref<128x128xf32, #tpu.memory_space<vmem_shared>>
      %dma_start3A_219 = arith.constant 0 : i32
      %dma_start3A_220 = tpu.memref_slice %arg6[%add3A_21, %dma_start3A_219] : memref<10000x128xf32, #tpu.memory_space<vmem_shared>> -> memref<128x128xf32, #tpu.memory_space<vmem_shared>>
      %dma_start3A_221 = arith.constant 0 : i32
      %dma_start3A_222 = arith.constant 0 : i32
      %dma_start3A_223 = tpu.memref_slice %arg9[%run_scoped3A_22, %dma_start3A_221, %dma_start3A_222] : memref<2x128x128xf32, #tpu.memory_space<vmem>> -> memref<1x128x128xf32, #tpu.memory_space<vmem>>
      %dma_start3A_224 = tpu.memref_squeeze %dma_start3A_223 : memref<1x128x128xf32, #tpu.memory_space<vmem>> -> memref<128x128xf32, #tpu.memory_space<vmem>>
      tpu.enqueue_dma source(%dma_start3A_224 : memref<128x128xf32, #tpu.memory_space<vmem>>) target(%dma_start3A_220 : memref<128x128xf32, #tpu.memory_space<vmem_shared>>) target_semaphore(%run_scoped3A_212 : memref<!tpu.dma_semaphore, #tpu.memory_space<semaphore_mem>>)
      %dma_wait3A_225 = arith.constant 0 : i32
      %dma_wait3A_226 = arith.constant 0 : i32
      %dma_wait3A_227 = tpu.memref_slice %arg9[%run_scoped3A_22, %dma_wait3A_225, %dma_wait3A_226] : memref<2x128x128xf32, #tpu.memory_space<vmem>> -> memref<1x128x128xf32, #tpu.memory_space<vmem>>
      %dma_wait3A_228 = tpu.memref_squeeze %dma_wait3A_227 : memref<1x128x128xf32, #tpu.memory_space<vmem>> -> memref<128x128xf32, #tpu.memory_space<vmem>>
      %dma_wait3A_229 = arith.constant 0 : i32
      %dma_wait3A_230 = tpu.memref_slice %arg6[%add3A_21, %dma_wait3A_229] : memref<10000x128xf32, #tpu.memory_space<vmem_shared>> -> memref<128x128xf32, #tpu.memory_space<vmem_shared>>
      %dma_wait3A_231 = arith.constant 0 : i32
      %dma_wait3A_232 = tpu.memref_slice %arg6[%add3A_21, %dma_wait3A_231] : memref<10000x128xf32, #tpu.memory_space<vmem_shared>> -> memref<128x128xf32, #tpu.memory_space<vmem_shared>>
      %dma_wait3A_233 = arith.constant 0 : i32
      %dma_wait3A_234 = arith.constant 0 : i32
      %dma_wait3A_235 = tpu.memref_slice %arg9[%run_scoped3A_22, %dma_wait3A_233, %dma_wait3A_234] : memref<2x128x128xf32, #tpu.memory_space<vmem>> -> memref<1x128x128xf32, #tpu.memory_space<vmem>>
      %dma_wait3A_236 = tpu.memref_squeeze %dma_wait3A_235 : memref<1x128x128xf32, #tpu.memory_space<vmem>> -> memref<128x128xf32, #tpu.memory_space<vmem>>
      tpu.wait_dma2 semaphore(%run_scoped3A_212 : memref<!tpu.dma_semaphore, #tpu.memory_space<semaphore_mem>>) src(%dma_wait3A_236 : memref<128x128xf32, #tpu.memory_space<vmem>>) dst(%dma_wait3A_232 : memref<128x128xf32, #tpu.memory_space<vmem_shared>>)
      tpu.yield
    }) : () -> ()
    %add3A_23 = arith.constant 384 : i32
    %add3A_24 = arith.addi %mul3A_14, %add3A_23 : i32
    %run_scoped3A_25 = arith.constant 0 : i32
    "tpu.region"() ({
      %run_scoped3A_212 = tpu.sem_alloc : memref<!tpu.dma_semaphore, #tpu.memory_space<semaphore_mem>>
      %dma_start3A_213 = arith.constant 0 : i32
      %dma_start3A_214 = arith.constant 0 : i32
      %dma_start3A_215 = tpu.memref_slice %arg9[%run_scoped3A_25, %dma_start3A_213, %dma_start3A_214] : memref<2x128x128xf32, #tpu.memory_space<vmem>> -> memref<1x128x128xf32, #tpu.memory_space<vmem>>
      %dma_start3A_216 = tpu.memref_squeeze %dma_start3A_215 : memref<1x128x128xf32, #tpu.memory_space<vmem>> -> memref<128x128xf32, #tpu.memory_space<vmem>>
      %dma_start3A_217 = arith.constant 0 : i32
      %dma_start3A_218 = tpu.memref_slice %arg6[%add3A_24, %dma_start3A_217] : memref<10000x128xf32, #tpu.memory_space<vmem_shared>> -> memref<128x128xf32, #tpu.memory_space<vmem_shared>>
      %dma_start3A_219 = arith.constant 0 : i32
      %dma_start3A_220 = tpu.memref_slice %arg6[%add3A_24, %dma_start3A_219] : memref<10000x128xf32, #tpu.memory_space<vmem_shared>> -> memref<128x128xf32, #tpu.memory_space<vmem_shared>>
      %dma_start3A_221 = arith.constant 0 : i32
      %dma_start3A_222 = arith.constant 0 : i32
      %dma_start3A_223 = tpu.memref_slice %arg9[%run_scoped3A_25, %dma_start3A_221, %dma_start3A_222] : memref<2x128x128xf32, #tpu.memory_space<vmem>> -> memref<1x128x128xf32, #tpu.memory_space<vmem>>
      %dma_start3A_224 = tpu.memref_squeeze %dma_start3A_223 : memref<1x128x128xf32, #tpu.memory_space<vmem>> -> memref<128x128xf32, #tpu.memory_space<vmem>>
      tpu.enqueue_dma source(%dma_start3A_224 : memref<128x128xf32, #tpu.memory_space<vmem>>) target(%dma_start3A_220 : memref<128x128xf32, #tpu.memory_space<vmem_shared>>) target_semaphore(%run_scoped3A_212 : memref<!tpu.dma_semaphore, #tpu.memory_space<semaphore_mem>>)
      %dma_wait3A_225 = arith.constant 0 : i32
      %dma_wait3A_226 = arith.constant 0 : i32
      %dma_wait3A_227 = tpu.memref_slice %arg9[%run_scoped3A_25, %dma_wait3A_225, %dma_wait3A_226] : memref<2x128x128xf32, #tpu.memory_space<vmem>> -> memref<1x128x128xf32, #tpu.memory_space<vmem>>
      %dma_wait3A_228 = tpu.memref_squeeze %dma_wait3A_227 : memref<1x128x128xf32, #tpu.memory_space<vmem>> -> memref<128x128xf32, #tpu.memory_space<vmem>>
      %dma_wait3A_229 = arith.constant 0 : i32
      %dma_wait3A_230 = tpu.memref_slice %arg6[%add3A_24, %dma_wait3A_229] : memref<10000x128xf32, #tpu.memory_space<vmem_shared>> -> memref<128x128xf32, #tpu.memory_space<vmem_shared>>
      %dma_wait3A_231 = arith.constant 0 : i32
      %dma_wait3A_232 = tpu.memref_slice %arg6[%add3A_24, %dma_wait3A_231] : memref<10000x128xf32, #tpu.memory_space<vmem_shared>> -> memref<128x128xf32, #tpu.memory_space<vmem_shared>>
      %dma_wait3A_233 = arith.constant 0 : i32
      %dma_wait3A_234 = arith.constant 0 : i32
      %dma_wait3A_235 = tpu.memref_slice %arg9[%run_scoped3A_25, %dma_wait3A_233, %dma_wait3A_234] : memref<2x128x128xf32, #tpu.memory_space<vmem>> -> memref<1x128x128xf32, #tpu.memory_space<vmem>>
      %dma_wait3A_236 = tpu.memref_squeeze %dma_wait3A_235 : memref<1x128x128xf32, #tpu.memory_space<vmem>> -> memref<128x128xf32, #tpu.memory_space<vmem>>
      tpu.wait_dma2 semaphore(%run_scoped3A_212 : memref<!tpu.dma_semaphore, #tpu.memory_space<semaphore_mem>>) src(%dma_wait3A_236 : memref<128x128xf32, #tpu.memory_space<vmem>>) dst(%dma_wait3A_232 : memref<128x128xf32, #tpu.memory_space<vmem_shared>>)
      tpu.yield
    }) : () -> ()
    %add3A_26 = arith.constant 512 : i32
    %add3A_27 = arith.addi %mul3A_14, %add3A_26 : i32
    %run_scoped3A_28 = arith.constant 0 : i32
    "tpu.region"() ({
      %run_scoped3A_212 = tpu.sem_alloc : memref<!tpu.dma_semaphore, #tpu.memory_space<semaphore_mem>>
      %dma_start3A_213 = arith.constant 0 : i32
      %dma_start3A_214 = arith.constant 0 : i32
      %dma_start3A_215 = tpu.memref_slice %arg9[%run_scoped3A_28, %dma_start3A_213, %dma_start3A_214] : memref<2x128x128xf32, #tpu.memory_space<vmem>> -> memref<1x128x128xf32, #tpu.memory_space<vmem>>
      %dma_start3A_216 = tpu.memref_squeeze %dma_start3A_215 : memref<1x128x128xf32, #tpu.memory_space<vmem>> -> memref<128x128xf32, #tpu.memory_space<vmem>>
      %dma_start3A_217 = arith.constant 0 : i32
      %dma_start3A_218 = tpu.memref_slice %arg6[%add3A_27, %dma_start3A_217] : memref<10000x128xf32, #tpu.memory_space<vmem_shared>> -> memref<128x128xf32, #tpu.memory_space<vmem_shared>>
      %dma_start3A_219 = arith.constant 0 : i32
      %dma_start3A_220 = tpu.memref_slice %arg6[%add3A_27, %dma_start3A_219] : memref<10000x128xf32, #tpu.memory_space<vmem_shared>> -> memref<128x128xf32, #tpu.memory_space<vmem_shared>>
      %dma_start3A_221 = arith.constant 0 : i32
      %dma_start3A_222 = arith.constant 0 : i32
      %dma_start3A_223 = tpu.memref_slice %arg9[%run_scoped3A_28, %dma_start3A_221, %dma_start3A_222] : memref<2x128x128xf32, #tpu.memory_space<vmem>> -> memref<1x128x128xf32, #tpu.memory_space<vmem>>
      %dma_start3A_224 = tpu.memref_squeeze %dma_start3A_223 : memref<1x128x128xf32, #tpu.memory_space<vmem>> -> memref<128x128xf32, #tpu.memory_space<vmem>>
      tpu.enqueue_dma source(%dma_start3A_224 : memref<128x128xf32, #tpu.memory_space<vmem>>) target(%dma_start3A_220 : memref<128x128xf32, #tpu.memory_space<vmem_shared>>) target_semaphore(%run_scoped3A_212 : memref<!tpu.dma_semaphore, #tpu.memory_space<semaphore_mem>>)
      %dma_wait3A_225 = arith.constant 0 : i32
      %dma_wait3A_226 = arith.constant 0 : i32
      %dma_wait3A_227 = tpu.memref_slice %arg9[%run_scoped3A_28, %dma_wait3A_225, %dma_wait3A_226] : memref<2x128x128xf32, #tpu.memory_space<vmem>> -> memref<1x128x128xf32, #tpu.memory_space<vmem>>
      %dma_wait3A_228 = tpu.memref_squeeze %dma_wait3A_227 : memref<1x128x128xf32, #tpu.memory_space<vmem>> -> memref<128x128xf32, #tpu.memory_space<vmem>>
      %dma_wait3A_229 = arith.constant 0 : i32
      %dma_wait3A_230 = tpu.memref_slice %arg6[%add3A_27, %dma_wait3A_229] : memref<10000x128xf32, #tpu.memory_space<vmem_shared>> -> memref<128x128xf32, #tpu.memory_space<vmem_shared>>
      %dma_wait3A_231 = arith.constant 0 : i32
      %dma_wait3A_232 = tpu.memref_slice %arg6[%add3A_27, %dma_wait3A_231] : memref<10000x128xf32, #tpu.memory_space<vmem_shared>> -> memref<128x128xf32, #tpu.memory_space<vmem_shared>>
      %dma_wait3A_233 = arith.constant 0 : i32
      %dma_wait3A_234 = arith.constant 0 : i32
      %dma_wait3A_235 = tpu.memref_slice %arg9[%run_scoped3A_28, %dma_wait3A_233, %dma_wait3A_234] : memref<2x128x128xf32, #tpu.memory_space<vmem>> -> memref<1x128x128xf32, #tpu.memory_space<vmem>>
      %dma_wait3A_236 = tpu.memref_squeeze %dma_wait3A_235 : memref<1x128x128xf32, #tpu.memory_space<vmem>> -> memref<128x128xf32, #tpu.memory_space<vmem>>
      tpu.wait_dma2 semaphore(%run_scoped3A_212 : memref<!tpu.dma_semaphore, #tpu.memory_space<semaphore_mem>>) src(%dma_wait3A_236 : memref<128x128xf32, #tpu.memory_space<vmem>>) dst(%dma_wait3A_232 : memref<128x128xf32, #tpu.memory_space<vmem_shared>>)
      tpu.yield
    }) : () -> ()
    %barrier3A = arith.constant 0 : index
    tpu.barrier barrier_id(%barrier3A)
    %rem3A = arith.constant 0 : i32
    %rem3A_29 = arith.constant 4 : i32
    %rem3A_30 = arith.remsi %rem3A, %rem3A_29 : i32
    %add3A_31 = arith.constant 0 : i32
    %add3A_32 = arith.addi %add3A_5, %add3A_31 : i32
    %dma_start3A = arith.constant 0 : i32
    %dma_start3A_33 = tpu.memref_slice %arg7[%rem3A_30, %dma_start3A] : memref<4x128xi32, #tpu.memory_space<vmem>> -> memref<1x128xi32, #tpu.memory_space<vmem>>
    %dma_start3A_34 = tpu.memref_squeeze %dma_start3A_33 : memref<1x128xi32, #tpu.memory_space<vmem>> -> memref<128xi32, #tpu.memory_space<vmem>>
    %dma_start3A_35 = arith.constant 0 : i32
    %dma_start3A_36 = tpu.memref_slice %arg2[%add3A_32, %dma_start3A_35] : memref<1250x128xi32, #tpu.memory_space<hbm>> -> memref<1x128xi32, #tpu.memory_space<hbm>>
    %dma_start3A_37 = tpu.memref_squeeze %dma_start3A_36 : memref<1x128xi32, #tpu.memory_space<hbm>> -> memref<128xi32, #tpu.memory_space<hbm>>
    %dma_start3A_38 = tpu.memref_slice %arg10[%rem3A_30] : memref<4x!tpu.dma_semaphore, #tpu.memory_space<semaphore_mem>> -> memref<1x!tpu.dma_semaphore, #tpu.memory_space<semaphore_mem>>
    %dma_start3A_39 = tpu.memref_squeeze %dma_start3A_38 : memref<1x!tpu.dma_semaphore, #tpu.memory_space<semaphore_mem>> -> memref<!tpu.dma_semaphore, #tpu.memory_space<semaphore_mem>>
    %dma_start3A_40 = arith.constant 0 : i32
    %dma_start3A_41 = tpu.memref_slice %arg7[%rem3A_30, %dma_start3A_40] : memref<4x128xi32, #tpu.memory_space<vmem>> -> memref<1x128xi32, #tpu.memory_space<vmem>>
    %dma_start3A_42 = tpu.memref_squeeze %dma_start3A_41 : memref<1x128xi32, #tpu.memory_space<vmem>> -> memref<128xi32, #tpu.memory_space<vmem>>
    %dma_start3A_43 = arith.constant 0 : i32
    %dma_start3A_44 = tpu.memref_slice %arg2[%add3A_32, %dma_start3A_43] : memref<1250x128xi32, #tpu.memory_space<hbm>> -> memref<1x128xi32, #tpu.memory_space<hbm>>
    %dma_start3A_45 = tpu.memref_squeeze %dma_start3A_44 : memref<1x128xi32, #tpu.memory_space<hbm>> -> memref<128xi32, #tpu.memory_space<hbm>>
    tpu.enqueue_dma source(%dma_start3A_45 : memref<128xi32, #tpu.memory_space<hbm>>) target(%dma_start3A_42 : memref<128xi32, #tpu.memory_space<vmem>>) target_semaphore(%dma_start3A_39 : memref<!tpu.dma_semaphore, #tpu.memory_space<semaphore_mem>>)
    %add3A_46 = arith.constant 0 : i32
    %add3A_47 = arith.addi %add3A_5, %add3A_46 : i32
    %dma_start3A_48 = arith.constant 0 : i32
    %dma_start3A_49 = tpu.memref_slice %arg8[%rem3A_30, %dma_start3A_48] : memref<4x128xi32, #tpu.memory_space<vmem>> -> memref<1x128xi32, #tpu.memory_space<vmem>>
    %dma_start3A_50 = tpu.memref_squeeze %dma_start3A_49 : memref<1x128xi32, #tpu.memory_space<vmem>> -> memref<128xi32, #tpu.memory_space<vmem>>
    %dma_start3A_51 = arith.constant 0 : i32
    %dma_start3A_52 = tpu.memref_slice %arg3[%add3A_47, %dma_start3A_51] : memref<1250x128xi32, #tpu.memory_space<hbm>> -> memref<1x128xi32, #tpu.memory_space<hbm>>
    %dma_start3A_53 = tpu.memref_squeeze %dma_start3A_52 : memref<1x128xi32, #tpu.memory_space<hbm>> -> memref<128xi32, #tpu.memory_space<hbm>>
    %dma_start3A_54 = tpu.memref_slice %arg10[%rem3A_30] : memref<4x!tpu.dma_semaphore, #tpu.memory_space<semaphore_mem>> -> memref<1x!tpu.dma_semaphore, #tpu.memory_space<semaphore_mem>>
    %dma_start3A_55 = tpu.memref_squeeze %dma_start3A_54 : memref<1x!tpu.dma_semaphore, #tpu.memory_space<semaphore_mem>> -> memref<!tpu.dma_semaphore, #tpu.memory_space<semaphore_mem>>
    %dma_start3A_56 = arith.constant 0 : i32
    %dma_start3A_57 = tpu.memref_slice %arg8[%rem3A_30, %dma_start3A_56] : memref<4x128xi32, #tpu.memory_space<vmem>> -> memref<1x128xi32, #tpu.memory_space<vmem>>
    %dma_start3A_58 = tpu.memref_squeeze %dma_start3A_57 : memref<1x128xi32, #tpu.memory_space<vmem>> -> memref<128xi32, #tpu.memory_space<vmem>>
    %dma_start3A_59 = arith.constant 0 : i32
    %dma_start3A_60 = tpu.memref_slice %arg3[%add3A_47, %dma_start3A_59] : memref<1250x128xi32, #tpu.memory_space<hbm>> -> memref<1x128xi32, #tpu.memory_space<hbm>>
    %dma_start3A_61 = tpu.memref_squeeze %dma_start3A_60 : memref<1x128xi32, #tpu.memory_space<hbm>> -> memref<128xi32, #tpu.memory_space<hbm>>
    tpu.enqueue_dma source(%dma_start3A_61 : memref<128xi32, #tpu.memory_space<hbm>>) target(%dma_start3A_58 : memref<128xi32, #tpu.memory_space<vmem>>) target_semaphore(%dma_start3A_55 : memref<!tpu.dma_semaphore, #tpu.memory_space<semaphore_mem>>)
    %rem3A_62 = arith.constant 1 : i32
    %rem3A_63 = arith.constant 4 : i32
    %rem3A_64 = arith.remsi %rem3A_62, %rem3A_63 : i32
    %add3A_65 = arith.constant 1 : i32
    %add3A_66 = arith.addi %add3A_5, %add3A_65 : i32
    %dma_start3A_67 = arith.constant 0 : i32
    %dma_start3A_68 = tpu.memref_slice %arg7[%rem3A_64, %dma_start3A_67] : memref<4x128xi32, #tpu.memory_space<vmem>> -> memref<1x128xi32, #tpu.memory_space<vmem>>
    %dma_start3A_69 = tpu.memref_squeeze %dma_start3A_68 : memref<1x128xi32, #tpu.memory_space<vmem>> -> memref<128xi32, #tpu.memory_space<vmem>>
    %dma_start3A_70 = arith.constant 0 : i32
    %dma_start3A_71 = tpu.memref_slice %arg2[%add3A_66, %dma_start3A_70] : memref<1250x128xi32, #tpu.memory_space<hbm>> -> memref<1x128xi32, #tpu.memory_space<hbm>>
    %dma_start3A_72 = tpu.memref_squeeze %dma_start3A_71 : memref<1x128xi32, #tpu.memory_space<hbm>> -> memref<128xi32, #tpu.memory_space<hbm>>
    %dma_start3A_73 = tpu.memref_slice %arg10[%rem3A_64] : memref<4x!tpu.dma_semaphore, #tpu.memory_space<semaphore_mem>> -> memref<1x!tpu.dma_semaphore, #tpu.memory_space<semaphore_mem>>
    %dma_start3A_74 = tpu.memref_squeeze %dma_start3A_73 : memref<1x!tpu.dma_semaphore, #tpu.memory_space<semaphore_mem>> -> memref<!tpu.dma_semaphore, #tpu.memory_space<semaphore_mem>>
    %dma_start3A_75 = arith.constant 0 : i32
    %dma_start3A_76 = tpu.memref_slice %arg7[%rem3A_64, %dma_start3A_75] : memref<4x128xi32, #tpu.memory_space<vmem>> -> memref<1x128xi32, #tpu.memory_space<vmem>>
    %dma_start3A_77 = tpu.memref_squeeze %dma_start3A_76 : memref<1x128xi32, #tpu.memory_space<vmem>> -> memref<128xi32, #tpu.memory_space<vmem>>
    %dma_start3A_78 = arith.constant 0 : i32
    %dma_start3A_79 = tpu.memref_slice %arg2[%add3A_66, %dma_start3A_78] : memref<1250x128xi32, #tpu.memory_space<hbm>> -> memref<1x128xi32, #tpu.memory_space<hbm>>
    %dma_start3A_80 = tpu.memref_squeeze %dma_start3A_79 : memref<1x128xi32, #tpu.memory_space<hbm>> -> memref<128xi32, #tpu.memory_space<hbm>>
    tpu.enqueue_dma source(%dma_start3A_80 : memref<128xi32, #tpu.memory_space<hbm>>) target(%dma_start3A_77 : memref<128xi32, #tpu.memory_space<vmem>>) target_semaphore(%dma_start3A_74 : memref<!tpu.dma_semaphore, #tpu.memory_space<semaphore_mem>>)
    %add3A_81 = arith.constant 1 : i32
    %add3A_82 = arith.addi %add3A_5, %add3A_81 : i32
    %dma_start3A_83 = arith.constant 0 : i32
    %dma_start3A_84 = tpu.memref_slice %arg8[%rem3A_64, %dma_start3A_83] : memref<4x128xi32, #tpu.memory_space<vmem>> -> memref<1x128xi32, #tpu.memory_space<vmem>>
    %dma_start3A_85 = tpu.memref_squeeze %dma_start3A_84 : memref<1x128xi32, #tpu.memory_space<vmem>> -> memref<128xi32, #tpu.memory_space<vmem>>
    %dma_start3A_86 = arith.constant 0 : i32
    %dma_start3A_87 = tpu.memref_slice %arg3[%add3A_82, %dma_start3A_86] : memref<1250x128xi32, #tpu.memory_space<hbm>> -> memref<1x128xi32, #tpu.memory_space<hbm>>
    %dma_start3A_88 = tpu.memref_squeeze %dma_start3A_87 : memref<1x128xi32, #tpu.memory_space<hbm>> -> memref<128xi32, #tpu.memory_space<hbm>>
    %dma_start3A_89 = tpu.memref_slice %arg10[%rem3A_64] : memref<4x!tpu.dma_semaphore, #tpu.memory_space<semaphore_mem>> -> memref<1x!tpu.dma_semaphore, #tpu.memory_space<semaphore_mem>>
    %dma_start3A_90 = tpu.memref_squeeze %dma_start3A_89 : memref<1x!tpu.dma_semaphore, #tpu.memory_space<semaphore_mem>> -> memref<!tpu.dma_semaphore, #tpu.memory_space<semaphore_mem>>
    %dma_start3A_91 = arith.constant 0 : i32
    %dma_start3A_92 = tpu.memref_slice %arg8[%rem3A_64, %dma_start3A_91] : memref<4x128xi32, #tpu.memory_space<vmem>> -> memref<1x128xi32, #tpu.memory_space<vmem>>
    %dma_start3A_93 = tpu.memref_squeeze %dma_start3A_92 : memref<1x128xi32, #tpu.memory_space<vmem>> -> memref<128xi32, #tpu.memory_space<vmem>>
    %dma_start3A_94 = arith.constant 0 : i32
    %dma_start3A_95 = tpu.memref_slice %arg3[%add3A_82, %dma_start3A_94] : memref<1250x128xi32, #tpu.memory_space<hbm>> -> memref<1x128xi32, #tpu.memory_space<hbm>>
    %dma_start3A_96 = tpu.memref_squeeze %dma_start3A_95 : memref<1x128xi32, #tpu.memory_space<hbm>> -> memref<128xi32, #tpu.memory_space<hbm>>
    tpu.enqueue_dma source(%dma_start3A_96 : memref<128xi32, #tpu.memory_space<hbm>>) target(%dma_start3A_93 : memref<128xi32, #tpu.memory_space<vmem>>) target_semaphore(%dma_start3A_90 : memref<!tpu.dma_semaphore, #tpu.memory_space<semaphore_mem>>)
    %rem3A_97 = arith.constant 0 : i32
    %rem3A_98 = arith.constant 4 : i32
    %rem3A_99 = arith.remsi %rem3A_97, %rem3A_98 : i32
    %add3A_100 = arith.constant 0 : i32
    %add3A_101 = arith.addi %add3A_5, %add3A_100 : i32
    %dma_wait3A = arith.constant 0 : i32
    %dma_wait3A_102 = tpu.memref_slice %arg7[%rem3A_99, %dma_wait3A] : memref<4x128xi32, #tpu.memory_space<vmem>> -> memref<1x128xi32, #tpu.memory_space<vmem>>
    %dma_wait3A_103 = tpu.memref_squeeze %dma_wait3A_102 : memref<1x128xi32, #tpu.memory_space<vmem>> -> memref<128xi32, #tpu.memory_space<vmem>>
    %dma_wait3A_104 = arith.constant 0 : i32
    %dma_wait3A_105 = tpu.memref_slice %arg2[%add3A_101, %dma_wait3A_104] : memref<1250x128xi32, #tpu.memory_space<hbm>> -> memref<1x128xi32, #tpu.memory_space<hbm>>
    %dma_wait3A_106 = tpu.memref_squeeze %dma_wait3A_105 : memref<1x128xi32, #tpu.memory_space<hbm>> -> memref<128xi32, #tpu.memory_space<hbm>>
    %dma_wait3A_107 = tpu.memref_slice %arg10[%rem3A_99] : memref<4x!tpu.dma_semaphore, #tpu.memory_space<semaphore_mem>> -> memref<1x!tpu.dma_semaphore, #tpu.memory_space<semaphore_mem>>
    %dma_wait3A_108 = tpu.memref_squeeze %dma_wait3A_107 : memref<1x!tpu.dma_semaphore, #tpu.memory_space<semaphore_mem>> -> memref<!tpu.dma_semaphore, #tpu.memory_space<semaphore_mem>>
    %dma_wait3A_109 = arith.constant 0 : i32
    %dma_wait3A_110 = tpu.memref_slice %arg7[%rem3A_99, %dma_wait3A_109] : memref<4x128xi32, #tpu.memory_space<vmem>> -> memref<1x128xi32, #tpu.memory_space<vmem>>
    %dma_wait3A_111 = tpu.memref_squeeze %dma_wait3A_110 : memref<1x128xi32, #tpu.memory_space<vmem>> -> memref<128xi32, #tpu.memory_space<vmem>>
    %dma_wait3A_112 = arith.constant 0 : i32
    %dma_wait3A_113 = tpu.memref_slice %arg2[%add3A_101, %dma_wait3A_112] : memref<1250x128xi32, #tpu.memory_space<hbm>> -> memref<1x128xi32, #tpu.memory_space<hbm>>
    %dma_wait3A_114 = tpu.memref_squeeze %dma_wait3A_113 : memref<1x128xi32, #tpu.memory_space<hbm>> -> memref<128xi32, #tpu.memory_space<hbm>>
    tpu.wait_dma2 semaphore(%dma_wait3A_108 : memref<!tpu.dma_semaphore, #tpu.memory_space<semaphore_mem>>) src(%dma_wait3A_114 : memref<128xi32, #tpu.memory_space<hbm>>) dst(%dma_wait3A_111 : memref<128xi32, #tpu.memory_space<vmem>>)
    %add3A_115 = arith.constant 0 : i32
    %add3A_116 = arith.addi %add3A_5, %add3A_115 : i32
    %dma_wait3A_117 = arith.constant 0 : i32
    %dma_wait3A_118 = tpu.memref_slice %arg8[%rem3A_99, %dma_wait3A_117] : memref<4x128xi32, #tpu.memory_space<vmem>> -> memref<1x128xi32, #tpu.memory_space<vmem>>
    %dma_wait3A_119 = tpu.memref_squeeze %dma_wait3A_118 : memref<1x128xi32, #tpu.memory_space<vmem>> -> memref<128xi32, #tpu.memory_space<vmem>>
    %dma_wait3A_120 = arith.constant 0 : i32
    %dma_wait3A_121 = tpu.memref_slice %arg3[%add3A_116, %dma_wait3A_120] : memref<1250x128xi32, #tpu.memory_space<hbm>> -> memref<1x128xi32, #tpu.memory_space<hbm>>
    %dma_wait3A_122 = tpu.memref_squeeze %dma_wait3A_121 : memref<1x128xi32, #tpu.memory_space<hbm>> -> memref<128xi32, #tpu.memory_space<hbm>>
    %dma_wait3A_123 = tpu.memref_slice %arg10[%rem3A_99] : memref<4x!tpu.dma_semaphore, #tpu.memory_space<semaphore_mem>> -> memref<1x!tpu.dma_semaphore, #tpu.memory_space<semaphore_mem>>
    %dma_wait3A_124 = tpu.memref_squeeze %dma_wait3A_123 : memref<1x!tpu.dma_semaphore, #tpu.memory_space<semaphore_mem>> -> memref<!tpu.dma_semaphore, #tpu.memory_space<semaphore_mem>>
    %dma_wait3A_125 = arith.constant 0 : i32
    %dma_wait3A_126 = tpu.memref_slice %arg8[%rem3A_99, %dma_wait3A_125] : memref<4x128xi32, #tpu.memory_space<vmem>> -> memref<1x128xi32, #tpu.memory_space<vmem>>
    %dma_wait3A_127 = tpu.memref_squeeze %dma_wait3A_126 : memref<1x128xi32, #tpu.memory_space<vmem>> -> memref<128xi32, #tpu.memory_space<vmem>>
    %dma_wait3A_128 = arith.constant 0 : i32
    %dma_wait3A_129 = tpu.memref_slice %arg3[%add3A_116, %dma_wait3A_128] : memref<1250x128xi32, #tpu.memory_space<hbm>> -> memref<1x128xi32, #tpu.memory_space<hbm>>
    %dma_wait3A_130 = tpu.memref_squeeze %dma_wait3A_129 : memref<1x128xi32, #tpu.memory_space<hbm>> -> memref<128xi32, #tpu.memory_space<hbm>>
    tpu.wait_dma2 semaphore(%dma_wait3A_124 : memref<!tpu.dma_semaphore, #tpu.memory_space<semaphore_mem>>) src(%dma_wait3A_130 : memref<128xi32, #tpu.memory_space<hbm>>) dst(%dma_wait3A_127 : memref<128xi32, #tpu.memory_space<vmem>>)
    %rem3A_131 = arith.constant 0 : i32
    %rem3A_132 = arith.constant 4 : i32
    %rem3A_133 = arith.remsi %rem3A_131, %rem3A_132 : i32
    %dma_start3A_134 = arith.constant 0 : i32
    %dma_start3A_135 = arith.constant 0 : i32
    %dma_start3A_136 = arith.constant 0 : i32
    %dma_start3A_137 = arith.constant 0 : i32
    %dma_start3A_138 = tpu.memref_slice %arg9[%dma_start3A_134, %dma_start3A_136, %dma_start3A_137] : memref<2x128x128xf32, #tpu.memory_space<vmem>> -> memref<1x128x128xf32, #tpu.memory_space<vmem>>
    %dma_start3A_139 = tpu.memref_squeeze %dma_start3A_138 : memref<1x128x128xf32, #tpu.memory_space<vmem>> -> memref<128x128xf32, #tpu.memory_space<vmem>>
    %dma_start3A_140 = arith.constant 0 : i32
    %dma_start3A_141 = tpu.memref_slice %arg7[%rem3A_133, %dma_start3A_140] : memref<4x128xi32, #tpu.memory_space<vmem>> -> memref<1x128xi32, #tpu.memory_space<vmem>>
    %dma_start3A_142 = tpu.memref_squeeze %dma_start3A_141 : memref<1x128xi32, #tpu.memory_space<vmem>> -> memref<128xi32, #tpu.memory_space<vmem>>
    %dma_start3A_143 = arith.constant 0 : i32
    %dma_start3A_144 = arith.constant 0 : i32
    %dma_start3A_145 = tpu.memref_slice %arg4[%arg0, %dma_start3A_143, %dma_start3A_144] : memref<2x10000x128xf32, #tpu.memory_space<hbm>> -> memref<1x10000x128xf32, #tpu.memory_space<hbm>>
    %dma_start3A_146 = tpu.memref_squeeze %dma_start3A_145 : memref<1x10000x128xf32, #tpu.memory_space<hbm>> -> memref<10000x128xf32, #tpu.memory_space<hbm>>
    %dma_start3A_147 = arith.constant 0 : i32
    %dma_start3A_148 = arith.constant 0 : i32
    %dma_start3A_149 = tpu.memref_slice %dma_start3A_146[%dma_start3A_147, %dma_start3A_148] : memref<10000x128xf32, #tpu.memory_space<hbm>> -> memref<10000x128xf32, #tpu.memory_space<hbm>>
    %dma_start3A_150 = tpu.memref_slice %arg11[%dma_start3A_135] : memref<2x!tpu.dma_semaphore, #tpu.memory_space<semaphore_mem>> -> memref<1x!tpu.dma_semaphore, #tpu.memory_space<semaphore_mem>>
    %dma_start3A_151 = tpu.memref_squeeze %dma_start3A_150 : memref<1x!tpu.dma_semaphore, #tpu.memory_space<semaphore_mem>> -> memref<!tpu.dma_semaphore, #tpu.memory_space<semaphore_mem>>
    tpu.enqueue_indirect_dma source(%dma_start3A_149 : memref<10000x128xf32, #tpu.memory_space<hbm>>) target(%dma_start3A_139 : memref<128x128xf32, #tpu.memory_space<vmem>>) offsets(%dma_start3A_142 : memref<128xi32, #tpu.memory_space<vmem>>) semaphore(%dma_start3A_151 : memref<!tpu.dma_semaphore, #tpu.memory_space<semaphore_mem>>)
    %while3A = arith.constant 0 : i32
    %while3A_152 = arith.constant 0 : i32
    %while3A_153 = arith.subi %add3A_2, %while3A : i32
    %while3A_154 = arith.addi %while3A, %while3A_153 : i32
    %while3A_155 = arith.constant 1 : i32
    %while3A_156 = arith.divsi %while3A_153, %while3A_155 : i32
    %while3A_157 = arith.muli %while3A_156, %while3A_155 : i32
    %while3A_158 = arith.addi %while3A, %while3A_157 : i32
    %while3A_159 = arith.constant 1 : i32
    %while3A_160 = scf.for %while3A_212 = %while3A to %while3A_158 step %while3A_159 iter_args(%while3A_213 = %while3A_152) -> (i32)  : i32 {
      %rem3A_214 = arith.constant 2 : i32
      %rem3A_215 = arith.remsi %while3A_212, %rem3A_214 : i32
      %add3A_216 = arith.constant 1 : i32
      %add3A_217 = arith.addi %while3A_212, %add3A_216 : i32
      %rem3A_218 = arith.constant 2 : i32
      %rem3A_219 = arith.remsi %add3A_217, %rem3A_218 : i32
      %add3A_220 = arith.constant 1 : i32
      %add3A_221 = arith.addi %while3A_212, %add3A_220 : i32
      %lt3A_222 = arith.cmpi slt, %add3A_221, %add3A_2 : i32
      %convert_element_type3A_223 = arith.extui %lt3A_222 : i1 to i32
      %cond3A_224 = arith.constant 0 : i32
      %cond3A_225 = arith.cmpi ne, %convert_element_type3A_223, %cond3A_224 : i32
      scf.if %cond3A_225 {
        %ge3A = arith.constant 1 : i32
        %ge3A_265 = arith.cmpi sge, %while3A_212, %ge3A : i32
        %convert_element_type3A_266 = arith.extui %ge3A_265 : i1 to i32
        %cond3A_267 = arith.constant 0 : i32
        %cond3A_268 = arith.cmpi ne, %convert_element_type3A_266, %cond3A_267 : i32
        scf.if %cond3A_268 {
          %sub3A_323 = arith.constant 1 : i32
          %sub3A_324 = arith.subi %while3A_212, %sub3A_323 : i32
          %rem3A_325 = arith.constant 4 : i32
          %rem3A_326 = arith.remsi %sub3A_324, %rem3A_325 : i32
          %dma_wait3A_327 = arith.constant 0 : i32
          %dma_wait3A_328 = arith.constant 0 : i32
          %dma_wait3A_329 = tpu.memref_slice %arg9[%rem3A_219, %dma_wait3A_327, %dma_wait3A_328] : memref<2x128x128xf32, #tpu.memory_space<vmem>> -> memref<1x128x128xf32, #tpu.memory_space<vmem>>
          %dma_wait3A_330 = tpu.memref_squeeze %dma_wait3A_329 : memref<1x128x128xf32, #tpu.memory_space<vmem>> -> memref<128x128xf32, #tpu.memory_space<vmem>>
          %dma_wait3A_331 = arith.constant 0 : i32
          %dma_wait3A_332 = tpu.memref_slice %arg8[%rem3A_326, %dma_wait3A_331] : memref<4x128xi32, #tpu.memory_space<vmem>> -> memref<1x128xi32, #tpu.memory_space<vmem>>
          %dma_wait3A_333 = tpu.memref_squeeze %dma_wait3A_332 : memref<1x128xi32, #tpu.memory_space<vmem>> -> memref<128xi32, #tpu.memory_space<vmem>>
          %dma_wait3A_334 = arith.constant 0 : i32
          %dma_wait3A_335 = arith.constant 0 : i32
          %dma_wait3A_336 = tpu.memref_slice %arg6[%dma_wait3A_334, %dma_wait3A_335] : memref<10000x128xf32, #tpu.memory_space<vmem_shared>> -> memref<10000x128xf32, #tpu.memory_space<vmem_shared>>
          %dma_wait3A_337 = tpu.memref_slice %arg12[%rem3A_219] : memref<2x!tpu.dma_semaphore, #tpu.memory_space<semaphore_mem>> -> memref<1x!tpu.dma_semaphore, #tpu.memory_space<semaphore_mem>>
          %dma_wait3A_338 = tpu.memref_squeeze %dma_wait3A_337 : memref<1x!tpu.dma_semaphore, #tpu.memory_space<semaphore_mem>> -> memref<!tpu.dma_semaphore, #tpu.memory_space<semaphore_mem>>
          tpu.wait_indirect_dma semaphore(%dma_wait3A_338 : memref<!tpu.dma_semaphore, #tpu.memory_space<semaphore_mem>>) src(%dma_wait3A_330 : memref<128x128xf32, #tpu.memory_space<vmem>>) dst(%dma_wait3A_336 : memref<10000x128xf32, #tpu.memory_space<vmem_shared>>)
        } else {
        }
        %add3A_269 = arith.constant 1 : i32
        %add3A_270 = arith.addi %while3A_212, %add3A_269 : i32
        %rem3A_271 = arith.constant 4 : i32
        %rem3A_272 = arith.remsi %add3A_270, %rem3A_271 : i32
        %add3A_273 = arith.addi %add3A_5, %add3A_270 : i32
        %dma_wait3A_274 = arith.constant 0 : i32
        %dma_wait3A_275 = tpu.memref_slice %arg7[%rem3A_272, %dma_wait3A_274] : memref<4x128xi32, #tpu.memory_space<vmem>> -> memref<1x128xi32, #tpu.memory_space<vmem>>
        %dma_wait3A_276 = tpu.memref_squeeze %dma_wait3A_275 : memref<1x128xi32, #tpu.memory_space<vmem>> -> memref<128xi32, #tpu.memory_space<vmem>>
        %dma_wait3A_277 = arith.constant 0 : i32
        %dma_wait3A_278 = tpu.memref_slice %arg2[%add3A_273, %dma_wait3A_277] : memref<1250x128xi32, #tpu.memory_space<hbm>> -> memref<1x128xi32, #tpu.memory_space<hbm>>
        %dma_wait3A_279 = tpu.memref_squeeze %dma_wait3A_278 : memref<1x128xi32, #tpu.memory_space<hbm>> -> memref<128xi32, #tpu.memory_space<hbm>>
        %dma_wait3A_280 = tpu.memref_slice %arg10[%rem3A_272] : memref<4x!tpu.dma_semaphore, #tpu.memory_space<semaphore_mem>> -> memref<1x!tpu.dma_semaphore, #tpu.memory_space<semaphore_mem>>
        %dma_wait3A_281 = tpu.memref_squeeze %dma_wait3A_280 : memref<1x!tpu.dma_semaphore, #tpu.memory_space<semaphore_mem>> -> memref<!tpu.dma_semaphore, #tpu.memory_space<semaphore_mem>>
        %dma_wait3A_282 = arith.constant 0 : i32
        %dma_wait3A_283 = tpu.memref_slice %arg7[%rem3A_272, %dma_wait3A_282] : memref<4x128xi32, #tpu.memory_space<vmem>> -> memref<1x128xi32, #tpu.memory_space<vmem>>
        %dma_wait3A_284 = tpu.memref_squeeze %dma_wait3A_283 : memref<1x128xi32, #tpu.memory_space<vmem>> -> memref<128xi32, #tpu.memory_space<vmem>>
        %dma_wait3A_285 = arith.constant 0 : i32
        %dma_wait3A_286 = tpu.memref_slice %arg2[%add3A_273, %dma_wait3A_285] : memref<1250x128xi32, #tpu.memory_space<hbm>> -> memref<1x128xi32, #tpu.memory_space<hbm>>
        %dma_wait3A_287 = tpu.memref_squeeze %dma_wait3A_286 : memref<1x128xi32, #tpu.memory_space<hbm>> -> memref<128xi32, #tpu.memory_space<hbm>>
        tpu.wait_dma2 semaphore(%dma_wait3A_281 : memref<!tpu.dma_semaphore, #tpu.memory_space<semaphore_mem>>) src(%dma_wait3A_287 : memref<128xi32, #tpu.memory_space<hbm>>) dst(%dma_wait3A_284 : memref<128xi32, #tpu.memory_space<vmem>>)
        %add3A_288 = arith.addi %add3A_5, %add3A_270 : i32
        %dma_wait3A_289 = arith.constant 0 : i32
        %dma_wait3A_290 = tpu.memref_slice %arg8[%rem3A_272, %dma_wait3A_289] : memref<4x128xi32, #tpu.memory_space<vmem>> -> memref<1x128xi32, #tpu.memory_space<vmem>>
        %dma_wait3A_291 = tpu.memref_squeeze %dma_wait3A_290 : memref<1x128xi32, #tpu.memory_space<vmem>> -> memref<128xi32, #tpu.memory_space<vmem>>
        %dma_wait3A_292 = arith.constant 0 : i32
        %dma_wait3A_293 = tpu.memref_slice %arg3[%add3A_288, %dma_wait3A_292] : memref<1250x128xi32, #tpu.memory_space<hbm>> -> memref<1x128xi32, #tpu.memory_space<hbm>>
        %dma_wait3A_294 = tpu.memref_squeeze %dma_wait3A_293 : memref<1x128xi32, #tpu.memory_space<hbm>> -> memref<128xi32, #tpu.memory_space<hbm>>
        %dma_wait3A_295 = tpu.memref_slice %arg10[%rem3A_272] : memref<4x!tpu.dma_semaphore, #tpu.memory_space<semaphore_mem>> -> memref<1x!tpu.dma_semaphore, #tpu.memory_space<semaphore_mem>>
        %dma_wait3A_296 = tpu.memref_squeeze %dma_wait3A_295 : memref<1x!tpu.dma_semaphore, #tpu.memory_space<semaphore_mem>> -> memref<!tpu.dma_semaphore, #tpu.memory_space<semaphore_mem>>
        %dma_wait3A_297 = arith.constant 0 : i32
        %dma_wait3A_298 = tpu.memref_slice %arg8[%rem3A_272, %dma_wait3A_297] : memref<4x128xi32, #tpu.memory_space<vmem>> -> memref<1x128xi32, #tpu.memory_space<vmem>>
        %dma_wait3A_299 = tpu.memref_squeeze %dma_wait3A_298 : memref<1x128xi32, #tpu.memory_space<vmem>> -> memref<128xi32, #tpu.memory_space<vmem>>
        %dma_wait3A_300 = arith.constant 0 : i32
        %dma_wait3A_301 = tpu.memref_slice %arg3[%add3A_288, %dma_wait3A_300] : memref<1250x128xi32, #tpu.memory_space<hbm>> -> memref<1x128xi32, #tpu.memory_space<hbm>>
        %dma_wait3A_302 = tpu.memref_squeeze %dma_wait3A_301 : memref<1x128xi32, #tpu.memory_space<hbm>> -> memref<128xi32, #tpu.memory_space<hbm>>
        tpu.wait_dma2 semaphore(%dma_wait3A_296 : memref<!tpu.dma_semaphore, #tpu.memory_space<semaphore_mem>>) src(%dma_wait3A_302 : memref<128xi32, #tpu.memory_space<hbm>>) dst(%dma_wait3A_299 : memref<128xi32, #tpu.memory_space<vmem>>)
        %add3A_303 = arith.constant 1 : i32
        %add3A_304 = arith.addi %while3A_212, %add3A_303 : i32
        %rem3A_305 = arith.constant 4 : i32
        %rem3A_306 = arith.remsi %add3A_304, %rem3A_305 : i32
        %dma_start3A_307 = arith.constant 0 : i32
        %dma_start3A_308 = arith.constant 0 : i32
        %dma_start3A_309 = tpu.memref_slice %arg9[%rem3A_219, %dma_start3A_307, %dma_start3A_308] : memref<2x128x128xf32, #tpu.memory_space<vmem>> -> memref<1x128x128xf32, #tpu.memory_space<vmem>>
        %dma_start3A_310 = tpu.memref_squeeze %dma_start3A_309 : memref<1x128x128xf32, #tpu.memory_space<vmem>> -> memref<128x128xf32, #tpu.memory_space<vmem>>
        %dma_start3A_311 = arith.constant 0 : i32
        %dma_start3A_312 = tpu.memref_slice %arg7[%rem3A_306, %dma_start3A_311] : memref<4x128xi32, #tpu.memory_space<vmem>> -> memref<1x128xi32, #tpu.memory_space<vmem>>
        %dma_start3A_313 = tpu.memref_squeeze %dma_start3A_312 : memref<1x128xi32, #tpu.memory_space<vmem>> -> memref<128xi32, #tpu.memory_space<vmem>>
        %dma_start3A_314 = arith.constant 0 : i32
        %dma_start3A_315 = arith.constant 0 : i32
        %dma_start3A_316 = tpu.memref_slice %arg4[%arg0, %dma_start3A_314, %dma_start3A_315] : memref<2x10000x128xf32, #tpu.memory_space<hbm>> -> memref<1x10000x128xf32, #tpu.memory_space<hbm>>
        %dma_start3A_317 = tpu.memref_squeeze %dma_start3A_316 : memref<1x10000x128xf32, #tpu.memory_space<hbm>> -> memref<10000x128xf32, #tpu.memory_space<hbm>>
        %dma_start3A_318 = arith.constant 0 : i32
        %dma_start3A_319 = arith.constant 0 : i32
        %dma_start3A_320 = tpu.memref_slice %dma_start3A_317[%dma_start3A_318, %dma_start3A_319] : memref<10000x128xf32, #tpu.memory_space<hbm>> -> memref<10000x128xf32, #tpu.memory_space<hbm>>
        %dma_start3A_321 = tpu.memref_slice %arg11[%rem3A_219] : memref<2x!tpu.dma_semaphore, #tpu.memory_space<semaphore_mem>> -> memref<1x!tpu.dma_semaphore, #tpu.memory_space<semaphore_mem>>
        %dma_start3A_322 = tpu.memref_squeeze %dma_start3A_321 : memref<1x!tpu.dma_semaphore, #tpu.memory_space<semaphore_mem>> -> memref<!tpu.dma_semaphore, #tpu.memory_space<semaphore_mem>>
        tpu.enqueue_indirect_dma source(%dma_start3A_320 : memref<10000x128xf32, #tpu.memory_space<hbm>>) target(%dma_start3A_310 : memref<128x128xf32, #tpu.memory_space<vmem>>) offsets(%dma_start3A_313 : memref<128xi32, #tpu.memory_space<vmem>>) semaphore(%dma_start3A_322 : memref<!tpu.dma_semaphore, #tpu.memory_space<semaphore_mem>>)
      } else {
      }
      %rem3A_226 = arith.constant 4 : i32
      %rem3A_227 = arith.remsi %while3A_212, %rem3A_226 : i32
      %dma_wait3A_228 = arith.constant 0 : i32
      %dma_wait3A_229 = arith.constant 0 : i32
      %dma_wait3A_230 = tpu.memref_slice %arg9[%rem3A_215, %dma_wait3A_228, %dma_wait3A_229] : memref<2x128x128xf32, #tpu.memory_space<vmem>> -> memref<1x128x128xf32, #tpu.memory_space<vmem>>
      %dma_wait3A_231 = tpu.memref_squeeze %dma_wait3A_230 : memref<1x128x128xf32, #tpu.memory_space<vmem>> -> memref<128x128xf32, #tpu.memory_space<vmem>>
      %dma_wait3A_232 = arith.constant 0 : i32
      %dma_wait3A_233 = tpu.memref_slice %arg7[%rem3A_227, %dma_wait3A_232] : memref<4x128xi32, #tpu.memory_space<vmem>> -> memref<1x128xi32, #tpu.memory_space<vmem>>
      %dma_wait3A_234 = tpu.memref_squeeze %dma_wait3A_233 : memref<1x128xi32, #tpu.memory_space<vmem>> -> memref<128xi32, #tpu.memory_space<vmem>>
      %dma_wait3A_235 = arith.constant 0 : i32
      %dma_wait3A_236 = arith.constant 0 : i32
      %dma_wait3A_237 = tpu.memref_slice %arg4[%arg0, %dma_wait3A_235, %dma_wait3A_236] : memref<2x10000x128xf32, #tpu.memory_space<hbm>> -> memref<1x10000x128xf32, #tpu.memory_space<hbm>>
      %dma_wait3A_238 = tpu.memref_squeeze %dma_wait3A_237 : memref<1x10000x128xf32, #tpu.memory_space<hbm>> -> memref<10000x128xf32, #tpu.memory_space<hbm>>
      %dma_wait3A_239 = arith.constant 0 : i32
      %dma_wait3A_240 = arith.constant 0 : i32
      %dma_wait3A_241 = tpu.memref_slice %dma_wait3A_238[%dma_wait3A_239, %dma_wait3A_240] : memref<10000x128xf32, #tpu.memory_space<hbm>> -> memref<10000x128xf32, #tpu.memory_space<hbm>>
      %dma_wait3A_242 = tpu.memref_slice %arg11[%rem3A_215] : memref<2x!tpu.dma_semaphore, #tpu.memory_space<semaphore_mem>> -> memref<1x!tpu.dma_semaphore, #tpu.memory_space<semaphore_mem>>
      %dma_wait3A_243 = tpu.memref_squeeze %dma_wait3A_242 : memref<1x!tpu.dma_semaphore, #tpu.memory_space<semaphore_mem>> -> memref<!tpu.dma_semaphore, #tpu.memory_space<semaphore_mem>>
      tpu.wait_indirect_dma semaphore(%dma_wait3A_243 : memref<!tpu.dma_semaphore, #tpu.memory_space<semaphore_mem>>) src(%dma_wait3A_241 : memref<10000x128xf32, #tpu.memory_space<hbm>>) dst(%dma_wait3A_231 : memref<128x128xf32, #tpu.memory_space<vmem>>)
      %rem3A_244 = arith.constant 4 : i32
      %rem3A_245 = arith.remsi %while3A_212, %rem3A_244 : i32
      %dma_start3A_246 = arith.constant 0 : i32
      %dma_start3A_247 = arith.constant 0 : i32
      %dma_start3A_248 = tpu.memref_slice %arg9[%rem3A_215, %dma_start3A_246, %dma_start3A_247] : memref<2x128x128xf32, #tpu.memory_space<vmem>> -> memref<1x128x128xf32, #tpu.memory_space<vmem>>
      %dma_start3A_249 = tpu.memref_squeeze %dma_start3A_248 : memref<1x128x128xf32, #tpu.memory_space<vmem>> -> memref<128x128xf32, #tpu.memory_space<vmem>>
      %dma_start3A_250 = arith.constant 0 : i32
      %dma_start3A_251 = tpu.memref_slice %arg8[%rem3A_245, %dma_start3A_250] : memref<4x128xi32, #tpu.memory_space<vmem>> -> memref<1x128xi32, #tpu.memory_space<vmem>>
      %dma_start3A_252 = tpu.memref_squeeze %dma_start3A_251 : memref<1x128xi32, #tpu.memory_space<vmem>> -> memref<128xi32, #tpu.memory_space<vmem>>
      %dma_start3A_253 = arith.constant 0 : i32
      %dma_start3A_254 = arith.constant 0 : i32
      %dma_start3A_255 = tpu.memref_slice %arg6[%dma_start3A_253, %dma_start3A_254] : memref<10000x128xf32, #tpu.memory_space<vmem_shared>> -> memref<10000x128xf32, #tpu.memory_space<vmem_shared>>
      %dma_start3A_256 = tpu.memref_slice %arg12[%rem3A_215] : memref<2x!tpu.dma_semaphore, #tpu.memory_space<semaphore_mem>> -> memref<1x!tpu.dma_semaphore, #tpu.memory_space<semaphore_mem>>
      %dma_start3A_257 = tpu.memref_squeeze %dma_start3A_256 : memref<1x!tpu.dma_semaphore, #tpu.memory_space<semaphore_mem>> -> memref<!tpu.dma_semaphore, #tpu.memory_space<semaphore_mem>>
      tpu.enqueue_indirect_dma source(%dma_start3A_249 : memref<128x128xf32, #tpu.memory_space<vmem>>) target(%dma_start3A_255 : memref<10000x128xf32, #tpu.memory_space<vmem_shared>>) offsets(%dma_start3A_252 : memref<128xi32, #tpu.memory_space<vmem>>) semaphore(%dma_start3A_257 : memref<!tpu.dma_semaphore, #tpu.memory_space<semaphore_mem>>) {add = true}
      %add3A_258 = arith.constant 2 : i32
      %add3A_259 = arith.addi %while3A_212, %add3A_258 : i32
      %lt3A_260 = arith.cmpi slt, %add3A_259, %add3A_2 : i32
      %convert_element_type3A_261 = arith.extui %lt3A_260 : i1 to i32
      %cond3A_262 = arith.constant 0 : i32
      %cond3A_263 = arith.cmpi ne, %convert_element_type3A_261, %cond3A_262 : i32
      scf.if %cond3A_263 {
        %add3A_265 = arith.constant 2 : i32
        %add3A_266 = arith.addi %while3A_212, %add3A_265 : i32
        %rem3A_267 = arith.constant 4 : i32
        %rem3A_268 = arith.remsi %add3A_266, %rem3A_267 : i32
        %add3A_269 = arith.addi %add3A_5, %add3A_266 : i32
        %dma_start3A_270 = arith.constant 0 : i32
        %dma_start3A_271 = tpu.memref_slice %arg7[%rem3A_268, %dma_start3A_270] : memref<4x128xi32, #tpu.memory_space<vmem>> -> memref<1x128xi32, #tpu.memory_space<vmem>>
        %dma_start3A_272 = tpu.memref_squeeze %dma_start3A_271 : memref<1x128xi32, #tpu.memory_space<vmem>> -> memref<128xi32, #tpu.memory_space<vmem>>
        %dma_start3A_273 = arith.constant 0 : i32
        %dma_start3A_274 = tpu.memref_slice %arg2[%add3A_269, %dma_start3A_273] : memref<1250x128xi32, #tpu.memory_space<hbm>> -> memref<1x128xi32, #tpu.memory_space<hbm>>
        %dma_start3A_275 = tpu.memref_squeeze %dma_start3A_274 : memref<1x128xi32, #tpu.memory_space<hbm>> -> memref<128xi32, #tpu.memory_space<hbm>>
        %dma_start3A_276 = tpu.memref_slice %arg10[%rem3A_268] : memref<4x!tpu.dma_semaphore, #tpu.memory_space<semaphore_mem>> -> memref<1x!tpu.dma_semaphore, #tpu.memory_space<semaphore_mem>>
        %dma_start3A_277 = tpu.memref_squeeze %dma_start3A_276 : memref<1x!tpu.dma_semaphore, #tpu.memory_space<semaphore_mem>> -> memref<!tpu.dma_semaphore, #tpu.memory_space<semaphore_mem>>
        %dma_start3A_278 = arith.constant 0 : i32
        %dma_start3A_279 = tpu.memref_slice %arg7[%rem3A_268, %dma_start3A_278] : memref<4x128xi32, #tpu.memory_space<vmem>> -> memref<1x128xi32, #tpu.memory_space<vmem>>
        %dma_start3A_280 = tpu.memref_squeeze %dma_start3A_279 : memref<1x128xi32, #tpu.memory_space<vmem>> -> memref<128xi32, #tpu.memory_space<vmem>>
        %dma_start3A_281 = arith.constant 0 : i32
        %dma_start3A_282 = tpu.memref_slice %arg2[%add3A_269, %dma_start3A_281] : memref<1250x128xi32, #tpu.memory_space<hbm>> -> memref<1x128xi32, #tpu.memory_space<hbm>>
        %dma_start3A_283 = tpu.memref_squeeze %dma_start3A_282 : memref<1x128xi32, #tpu.memory_space<hbm>> -> memref<128xi32, #tpu.memory_space<hbm>>
        tpu.enqueue_dma source(%dma_start3A_283 : memref<128xi32, #tpu.memory_space<hbm>>) target(%dma_start3A_280 : memref<128xi32, #tpu.memory_space<vmem>>) target_semaphore(%dma_start3A_277 : memref<!tpu.dma_semaphore, #tpu.memory_space<semaphore_mem>>)
        %add3A_284 = arith.addi %add3A_5, %add3A_266 : i32
        %dma_start3A_285 = arith.constant 0 : i32
        %dma_start3A_286 = tpu.memref_slice %arg8[%rem3A_268, %dma_start3A_285] : memref<4x128xi32, #tpu.memory_space<vmem>> -> memref<1x128xi32, #tpu.memory_space<vmem>>
        %dma_start3A_287 = tpu.memref_squeeze %dma_start3A_286 : memref<1x128xi32, #tpu.memory_space<vmem>> -> memref<128xi32, #tpu.memory_space<vmem>>
        %dma_start3A_288 = arith.constant 0 : i32
        %dma_start3A_289 = tpu.memref_slice %arg3[%add3A_284, %dma_start3A_288] : memref<1250x128xi32, #tpu.memory_space<hbm>> -> memref<1x128xi32, #tpu.memory_space<hbm>>
        %dma_start3A_290 = tpu.memref_squeeze %dma_start3A_289 : memref<1x128xi32, #tpu.memory_space<hbm>> -> memref<128xi32, #tpu.memory_space<hbm>>
        %dma_start3A_291 = tpu.memref_slice %arg10[%rem3A_268] : memref<4x!tpu.dma_semaphore, #tpu.memory_space<semaphore_mem>> -> memref<1x!tpu.dma_semaphore, #tpu.memory_space<semaphore_mem>>
        %dma_start3A_292 = tpu.memref_squeeze %dma_start3A_291 : memref<1x!tpu.dma_semaphore, #tpu.memory_space<semaphore_mem>> -> memref<!tpu.dma_semaphore, #tpu.memory_space<semaphore_mem>>
        %dma_start3A_293 = arith.constant 0 : i32
        %dma_start3A_294 = tpu.memref_slice %arg8[%rem3A_268, %dma_start3A_293] : memref<4x128xi32, #tpu.memory_space<vmem>> -> memref<1x128xi32, #tpu.memory_space<vmem>>
        %dma_start3A_295 = tpu.memref_squeeze %dma_start3A_294 : memref<1x128xi32, #tpu.memory_space<vmem>> -> memref<128xi32, #tpu.memory_space<vmem>>
        %dma_start3A_296 = arith.constant 0 : i32
        %dma_start3A_297 = tpu.memref_slice %arg3[%add3A_284, %dma_start3A_296] : memref<1250x128xi32, #tpu.memory_space<hbm>> -> memref<1x128xi32, #tpu.memory_space<hbm>>
        %dma_start3A_298 = tpu.memref_squeeze %dma_start3A_297 : memref<1x128xi32, #tpu.memory_space<hbm>> -> memref<128xi32, #tpu.memory_space<hbm>>
        tpu.enqueue_dma source(%dma_start3A_298 : memref<128xi32, #tpu.memory_space<hbm>>) target(%dma_start3A_295 : memref<128xi32, #tpu.memory_space<vmem>>) target_semaphore(%dma_start3A_292 : memref<!tpu.dma_semaphore, #tpu.memory_space<semaphore_mem>>)
      } else {
      }
      %while3A_264 = arith.constant 0 : i32
      scf.yield %while3A_264 : i32
    }
    %while3A_161 = arith.constant 1 : i32
    %while3A_162 = scf.for %while3A_212 = %while3A_158 to %while3A_154 step %while3A_161 iter_args(%while3A_213 = %while3A_160) -> (i32)  : i32 {
      %rem3A_214 = arith.constant 2 : i32
      %rem3A_215 = arith.remsi %while3A_212, %rem3A_214 : i32
      %add3A_216 = arith.constant 1 : i32
      %add3A_217 = arith.addi %while3A_212, %add3A_216 : i32
      %rem3A_218 = arith.constant 2 : i32
      %rem3A_219 = arith.remsi %add3A_217, %rem3A_218 : i32
      %add3A_220 = arith.constant 1 : i32
      %add3A_221 = arith.addi %while3A_212, %add3A_220 : i32
      %lt3A_222 = arith.cmpi slt, %add3A_221, %add3A_2 : i32
      %convert_element_type3A_223 = arith.extui %lt3A_222 : i1 to i32
      %cond3A_224 = arith.constant 0 : i32
      %cond3A_225 = arith.cmpi ne, %convert_element_type3A_223, %cond3A_224 : i32
      scf.if %cond3A_225 {
        %ge3A = arith.constant 1 : i32
        %ge3A_265 = arith.cmpi sge, %while3A_212, %ge3A : i32
        %convert_element_type3A_266 = arith.extui %ge3A_265 : i1 to i32
        %cond3A_267 = arith.constant 0 : i32
        %cond3A_268 = arith.cmpi ne, %convert_element_type3A_266, %cond3A_267 : i32
        scf.if %cond3A_268 {
          %sub3A_323 = arith.constant 1 : i32
          %sub3A_324 = arith.subi %while3A_212, %sub3A_323 : i32
          %rem3A_325 = arith.constant 4 : i32
          %rem3A_326 = arith.remsi %sub3A_324, %rem3A_325 : i32
          %dma_wait3A_327 = arith.constant 0 : i32
          %dma_wait3A_328 = arith.constant 0 : i32
          %dma_wait3A_329 = tpu.memref_slice %arg9[%rem3A_219, %dma_wait3A_327, %dma_wait3A_328] : memref<2x128x128xf32, #tpu.memory_space<vmem>> -> memref<1x128x128xf32, #tpu.memory_space<vmem>>
          %dma_wait3A_330 = tpu.memref_squeeze %dma_wait3A_329 : memref<1x128x128xf32, #tpu.memory_space<vmem>> -> memref<128x128xf32, #tpu.memory_space<vmem>>
          %dma_wait3A_331 = arith.constant 0 : i32
          %dma_wait3A_332 = tpu.memref_slice %arg8[%rem3A_326, %dma_wait3A_331] : memref<4x128xi32, #tpu.memory_space<vmem>> -> memref<1x128xi32, #tpu.memory_space<vmem>>
          %dma_wait3A_333 = tpu.memref_squeeze %dma_wait3A_332 : memref<1x128xi32, #tpu.memory_space<vmem>> -> memref<128xi32, #tpu.memory_space<vmem>>
          %dma_wait3A_334 = arith.constant 0 : i32
          %dma_wait3A_335 = arith.constant 0 : i32
          %dma_wait3A_336 = tpu.memref_slice %arg6[%dma_wait3A_334, %dma_wait3A_335] : memref<10000x128xf32, #tpu.memory_space<vmem_shared>> -> memref<10000x128xf32, #tpu.memory_space<vmem_shared>>
          %dma_wait3A_337 = tpu.memref_slice %arg12[%rem3A_219] : memref<2x!tpu.dma_semaphore, #tpu.memory_space<semaphore_mem>> -> memref<1x!tpu.dma_semaphore, #tpu.memory_space<semaphore_mem>>
          %dma_wait3A_338 = tpu.memref_squeeze %dma_wait3A_337 : memref<1x!tpu.dma_semaphore, #tpu.memory_space<semaphore_mem>> -> memref<!tpu.dma_semaphore, #tpu.memory_space<semaphore_mem>>
          tpu.wait_indirect_dma semaphore(%dma_wait3A_338 : memref<!tpu.dma_semaphore, #tpu.memory_space<semaphore_mem>>) src(%dma_wait3A_330 : memref<128x128xf32, #tpu.memory_space<vmem>>) dst(%dma_wait3A_336 : memref<10000x128xf32, #tpu.memory_space<vmem_shared>>)
        } else {
        }
        %add3A_269 = arith.constant 1 : i32
        %add3A_270 = arith.addi %while3A_212, %add3A_269 : i32
        %rem3A_271 = arith.constant 4 : i32
        %rem3A_272 = arith.remsi %add3A_270, %rem3A_271 : i32
        %add3A_273 = arith.addi %add3A_5, %add3A_270 : i32
        %dma_wait3A_274 = arith.constant 0 : i32
        %dma_wait3A_275 = tpu.memref_slice %arg7[%rem3A_272, %dma_wait3A_274] : memref<4x128xi32, #tpu.memory_space<vmem>> -> memref<1x128xi32, #tpu.memory_space<vmem>>
        %dma_wait3A_276 = tpu.memref_squeeze %dma_wait3A_275 : memref<1x128xi32, #tpu.memory_space<vmem>> -> memref<128xi32, #tpu.memory_space<vmem>>
        %dma_wait3A_277 = arith.constant 0 : i32
        %dma_wait3A_278 = tpu.memref_slice %arg2[%add3A_273, %dma_wait3A_277] : memref<1250x128xi32, #tpu.memory_space<hbm>> -> memref<1x128xi32, #tpu.memory_space<hbm>>
        %dma_wait3A_279 = tpu.memref_squeeze %dma_wait3A_278 : memref<1x128xi32, #tpu.memory_space<hbm>> -> memref<128xi32, #tpu.memory_space<hbm>>
        %dma_wait3A_280 = tpu.memref_slice %arg10[%rem3A_272] : memref<4x!tpu.dma_semaphore, #tpu.memory_space<semaphore_mem>> -> memref<1x!tpu.dma_semaphore, #tpu.memory_space<semaphore_mem>>
        %dma_wait3A_281 = tpu.memref_squeeze %dma_wait3A_280 : memref<1x!tpu.dma_semaphore, #tpu.memory_space<semaphore_mem>> -> memref<!tpu.dma_semaphore, #tpu.memory_space<semaphore_mem>>
        %dma_wait3A_282 = arith.constant 0 : i32
        %dma_wait3A_283 = tpu.memref_slice %arg7[%rem3A_272, %dma_wait3A_282] : memref<4x128xi32, #tpu.memory_space<vmem>> -> memref<1x128xi32, #tpu.memory_space<vmem>>
        %dma_wait3A_284 = tpu.memref_squeeze %dma_wait3A_283 : memref<1x128xi32, #tpu.memory_space<vmem>> -> memref<128xi32, #tpu.memory_space<vmem>>
        %dma_wait3A_285 = arith.constant 0 : i32
        %dma_wait3A_286 = tpu.memref_slice %arg2[%add3A_273, %dma_wait3A_285] : memref<1250x128xi32, #tpu.memory_space<hbm>> -> memref<1x128xi32, #tpu.memory_space<hbm>>
        %dma_wait3A_287 = tpu.memref_squeeze %dma_wait3A_286 : memref<1x128xi32, #tpu.memory_space<hbm>> -> memref<128xi32, #tpu.memory_space<hbm>>
        tpu.wait_dma2 semaphore(%dma_wait3A_281 : memref<!tpu.dma_semaphore, #tpu.memory_space<semaphore_mem>>) src(%dma_wait3A_287 : memref<128xi32, #tpu.memory_space<hbm>>) dst(%dma_wait3A_284 : memref<128xi32, #tpu.memory_space<vmem>>)
        %add3A_288 = arith.addi %add3A_5, %add3A_270 : i32
        %dma_wait3A_289 = arith.constant 0 : i32
        %dma_wait3A_290 = tpu.memref_slice %arg8[%rem3A_272, %dma_wait3A_289] : memref<4x128xi32, #tpu.memory_space<vmem>> -> memref<1x128xi32, #tpu.memory_space<vmem>>
        %dma_wait3A_291 = tpu.memref_squeeze %dma_wait3A_290 : memref<1x128xi32, #tpu.memory_space<vmem>> -> memref<128xi32, #tpu.memory_space<vmem>>
        %dma_wait3A_292 = arith.constant 0 : i32
        %dma_wait3A_293 = tpu.memref_slice %arg3[%add3A_288, %dma_wait3A_292] : memref<1250x128xi32, #tpu.memory_space<hbm>> -> memref<1x128xi32, #tpu.memory_space<hbm>>
        %dma_wait3A_294 = tpu.memref_squeeze %dma_wait3A_293 : memref<1x128xi32, #tpu.memory_space<hbm>> -> memref<128xi32, #tpu.memory_space<hbm>>
        %dma_wait3A_295 = tpu.memref_slice %arg10[%rem3A_272] : memref<4x!tpu.dma_semaphore, #tpu.memory_space<semaphore_mem>> -> memref<1x!tpu.dma_semaphore, #tpu.memory_space<semaphore_mem>>
        %dma_wait3A_296 = tpu.memref_squeeze %dma_wait3A_295 : memref<1x!tpu.dma_semaphore, #tpu.memory_space<semaphore_mem>> -> memref<!tpu.dma_semaphore, #tpu.memory_space<semaphore_mem>>
        %dma_wait3A_297 = arith.constant 0 : i32
        %dma_wait3A_298 = tpu.memref_slice %arg8[%rem3A_272, %dma_wait3A_297] : memref<4x128xi32, #tpu.memory_space<vmem>> -> memref<1x128xi32, #tpu.memory_space<vmem>>
        %dma_wait3A_299 = tpu.memref_squeeze %dma_wait3A_298 : memref<1x128xi32, #tpu.memory_space<vmem>> -> memref<128xi32, #tpu.memory_space<vmem>>
        %dma_wait3A_300 = arith.constant 0 : i32
        %dma_wait3A_301 = tpu.memref_slice %arg3[%add3A_288, %dma_wait3A_300] : memref<1250x128xi32, #tpu.memory_space<hbm>> -> memref<1x128xi32, #tpu.memory_space<hbm>>
        %dma_wait3A_302 = tpu.memref_squeeze %dma_wait3A_301 : memref<1x128xi32, #tpu.memory_space<hbm>> -> memref<128xi32, #tpu.memory_space<hbm>>
        tpu.wait_dma2 semaphore(%dma_wait3A_296 : memref<!tpu.dma_semaphore, #tpu.memory_space<semaphore_mem>>) src(%dma_wait3A_302 : memref<128xi32, #tpu.memory_space<hbm>>) dst(%dma_wait3A_299 : memref<128xi32, #tpu.memory_space<vmem>>)
        %add3A_303 = arith.constant 1 : i32
        %add3A_304 = arith.addi %while3A_212, %add3A_303 : i32
        %rem3A_305 = arith.constant 4 : i32
        %rem3A_306 = arith.remsi %add3A_304, %rem3A_305 : i32
        %dma_start3A_307 = arith.constant 0 : i32
        %dma_start3A_308 = arith.constant 0 : i32
        %dma_start3A_309 = tpu.memref_slice %arg9[%rem3A_219, %dma_start3A_307, %dma_start3A_308] : memref<2x128x128xf32, #tpu.memory_space<vmem>> -> memref<1x128x128xf32, #tpu.memory_space<vmem>>
        %dma_start3A_310 = tpu.memref_squeeze %dma_start3A_309 : memref<1x128x128xf32, #tpu.memory_space<vmem>> -> memref<128x128xf32, #tpu.memory_space<vmem>>
        %dma_start3A_311 = arith.constant 0 : i32
        %dma_start3A_312 = tpu.memref_slice %arg7[%rem3A_306, %dma_start3A_311] : memref<4x128xi32, #tpu.memory_space<vmem>> -> memref<1x128xi32, #tpu.memory_space<vmem>>
        %dma_start3A_313 = tpu.memref_squeeze %dma_start3A_312 : memref<1x128xi32, #tpu.memory_space<vmem>> -> memref<128xi32, #tpu.memory_space<vmem>>
        %dma_start3A_314 = arith.constant 0 : i32
        %dma_start3A_315 = arith.constant 0 : i32
        %dma_start3A_316 = tpu.memref_slice %arg4[%arg0, %dma_start3A_314, %dma_start3A_315] : memref<2x10000x128xf32, #tpu.memory_space<hbm>> -> memref<1x10000x128xf32, #tpu.memory_space<hbm>>
        %dma_start3A_317 = tpu.memref_squeeze %dma_start3A_316 : memref<1x10000x128xf32, #tpu.memory_space<hbm>> -> memref<10000x128xf32, #tpu.memory_space<hbm>>
        %dma_start3A_318 = arith.constant 0 : i32
        %dma_start3A_319 = arith.constant 0 : i32
        %dma_start3A_320 = tpu.memref_slice %dma_start3A_317[%dma_start3A_318, %dma_start3A_319] : memref<10000x128xf32, #tpu.memory_space<hbm>> -> memref<10000x128xf32, #tpu.memory_space<hbm>>
        %dma_start3A_321 = tpu.memref_slice %arg11[%rem3A_219] : memref<2x!tpu.dma_semaphore, #tpu.memory_space<semaphore_mem>> -> memref<1x!tpu.dma_semaphore, #tpu.memory_space<semaphore_mem>>
        %dma_start3A_322 = tpu.memref_squeeze %dma_start3A_321 : memref<1x!tpu.dma_semaphore, #tpu.memory_space<semaphore_mem>> -> memref<!tpu.dma_semaphore, #tpu.memory_space<semaphore_mem>>
        tpu.enqueue_indirect_dma source(%dma_start3A_320 : memref<10000x128xf32, #tpu.memory_space<hbm>>) target(%dma_start3A_310 : memref<128x128xf32, #tpu.memory_space<vmem>>) offsets(%dma_start3A_313 : memref<128xi32, #tpu.memory_space<vmem>>) semaphore(%dma_start3A_322 : memref<!tpu.dma_semaphore, #tpu.memory_space<semaphore_mem>>)
      } else {
      }
      %rem3A_226 = arith.constant 4 : i32
      %rem3A_227 = arith.remsi %while3A_212, %rem3A_226 : i32
      %dma_wait3A_228 = arith.constant 0 : i32
      %dma_wait3A_229 = arith.constant 0 : i32
      %dma_wait3A_230 = tpu.memref_slice %arg9[%rem3A_215, %dma_wait3A_228, %dma_wait3A_229] : memref<2x128x128xf32, #tpu.memory_space<vmem>> -> memref<1x128x128xf32, #tpu.memory_space<vmem>>
      %dma_wait3A_231 = tpu.memref_squeeze %dma_wait3A_230 : memref<1x128x128xf32, #tpu.memory_space<vmem>> -> memref<128x128xf32, #tpu.memory_space<vmem>>
      %dma_wait3A_232 = arith.constant 0 : i32
      %dma_wait3A_233 = tpu.memref_slice %arg7[%rem3A_227, %dma_wait3A_232] : memref<4x128xi32, #tpu.memory_space<vmem>> -> memref<1x128xi32, #tpu.memory_space<vmem>>
      %dma_wait3A_234 = tpu.memref_squeeze %dma_wait3A_233 : memref<1x128xi32, #tpu.memory_space<vmem>> -> memref<128xi32, #tpu.memory_space<vmem>>
      %dma_wait3A_235 = arith.constant 0 : i32
      %dma_wait3A_236 = arith.constant 0 : i32
      %dma_wait3A_237 = tpu.memref_slice %arg4[%arg0, %dma_wait3A_235, %dma_wait3A_236] : memref<2x10000x128xf32, #tpu.memory_space<hbm>> -> memref<1x10000x128xf32, #tpu.memory_space<hbm>>
      %dma_wait3A_238 = tpu.memref_squeeze %dma_wait3A_237 : memref<1x10000x128xf32, #tpu.memory_space<hbm>> -> memref<10000x128xf32, #tpu.memory_space<hbm>>
      %dma_wait3A_239 = arith.constant 0 : i32
      %dma_wait3A_240 = arith.constant 0 : i32
      %dma_wait3A_241 = tpu.memref_slice %dma_wait3A_238[%dma_wait3A_239, %dma_wait3A_240] : memref<10000x128xf32, #tpu.memory_space<hbm>> -> memref<10000x128xf32, #tpu.memory_space<hbm>>
      %dma_wait3A_242 = tpu.memref_slice %arg11[%rem3A_215] : memref<2x!tpu.dma_semaphore, #tpu.memory_space<semaphore_mem>> -> memref<1x!tpu.dma_semaphore, #tpu.memory_space<semaphore_mem>>
      %dma_wait3A_243 = tpu.memref_squeeze %dma_wait3A_242 : memref<1x!tpu.dma_semaphore, #tpu.memory_space<semaphore_mem>> -> memref<!tpu.dma_semaphore, #tpu.memory_space<semaphore_mem>>
      tpu.wait_indirect_dma semaphore(%dma_wait3A_243 : memref<!tpu.dma_semaphore, #tpu.memory_space<semaphore_mem>>) src(%dma_wait3A_241 : memref<10000x128xf32, #tpu.memory_space<hbm>>) dst(%dma_wait3A_231 : memref<128x128xf32, #tpu.memory_space<vmem>>)
      %rem3A_244 = arith.constant 4 : i32
      %rem3A_245 = arith.remsi %while3A_212, %rem3A_244 : i32
      %dma_start3A_246 = arith.constant 0 : i32
      %dma_start3A_247 = arith.constant 0 : i32
      %dma_start3A_248 = tpu.memref_slice %arg9[%rem3A_215, %dma_start3A_246, %dma_start3A_247] : memref<2x128x128xf32, #tpu.memory_space<vmem>> -> memref<1x128x128xf32, #tpu.memory_space<vmem>>
      %dma_start3A_249 = tpu.memref_squeeze %dma_start3A_248 : memref<1x128x128xf32, #tpu.memory_space<vmem>> -> memref<128x128xf32, #tpu.memory_space<vmem>>
      %dma_start3A_250 = arith.constant 0 : i32
      %dma_start3A_251 = tpu.memref_slice %arg8[%rem3A_245, %dma_start3A_250] : memref<4x128xi32, #tpu.memory_space<vmem>> -> memref<1x128xi32, #tpu.memory_space<vmem>>
      %dma_start3A_252 = tpu.memref_squeeze %dma_start3A_251 : memref<1x128xi32, #tpu.memory_space<vmem>> -> memref<128xi32, #tpu.memory_space<vmem>>
      %dma_start3A_253 = arith.constant 0 : i32
      %dma_start3A_254 = arith.constant 0 : i32
      %dma_start3A_255 = tpu.memref_slice %arg6[%dma_start3A_253, %dma_start3A_254] : memref<10000x128xf32, #tpu.memory_space<vmem_shared>> -> memref<10000x128xf32, #tpu.memory_space<vmem_shared>>
      %dma_start3A_256 = tpu.memref_slice %arg12[%rem3A_215] : memref<2x!tpu.dma_semaphore, #tpu.memory_space<semaphore_mem>> -> memref<1x!tpu.dma_semaphore, #tpu.memory_space<semaphore_mem>>
      %dma_start3A_257 = tpu.memref_squeeze %dma_start3A_256 : memref<1x!tpu.dma_semaphore, #tpu.memory_space<semaphore_mem>> -> memref<!tpu.dma_semaphore, #tpu.memory_space<semaphore_mem>>
      tpu.enqueue_indirect_dma source(%dma_start3A_249 : memref<128x128xf32, #tpu.memory_space<vmem>>) target(%dma_start3A_255 : memref<10000x128xf32, #tpu.memory_space<vmem_shared>>) offsets(%dma_start3A_252 : memref<128xi32, #tpu.memory_space<vmem>>) semaphore(%dma_start3A_257 : memref<!tpu.dma_semaphore, #tpu.memory_space<semaphore_mem>>) {add = true}
      %add3A_258 = arith.constant 2 : i32
      %add3A_259 = arith.addi %while3A_212, %add3A_258 : i32
      %lt3A_260 = arith.cmpi slt, %add3A_259, %add3A_2 : i32
      %convert_element_type3A_261 = arith.extui %lt3A_260 : i1 to i32
      %cond3A_262 = arith.constant 0 : i32
      %cond3A_263 = arith.cmpi ne, %convert_element_type3A_261, %cond3A_262 : i32
      scf.if %cond3A_263 {
        %add3A_265 = arith.constant 2 : i32
        %add3A_266 = arith.addi %while3A_212, %add3A_265 : i32
        %rem3A_267 = arith.constant 4 : i32
        %rem3A_268 = arith.remsi %add3A_266, %rem3A_267 : i32
        %add3A_269 = arith.addi %add3A_5, %add3A_266 : i32
        %dma_start3A_270 = arith.constant 0 : i32
        %dma_start3A_271 = tpu.memref_slice %arg7[%rem3A_268, %dma_start3A_270] : memref<4x128xi32, #tpu.memory_space<vmem>> -> memref<1x128xi32, #tpu.memory_space<vmem>>
        %dma_start3A_272 = tpu.memref_squeeze %dma_start3A_271 : memref<1x128xi32, #tpu.memory_space<vmem>> -> memref<128xi32, #tpu.memory_space<vmem>>
        %dma_start3A_273 = arith.constant 0 : i32
        %dma_start3A_274 = tpu.memref_slice %arg2[%add3A_269, %dma_start3A_273] : memref<1250x128xi32, #tpu.memory_space<hbm>> -> memref<1x128xi32, #tpu.memory_space<hbm>>
        %dma_start3A_275 = tpu.memref_squeeze %dma_start3A_274 : memref<1x128xi32, #tpu.memory_space<hbm>> -> memref<128xi32, #tpu.memory_space<hbm>>
        %dma_start3A_276 = tpu.memref_slice %arg10[%rem3A_268] : memref<4x!tpu.dma_semaphore, #tpu.memory_space<semaphore_mem>> -> memref<1x!tpu.dma_semaphore, #tpu.memory_space<semaphore_mem>>
        %dma_start3A_277 = tpu.memref_squeeze %dma_start3A_276 : memref<1x!tpu.dma_semaphore, #tpu.memory_space<semaphore_mem>> -> memref<!tpu.dma_semaphore, #tpu.memory_space<semaphore_mem>>
        %dma_start3A_278 = arith.constant 0 : i32
        %dma_start3A_279 = tpu.memref_slice %arg7[%rem3A_268, %dma_start3A_278] : memref<4x128xi32, #tpu.memory_space<vmem>> -> memref<1x128xi32, #tpu.memory_space<vmem>>
        %dma_start3A_280 = tpu.memref_squeeze %dma_start3A_279 : memref<1x128xi32, #tpu.memory_space<vmem>> -> memref<128xi32, #tpu.memory_space<vmem>>
        %dma_start3A_281 = arith.constant 0 : i32
        %dma_start3A_282 = tpu.memref_slice %arg2[%add3A_269, %dma_start3A_281] : memref<1250x128xi32, #tpu.memory_space<hbm>> -> memref<1x128xi32, #tpu.memory_space<hbm>>
        %dma_start3A_283 = tpu.memref_squeeze %dma_start3A_282 : memref<1x128xi32, #tpu.memory_space<hbm>> -> memref<128xi32, #tpu.memory_space<hbm>>
        tpu.enqueue_dma source(%dma_start3A_283 : memref<128xi32, #tpu.memory_space<hbm>>) target(%dma_start3A_280 : memref<128xi32, #tpu.memory_space<vmem>>) target_semaphore(%dma_start3A_277 : memref<!tpu.dma_semaphore, #tpu.memory_space<semaphore_mem>>)
        %add3A_284 = arith.addi %add3A_5, %add3A_266 : i32
        %dma_start3A_285 = arith.constant 0 : i32
        %dma_start3A_286 = tpu.memref_slice %arg8[%rem3A_268, %dma_start3A_285] : memref<4x128xi32, #tpu.memory_space<vmem>> -> memref<1x128xi32, #tpu.memory_space<vmem>>
        %dma_start3A_287 = tpu.memref_squeeze %dma_start3A_286 : memref<1x128xi32, #tpu.memory_space<vmem>> -> memref<128xi32, #tpu.memory_space<vmem>>
        %dma_start3A_288 = arith.constant 0 : i32
        %dma_start3A_289 = tpu.memref_slice %arg3[%add3A_284, %dma_start3A_288] : memref<1250x128xi32, #tpu.memory_space<hbm>> -> memref<1x128xi32, #tpu.memory_space<hbm>>
        %dma_start3A_290 = tpu.memref_squeeze %dma_start3A_289 : memref<1x128xi32, #tpu.memory_space<hbm>> -> memref<128xi32, #tpu.memory_space<hbm>>
        %dma_start3A_291 = tpu.memref_slice %arg10[%rem3A_268] : memref<4x!tpu.dma_semaphore, #tpu.memory_space<semaphore_mem>> -> memref<1x!tpu.dma_semaphore, #tpu.memory_space<semaphore_mem>>
        %dma_start3A_292 = tpu.memref_squeeze %dma_start3A_291 : memref<1x!tpu.dma_semaphore, #tpu.memory_space<semaphore_mem>> -> memref<!tpu.dma_semaphore, #tpu.memory_space<semaphore_mem>>
        %dma_start3A_293 = arith.constant 0 : i32
        %dma_start3A_294 = tpu.memref_slice %arg8[%rem3A_268, %dma_start3A_293] : memref<4x128xi32, #tpu.memory_space<vmem>> -> memref<1x128xi32, #tpu.memory_space<vmem>>
        %dma_start3A_295 = tpu.memref_squeeze %dma_start3A_294 : memref<1x128xi32, #tpu.memory_space<vmem>> -> memref<128xi32, #tpu.memory_space<vmem>>
        %dma_start3A_296 = arith.constant 0 : i32
        %dma_start3A_297 = tpu.memref_slice %arg3[%add3A_284, %dma_start3A_296] : memref<1250x128xi32, #tpu.memory_space<hbm>> -> memref<1x128xi32, #tpu.memory_space<hbm>>
        %dma_start3A_298 = tpu.memref_squeeze %dma_start3A_297 : memref<1x128xi32, #tpu.memory_space<hbm>> -> memref<128xi32, #tpu.memory_space<hbm>>
        tpu.enqueue_dma source(%dma_start3A_298 : memref<128xi32, #tpu.memory_space<hbm>>) target(%dma_start3A_295 : memref<128xi32, #tpu.memory_space<vmem>>) target_semaphore(%dma_start3A_292 : memref<!tpu.dma_semaphore, #tpu.memory_space<semaphore_mem>>)
      } else {
      }
      %while3A_264 = arith.constant 0 : i32
      scf.yield %while3A_264 : i32
    }
    %sub3A = arith.constant 2 : i32
    %sub3A_163 = arith.subi %add3A_2, %sub3A : i32
    %sub3A_164 = arith.constant 2 : i32
    %sub3A_165 = arith.subi %add3A_2, %sub3A_164 : i32
    %rem3A_166 = arith.constant 2 : i32
    %rem3A_167 = arith.remsi %sub3A_165, %rem3A_166 : i32
    %rem3A_168 = arith.constant 4 : i32
    %rem3A_169 = arith.remsi %sub3A_163, %rem3A_168 : i32
    %dma_wait3A_170 = arith.constant 0 : i32
    %dma_wait3A_171 = arith.constant 0 : i32
    %dma_wait3A_172 = tpu.memref_slice %arg9[%rem3A_167, %dma_wait3A_170, %dma_wait3A_171] : memref<2x128x128xf32, #tpu.memory_space<vmem>> -> memref<1x128x128xf32, #tpu.memory_space<vmem>>
    %dma_wait3A_173 = tpu.memref_squeeze %dma_wait3A_172 : memref<1x128x128xf32, #tpu.memory_space<vmem>> -> memref<128x128xf32, #tpu.memory_space<vmem>>
    %dma_wait3A_174 = arith.constant 0 : i32
    %dma_wait3A_175 = tpu.memref_slice %arg8[%rem3A_169, %dma_wait3A_174] : memref<4x128xi32, #tpu.memory_space<vmem>> -> memref<1x128xi32, #tpu.memory_space<vmem>>
    %dma_wait3A_176 = tpu.memref_squeeze %dma_wait3A_175 : memref<1x128xi32, #tpu.memory_space<vmem>> -> memref<128xi32, #tpu.memory_space<vmem>>
    %dma_wait3A_177 = arith.constant 0 : i32
    %dma_wait3A_178 = arith.constant 0 : i32
    %dma_wait3A_179 = tpu.memref_slice %arg6[%dma_wait3A_177, %dma_wait3A_178] : memref<10000x128xf32, #tpu.memory_space<vmem_shared>> -> memref<10000x128xf32, #tpu.memory_space<vmem_shared>>
    %dma_wait3A_180 = tpu.memref_slice %arg12[%rem3A_167] : memref<2x!tpu.dma_semaphore, #tpu.memory_space<semaphore_mem>> -> memref<1x!tpu.dma_semaphore, #tpu.memory_space<semaphore_mem>>
    %dma_wait3A_181 = tpu.memref_squeeze %dma_wait3A_180 : memref<1x!tpu.dma_semaphore, #tpu.memory_space<semaphore_mem>> -> memref<!tpu.dma_semaphore, #tpu.memory_space<semaphore_mem>>
    tpu.wait_indirect_dma semaphore(%dma_wait3A_181 : memref<!tpu.dma_semaphore, #tpu.memory_space<semaphore_mem>>) src(%dma_wait3A_173 : memref<128x128xf32, #tpu.memory_space<vmem>>) dst(%dma_wait3A_179 : memref<10000x128xf32, #tpu.memory_space<vmem_shared>>)
    %sub3A_182 = arith.constant 1 : i32
    %sub3A_183 = arith.subi %add3A_2, %sub3A_182 : i32
    %sub3A_184 = arith.constant 1 : i32
    %sub3A_185 = arith.subi %add3A_2, %sub3A_184 : i32
    %rem3A_186 = arith.constant 2 : i32
    %rem3A_187 = arith.remsi %sub3A_185, %rem3A_186 : i32
    %rem3A_188 = arith.constant 4 : i32
    %rem3A_189 = arith.remsi %sub3A_183, %rem3A_188 : i32
    %dma_wait3A_190 = arith.constant 0 : i32
    %dma_wait3A_191 = arith.constant 0 : i32
    %dma_wait3A_192 = tpu.memref_slice %arg9[%rem3A_187, %dma_wait3A_190, %dma_wait3A_191] : memref<2x128x128xf32, #tpu.memory_space<vmem>> -> memref<1x128x128xf32, #tpu.memory_space<vmem>>
    %dma_wait3A_193 = tpu.memref_squeeze %dma_wait3A_192 : memref<1x128x128xf32, #tpu.memory_space<vmem>> -> memref<128x128xf32, #tpu.memory_space<vmem>>
    %dma_wait3A_194 = arith.constant 0 : i32
    %dma_wait3A_195 = tpu.memref_slice %arg8[%rem3A_189, %dma_wait3A_194] : memref<4x128xi32, #tpu.memory_space<vmem>> -> memref<1x128xi32, #tpu.memory_space<vmem>>
    %dma_wait3A_196 = tpu.memref_squeeze %dma_wait3A_195 : memref<1x128xi32, #tpu.memory_space<vmem>> -> memref<128xi32, #tpu.memory_space<vmem>>
    %dma_wait3A_197 = arith.constant 0 : i32
    %dma_wait3A_198 = arith.constant 0 : i32
    %dma_wait3A_199 = tpu.memref_slice %arg6[%dma_wait3A_197, %dma_wait3A_198] : memref<10000x128xf32, #tpu.memory_space<vmem_shared>> -> memref<10000x128xf32, #tpu.memory_space<vmem_shared>>
    %dma_wait3A_200 = tpu.memref_slice %arg12[%rem3A_187] : memref<2x!tpu.dma_semaphore, #tpu.memory_space<semaphore_mem>> -> memref<1x!tpu.dma_semaphore, #tpu.memory_space<semaphore_mem>>
    %dma_wait3A_201 = tpu.memref_squeeze %dma_wait3A_200 : memref<1x!tpu.dma_semaphore, #tpu.memory_space<semaphore_mem>> -> memref<!tpu.dma_semaphore, #tpu.memory_space<semaphore_mem>>
    tpu.wait_indirect_dma semaphore(%dma_wait3A_201 : memref<!tpu.dma_semaphore, #tpu.memory_space<semaphore_mem>>) src(%dma_wait3A_193 : memref<128x128xf32, #tpu.memory_space<vmem>>) dst(%dma_wait3A_199 : memref<10000x128xf32, #tpu.memory_space<vmem_shared>>)
    %barrier3A_202 = arith.constant 0 : index
    tpu.barrier barrier_id(%barrier3A_202)
    %mul3A_203 = arith.constant 624 : i32
    %mul3A_204 = arith.muli %arg1, %mul3A_203 : i32
    %lt3A_205 = arith.constant 15 : i32
    %lt3A_206 = arith.cmpi slt, %arg1, %lt3A_205 : i32
    %convert_element_type3A = arith.extui %lt3A_206 : i1 to i32
    %cond3A = arith.constant 0 : i32
    %cond3A_207 = arith.cmpi ne, %convert_element_type3A, %cond3A : i32
    scf.if %cond3A_207 {
      "tpu.region"() ({
        %run_scoped3A_212 = tpu.sem_alloc : memref<!tpu.dma_semaphore, #tpu.memory_space<semaphore_mem>>
        %dma_start3A_213 = arith.constant 0 : i32
        %dma_start3A_214 = arith.constant 0 : i32
        %dma_start3A_215 = tpu.memref_slice %arg5[%arg0, %dma_start3A_213, %dma_start3A_214] : memref<2x10000x128xf32, #tpu.memory_space<hbm>> -> memref<1x10000x128xf32, #tpu.memory_space<hbm>>
        %dma_start3A_216 = tpu.memref_squeeze %dma_start3A_215 : memref<1x10000x128xf32, #tpu.memory_space<hbm>> -> memref<10000x128xf32, #tpu.memory_space<hbm>>
        %dma_start3A_217 = arith.constant 0 : i32
        %dma_start3A_218 = tpu.memref_slice %dma_start3A_216[%mul3A_204, %dma_start3A_217] : memref<10000x128xf32, #tpu.memory_space<hbm>> -> memref<624x128xf32, #tpu.memory_space<hbm>>
        %dma_start3A_219 = arith.constant 0 : i32
        %dma_start3A_220 = tpu.memref_slice %arg6[%mul3A_204, %dma_start3A_219] : memref<10000x128xf32, #tpu.memory_space<vmem_shared>> -> memref<624x128xf32, #tpu.memory_space<vmem_shared>>
        tpu.enqueue_dma source(%dma_start3A_220 : memref<624x128xf32, #tpu.memory_space<vmem_shared>>) target(%dma_start3A_218 : memref<624x128xf32, #tpu.memory_space<hbm>>) target_semaphore(%run_scoped3A_212 : memref<!tpu.dma_semaphore, #tpu.memory_space<semaphore_mem>>)
        %dma_wait3A_221 = arith.constant 0 : i32
        %dma_wait3A_222 = arith.constant 0 : i32
        %dma_wait3A_223 = tpu.memref_slice %arg5[%arg0, %dma_wait3A_221, %dma_wait3A_222] : memref<2x10000x128xf32, #tpu.memory_space<hbm>> -> memref<1x10000x128xf32, #tpu.memory_space<hbm>>
        %dma_wait3A_224 = tpu.memref_squeeze %dma_wait3A_223 : memref<1x10000x128xf32, #tpu.memory_space<hbm>> -> memref<10000x128xf32, #tpu.memory_space<hbm>>
        %dma_wait3A_225 = arith.constant 0 : i32
        %dma_wait3A_226 = tpu.memref_slice %dma_wait3A_224[%mul3A_204, %dma_wait3A_225] : memref<10000x128xf32, #tpu.memory_space<hbm>> -> memref<624x128xf32, #tpu.memory_space<hbm>>
        %dma_wait3A_227 = arith.constant 0 : i32
        %dma_wait3A_228 = tpu.memref_slice %arg6[%mul3A_204, %dma_wait3A_227] : memref<10000x128xf32, #tpu.memory_space<vmem_shared>> -> memref<624x128xf32, #tpu.memory_space<vmem_shared>>
        tpu.wait_dma2 semaphore(%run_scoped3A_212 : memref<!tpu.dma_semaphore, #tpu.memory_space<semaphore_mem>>) src(%dma_wait3A_228 : memref<624x128xf32, #tpu.memory_space<vmem_shared>>) dst(%dma_wait3A_226 : memref<624x128xf32, #tpu.memory_space<hbm>>)
        tpu.yield
      }) : () -> ()
    } else {
    }
    %eq3A = arith.constant 15 : i32
    %eq3A_208 = arith.cmpi eq, %arg1, %eq3A : i32
    %convert_element_type3A_209 = arith.extui %eq3A_208 : i1 to i32
    %cond3A_210 = arith.constant 0 : i32
    %cond3A_211 = arith.cmpi ne, %convert_element_type3A_209, %cond3A_210 : i32
    scf.if %cond3A_211 {
      "tpu.region"() ({
        %run_scoped3A_212 = tpu.sem_alloc : memref<!tpu.dma_semaphore, #tpu.memory_space<semaphore_mem>>
        %dma_start3A_213 = arith.constant 0 : i32
        %dma_start3A_214 = arith.constant 0 : i32
        %dma_start3A_215 = tpu.memref_slice %arg5[%arg0, %dma_start3A_213, %dma_start3A_214] : memref<2x10000x128xf32, #tpu.memory_space<hbm>> -> memref<1x10000x128xf32, #tpu.memory_space<hbm>>
        %dma_start3A_216 = tpu.memref_squeeze %dma_start3A_215 : memref<1x10000x128xf32, #tpu.memory_space<hbm>> -> memref<10000x128xf32, #tpu.memory_space<hbm>>
        %dma_start3A_217 = arith.constant 9360 : i32
        %dma_start3A_218 = arith.constant 0 : i32
        %dma_start3A_219 = tpu.memref_slice %dma_start3A_216[%dma_start3A_217, %dma_start3A_218] : memref<10000x128xf32, #tpu.memory_space<hbm>> -> memref<640x128xf32, #tpu.memory_space<hbm>>
        %dma_start3A_220 = arith.constant 9360 : i32
        %dma_start3A_221 = arith.constant 0 : i32
        %dma_start3A_222 = tpu.memref_slice %arg6[%dma_start3A_220, %dma_start3A_221] : memref<10000x128xf32, #tpu.memory_space<vmem_shared>> -> memref<640x128xf32, #tpu.memory_space<vmem_shared>>
        tpu.enqueue_dma source(%dma_start3A_222 : memref<640x128xf32, #tpu.memory_space<vmem_shared>>) target(%dma_start3A_219 : memref<640x128xf32, #tpu.memory_space<hbm>>) target_semaphore(%run_scoped3A_212 : memref<!tpu.dma_semaphore, #tpu.memory_space<semaphore_mem>>)
        %dma_wait3A_223 = arith.constant 0 : i32
        %dma_wait3A_224 = arith.constant 0 : i32
        %dma_wait3A_225 = tpu.memref_slice %arg5[%arg0, %dma_wait3A_223, %dma_wait3A_224] : memref<2x10000x128xf32, #tpu.memory_space<hbm>> -> memref<1x10000x128xf32, #tpu.memory_space<hbm>>
        %dma_wait3A_226 = tpu.memref_squeeze %dma_wait3A_225 : memref<1x10000x128xf32, #tpu.memory_space<hbm>> -> memref<10000x128xf32, #tpu.memory_space<hbm>>
        %dma_wait3A_227 = arith.constant 9360 : i32
        %dma_wait3A_228 = arith.constant 0 : i32
        %dma_wait3A_229 = tpu.memref_slice %dma_wait3A_226[%dma_wait3A_227, %dma_wait3A_228] : memref<10000x128xf32, #tpu.memory_space<hbm>> -> memref<640x128xf32, #tpu.memory_space<hbm>>
        %dma_wait3A_230 = arith.constant 9360 : i32
        %dma_wait3A_231 = arith.constant 0 : i32
        %dma_wait3A_232 = tpu.memref_slice %arg6[%dma_wait3A_230, %dma_wait3A_231] : memref<10000x128xf32, #tpu.memory_space<vmem_shared>> -> memref<640x128xf32, #tpu.memory_space<vmem_shared>>
        tpu.wait_dma2 semaphore(%run_scoped3A_212 : memref<!tpu.dma_semaphore, #tpu.memory_space<semaphore_mem>>) src(%dma_wait3A_232 : memref<640x128xf32, #tpu.memory_space<vmem_shared>>) dst(%dma_wait3A_229 : memref<640x128xf32, #tpu.memory_space<hbm>>)
        tpu.yield
      }) : () -> ()
    } else {
    }
    return
  }
}

module attributes {stable_mosaic.version = 14 : i64} {
  func.func @_tc_prep_body(%arg0: i32, %arg1: memref<1000x256xf32, #tpu.memory_space<vmem>>, %arg2: memref<256x256xf32, #tpu.memory_space<vmem>>, %arg3: memref<1000x1xf32, #tpu.memory_space<vmem>>, %arg4: memref<1000x1xf32, #tpu.memory_space<vmem>>, %arg5: memref<2x1000x128xf32, #tpu.memory_space<vmem>>, %arg6: memref<1000x1xf32, #tpu.memory_space<vmem>>) attributes {dimension_semantics = [#tpu.dimension_semantics<arbitrary>], iteration_bounds = array<i64: 10>, scalar_prefetch = 0 : i64, scratch_operands = 0 : i64, tpu.core_type = #tpu.core_type<tc>, window_params = [{transform_indices = @transform_0, window_bounds = array<i64: 1000, 256>}, {pipeline_mode = #tpu.pipeline_mode<synchronous>, transform_indices = @transform_1, window_bounds = array<i64: 256, 256>}, {transform_indices = @transform_2, window_bounds = array<i64: 1000, 1>}, {transform_indices = @transform_3, window_bounds = array<i64: 1000, 1>}, {transform_indices = @transform_4, window_bounds = array<i64: 2, 1000, 128>}, {transform_indices = @transform_5, window_bounds = array<i64: 1000, 1>}]} {
    %get3A = arith.constant 0 : index
    %get3A_0 = arith.constant 0 : index
    %get3A_1 = vector.load %arg3[%get3A, %get3A_0] : memref<1000x1xf32, #tpu.memory_space<vmem>>, vector<1000x1xf32>
    %get3A_2 = arith.constant 0 : index
    %get3A_3 = arith.constant 0 : index
    %get3A_4 = vector.load %arg4[%get3A_2, %get3A_3] : memref<1000x1xf32, #tpu.memory_space<vmem>>, vector<1000x1xf32>
    %add3A = arith.addf %get3A_1, %get3A_4 : vector<1000x1xf32>
    %add3A_5 = arith.constant 1.000000e+00 : f32
    %add3A_6 = vector.broadcast %add3A_5 : f32 to vector<1000x1xf32>
    %add3A_7 = arith.addf %add3A, %add3A_6 : vector<1000x1xf32>
    %rsqrt3A = math.rsqrt %add3A_7 : vector<1000x1xf32>
    %get3A_8 = arith.constant 0 : index
    %get3A_9 = arith.constant 0 : index
    %get3A_10 = vector.load %arg1[%get3A_8, %get3A_9] : memref<1000x256xf32, #tpu.memory_space<vmem>>, vector<1000x256xf32>
    %get3A_11 = arith.constant 0 : index
    %get3A_12 = arith.constant 0 : index
    %get3A_13 = vector.load %arg2[%get3A_11, %get3A_12] : memref<256x256xf32, #tpu.memory_space<vmem>>, vector<256x256xf32>
    %dot_general3A = arith.constant dense<0.000000e+00> : vector<1000x256xf32>
    %dot_general3A_14 = tpu.matmul %get3A_10, %get3A_13, %dot_general3A {dimension_numbers = #tpu.dot_dimension_numbers<[1], [1], [0], [0], [0, 0, 1, 0], [], []>, transpose_lhs_hint = false} : vector<1000x256xf32>, vector<256x256xf32>, vector<1000x256xf32> -> vector<1000x256xf32>
    %mul3A = vector.broadcast %rsqrt3A : vector<1000x1xf32> to vector<1000x256xf32>
    %mul3A_15 = arith.mulf %dot_general3A_14, %mul3A : vector<1000x256xf32>
    %slice3A = vector.extract_strided_slice %mul3A_15 {offsets = [0, 0], sizes = [1000, 128], strides = [1, 1]} : vector<1000x256xf32> to vector<1000x128xf32>
    %swap3A = arith.constant 0 : index
    %swap3A_16 = arith.constant 0 : index
    %swap3A_17 = arith.constant 0 : index
    %swap3A_18 = vector.load %arg5[%swap3A, %swap3A_16, %swap3A_17] : memref<2x1000x128xf32, #tpu.memory_space<vmem>>, vector<1x1000x128xf32>
    %swap3A_19 = vector.shape_cast %swap3A_18 : vector<1x1000x128xf32> to vector<1000x128xf32>
    %swap3A_20 = vector.shape_cast %slice3A : vector<1000x128xf32> to vector<1x1000x128xf32>
    tpu.vector_store %arg5[%swap3A, %swap3A_16, %swap3A_17], %swap3A_20 {strides = array<i32>} : memref<2x1000x128xf32, #tpu.memory_space<vmem>>, vector<1x1000x128xf32>,
    %slice3A_21 = vector.extract_strided_slice %mul3A_15 {offsets = [0, 128], sizes = [1000, 128], strides = [1, 1]} : vector<1000x256xf32> to vector<1000x128xf32>
    %swap3A_22 = arith.constant 1 : index
    %swap3A_23 = arith.constant 0 : index
    %swap3A_24 = arith.constant 0 : index
    %swap3A_25 = vector.load %arg5[%swap3A_22, %swap3A_23, %swap3A_24] : memref<2x1000x128xf32, #tpu.memory_space<vmem>>, vector<1x1000x128xf32>
    %swap3A_26 = vector.shape_cast %swap3A_25 : vector<1x1000x128xf32> to vector<1000x128xf32>
    %swap3A_27 = vector.shape_cast %slice3A_21 : vector<1000x128xf32> to vector<1x1000x128xf32>
    tpu.vector_store %arg5[%swap3A_22, %swap3A_23, %swap3A_24], %swap3A_27 {strides = array<i32>} : memref<2x1000x128xf32, #tpu.memory_space<vmem>>, vector<1x1000x128xf32>,
    %swap3A_28 = arith.constant 0 : index
    %swap3A_29 = arith.constant 0 : index
    %swap3A_30 = vector.load %arg6[%swap3A_28, %swap3A_29] : memref<1000x1xf32, #tpu.memory_space<vmem>>, vector<1000x1xf32>
    tpu.vector_store %arg6[%swap3A_28, %swap3A_29], %rsqrt3A {strides = array<i32>} : memref<1000x1xf32, #tpu.memory_space<vmem>>, vector<1000x1xf32>,
    return
  }
  func.func @transform_0(%arg0: i32) -> (i32, i32) {
    %c0_i32 = arith.constant 0 : i32
    %c0_i32_0 = arith.constant 0 : i32
    return %arg0, %c0_i32 : i32, i32
  }
  func.func @transform_1(%arg0: i32) -> (i32, i32) {
    %c0_i32 = arith.constant 0 : i32
    %c0_i32_0 = arith.constant 0 : i32
    %c0_i32_1 = arith.constant 0 : i32
    return %c0_i32, %c0_i32_0 : i32, i32
  }
  func.func @transform_2(%arg0: i32) -> (i32, i32) {
    %c0_i32 = arith.constant 0 : i32
    %c0_i32_0 = arith.constant 0 : i32
    return %arg0, %c0_i32 : i32, i32
  }
  func.func @transform_3(%arg0: i32) -> (i32, i32) {
    %c0_i32 = arith.constant 0 : i32
    %c0_i32_0 = arith.constant 0 : i32
    return %arg0, %c0_i32 : i32, i32
  }
  func.func @transform_4(%arg0: i32) -> (i32, i32, i32) {
    %c0_i32 = arith.constant 0 : i32
    %c0_i32_0 = arith.constant 0 : i32
    %c0_i32_1 = arith.constant 0 : i32
    return %c0_i32, %arg0, %c0_i32_0 : i32, i32, i32
  }
  func.func @transform_5(%arg0: i32) -> (i32, i32) {
    %c0_i32 = arith.constant 0 : i32
    %c0_i32_0 = arith.constant 0 : i32
    return %arg0, %c0_i32 : i32, i32
  }
}

module attributes {stable_mosaic.version = 14 : i64} {
  func.func @_tc_layer_body(%arg0: i32, %arg1: i32, %arg2: memref<2x1000x128xf32, #tpu.memory_space<vmem>>, %arg3: memref<2x1000x128xf32, #tpu.memory_space<vmem>>, %arg4: memref<1000x1xf32, #tpu.memory_space<vmem>>, %arg5: memref<1x256xf32, #tpu.memory_space<vmem>>, %arg6: memref<1x256xf32, #tpu.memory_space<vmem>>, %arg7: memref<1x256xf32, #tpu.memory_space<vmem>>, %arg8: memref<256x256xf32, #tpu.memory_space<vmem>>, %arg9: memref<2x1000x128xf32, #tpu.memory_space<vmem>>, %arg10: memref<1x256xf32, #tpu.memory_space<vmem>>, %arg11: memref<1x256xf32, #tpu.memory_space<vmem>>, %arg12: memref<10x1000x256xf32, #tpu.memory_space<vmem>>) attributes {dimension_semantics = [#tpu.dimension_semantics<arbitrary>, #tpu.dimension_semantics<arbitrary>], iteration_bounds = array<i64: 2, 10>, scalar_prefetch = 0 : i64, scratch_operands = 3 : i64, tpu.core_type = #tpu.core_type<tc>, window_params = [{transform_indices = @transform_0, window_bounds = array<i64: 2, 1000, 128>}, {transform_indices = @transform_1, window_bounds = array<i64: 2, 1000, 128>}, {transform_indices = @transform_2, window_bounds = array<i64: 1000, 1>}, {pipeline_mode = #tpu.pipeline_mode<synchronous>, transform_indices = @transform_3, window_bounds = array<i64: 1, 256>}, {pipeline_mode = #tpu.pipeline_mode<synchronous>, transform_indices = @transform_4, window_bounds = array<i64: 1, 256>}, {pipeline_mode = #tpu.pipeline_mode<synchronous>, transform_indices = @transform_5, window_bounds = array<i64: 1, 256>}, {pipeline_mode = #tpu.pipeline_mode<synchronous>, transform_indices = @transform_6, window_bounds = array<i64: 256, 256>}, {transform_indices = @transform_7, window_bounds = array<i64: 2, 1000, 128>}]} {
    %eq3A = arith.constant 0 : i32
    %eq3A_0 = arith.cmpi eq, %arg0, %eq3A : i32
    %convert_element_type3A = arith.extui %eq3A_0 : i1 to i32
    %cond3A = arith.constant 0 : i32
    %cond3A_1 = arith.cmpi ne, %convert_element_type3A, %cond3A : i32
    scf.if %cond3A_1 {
      %get3A = arith.constant 0 : index
      %get3A_7 = arith.constant 0 : index
      %get3A_8 = arith.constant 0 : index
      %get3A_9 = vector.load %arg2[%get3A, %get3A_7, %get3A_8] : memref<2x1000x128xf32, #tpu.memory_space<vmem>>, vector<1x1000x128xf32>
      %get3A_10 = vector.shape_cast %get3A_9 : vector<1x1000x128xf32> to vector<1000x128xf32>
      %get3A_11 = arith.constant 0 : index
      %get3A_12 = arith.constant 0 : index
      %get3A_13 = arith.constant 0 : index
      %get3A_14 = vector.load %arg3[%get3A_11, %get3A_12, %get3A_13] : memref<2x1000x128xf32, #tpu.memory_space<vmem>>, vector<1x1000x128xf32>
      %get3A_15 = vector.shape_cast %get3A_14 : vector<1x1000x128xf32> to vector<1000x128xf32>
      %add3A = arith.addf %get3A_10, %get3A_15 : vector<1000x128xf32>
      %get3A_16 = arith.constant 1 : index
      %get3A_17 = arith.constant 0 : index
      %get3A_18 = arith.constant 0 : index
      %get3A_19 = vector.load %arg2[%get3A_16, %get3A_17, %get3A_18] : memref<2x1000x128xf32, #tpu.memory_space<vmem>>, vector<1x1000x128xf32>
      %get3A_20 = vector.shape_cast %get3A_19 : vector<1x1000x128xf32> to vector<1000x128xf32>
      %get3A_21 = arith.constant 1 : index
      %get3A_22 = arith.constant 0 : index
      %get3A_23 = arith.constant 0 : index
      %get3A_24 = vector.load %arg3[%get3A_21, %get3A_22, %get3A_23] : memref<2x1000x128xf32, #tpu.memory_space<vmem>>, vector<1x1000x128xf32>
      %get3A_25 = vector.shape_cast %get3A_24 : vector<1x1000x128xf32> to vector<1000x128xf32>
      %add3A_26 = arith.addf %get3A_20, %get3A_25 : vector<1000x128xf32>
      %concatenate3A = tpu.concatenate %add3A, %add3A_26 in 1 : vector<1000x128xf32>, vector<1000x128xf32> -> vector<1000x256xf32>
      %get3A_27 = arith.constant 0 : index
      %get3A_28 = arith.constant 0 : index
      %get3A_29 = vector.load %arg4[%get3A_27, %get3A_28] : memref<1000x1xf32, #tpu.memory_space<vmem>>, vector<1000x1xf32>
      %mul3A = vector.broadcast %get3A_29 : vector<1000x1xf32> to vector<1000x256xf32>
      %mul3A_30 = arith.mulf %concatenate3A, %mul3A : vector<1000x256xf32>
      %get3A_31 = arith.constant 0 : index
      %get3A_32 = arith.constant 0 : index
      %get3A_33 = vector.load %arg5[%get3A_31, %get3A_32] : memref<1x256xf32, #tpu.memory_space<vmem>>, vector<1x256xf32>
      %add3A_34 = vector.broadcast %get3A_33 : vector<1x256xf32> to vector<1000x256xf32>
      %add3A_35 = arith.addf %mul3A_30, %add3A_34 : vector<1000x256xf32>
      %swap3A = arith.index_cast %arg1 : i32 to index
      %swap3A_36 = arith.constant 0 : index
      %swap3A_37 = arith.constant 0 : index
      %swap3A_38 = vector.load %arg12[%swap3A, %swap3A_36, %swap3A_37] : memref<10x1000x256xf32, #tpu.memory_space<vmem>>, vector<1x1000x256xf32>
      %swap3A_39 = vector.shape_cast %swap3A_38 : vector<1x1000x256xf32> to vector<1000x256xf32>
      %swap3A_40 = vector.shape_cast %add3A_35 : vector<1000x256xf32> to vector<1x1000x256xf32>
      tpu.vector_store %arg12[%swap3A, %swap3A_36, %swap3A_37], %swap3A_40 {strides = array<i32>} : memref<10x1000x256xf32, #tpu.memory_space<vmem>>, vector<1x1000x256xf32>,
      %eq3A_41 = arith.constant 0 : i32
      %eq3A_42 = arith.cmpi eq, %arg1, %eq3A_41 : i32
      %convert_element_type3A_43 = arith.extui %eq3A_42 : i1 to i32
      %cond3A_44 = arith.constant 0 : i32
      %cond3A_45 = arith.cmpi ne, %convert_element_type3A_43, %cond3A_44 : i32
      scf.if %cond3A_45 {
        %broadcast_in_dim3A_65 = arith.constant 0.000000e+00 : f32
        %broadcast_in_dim3A_66 = vector.broadcast %broadcast_in_dim3A_65 : f32 to vector<1x256xf32>
        %swap3A_67 = arith.constant 0 : index
        %swap3A_68 = arith.constant 0 : index
        %swap3A_69 = vector.load %arg10[%swap3A_67, %swap3A_68] : memref<1x256xf32, #tpu.memory_space<vmem>>, vector<1x256xf32>
        tpu.vector_store %arg10[%swap3A_67, %swap3A_68], %broadcast_in_dim3A_66 {strides = array<i32>} : memref<1x256xf32, #tpu.memory_space<vmem>>, vector<1x256xf32>,
        %broadcast_in_dim3A_70 = arith.constant 0.000000e+00 : f32
        %broadcast_in_dim3A_71 = vector.broadcast %broadcast_in_dim3A_70 : f32 to vector<1x256xf32>
        %swap3A_72 = arith.constant 0 : index
        %swap3A_73 = arith.constant 0 : index
        %swap3A_74 = vector.load %arg11[%swap3A_72, %swap3A_73] : memref<1x256xf32, #tpu.memory_space<vmem>>, vector<1x256xf32>
        tpu.vector_store %arg11[%swap3A_72, %swap3A_73], %broadcast_in_dim3A_71 {strides = array<i32>} : memref<1x256xf32, #tpu.memory_space<vmem>>, vector<1x256xf32>,
      } else {
      }
      %get3A_46 = arith.constant 0 : index
      %get3A_47 = arith.constant 0 : index
      %get3A_48 = vector.load %arg10[%get3A_46, %get3A_47] : memref<1x256xf32, #tpu.memory_space<vmem>>, vector<1x256xf32>
      %reduce_sum3A = arith.constant dense<0.000000e+00> : vector<256xf32>
      %reduce_sum3A_49 = vector.multi_reduction <add>, %add3A_35, %reduce_sum3A [0] : vector<1000x256xf32> to vector<256xf32>
      %broadcast_in_dim3A = vector.shape_cast %reduce_sum3A_49 : vector<256xf32> to vector<1x256xf32>
      %add3A_50 = arith.addf %get3A_48, %broadcast_in_dim3A : vector<1x256xf32>
      %swap3A_51 = arith.constant 0 : index
      %swap3A_52 = arith.constant 0 : index
      %swap3A_53 = vector.load %arg10[%swap3A_51, %swap3A_52] : memref<1x256xf32, #tpu.memory_space<vmem>>, vector<1x256xf32>
      tpu.vector_store %arg10[%swap3A_51, %swap3A_52], %add3A_50 {strides = array<i32>} : memref<1x256xf32, #tpu.memory_space<vmem>>, vector<1x256xf32>,
      %get3A_54 = arith.constant 0 : index
      %get3A_55 = arith.constant 0 : index
      %get3A_56 = vector.load %arg11[%get3A_54, %get3A_55] : memref<1x256xf32, #tpu.memory_space<vmem>>, vector<1x256xf32>
      %mul3A_57 = arith.mulf %add3A_35, %add3A_35 : vector<1000x256xf32>
      %reduce_sum3A_58 = arith.constant dense<0.000000e+00> : vector<256xf32>
      %reduce_sum3A_59 = vector.multi_reduction <add>, %mul3A_57, %reduce_sum3A_58 [0] : vector<1000x256xf32> to vector<256xf32>
      %broadcast_in_dim3A_60 = vector.shape_cast %reduce_sum3A_59 : vector<256xf32> to vector<1x256xf32>
      %add3A_61 = arith.addf %get3A_56, %broadcast_in_dim3A_60 : vector<1x256xf32>
      %swap3A_62 = arith.constant 0 : index
      %swap3A_63 = arith.constant 0 : index
      %swap3A_64 = vector.load %arg11[%swap3A_62, %swap3A_63] : memref<1x256xf32, #tpu.memory_space<vmem>>, vector<1x256xf32>
      tpu.vector_store %arg11[%swap3A_62, %swap3A_63], %add3A_61 {strides = array<i32>} : memref<1x256xf32, #tpu.memory_space<vmem>>, vector<1x256xf32>,
    } else {
    }
    %eq3A_2 = arith.constant 1 : i32
    %eq3A_3 = arith.cmpi eq, %arg0, %eq3A_2 : i32
    %convert_element_type3A_4 = arith.extui %eq3A_3 : i1 to i32
    %cond3A_5 = arith.constant 0 : i32
    %cond3A_6 = arith.cmpi ne, %convert_element_type3A_4, %cond3A_5 : i32
    scf.if %cond3A_6 {
      %get3A = arith.index_cast %arg1 : i32 to index
      %get3A_7 = arith.constant 0 : index
      %get3A_8 = arith.constant 0 : index
      %get3A_9 = vector.load %arg12[%get3A, %get3A_7, %get3A_8] : memref<10x1000x256xf32, #tpu.memory_space<vmem>>, vector<1x1000x256xf32>
      %get3A_10 = vector.shape_cast %get3A_9 : vector<1x1000x256xf32> to vector<1000x256xf32>
      %get3A_11 = arith.constant 0 : index
      %get3A_12 = arith.constant 0 : index
      %get3A_13 = vector.load %arg10[%get3A_11, %get3A_12] : memref<1x256xf32, #tpu.memory_space<vmem>>, vector<1x256xf32>
      %mul3A = arith.constant 9.99999974E-5 : f32
      %mul3A_14 = vector.broadcast %mul3A : f32 to vector<1x256xf32>
      %mul3A_15 = arith.mulf %get3A_13, %mul3A_14 : vector<1x256xf32>
      %get3A_16 = arith.constant 0 : index
      %get3A_17 = arith.constant 0 : index
      %get3A_18 = vector.load %arg11[%get3A_16, %get3A_17] : memref<1x256xf32, #tpu.memory_space<vmem>>, vector<1x256xf32>
      %mul3A_19 = arith.constant 9.99999974E-5 : f32
      %mul3A_20 = vector.broadcast %mul3A_19 : f32 to vector<1x256xf32>
      %mul3A_21 = arith.mulf %get3A_18, %mul3A_20 : vector<1x256xf32>
      %mul3A_22 = arith.mulf %mul3A_15, %mul3A_15 : vector<1x256xf32>
      %sub3A = arith.subf %mul3A_21, %mul3A_22 : vector<1x256xf32>
      %sub3A_23 = vector.broadcast %mul3A_15 : vector<1x256xf32> to vector<1000x256xf32>
      %sub3A_24 = arith.subf %get3A_10, %sub3A_23 : vector<1000x256xf32>
      %add3A = arith.constant 9.99999974E-6 : f32
      %add3A_25 = vector.broadcast %add3A : f32 to vector<1x256xf32>
      %add3A_26 = arith.addf %sub3A, %add3A_25 : vector<1x256xf32>
      %rsqrt3A = math.rsqrt %add3A_26 : vector<1x256xf32>
      %mul3A_27 = vector.broadcast %rsqrt3A : vector<1x256xf32> to vector<1000x256xf32>
      %mul3A_28 = arith.mulf %sub3A_24, %mul3A_27 : vector<1000x256xf32>
      %get3A_29 = arith.constant 0 : index
      %get3A_30 = arith.constant 0 : index
      %get3A_31 = vector.load %arg6[%get3A_29, %get3A_30] : memref<1x256xf32, #tpu.memory_space<vmem>>, vector<1x256xf32>
      %mul3A_32 = vector.broadcast %get3A_31 : vector<1x256xf32> to vector<1000x256xf32>
      %mul3A_33 = arith.mulf %mul3A_28, %mul3A_32 : vector<1000x256xf32>
      %get3A_34 = arith.constant 0 : index
      %get3A_35 = arith.constant 0 : index
      %get3A_36 = vector.load %arg7[%get3A_34, %get3A_35] : memref<1x256xf32, #tpu.memory_space<vmem>>, vector<1x256xf32>
      %add3A_37 = vector.broadcast %get3A_36 : vector<1x256xf32> to vector<1000x256xf32>
      %add3A_38 = arith.addf %mul3A_33, %add3A_37 : vector<1000x256xf32>
      %max3A = arith.constant 0.000000e+00 : f32
      %max3A_39 = vector.broadcast %max3A : f32 to vector<1000x256xf32>
      %max3A_40 = arith.maximumf %add3A_38, %max3A_39 : vector<1000x256xf32>
      %get3A_41 = arith.constant 0 : index
      %get3A_42 = arith.constant 0 : index
      %get3A_43 = vector.load %arg8[%get3A_41, %get3A_42] : memref<256x256xf32, #tpu.memory_space<vmem>>, vector<256x256xf32>
      %dot_general3A = arith.constant dense<0.000000e+00> : vector<1000x256xf32>
      %dot_general3A_44 = tpu.matmul %max3A_40, %get3A_43, %dot_general3A {dimension_numbers = #tpu.dot_dimension_numbers<[1], [1], [0], [0], [0, 0, 1, 0], [], []>, transpose_lhs_hint = false} : vector<1000x256xf32>, vector<256x256xf32>, vector<1000x256xf32> -> vector<1000x256xf32>
      %get3A_45 = arith.constant 0 : index
      %get3A_46 = arith.constant 0 : index
      %get3A_47 = vector.load %arg4[%get3A_45, %get3A_46] : memref<1000x1xf32, #tpu.memory_space<vmem>>, vector<1000x1xf32>
      %mul3A_48 = vector.broadcast %get3A_47 : vector<1000x1xf32> to vector<1000x256xf32>
      %mul3A_49 = arith.mulf %dot_general3A_44, %mul3A_48 : vector<1000x256xf32>
      %slice3A = vector.extract_strided_slice %mul3A_49 {offsets = [0, 0], sizes = [1000, 128], strides = [1, 1]} : vector<1000x256xf32> to vector<1000x128xf32>
      %swap3A = arith.constant 0 : index
      %swap3A_50 = arith.constant 0 : index
      %swap3A_51 = arith.constant 0 : index
      %swap3A_52 = vector.load %arg9[%swap3A, %swap3A_50, %swap3A_51] : memref<2x1000x128xf32, #tpu.memory_space<vmem>>, vector<1x1000x128xf32>
      %swap3A_53 = vector.shape_cast %swap3A_52 : vector<1x1000x128xf32> to vector<1000x128xf32>
      %swap3A_54 = vector.shape_cast %slice3A : vector<1000x128xf32> to vector<1x1000x128xf32>
      tpu.vector_store %arg9[%swap3A, %swap3A_50, %swap3A_51], %swap3A_54 {strides = array<i32>} : memref<2x1000x128xf32, #tpu.memory_space<vmem>>, vector<1x1000x128xf32>,
      %slice3A_55 = vector.extract_strided_slice %mul3A_49 {offsets = [0, 128], sizes = [1000, 128], strides = [1, 1]} : vector<1000x256xf32> to vector<1000x128xf32>
      %swap3A_56 = arith.constant 1 : index
      %swap3A_57 = arith.constant 0 : index
      %swap3A_58 = arith.constant 0 : index
      %swap3A_59 = vector.load %arg9[%swap3A_56, %swap3A_57, %swap3A_58] : memref<2x1000x128xf32, #tpu.memory_space<vmem>>, vector<1x1000x128xf32>
      %swap3A_60 = vector.shape_cast %swap3A_59 : vector<1x1000x128xf32> to vector<1000x128xf32>
      %swap3A_61 = vector.shape_cast %slice3A_55 : vector<1000x128xf32> to vector<1x1000x128xf32>
      tpu.vector_store %arg9[%swap3A_56, %swap3A_57, %swap3A_58], %swap3A_61 {strides = array<i32>} : memref<2x1000x128xf32, #tpu.memory_space<vmem>>, vector<1x1000x128xf32>,
    } else {
    }
    return
  }
  func.func @transform_0(%arg0: i32, %arg1: i32) -> (i32, i32, i32) {
    %eq3A = arith.constant 0 : i32
    %eq3A_0 = arith.cmpi eq, %arg0, %eq3A : i32
    %jit3A = arith.constant 0 : i32
    %select_n3A = arith.select %eq3A_0, %arg1, %jit3A : i32
    %c0_i32 = arith.constant 0 : i32
    %c0_i32_1 = arith.constant 0 : i32
    %c0_i32_2 = arith.constant 0 : i32
    return %c0_i32, %select_n3A, %c0_i32_1 : i32, i32, i32
  }
  func.func @transform_1(%arg0: i32, %arg1: i32) -> (i32, i32, i32) {
    %eq3A = arith.constant 0 : i32
    %eq3A_0 = arith.cmpi eq, %arg0, %eq3A : i32
    %jit3A = arith.constant 0 : i32
    %select_n3A = arith.select %eq3A_0, %arg1, %jit3A : i32
    %c0_i32 = arith.constant 0 : i32
    %c0_i32_1 = arith.constant 0 : i32
    %c0_i32_2 = arith.constant 0 : i32
    return %c0_i32, %select_n3A, %c0_i32_1 : i32, i32, i32
  }
  func.func @transform_2(%arg0: i32, %arg1: i32) -> (i32, i32) {
    %c0_i32 = arith.constant 0 : i32
    %c0_i32_0 = arith.constant 0 : i32
    return %arg1, %c0_i32 : i32, i32
  }
  func.func @transform_3(%arg0: i32, %arg1: i32) -> (i32, i32) {
    %c0_i32 = arith.constant 0 : i32
    %c0_i32_0 = arith.constant 0 : i32
    %c0_i32_1 = arith.constant 0 : i32
    return %c0_i32, %c0_i32_0 : i32, i32
  }
  func.func @transform_4(%arg0: i32, %arg1: i32) -> (i32, i32) {
    %c0_i32 = arith.constant 0 : i32
    %c0_i32_0 = arith.constant 0 : i32
    %c0_i32_1 = arith.constant 0 : i32
    return %c0_i32, %c0_i32_0 : i32, i32
  }
  func.func @transform_5(%arg0: i32, %arg1: i32) -> (i32, i32) {
    %c0_i32 = arith.constant 0 : i32
    %c0_i32_0 = arith.constant 0 : i32
    %c0_i32_1 = arith.constant 0 : i32
    return %c0_i32, %c0_i32_0 : i32, i32
  }
  func.func @transform_6(%arg0: i32, %arg1: i32) -> (i32, i32) {
    %c0_i32 = arith.constant 0 : i32
    %c0_i32_0 = arith.constant 0 : i32
    %c0_i32_1 = arith.constant 0 : i32
    return %c0_i32, %c0_i32_0 : i32, i32
  }
  func.func @transform_7(%arg0: i32, %arg1: i32) -> (i32, i32, i32) {
    %c0_i32 = arith.constant 0 : i32
    %c0_i32_0 = arith.constant 0 : i32
    %c0_i32_1 = arith.constant 0 : i32
    return %c0_i32, %arg1, %c0_i32_0 : i32, i32, i32
  }
}

module attributes {stable_mosaic.version = 14 : i64} {
  func.func @_tc_head_body(%arg0: i32, %arg1: i32, %arg2: memref<2x1000x128xf32, #tpu.memory_space<vmem>>, %arg3: memref<2x1000x128xf32, #tpu.memory_space<vmem>>, %arg4: memref<1000x1xf32, #tpu.memory_space<vmem>>, %arg5: memref<1x256xf32, #tpu.memory_space<vmem>>, %arg6: memref<1x256xf32, #tpu.memory_space<vmem>>, %arg7: memref<1x256xf32, #tpu.memory_space<vmem>>, %arg8: memref<1000x1xi32, #tpu.memory_space<vmem>>, %arg9: memref<256x256xf32, #tpu.memory_space<vmem>>, %arg10: memref<1x256xf32, #tpu.memory_space<vmem>>, %arg11: memref<64x256xf32, #tpu.memory_space<vmem>>, %arg12: memref<1x64xf32, #tpu.memory_space<vmem>>, %arg13: memref<64x64xf32, #tpu.memory_space<vmem>>, %arg14: memref<1x256xf32, #tpu.memory_space<vmem>>, %arg15: memref<1x256xf32, #tpu.memory_space<vmem>>, %arg16: memref<64x256xf32, #tpu.memory_space<vmem>>, %arg17: memref<64x1xf32, #tpu.memory_space<vmem>>, %arg18: memref<10x1000x256xf32, #tpu.memory_space<vmem>>) attributes {dimension_semantics = [#tpu.dimension_semantics<arbitrary>, #tpu.dimension_semantics<arbitrary>], iteration_bounds = array<i64: 3, 10>, scalar_prefetch = 0 : i64, scratch_operands = 5 : i64, tpu.core_type = #tpu.core_type<tc>, window_params = [{transform_indices = @transform_0, window_bounds = array<i64: 2, 1000, 128>}, {transform_indices = @transform_1, window_bounds = array<i64: 2, 1000, 128>}, {transform_indices = @transform_2, window_bounds = array<i64: 1000, 1>}, {pipeline_mode = #tpu.pipeline_mode<synchronous>, transform_indices = @transform_3, window_bounds = array<i64: 1, 256>}, {pipeline_mode = #tpu.pipeline_mode<synchronous>, transform_indices = @transform_4, window_bounds = array<i64: 1, 256>}, {pipeline_mode = #tpu.pipeline_mode<synchronous>, transform_indices = @transform_5, window_bounds = array<i64: 1, 256>}, {transform_indices = @transform_6, window_bounds = array<i64: 1000, 1>}, {pipeline_mode = #tpu.pipeline_mode<synchronous>, transform_indices = @transform_7, window_bounds = array<i64: 256, 256>}, {pipeline_mode = #tpu.pipeline_mode<synchronous>, transform_indices = @transform_8, window_bounds = array<i64: 1, 256>}, {pipeline_mode = #tpu.pipeline_mode<synchronous>, transform_indices = @transform_9, window_bounds = array<i64: 64, 256>}, {pipeline_mode = #tpu.pipeline_mode<synchronous>, transform_indices = @transform_10, window_bounds = array<i64: 1, 64>}, {pipeline_mode = #tpu.pipeline_mode<synchronous>, transform_indices = @transform_11, window_bounds = array<i64: 64, 64>}]} {
    %lt3A = arith.constant 2 : i32
    %lt3A_0 = arith.cmpi slt, %arg0, %lt3A : i32
    %convert_element_type3A = arith.extui %lt3A_0 : i1 to i32
    %cond3A = arith.constant 0 : i32
    %cond3A_1 = arith.cmpi ne, %convert_element_type3A, %cond3A : i32
    scf.if %cond3A_1 {
      %eq3A_8 = arith.constant 0 : i32
      %eq3A_9 = arith.cmpi eq, %arg0, %eq3A_8 : i32
      %convert_element_type3A_10 = arith.extui %eq3A_9 : i1 to i32
      %cond3A_11 = arith.constant 0 : i32
      %cond3A_12 = arith.cmpi ne, %convert_element_type3A_10, %cond3A_11 : i32
      scf.if %cond3A_12 {
        %get3A = arith.constant 0 : index
        %get3A_18 = arith.constant 0 : index
        %get3A_19 = arith.constant 0 : index
        %get3A_20 = vector.load %arg2[%get3A, %get3A_18, %get3A_19] : memref<2x1000x128xf32, #tpu.memory_space<vmem>>, vector<1x1000x128xf32>
        %get3A_21 = vector.shape_cast %get3A_20 : vector<1x1000x128xf32> to vector<1000x128xf32>
        %get3A_22 = arith.constant 0 : index
        %get3A_23 = arith.constant 0 : index
        %get3A_24 = arith.constant 0 : index
        %get3A_25 = vector.load %arg3[%get3A_22, %get3A_23, %get3A_24] : memref<2x1000x128xf32, #tpu.memory_space<vmem>>, vector<1x1000x128xf32>
        %get3A_26 = vector.shape_cast %get3A_25 : vector<1x1000x128xf32> to vector<1000x128xf32>
        %add3A = arith.addf %get3A_21, %get3A_26 : vector<1000x128xf32>
        %get3A_27 = arith.constant 1 : index
        %get3A_28 = arith.constant 0 : index
        %get3A_29 = arith.constant 0 : index
        %get3A_30 = vector.load %arg2[%get3A_27, %get3A_28, %get3A_29] : memref<2x1000x128xf32, #tpu.memory_space<vmem>>, vector<1x1000x128xf32>
        %get3A_31 = vector.shape_cast %get3A_30 : vector<1x1000x128xf32> to vector<1000x128xf32>
        %get3A_32 = arith.constant 1 : index
        %get3A_33 = arith.constant 0 : index
        %get3A_34 = arith.constant 0 : index
        %get3A_35 = vector.load %arg3[%get3A_32, %get3A_33, %get3A_34] : memref<2x1000x128xf32, #tpu.memory_space<vmem>>, vector<1x1000x128xf32>
        %get3A_36 = vector.shape_cast %get3A_35 : vector<1x1000x128xf32> to vector<1000x128xf32>
        %add3A_37 = arith.addf %get3A_31, %get3A_36 : vector<1000x128xf32>
        %concatenate3A = tpu.concatenate %add3A, %add3A_37 in 1 : vector<1000x128xf32>, vector<1000x128xf32> -> vector<1000x256xf32>
        %get3A_38 = arith.constant 0 : index
        %get3A_39 = arith.constant 0 : index
        %get3A_40 = vector.load %arg4[%get3A_38, %get3A_39] : memref<1000x1xf32, #tpu.memory_space<vmem>>, vector<1000x1xf32>
        %mul3A = vector.broadcast %get3A_40 : vector<1000x1xf32> to vector<1000x256xf32>
        %mul3A_41 = arith.mulf %concatenate3A, %mul3A : vector<1000x256xf32>
        %get3A_42 = arith.constant 0 : index
        %get3A_43 = arith.constant 0 : index
        %get3A_44 = vector.load %arg5[%get3A_42, %get3A_43] : memref<1x256xf32, #tpu.memory_space<vmem>>, vector<1x256xf32>
        %add3A_45 = vector.broadcast %get3A_44 : vector<1x256xf32> to vector<1000x256xf32>
        %add3A_46 = arith.addf %mul3A_41, %add3A_45 : vector<1000x256xf32>
        %swap3A = arith.index_cast %arg1 : i32 to index
        %swap3A_47 = arith.constant 0 : index
        %swap3A_48 = arith.constant 0 : index
        %swap3A_49 = vector.load %arg18[%swap3A, %swap3A_47, %swap3A_48] : memref<10x1000x256xf32, #tpu.memory_space<vmem>>, vector<1x1000x256xf32>
        %swap3A_50 = vector.shape_cast %swap3A_49 : vector<1x1000x256xf32> to vector<1000x256xf32>
        %swap3A_51 = vector.shape_cast %add3A_46 : vector<1000x256xf32> to vector<1x1000x256xf32>
        tpu.vector_store %arg18[%swap3A, %swap3A_47, %swap3A_48], %swap3A_51 {strides = array<i32>} : memref<10x1000x256xf32, #tpu.memory_space<vmem>>, vector<1x1000x256xf32>,
        %eq3A_52 = arith.constant 0 : i32
        %eq3A_53 = arith.cmpi eq, %arg1, %eq3A_52 : i32
        %convert_element_type3A_54 = arith.extui %eq3A_53 : i1 to i32
        %cond3A_55 = arith.constant 0 : i32
        %cond3A_56 = arith.cmpi ne, %convert_element_type3A_54, %cond3A_55 : i32
        scf.if %cond3A_56 {
          %broadcast_in_dim3A_76 = arith.constant 0.000000e+00 : f32
          %broadcast_in_dim3A_77 = vector.broadcast %broadcast_in_dim3A_76 : f32 to vector<1x256xf32>
          %swap3A_78 = arith.constant 0 : index
          %swap3A_79 = arith.constant 0 : index
          %swap3A_80 = vector.load %arg14[%swap3A_78, %swap3A_79] : memref<1x256xf32, #tpu.memory_space<vmem>>, vector<1x256xf32>
          tpu.vector_store %arg14[%swap3A_78, %swap3A_79], %broadcast_in_dim3A_77 {strides = array<i32>} : memref<1x256xf32, #tpu.memory_space<vmem>>, vector<1x256xf32>,
          %broadcast_in_dim3A_81 = arith.constant 0.000000e+00 : f32
          %broadcast_in_dim3A_82 = vector.broadcast %broadcast_in_dim3A_81 : f32 to vector<1x256xf32>
          %swap3A_83 = arith.constant 0 : index
          %swap3A_84 = arith.constant 0 : index
          %swap3A_85 = vector.load %arg15[%swap3A_83, %swap3A_84] : memref<1x256xf32, #tpu.memory_space<vmem>>, vector<1x256xf32>
          tpu.vector_store %arg15[%swap3A_83, %swap3A_84], %broadcast_in_dim3A_82 {strides = array<i32>} : memref<1x256xf32, #tpu.memory_space<vmem>>, vector<1x256xf32>,
        } else {
        }
        %get3A_57 = arith.constant 0 : index
        %get3A_58 = arith.constant 0 : index
        %get3A_59 = vector.load %arg14[%get3A_57, %get3A_58] : memref<1x256xf32, #tpu.memory_space<vmem>>, vector<1x256xf32>
        %reduce_sum3A = arith.constant dense<0.000000e+00> : vector<256xf32>
        %reduce_sum3A_60 = vector.multi_reduction <add>, %add3A_46, %reduce_sum3A [0] : vector<1000x256xf32> to vector<256xf32>
        %broadcast_in_dim3A = vector.shape_cast %reduce_sum3A_60 : vector<256xf32> to vector<1x256xf32>
        %add3A_61 = arith.addf %get3A_59, %broadcast_in_dim3A : vector<1x256xf32>
        %swap3A_62 = arith.constant 0 : index
        %swap3A_63 = arith.constant 0 : index
        %swap3A_64 = vector.load %arg14[%swap3A_62, %swap3A_63] : memref<1x256xf32, #tpu.memory_space<vmem>>, vector<1x256xf32>
        tpu.vector_store %arg14[%swap3A_62, %swap3A_63], %add3A_61 {strides = array<i32>} : memref<1x256xf32, #tpu.memory_space<vmem>>, vector<1x256xf32>,
        %get3A_65 = arith.constant 0 : index
        %get3A_66 = arith.constant 0 : index
        %get3A_67 = vector.load %arg15[%get3A_65, %get3A_66] : memref<1x256xf32, #tpu.memory_space<vmem>>, vector<1x256xf32>
        %mul3A_68 = arith.mulf %add3A_46, %add3A_46 : vector<1000x256xf32>
        %reduce_sum3A_69 = arith.constant dense<0.000000e+00> : vector<256xf32>
        %reduce_sum3A_70 = vector.multi_reduction <add>, %mul3A_68, %reduce_sum3A_69 [0] : vector<1000x256xf32> to vector<256xf32>
        %broadcast_in_dim3A_71 = vector.shape_cast %reduce_sum3A_70 : vector<256xf32> to vector<1x256xf32>
        %add3A_72 = arith.addf %get3A_67, %broadcast_in_dim3A_71 : vector<1x256xf32>
        %swap3A_73 = arith.constant 0 : index
        %swap3A_74 = arith.constant 0 : index
        %swap3A_75 = vector.load %arg15[%swap3A_73, %swap3A_74] : memref<1x256xf32, #tpu.memory_space<vmem>>, vector<1x256xf32>
        tpu.vector_store %arg15[%swap3A_73, %swap3A_74], %add3A_72 {strides = array<i32>} : memref<1x256xf32, #tpu.memory_space<vmem>>, vector<1x256xf32>,
      } else {
      }
      %eq3A_13 = arith.constant 1 : i32
      %eq3A_14 = arith.cmpi eq, %arg0, %eq3A_13 : i32
      %convert_element_type3A_15 = arith.extui %eq3A_14 : i1 to i32
      %cond3A_16 = arith.constant 0 : i32
      %cond3A_17 = arith.cmpi ne, %convert_element_type3A_15, %cond3A_16 : i32
      scf.if %cond3A_17 {
        %eq3A_18 = arith.constant 0 : i32
        %eq3A_19 = arith.cmpi eq, %arg1, %eq3A_18 : i32
        %convert_element_type3A_20 = arith.extui %eq3A_19 : i1 to i32
        %cond3A_21 = arith.constant 0 : i32
        %cond3A_22 = arith.cmpi ne, %convert_element_type3A_20, %cond3A_21 : i32
        scf.if %cond3A_22 {
          %broadcast_in_dim3A_82 = arith.constant 0.000000e+00 : f32
          %broadcast_in_dim3A_83 = vector.broadcast %broadcast_in_dim3A_82 : f32 to vector<64x256xf32>
          %swap3A_84 = arith.constant 0 : index
          %swap3A_85 = arith.constant 0 : index
          %swap3A_86 = vector.load %arg16[%swap3A_84, %swap3A_85] : memref<64x256xf32, #tpu.memory_space<vmem>>, vector<64x256xf32>
          tpu.vector_store %arg16[%swap3A_84, %swap3A_85], %broadcast_in_dim3A_83 {strides = array<i32>} : memref<64x256xf32, #tpu.memory_space<vmem>>, vector<64x256xf32>,
          %broadcast_in_dim3A_87 = arith.constant 0.000000e+00 : f32
          %broadcast_in_dim3A_88 = vector.broadcast %broadcast_in_dim3A_87 : f32 to vector<64x1xf32>
          %swap3A_89 = arith.constant 0 : index
          %swap3A_90 = arith.constant 0 : index
          %swap3A_91 = vector.load %arg17[%swap3A_89, %swap3A_90] : memref<64x1xf32, #tpu.memory_space<vmem>>, vector<64x1xf32>
          tpu.vector_store %arg17[%swap3A_89, %swap3A_90], %broadcast_in_dim3A_88 {strides = array<i32>} : memref<64x1xf32, #tpu.memory_space<vmem>>, vector<64x1xf32>,
        } else {
        }
        %get3A = arith.index_cast %arg1 : i32 to index
        %get3A_23 = arith.constant 0 : index
        %get3A_24 = arith.constant 0 : index
        %get3A_25 = vector.load %arg18[%get3A, %get3A_23, %get3A_24] : memref<10x1000x256xf32, #tpu.memory_space<vmem>>, vector<1x1000x256xf32>
        %get3A_26 = vector.shape_cast %get3A_25 : vector<1x1000x256xf32> to vector<1000x256xf32>
        %get3A_27 = arith.constant 0 : index
        %get3A_28 = arith.constant 0 : index
        %get3A_29 = vector.load %arg14[%get3A_27, %get3A_28] : memref<1x256xf32, #tpu.memory_space<vmem>>, vector<1x256xf32>
        %mul3A = arith.constant 9.99999974E-5 : f32
        %mul3A_30 = vector.broadcast %mul3A : f32 to vector<1x256xf32>
        %mul3A_31 = arith.mulf %get3A_29, %mul3A_30 : vector<1x256xf32>
        %get3A_32 = arith.constant 0 : index
        %get3A_33 = arith.constant 0 : index
        %get3A_34 = vector.load %arg15[%get3A_32, %get3A_33] : memref<1x256xf32, #tpu.memory_space<vmem>>, vector<1x256xf32>
        %mul3A_35 = arith.constant 9.99999974E-5 : f32
        %mul3A_36 = vector.broadcast %mul3A_35 : f32 to vector<1x256xf32>
        %mul3A_37 = arith.mulf %get3A_34, %mul3A_36 : vector<1x256xf32>
        %mul3A_38 = arith.mulf %mul3A_31, %mul3A_31 : vector<1x256xf32>
        %sub3A = arith.subf %mul3A_37, %mul3A_38 : vector<1x256xf32>
        %sub3A_39 = vector.broadcast %mul3A_31 : vector<1x256xf32> to vector<1000x256xf32>
        %sub3A_40 = arith.subf %get3A_26, %sub3A_39 : vector<1000x256xf32>
        %add3A = arith.constant 9.99999974E-6 : f32
        %add3A_41 = vector.broadcast %add3A : f32 to vector<1x256xf32>
        %add3A_42 = arith.addf %sub3A, %add3A_41 : vector<1x256xf32>
        %rsqrt3A = math.rsqrt %add3A_42 : vector<1x256xf32>
        %mul3A_43 = vector.broadcast %rsqrt3A : vector<1x256xf32> to vector<1000x256xf32>
        %mul3A_44 = arith.mulf %sub3A_40, %mul3A_43 : vector<1000x256xf32>
        %get3A_45 = arith.constant 0 : index
        %get3A_46 = arith.constant 0 : index
        %get3A_47 = vector.load %arg6[%get3A_45, %get3A_46] : memref<1x256xf32, #tpu.memory_space<vmem>>, vector<1x256xf32>
        %mul3A_48 = vector.broadcast %get3A_47 : vector<1x256xf32> to vector<1000x256xf32>
        %mul3A_49 = arith.mulf %mul3A_44, %mul3A_48 : vector<1000x256xf32>
        %get3A_50 = arith.constant 0 : index
        %get3A_51 = arith.constant 0 : index
        %get3A_52 = vector.load %arg7[%get3A_50, %get3A_51] : memref<1x256xf32, #tpu.memory_space<vmem>>, vector<1x256xf32>
        %add3A_53 = vector.broadcast %get3A_52 : vector<1x256xf32> to vector<1000x256xf32>
        %add3A_54 = arith.addf %mul3A_49, %add3A_53 : vector<1000x256xf32>
        %max3A = arith.constant 0.000000e+00 : f32
        %max3A_55 = vector.broadcast %max3A : f32 to vector<1000x256xf32>
        %max3A_56 = arith.maximumf %add3A_54, %max3A_55 : vector<1000x256xf32>
        %iota3A = tpu.iota {dimensions = array<i32: 1>} : vector<1x64xi32>
        %get3A_57 = arith.constant 0 : index
        %get3A_58 = arith.constant 0 : index
        %get3A_59 = vector.load %arg8[%get3A_57, %get3A_58] : memref<1000x1xi32, #tpu.memory_space<vmem>>, vector<1000x1xi32>
        %eq3A_60 = vector.broadcast %get3A_59 : vector<1000x1xi32> to vector<1000x64xi32>
        %eq3A_61 = vector.broadcast %iota3A : vector<1x64xi32> to vector<1000x64xi32>
        %eq3A_62 = arith.cmpi eq, %eq3A_60, %eq3A_61 : vector<1000x64xi32>
        %convert_element_type3A_63 = arith.extui %eq3A_62 : vector<1000x64xi1> to vector<1000x64xi32>
        %convert_element_type3A_64 = arith.sitofp %convert_element_type3A_63 : vector<1000x64xi32> to vector<1000x64xf32>
        %get3A_65 = arith.constant 0 : index
        %get3A_66 = arith.constant 0 : index
        %get3A_67 = vector.load %arg16[%get3A_65, %get3A_66] : memref<64x256xf32, #tpu.memory_space<vmem>>, vector<64x256xf32>
        %dot_general3A = arith.constant dense<0.000000e+00> : vector<64x256xf32>
        %dot_general3A_68 = tpu.matmul %convert_element_type3A_64, %max3A_56, %dot_general3A {dimension_numbers = #tpu.dot_dimension_numbers<[0], [0], [1], [1], [0, 1, 1, 1], [], []>, transpose_lhs_hint = false} : vector<1000x64xf32>, vector<1000x256xf32>, vector<64x256xf32> -> vector<64x256xf32>
        %add3A_69 = arith.addf %get3A_67, %dot_general3A_68 : vector<64x256xf32>
        %swap3A = arith.constant 0 : index
        %swap3A_70 = arith.constant 0 : index
        %swap3A_71 = vector.load %arg16[%swap3A, %swap3A_70] : memref<64x256xf32, #tpu.memory_space<vmem>>, vector<64x256xf32>
        tpu.vector_store %arg16[%swap3A, %swap3A_70], %add3A_69 {strides = array<i32>} : memref<64x256xf32, #tpu.memory_space<vmem>>, vector<64x256xf32>,
        %get3A_72 = arith.constant 0 : index
        %get3A_73 = arith.constant 0 : index
        %get3A_74 = vector.load %arg17[%get3A_72, %get3A_73] : memref<64x1xf32, #tpu.memory_space<vmem>>, vector<64x1xf32>
        %broadcast_in_dim3A = arith.constant 1.000000e+00 : f32
        %broadcast_in_dim3A_75 = vector.broadcast %broadcast_in_dim3A : f32 to vector<1000x1xf32>
        %dot_general3A_76 = arith.constant dense<0.000000e+00> : vector<64x1xf32>
        %dot_general3A_77 = tpu.matmul %convert_element_type3A_64, %broadcast_in_dim3A_75, %dot_general3A_76 {dimension_numbers = #tpu.dot_dimension_numbers<[0], [0], [1], [1], [0, 1, 1, 1], [], []>, transpose_lhs_hint = false} : vector<1000x64xf32>, vector<1000x1xf32>, vector<64x1xf32> -> vector<64x1xf32>
        %add3A_78 = arith.addf %get3A_74, %dot_general3A_77 : vector<64x1xf32>
        %swap3A_79 = arith.constant 0 : index
        %swap3A_80 = arith.constant 0 : index
        %swap3A_81 = vector.load %arg17[%swap3A_79, %swap3A_80] : memref<64x1xf32, #tpu.memory_space<vmem>>, vector<64x1xf32>
        tpu.vector_store %arg17[%swap3A_79, %swap3A_80], %add3A_78 {strides = array<i32>} : memref<64x1xf32, #tpu.memory_space<vmem>>, vector<64x1xf32>,
      } else {
      }
    } else {
    }
    %eq3A = arith.constant 2 : i32
    %eq3A_2 = arith.cmpi eq, %arg0, %eq3A : i32
    %eq3A_3 = arith.constant 0 : i32
    %eq3A_4 = arith.cmpi eq, %arg1, %eq3A_3 : i32
    %and3A = arith.andi %eq3A_2, %eq3A_4 : i1
    %convert_element_type3A_5 = arith.extui %and3A : i1 to i32
    %cond3A_6 = arith.constant 0 : i32
    %cond3A_7 = arith.cmpi ne, %convert_element_type3A_5, %cond3A_6 : i32
    scf.if %cond3A_7 {
      %get3A = arith.constant 0 : index
      %get3A_8 = arith.constant 0 : index
      %get3A_9 = vector.load %arg16[%get3A, %get3A_8] : memref<64x256xf32, #tpu.memory_space<vmem>>, vector<64x256xf32>
      %get3A_10 = arith.constant 0 : index
      %get3A_11 = arith.constant 0 : index
      %get3A_12 = vector.load %arg17[%get3A_10, %get3A_11] : memref<64x1xf32, #tpu.memory_space<vmem>>, vector<64x1xf32>
      %max3A = arith.constant 1.000000e+00 : f32
      %max3A_13 = vector.broadcast %max3A : f32 to vector<64x1xf32>
      %max3A_14 = arith.maximumf %get3A_12, %max3A_13 : vector<64x1xf32>
      %div3A = vector.broadcast %max3A_14 : vector<64x1xf32> to vector<64x256xf32>
      %div3A_15 = arith.divf %get3A_9, %div3A : vector<64x256xf32>
      %get3A_16 = arith.constant 0 : index
      %get3A_17 = arith.constant 0 : index
      %get3A_18 = vector.load %arg9[%get3A_16, %get3A_17] : memref<256x256xf32, #tpu.memory_space<vmem>>, vector<256x256xf32>
      %dot_general3A = arith.constant dense<0.000000e+00> : vector<64x256xf32>
      %dot_general3A_19 = tpu.matmul %div3A_15, %get3A_18, %dot_general3A {dimension_numbers = #tpu.dot_dimension_numbers<[1], [1], [0], [0], [0, 0, 1, 0], [], []>, transpose_lhs_hint = false} : vector<64x256xf32>, vector<256x256xf32>, vector<64x256xf32> -> vector<64x256xf32>
      %get3A_20 = arith.constant 0 : index
      %get3A_21 = arith.constant 0 : index
      %get3A_22 = vector.load %arg10[%get3A_20, %get3A_21] : memref<1x256xf32, #tpu.memory_space<vmem>>, vector<1x256xf32>
      %add3A = vector.broadcast %get3A_22 : vector<1x256xf32> to vector<64x256xf32>
      %add3A_23 = arith.addf %dot_general3A_19, %add3A : vector<64x256xf32>
      %max3A_24 = arith.constant 0.000000e+00 : f32
      %max3A_25 = vector.broadcast %max3A_24 : f32 to vector<64x256xf32>
      %max3A_26 = arith.maximumf %add3A_23, %max3A_25 : vector<64x256xf32>
      %get3A_27 = arith.constant 0 : index
      %get3A_28 = arith.constant 0 : index
      %get3A_29 = vector.load %arg11[%get3A_27, %get3A_28] : memref<64x256xf32, #tpu.memory_space<vmem>>, vector<64x256xf32>
      %dot_general3A_30 = arith.constant dense<0.000000e+00> : vector<64x64xf32>
      %dot_general3A_31 = tpu.matmul %max3A_26, %get3A_29, %dot_general3A_30 {dimension_numbers = #tpu.dot_dimension_numbers<[1], [1], [0], [0], [0, 0, 1, 0], [], []>, transpose_lhs_hint = false} : vector<64x256xf32>, vector<64x256xf32>, vector<64x64xf32> -> vector<64x64xf32>
      %get3A_32 = arith.constant 0 : index
      %get3A_33 = arith.constant 0 : index
      %get3A_34 = vector.load %arg12[%get3A_32, %get3A_33] : memref<1x64xf32, #tpu.memory_space<vmem>>, vector<1x64xf32>
      %add3A_35 = vector.broadcast %get3A_34 : vector<1x64xf32> to vector<64x64xf32>
      %add3A_36 = arith.addf %dot_general3A_31, %add3A_35 : vector<64x64xf32>
      %swap3A = arith.constant 0 : index
      %swap3A_37 = arith.constant 0 : index
      %swap3A_38 = vector.load %arg13[%swap3A, %swap3A_37] : memref<64x64xf32, #tpu.memory_space<vmem>>, vector<64x64xf32>
      tpu.vector_store %arg13[%swap3A, %swap3A_37], %add3A_36 {strides = array<i32>} : memref<64x64xf32, #tpu.memory_space<vmem>>, vector<64x64xf32>,
    } else {
    }
    return
  }
  func.func @transform_0(%arg0: i32, %arg1: i32) -> (i32, i32, i32) {
    %eq3A = arith.constant 0 : i32
    %eq3A_0 = arith.cmpi eq, %arg0, %eq3A : i32
    %jit3A = arith.constant 0 : i32
    %select_n3A = arith.select %eq3A_0, %arg1, %jit3A : i32
    %c0_i32 = arith.constant 0 : i32
    %c0_i32_1 = arith.constant 0 : i32
    %c0_i32_2 = arith.constant 0 : i32
    return %c0_i32, %select_n3A, %c0_i32_1 : i32, i32, i32
  }
  func.func @transform_1(%arg0: i32, %arg1: i32) -> (i32, i32, i32) {
    %eq3A = arith.constant 0 : i32
    %eq3A_0 = arith.cmpi eq, %arg0, %eq3A : i32
    %jit3A = arith.constant 0 : i32
    %select_n3A = arith.select %eq3A_0, %arg1, %jit3A : i32
    %c0_i32 = arith.constant 0 : i32
    %c0_i32_1 = arith.constant 0 : i32
    %c0_i32_2 = arith.constant 0 : i32
    return %c0_i32, %select_n3A, %c0_i32_1 : i32, i32, i32
  }
  func.func @transform_2(%arg0: i32, %arg1: i32) -> (i32, i32) {
    %c0_i32 = arith.constant 0 : i32
    %c0_i32_0 = arith.constant 0 : i32
    return %arg1, %c0_i32 : i32, i32
  }
  func.func @transform_3(%arg0: i32, %arg1: i32) -> (i32, i32) {
    %c0_i32 = arith.constant 0 : i32
    %c0_i32_0 = arith.constant 0 : i32
    %c0_i32_1 = arith.constant 0 : i32
    return %c0_i32, %c0_i32_0 : i32, i32
  }
  func.func @transform_4(%arg0: i32, %arg1: i32) -> (i32, i32) {
    %c0_i32 = arith.constant 0 : i32
    %c0_i32_0 = arith.constant 0 : i32
    %c0_i32_1 = arith.constant 0 : i32
    return %c0_i32, %c0_i32_0 : i32, i32
  }
  func.func @transform_5(%arg0: i32, %arg1: i32) -> (i32, i32) {
    %c0_i32 = arith.constant 0 : i32
    %c0_i32_0 = arith.constant 0 : i32
    %c0_i32_1 = arith.constant 0 : i32
    return %c0_i32, %c0_i32_0 : i32, i32
  }
  func.func @transform_6(%arg0: i32, %arg1: i32) -> (i32, i32) {
    %c0_i32 = arith.constant 0 : i32
    %c0_i32_0 = arith.constant 0 : i32
    return %arg1, %c0_i32 : i32, i32
  }
  func.func @transform_7(%arg0: i32, %arg1: i32) -> (i32, i32) {
    %c0_i32 = arith.constant 0 : i32
    %c0_i32_0 = arith.constant 0 : i32
    %c0_i32_1 = arith.constant 0 : i32
    return %c0_i32, %c0_i32_0 : i32, i32
  }
  func.func @transform_8(%arg0: i32, %arg1: i32) -> (i32, i32) {
    %c0_i32 = arith.constant 0 : i32
    %c0_i32_0 = arith.constant 0 : i32
    %c0_i32_1 = arith.constant 0 : i32
    return %c0_i32, %c0_i32_0 : i32, i32
  }
  func.func @transform_9(%arg0: i32, %arg1: i32) -> (i32, i32) {
    %c0_i32 = arith.constant 0 : i32
    %c0_i32_0 = arith.constant 0 : i32
    %c0_i32_1 = arith.constant 0 : i32
    return %c0_i32, %c0_i32_0 : i32, i32
  }
  func.func @transform_10(%arg0: i32, %arg1: i32) -> (i32, i32) {
    %c0_i32 = arith.constant 0 : i32
    %c0_i32_0 = arith.constant 0 : i32
    %c0_i32_1 = arith.constant 0 : i32
    return %c0_i32, %c0_i32_0 : i32, i32
  }
  func.func @transform_11(%arg0: i32, %arg1: i32) -> (i32, i32) {
    %c0_i32 = arith.constant 0 : i32
    %c0_i32_0 = arith.constant 0 : i32
    %c0_i32_1 = arith.constant 0 : i32
    return %c0_i32, %c0_i32_0 : i32, i32
  }
}

</mosaic_0001>

<sc_bundles>
// kernel: kernel.10.cloned.1.call-start
scs
__scs_entry_jumppad:
0x0: {  	(pc) =	sbr.rel $0x88, $3  }
0x1: {  	(tag) =	ssettag $0x0;
	lr =	simm.s32 $0x1  }
0x2: {  	[smem:$0x3F8E] =	sst lr;
	_ =	strace $0xD0000000  }
0x3: {  	_ = 	snop  }
0x4: {  	_ = 	snop  }
0x5: {  	_ = 	snop  }
0x6: {  	_ = 	snop  }
0x7: {  	_ = 	snop  }
__scs_overlays_trampoline_lowered:
0x8: {  	[smem:$0x3F9D] =	sst s0  }
0x9: {  	[smem:$0x3F9E] =	sst s1  }
0xa: {  	[smem:$0x3F9F] =	sst s2  }
0xb: {  	[smem:$0x3FA0] =	sst s3  }
0xc: {  	[smem:$0x3FA1] =	sst s4  }
0xd: {  	[smem:$0x3FA2] =	sst s5  }
0xe: {  	[smem:$0x3FA3] =	sst s6  }
0xf: {  	[smem:$0x3FA4] =	sst s7  }
0x10: {  	[smem:$0x3FA5] =	sst s8  }
0x11: {  	[smem:$0x3FA6] =	sst s9;
	s0 =	simm.s32 @!p0 $0x0  }
0x12: {  	s1 =	sld [smem:$0x3F8C];
	s0 =	simm.s32 @p0 $0x1  }
0x13: {  	[smem:$0x3FA7] =	sst s0;
	s0 =	simm.s32 @!p1 $0x0  }
0x14: {  	s2 =	sld [smem:$0x3F8B];
	s0 =	simm.s32 @p1 $0x1  }
0x15: {  	[smem:$0x3FA8] =	sst s0;
	s0 =	simm.s32 @!p2 $0x0  }
0x16: {  	s3 =	sld [smem:$0x3FDB];
	s0 =	simm.s32 @p2 $0x1  }
0x17: {  	s4 =	simm.s32 $0x1BF5;
	[smem:$0x3FAA] =	sst s0  }
0x18: {  	s0 =	sld [smem:$0x3F8D];
	_ =	swait.ge [sflag:s4], $0x0  }
0x19: {  	s7 =	sld [smem:$0x3F8E]  }
0x1a: {  	s8 =	sadd.s32 $0xFFFFE003, lr  }
0x1b: {  	s9 =	sadd.s32 $0xFFFFFEF7, lr;
	s5 =	simm.s32 $0xFFFFFFFF;
	p2 =	slt.u32 s8, $0xFFFFF086  }
0x1c: {  	p1 =	slt.u32 s9, $0xF7A;
	s5 =	simm.s32 @!p2 $0x0  }
0x1d: {  	s5 =	simm.s32 @p1 $0x1;
	p0 =	seq.s32 s7, s2  }
0x1e: {  	s7 =	smul.u32 @!p0 $0xF7A, s2;
	p2 =	seq.s32 @!p0 s5, $0x0  }
0x1f: {  	s9 =	smul.u32 $0xF7A, s1;
	s8 =	simm.s32 @!p0 $0x1BF5;
	p2 =	por !p2, p0  }
0x20: {  	[sflag:s8] =	ssyncset.s32 @!p0 $0xFFFFF086;
	s6 =	sadd.s32 @!p0 s3, s7;
	s7 =	simm.s32 @!p0 $0x108  }
0x21: {  	s3 =	sadd.s32 s3, s9;
	s6 =	sadd.s32 @!p0 $0x88, s6;
	s7 =	simm.s32 @p2 $0x1082  }
0x22: {  	[simem:s7], [sflag:s8] =	dma.local @!p0 [hbm:s6], $0xF7A  }
0x23: {  	s9 =	sor.u32 $0xD0000000, s2;
	s6 =	simm.s32 $0x108;
	_ =	swait.ge @!p0 [sflag:s8], $0x0  }
0x24: {  	s3 =	sadd.s32 $0x88, s3;
	s6 =	simm.s32 @!p1 $0x1082;
	[sflag:s4] =	ssyncset.s32 $0xFFFFF086  }
0x25: {  	[simem:s6], [sflag:s4] =	dma.local [hbm:s3], $0xF7A  }
0x26: {  	[smem:$0x3F8E] =	sst s1;
	(tag) =	ssettag s2;
	_ =	strace s9  }
0x27: {  	s1 =	sld [smem:$0x3F9E]  }
0x28: {  	s2 =	sld [smem:$0x3F9F]  }
0x29: {  	s4 =	sld [smem:$0x3FA1]  }
0x2a: {  	p0 =	seq.s32 s5, $0x0;
	s5 =	sld [smem:$0x3FA2]  }
0x2b: {  	s6 =	sld [smem:$0x3FA3]  }
0x2c: {  	s7 =	sld [smem:$0x3FA4]  }
0x2d: {  	s3 =	simm.s32 $0x108;
	s8 =	sld [smem:$0x3FA5]  }
0x2e: {  	s3 =	simm.s32 @!p0 $0x1082;
	s9 =	sld [smem:$0x3FA6]  }
0x2f: {  	lr =	sadd.s32 s0, s3;
	s0 =	sld [smem:$0x3F9D]  }
0x30: {  	s3 =	sld [smem:$0x3FA0]  }
0x31: {  	[smem:$0x3FA9] =	sst s10  }
0x32: {  	s10 =	sld [smem:$0x3FA7];
	_ =	sdelay $0x3  }
0x33: {  	p0 =	seq.s32 s10, $0x1;
	s10 =	sld [smem:$0x3FA9];
	_ =	sdelay $0x3  }
0x34: {  	[smem:$0x3FA9] =	sst s10  }
0x35: {  	s10 =	sld [smem:$0x3FA8];
	_ =	sdelay $0x3  }
0x36: {  	p1 =	seq.s32 s10, $0x1;
	s10 =	sld [smem:$0x3FA9];
	_ =	sdelay $0x3  }
0x37: {  	[smem:$0x3FA9] =	sst s10  }
0x38: {  	s10 =	sld [smem:$0x3FAA]  }
0x39: {  	_ = 	snop;
	(pc) =	sbr.ind lr, $3  }
0x3a: {  	_ = 	snop  }
0x3b: {  	_ = 	snop  }
0x3c: {  	p2 =	seq.s32 s10, $0x1;
	s10 =	sld [smem:$0x3FA9]  }
0x3d: {  	_ =	shalt  }
0x3e: {  	_ =	shalt  }
0x3f: {  	_ =	shalt  }
0x40: {  	_ =	shalt  }
0x41: {  	_ =	shalt  }
0x42: {  	_ =	shalt  }
0x43: {  	_ =	shalt  }
0x44: {  	_ =	shalt  }
0x45: {  	_ =	shalt  }
0x46: {  	_ =	shalt  }
0x47: {  	_ =	shalt  }
0x48: {  	_ =	shalt  }
0x49: {  	_ =	shalt  }
0x4a: {  	_ =	shalt  }
0x4b: {  	_ =	shalt  }
0x4c: {  	_ =	shalt  }
0x4d: {  	_ =	shalt  }
0x4e: {  	_ =	shalt  }
0x4f: {  	_ =	shalt  }
0x50: {  	_ =	shalt  }
0x51: {  	_ =	shalt  }
0x52: {  	_ =	shalt  }
0x53: {  	_ =	shalt  }
0x54: {  	_ =	shalt  }
0x55: {  	_ =	shalt  }
0x56: {  	_ =	shalt  }
0x57: {  	_ =	shalt  }
0x58: {  	_ =	shalt  }
0x59: {  	_ =	shalt  }
0x5a: {  	_ =	shalt  }
0x5b: {  	_ =	shalt  }
0x5c: {  	_ =	shalt  }
0x5d: {  	_ =	shalt  }
0x5e: {  	_ =	shalt  }
0x5f: {  	_ =	shalt  }
0x60: {  	_ =	shalt  }
0x61: {  	_ =	shalt  }
0x62: {  	_ =	shalt  }
0x63: {  	_ =	shalt  }
0x64: {  	_ =	shalt  }
0x65: {  	_ =	shalt  }
0x66: {  	_ =	shalt  }
0x67: {  	_ =	shalt  }
0x68: {  	_ =	shalt  }
0x69: {  	_ =	shalt  }
0x6a: {  	_ =	shalt  }
0x6b: {  	_ =	shalt  }
0x6c: {  	_ =	shalt  }
0x6d: {  	_ =	shalt  }
0x6e: {  	_ =	shalt  }
0x6f: {  	_ =	shalt  }
0x70: {  	_ =	shalt  }
0x71: {  	_ =	shalt  }
0x72: {  	_ =	shalt  }
0x73: {  	_ =	shalt  }
0x74: {  	_ =	shalt  }
0x75: {  	_ =	shalt  }
0x76: {  	_ =	shalt  }
0x77: {  	_ =	shalt  }
0x78: {  	_ =	shalt  }
0x79: {  	_ =	shalt  }
0x7a: {  	_ =	shalt  }
0x7b: {  	_ =	shalt  }
0x7c: {  	_ =	shalt  }
0x7d: {  	_ =	shalt  }
0x7e: {  	_ =	shalt  }
0x7f: {  	_ =	shalt  }
0x80: {  	_ =	shalt  }
0x81: {  	_ =	shalt  }
0x82: {  	_ =	shalt  }
0x83: {  	_ =	shalt  }
0x84: {  	_ =	shalt  }
0x85: {  	_ =	shalt  }
0x86: {  	_ =	shalt  }
0x87: {  	_ =	shalt  }
.Lfunc_end0:
.L_simem_size_0:
called_computation_lowered:
.L_overlay_start_0:
0x88: {  	s2 =	sld [smem:$0x3FD9]  }
0x89: {  	s3 =	sld [smem:$0x3FFE];
	_ =	sdelay $0x1  }
0x8a: {  	s1 =	srdreg.scid  }
0x8b: {  	s0 =	sand.u32 $0x1, s1  }
0x8c: {  	s16 =	sshll.u32 s0, $0xA;
	s2 =	sadd.s32 s3, s2  }
0x8d: {  	s2 =	sadd.s32 s2, s16  }
0x8e: {  	[smem:$0x3FB5] =	sst s2  }
0x8f: {  	_ = 	snop  }
0x90: {  	(tm) =	ssettm $0x1  }
0x91: {  	s17 =	sld [smem:$0x3FFB];
	_ =	sdelay $0x3  }
0x92: {  	_ =	strace s17  }
0x93: {  	s2 =	sld [smem:$0x3FFC];
	_ =	sdelay $0x3  }
0x94: {  	_ =	strace s2  }
0x95: {  	s2 =	sld [smem:$0x3FFD];
	_ =	sdelay $0x3  }
0x96: {  	_ =	strace s2  }
0x97: {  	_ =	strace $0x8FFFFFFF  }
0x98: {  	s18 =	sld [smem:$0x3FDB];
	_ =	sdelay $0x1  }
0x99: {  	s19 =	simm.s32 $_scs_section_size  }
0x9a: {  	s4 =	simm.s32 $_size__tile_overlayer_lowered;
	s5 =	simm.s32 $_tile_overlayer_lowered  }
0x9b: {  	s22 =	simm.s32 $0x1BFF;
	s21 =	sshll.u32 s5, $0x1;
	s2 =	sadd.s32 s19, s18  }
0x9c: {  	s6 =	simm.s32 $0x0;
	s20 =	sshll.u32 s4, $0x1;
	s4 =	sadd.s32 s21, s2  }
0x9d: {  	[timem:s6], [sflag:s22] =	dma.local [hbm:s4], s20  }
0x9e: {  	_ =	swait.ge [sflag:s22], s20  }
0x9f: {  	s3 =	ssub.s32 $0x0, s20;
	[sflag:s22] =	ssyncset.done $0x0  }
0xa0: {  	[sflag:s22] =	ssyncadd.s32 s3;
	_ =	sdelay $0x1  }
0xa1: {  	s23 =	simm.s32 $0x1B8B  }
0xa2: {  	_ =	swait.ge [sflag:s23], $0x1  }
0xa3: {  	[sflag:s23] =	ssyncset.done $0x0  }
0xa4: {  	s25 =	simm.s32 $0x1B8E;
	s24 =	sld [smem:$0x3FFE];
	[sflag:s23] =	ssyncadd.s32 $0xFFFFFFFF  }
0xa5: {  	s26 =	simm.s32 $execute0_lowered;
	[smem:$0x3FD2] =	sst s25  }
0xa6: {  	s4 =	sshll.u32 s26, $0x1;
	_ =	strace $0x80000046;
	[dreg:$0x1] =	wrdreg $0xFFFFFFFF  }
0xa7: {  	s28 =	simm.s32 $_size_execute0_lowered;
	s2 =	sadd.s32 s2, s4;
	[dreg:$0x0] =	wrdreg $0x0  }
0xa8: {  	s4 =	sshll.u32 s28, $0x1;
	[dreg:$0x2] =	wrdreg s2  }
0xa9: {  	[dreg:$0x3] =	wrdreg s4  }
0xaa: {  	[dreg:$0x4] =	wrdreg $0xC0  }
0xab: {  	_ =	task [dreg:s6], $0x5FFFF  }
0xac: {  	[dreg:$0x1] =	wrdreg $0xFFFFFFFF  }
0xad: {  	[dreg:$0x0] =	wrdreg $0x60  }
0xae: {  	[dreg:$0x2] =	wrdreg s24  }
0xaf: {  	[dreg:$0x3] =	wrdreg $0x0  }
0xb0: {  	[dreg:$0x4] =	wrdreg $0x9  }
0xb1: {  	_ =	task.clear_ibuf [dreg:s6], $0x5FFFF;
	_ =	strace $0x90000046  }
0xb2: {  	s29 =	simm.s32 $0x9;
	_ =	strace $0x80000048  }
0xb3: {  	_ =	swait.ge [sflag:s29], $0x1  }
0xb4: {  	[sflag:s29] =	ssyncadd.s32 $0xFFFFFFFF  }
0xb5: {  	_ =	strace $0x90000048  }
0xb6: {  	_ =	sfence  }
0xb7: {  	s30 =	sld [smem:$0x0];
	_ =	sdelay $0x2  }
0xb8: {  	s31 =	sshll.u32 s1, $0xD;
	s1 =	sshrl.u32 s1, $0x2  }
0xb9: {  	s3 =	sand.u32 $0x4000, s31;
	s1 =	sadd.s32 s1, s30  }
0xba: {  	s0 =	sor.u32 s3, s0;
	s1 =	sshll.u32 s1, $0x11  }
0xbb: {  	s0 =	sor.u32 s1, s0  }
0xbc: {  	s0 =	sadd.s32 $0x8F2B, s0  }
0xbd: {  	[sflag:s0] =	ssyncadd.remote.s32 $0x1  }
0xbe: {  	_ =	sfence.sel $0xFFFF  }
0xbf: {  	[dreg:$0x0] =	wrdreg $0xFFFFFFFF;
	(pc) =	sbr.abs _section_cstart, $3  }
0xc0: {  	[dreg:$0x1] =	wrdreg $0xFFFFFFFF  }
0xc1: {  	_ =	task.clear_ibuf [dreg:s6], $0x2FFFF;
	_ =	strace $0x9FFFFFFF  }
0xc2: {  	(tm) =	ssettm $0x7FFFFFFF  }
0xc3: {  	_ =	shalt  }
tec
execute0_lowered:
.L_overlay_start_1:
0x0: {  	(tag) =	ssettag $0x1  }
0x1: {  	s3 =	rddreg [dreg:$0x0]  }
0x2: {  	s1 =	rddreg [dreg:$0x1]  }
0x3: {  	s0 =	rddreg [dreg:$0x2];
	s2 =	simm.s32 $0x0;
	s16 =	stileid.u32  }
0x4: {  	s4 =	srdreg.scid;
	s14 =	simm.s32 $0x2F8;
	s15 =	simm.s32 $0x80  }
0x5: {  	s18 =	simm.s32 $0x0;
	[smem:$0x7FF] =	sst s2;
	s5 =	smul.u32 $0x9C0, s16  }
0x6: {  	s11 =	sadd.s32 $0x3400, s3;
	s7 =	sand.u32 $0x1, s4;
	s13 =	smul.u32 $0x270, s16  }
0x7: {  	p0 =	sne.s32 s16, $0x0;
	s16 =	simm.s32 $0x278;
	_ =	strace $0x80000047  }
0x8: {  	s8 =	sshll.u32 s7, $0x4;
	s4 =	ssub.s32 $0x2, s7;
	s12 =	smul.u32 $0x2700, s7  }
0x9: {  	s17 =	sshrl.u32 @!p0 s1, $0x3;
	s5 =	sshrl.u32 s5, $0x2;
	s9 =	sadd.s32 s8, s3  }
0xa: {  	s6 =	sshrl.u32 s4, $0x1;
	s8 =	sadd.s32 s8, s11;
	s3 =	sadd.s32 s5, s1  }
0xb: {  	s10 =	ssub.s32 s4, s6;
	s8 =	sadd.s32 $0x4E00, s8;
	s9 =	sadd.s32 $0xD400, s9  }
0xc: {  	s11 =	sadd.s32 s12, s11;
	s12 =	simm.s32 $0x378;
	s4 =	sadd.s32 $0x80, s3  }
0xd: {  	s5 =	sadd.s32 $0x100, s3;
	s6 =	sadd.s32 $0x180, s3;
	s7 =	sadd.s32 $0x200, s3  }
0xe: {  	v0 =	vimm.f32 $0.0e+00;
	v1 =	vimm.f32 $1.000000000e+00;
	s10 =	smax.u32 s10, $0x1;
	s11 =	sadd.s32 s13, s11;
	s13 =	simm.s32 $0x1  }
.LBB2_1:
0xf: {  	[tilespmem:$0x378] =	vst v0  }
0x10: {  	[tilespmem:$0x388] =	vst v0  }
0x11: {  	[tilespmem:$0x398] =	vst v0  }
0x12: {  	[tilespmem:$0x3A8] =	vst v0  }
0x13: {  	[tilespmem:$0x3B8] =	vst v0  }
0x14: {  	[tilespmem:$0x3C8] =	vst v0  }
0x15: {  	[tilespmem:$0x3D8] =	vst v0  }
0x16: {  	[tilespmem:$0x3E8] =	vst v0  }
0x17: {  	[tilespmem:$0x278] =	vst v1  }
0x18: {  	[tilespmem:$0x288] =	vst v1  }
0x19: {  	[tilespmem:$0x298] =	vst v1  }
0x1a: {  	[tilespmem:$0x2A8] =	vst v1  }
0x1b: {  	[tilespmem:$0x2B8] =	vst v1  }
0x1c: {  	[tilespmem:$0x2C8] =	vst v1  }
0x1d: {  	[tilespmem:$0x2D8] =	vst v1  }
0x1e: {  	[tilespmem:$0x2E8] =	vst v1  }
0x1f: {  	[spmem:s3] =	stream.linear.scatter [tilespmem:s12], [sflag:$0x1], $0x80, $0x38;
	[tilespmem:$0x3F8] =	vst v63  }
0x20: {  	_ =	swait.ge [sflag:s13], $0x80  }
0x21: {  	[sflag:s13] =	ssyncset.done $0x0  }
0x22: {  	[sflag:s13] =	ssyncadd.s32 $0xFFFFFF80  }
0x23: {  	[spmem:s4] =	stream.linear.scatter [tilespmem:s12], [sflag:$0x1], $0x80, $0x38;
	[tilespmem:$0x3F8] =	vst v63  }
0x24: {  	_ =	swait.ge [sflag:s13], $0x80  }
0x25: {  	[sflag:s13] =	ssyncset.done $0x0  }
0x26: {  	[sflag:s13] =	ssyncadd.s32 $0xFFFFFF80  }
0x27: {  	[spmem:s5] =	stream.linear.scatter [tilespmem:s12], [sflag:$0x1], $0x80, $0x38;
	[tilespmem:$0x3F8] =	vst v63  }
0x28: {  	_ =	swait.ge [sflag:s13], $0x80  }
0x29: {  	[sflag:s13] =	ssyncset.done $0x0  }
0x2a: {  	[sflag:s13] =	ssyncadd.s32 $0xFFFFFF80  }
0x2b: {  	[spmem:s6] =	stream.linear.scatter [tilespmem:s12], [sflag:$0x1], $0x80, $0x38;
	[tilespmem:$0x3F8] =	vst v63  }
0x2c: {  	_ =	swait.ge [sflag:s13], $0x80  }
0x2d: {  	[sflag:s13] =	ssyncset.done $0x0  }
0x2e: {  	[sflag:s13] =	ssyncadd.s32 $0xFFFFFF80  }
0x2f: {  	[spmem:s7] =	stream.linear.scatter [tilespmem:s12], [sflag:$0x1], $0x80, $0x38;
	[tilespmem:$0x3F8] =	vst v63  }
0x30: {  	_ =	swait.ge [sflag:s13], $0x80  }
0x31: {  	[sflag:s13] =	ssyncset.done $0x0  }
0x32: {  	[sflag:s13] =	ssyncadd.s32 $0xFFFFFF80  }
0x33: {  	s19 =	sadd.s32 $0x0, s11;
	[bflag:$0x0] =	sbarrier.arrive $0xFFFF  }
0x34: {  	[tilespmem:s14], [sflag:$0x1] =	stream.linear.gather [hbm4b:s19+s2], $0x80, $0x38;
	[tilespmem:$0x3F8] =	vst v63  }
0x35: {  	_ =	swait.ge [sflag:s13], $0x80  }
0x36: {  	[sflag:s13] =	ssyncset.done $0x0  }
0x37: {  	[sflag:s13] =	ssyncadd.s32 $0xFFFFFF80  }
0x38: {  	[spmem:s1] =	stream.indirect.scatter.add.f32 [tilespmem:s16], [sflag:$0x1], $0x1, s14, s15, $0xb8;
	[tilespmem:$0x3F8] =	vst v63  }
0x39: {  	_ =	swait.ge [sflag:s13], $0x80  }
0x3a: {  	s20 =	simm.s32 $0x20;
	s19 =	simm.s32 $0x10;
	[sflag:s13] =	ssyncset.done $0x0  }
.LBB2_2:
0x3b: {  	s21 =	sadd.s32 s19, s11  }
0x3c: {  	[sflag:s13] =	ssyncadd.s32 $0xFFFFFF80;
	s19 =	smov.u32 s20;
	s22 =	sadd.s32 $0x10, s20  }
0x3d: {  	[tilespmem:s14], [sflag:$0x1] =	stream.linear.gather [hbm4b:s21+s2], $0x80, $0x38;
	[tilespmem:$0x3F8] =	vst v63  }
0x3e: {  	p1 =	sne.s32 s20, $0x260;
	_ =	swait.ge [sflag:s13], $0x80  }
.Ltmp0:
0x3f: {  	[sflag:s13] =	ssyncset.done $0x0;
	(pc) =	sbr.rel @p1 .LBB2_2-.Ltmp0, $4  }
0x40: {  	[sflag:s13] =	ssyncadd.s32 $0xFFFFFF80  }
0x41: {  	[spmem:s1] =	stream.indirect.scatter.add.f32 [tilespmem:s16], [sflag:$0x1], $0x1, s14, s15, $0xb8;
	[tilespmem:$0x3F8] =	vst v63  }
0x42: {  	_ =	swait.ge [sflag:s13], $0x80  }
0x43: {  	s20 =	smov.u32 s22;
	[sflag:s13] =	ssyncset.done $0x0  }
0x44: {  	s19 =	sadd.s32 s19, s11;
	[sflag:s13] =	ssyncadd.s32 $0xFFFFFF80  }
0x45: {  	[tilespmem:s14], [sflag:$0x1] =	stream.linear.gather [hbm4b:s19+s2], $0x80, $0x38;
	[tilespmem:$0x3F8] =	vst v63  }
0x46: {  	_ =	swait.ge [sflag:s13], $0x80  }
0x47: {  	[sflag:s13] =	ssyncset.done $0x0  }
0x48: {  	[sflag:s13] =	ssyncadd.s32 $0xFFFFFF80  }
0x49: {  	[spmem:s1] =	stream.indirect.scatter.add.f32 [tilespmem:s16], [sflag:$0x1], $0x1, s14, s15, $0xb8;
	[tilespmem:$0x3F8] =	vst v63  }
0x4a: {  	_ =	swait.ge [sflag:s13], $0x80  }
0x4b: {  	[sflag:s13] =	ssyncset.done $0x0  }
0x4c: {  	[sflag:s13] =	ssyncadd.s32 $0xFFFFFF80  }
0x4d: {  	s20 =	simm.s32 @!p0 $0x2F8;
	s19 =	simm.s32 @!p0 $0x0;
	[bflag:$0x0] =	sbarrier.arrive @p0 $0xFFFF  }
0x4e: {  	[tilespmem:s20], [sflag:$0x1] =	stream.linear.gather @!p0 [hbm4b:s8+s19], $0x80, $0x38;
	[tilespmem:$0x3F8] =	vst v63  }
0x4f: {  	s19 =	simm.s32 @!p0 $0x1  }
0x50: {  	_ =	swait.ge @!p0 [sflag:s19], $0x80  }
0x51: {  	[sflag:s19] =	ssyncset.done @!p0 $0x0  }
0x52: {  	s21 =	simm.s32 @!p0 $0x80;
	s22 =	simm.s32 @!p0 $0x278;
	[sflag:s19] =	ssyncadd.s32 @!p0 $0xFFFFFF80  }
0x53: {  	[spmem:s1] =	stream.indirect.scatter.add.f32 @!p0 [tilespmem:s22], [sflag:$0x1], $0x1, s20, s21, $0xb8;
	[tilespmem:$0x3F8] =	vst v63  }
0x54: {  	s18 =	sadd.s32 $0x1, s18;
	_ =	swait.ge @!p0 [sflag:s19], $0x80  }
0x55: {  	p1 =	sne.s32 s18, s10;
	[sflag:s19] =	ssyncset.done @!p0 $0x0  }
0x56: {  	s20 =	simm.s32 @!p0 $0x20;
	s21 =	simm.s32 @!p0 $0x10;
	[sflag:s19] =	ssyncadd.s32 @!p0 $0xFFFFFF80  }
.Ltmp1:
0x57: {  	s22 =	simm.s32 @!p0 $0x1C01;
	[bflag:$0x0] =	sbarrier.arrive @!p0 $0xFFFF;
	(pc) =	sbr.rel @p1 .LBB2_1-.Ltmp1, $4  }
0x58: {  	[hbm:s9@s20], [sflag:s22] =	dma.strided @!p0 [spmem:s17@s21], $0x4F0, s19, $0x10   }
0x59: {  	_ =	swait.ge @!p0 [sflag:s19], $0x4F0  }
0x5a: {  	[sflag:s19] =	ssyncset.done @!p0 $0x0  }
0x5b: {  	[sflag:s19] =	ssyncadd.s32 @!p0 $0xFFFFFB10  }
0x5c: {  	_ =	sfence.sel $0x180000  }
0x5d: {  	[bflag:$0x0] =	sbarrier.arrive $0xFFFF  }
0x5e: {  	_ =	strace $0x90000047  }
0x5f: {  	s0 =	sadd.s32 @!p0 $0x100000, s0;
	[bflag:$0x2] =	sbarrier.arrive $0xFFFF  }
0x60: {  	[sflag:s0] =	ssyncadd.tile.s32 @!p0 $0x1;
	_ =	shalt  }
.Lfunc_end2:
_tile_overlayer_lowered:
.L_overlay_start_2:
0x61: {  	(tag) =	ssettag $0x2  }
0x62: {  	s0 =	rddreg [dreg:$0x0];
	s2 =	stileid.u32  }
0x63: {  	s1 =	rddreg [dreg:$0x1];
	p0 =	sne.s32 s2, $0x0  }
0x64: {  	s3 =	rddreg [dreg:$0x2];
	[bflag:$0x3] =	sbarrier.arrive $0xFFFF;
	s2 =	simm.s32 @!p0 $0x1C01  }
0x65: {  	[timem:s3], [sflag:s2] =	dma.local @!p0 [hbm:s0], s1  }
0x66: {  	s0 =	simm.s32 @!p0 $0x1  }
0x67: {  	_ =	swait.ge @!p0 [sflag:s0], s1  }
0x68: {  	s1 =	ssub.s32 @!p0 $0x0, s1;
	[sflag:s0] =	ssyncset.done @!p0 $0x0  }
0x69: {  	[sflag:s0] =	ssyncadd.s32 @!p0 s1  }
0x6a: {  	[bflag:$0x3] =	sbarrier.arrive $0xFFFF  }
0x6b: {  	_ =	shalt  }

// kernel: kernel.13.cloned.1.call-start
scs
__scs_entry_jumppad:
0x0: {  	(pc) =	sbr.rel $0x88, $3  }
0x1: {  	(tag) =	ssettag $0x0;
	lr =	simm.s32 $0x1  }
0x2: {  	[smem:$0x3F8E] =	sst lr;
	_ =	strace $0xD0000000  }
0x3: {  	_ = 	snop  }
0x4: {  	_ = 	snop  }
0x5: {  	_ = 	snop  }
0x6: {  	_ = 	snop  }
0x7: {  	_ = 	snop  }
__scs_overlays_trampoline_lowered:
0x8: {  	[smem:$0x3F9D] =	sst s0  }
0x9: {  	[smem:$0x3F9E] =	sst s1  }
0xa: {  	[smem:$0x3F9F] =	sst s2  }
0xb: {  	[smem:$0x3FA0] =	sst s3  }
0xc: {  	[smem:$0x3FA1] =	sst s4  }
0xd: {  	[smem:$0x3FA2] =	sst s5  }
0xe: {  	[smem:$0x3FA3] =	sst s6  }
0xf: {  	[smem:$0x3FA4] =	sst s7  }
0x10: {  	[smem:$0x3FA5] =	sst s8  }
0x11: {  	[smem:$0x3FA6] =	sst s9;
	s0 =	simm.s32 @!p0 $0x0  }
0x12: {  	s1 =	sld [smem:$0x3F8C];
	s0 =	simm.s32 @p0 $0x1  }
0x13: {  	[smem:$0x3FA7] =	sst s0;
	s0 =	simm.s32 @!p1 $0x0  }
0x14: {  	s2 =	sld [smem:$0x3F8B];
	s0 =	simm.s32 @p1 $0x1  }
0x15: {  	[smem:$0x3FA8] =	sst s0;
	s0 =	simm.s32 @!p2 $0x0  }
0x16: {  	s3 =	sld [smem:$0x3FDB];
	s0 =	simm.s32 @p2 $0x1  }
0x17: {  	s4 =	simm.s32 $0x1BF5;
	[smem:$0x3FAA] =	sst s0  }
0x18: {  	s0 =	sld [smem:$0x3F8D];
	_ =	swait.ge [sflag:s4], $0x0  }
0x19: {  	s7 =	sld [smem:$0x3F8E]  }
0x1a: {  	s8 =	sadd.s32 $0xFFFFE003, lr  }
0x1b: {  	s9 =	sadd.s32 $0xFFFFFEF7, lr;
	s5 =	simm.s32 $0xFFFFFFFF;
	p2 =	slt.u32 s8, $0xFFFFF086  }
0x1c: {  	p1 =	slt.u32 s9, $0xF7A;
	s5 =	simm.s32 @!p2 $0x0  }
0x1d: {  	s5 =	simm.s32 @p1 $0x1;
	p0 =	seq.s32 s7, s2  }
0x1e: {  	s7 =	smul.u32 @!p0 $0xF7A, s2;
	p2 =	seq.s32 @!p0 s5, $0x0  }
0x1f: {  	s9 =	smul.u32 $0xF7A, s1;
	s8 =	simm.s32 @!p0 $0x1BF5;
	p2 =	por !p2, p0  }
0x20: {  	[sflag:s8] =	ssyncset.s32 @!p0 $0xFFFFF086;
	s6 =	sadd.s32 @!p0 s3, s7;
	s7 =	simm.s32 @!p0 $0x108  }
0x21: {  	s3 =	sadd.s32 s3, s9;
	s6 =	sadd.s32 @!p0 $0x88, s6;
	s7 =	simm.s32 @p2 $0x1082  }
0x22: {  	[simem:s7], [sflag:s8] =	dma.local @!p0 [hbm:s6], $0xF7A  }
0x23: {  	s9 =	sor.u32 $0xD0000000, s2;
	s6 =	simm.s32 $0x108;
	_ =	swait.ge @!p0 [sflag:s8], $0x0  }
0x24: {  	s3 =	sadd.s32 $0x88, s3;
	s6 =	simm.s32 @!p1 $0x1082;
	[sflag:s4] =	ssyncset.s32 $0xFFFFF086  }
0x25: {  	[simem:s6], [sflag:s4] =	dma.local [hbm:s3], $0xF7A  }
0x26: {  	[smem:$0x3F8E] =	sst s1;
	(tag) =	ssettag s2;
	_ =	strace s9  }
0x27: {  	s1 =	sld [smem:$0x3F9E]  }
0x28: {  	s2 =	sld [smem:$0x3F9F]  }
0x29: {  	s4 =	sld [smem:$0x3FA1]  }
0x2a: {  	p0 =	seq.s32 s5, $0x0;
	s5 =	sld [smem:$0x3FA2]  }
0x2b: {  	s6 =	sld [smem:$0x3FA3]  }
0x2c: {  	s7 =	sld [smem:$0x3FA4]  }
0x2d: {  	s3 =	simm.s32 $0x108;
	s8 =	sld [smem:$0x3FA5]  }
0x2e: {  	s3 =	simm.s32 @!p0 $0x1082;
	s9 =	sld [smem:$0x3FA6]  }
0x2f: {  	lr =	sadd.s32 s0, s3;
	s0 =	sld [smem:$0x3F9D]  }
0x30: {  	s3 =	sld [smem:$0x3FA0]  }
0x31: {  	[smem:$0x3FA9] =	sst s10  }
0x32: {  	s10 =	sld [smem:$0x3FA7];
	_ =	sdelay $0x3  }
0x33: {  	p0 =	seq.s32 s10, $0x1;
	s10 =	sld [smem:$0x3FA9];
	_ =	sdelay $0x3  }
0x34: {  	[smem:$0x3FA9] =	sst s10  }
0x35: {  	s10 =	sld [smem:$0x3FA8];
	_ =	sdelay $0x3  }
0x36: {  	p1 =	seq.s32 s10, $0x1;
	s10 =	sld [smem:$0x3FA9];
	_ =	sdelay $0x3  }
0x37: {  	[smem:$0x3FA9] =	sst s10  }
0x38: {  	s10 =	sld [smem:$0x3FAA]  }
0x39: {  	_ = 	snop;
	(pc) =	sbr.ind lr, $3  }
0x3a: {  	_ = 	snop  }
0x3b: {  	_ = 	snop  }
0x3c: {  	p2 =	seq.s32 s10, $0x1;
	s10 =	sld [smem:$0x3FA9]  }
0x3d: {  	_ =	shalt  }
0x3e: {  	_ =	shalt  }
0x3f: {  	_ =	shalt  }
0x40: {  	_ =	shalt  }
0x41: {  	_ =	shalt  }
0x42: {  	_ =	shalt  }
0x43: {  	_ =	shalt  }
0x44: {  	_ =	shalt  }
0x45: {  	_ =	shalt  }
0x46: {  	_ =	shalt  }
0x47: {  	_ =	shalt  }
0x48: {  	_ =	shalt  }
0x49: {  	_ =	shalt  }
0x4a: {  	_ =	shalt  }
0x4b: {  	_ =	shalt  }
0x4c: {  	_ =	shalt  }
0x4d: {  	_ =	shalt  }
0x4e: {  	_ =	shalt  }
0x4f: {  	_ =	shalt  }
0x50: {  	_ =	shalt  }
0x51: {  	_ =	shalt  }
0x52: {  	_ =	shalt  }
0x53: {  	_ =	shalt  }
0x54: {  	_ =	shalt  }
0x55: {  	_ =	shalt  }
0x56: {  	_ =	shalt  }
0x57: {  	_ =	shalt  }
0x58: {  	_ =	shalt  }
0x59: {  	_ =	shalt  }
0x5a: {  	_ =	shalt  }
0x5b: {  	_ =	shalt  }
0x5c: {  	_ =	shalt  }
0x5d: {  	_ =	shalt  }
0x5e: {  	_ =	shalt  }
0x5f: {  	_ =	shalt  }
0x60: {  	_ =	shalt  }
0x61: {  	_ =	shalt  }
0x62: {  	_ =	shalt  }
0x63: {  	_ =	shalt  }
0x64: {  	_ =	shalt  }
0x65: {  	_ =	shalt  }
0x66: {  	_ =	shalt  }
0x67: {  	_ =	shalt  }
0x68: {  	_ =	shalt  }
0x69: {  	_ =	shalt  }
0x6a: {  	_ =	shalt  }
0x6b: {  	_ =	shalt  }
0x6c: {  	_ =	shalt  }
0x6d: {  	_ =	shalt  }
0x6e: {  	_ =	shalt  }
0x6f: {  	_ =	shalt  }
0x70: {  	_ =	shalt  }
0x71: {  	_ =	shalt  }
0x72: {  	_ =	shalt  }
0x73: {  	_ =	shalt  }
0x74: {  	_ =	shalt  }
0x75: {  	_ =	shalt  }
0x76: {  	_ =	shalt  }
0x77: {  	_ =	shalt  }
0x78: {  	_ =	shalt  }
0x79: {  	_ =	shalt  }
0x7a: {  	_ =	shalt  }
0x7b: {  	_ =	shalt  }
0x7c: {  	_ =	shalt  }
0x7d: {  	_ =	shalt  }
0x7e: {  	_ =	shalt  }
0x7f: {  	_ =	shalt  }
0x80: {  	_ =	shalt  }
0x81: {  	_ =	shalt  }
0x82: {  	_ =	shalt  }
0x83: {  	_ =	shalt  }
0x84: {  	_ =	shalt  }
0x85: {  	_ =	shalt  }
0x86: {  	_ =	shalt  }
0x87: {  	_ =	shalt  }
.Lfunc_end0:
.L_simem_size_0:
called_computation.1_lowered:
.L_overlay_start_0:
0x88: {  	s2 =	sld [smem:$0x3FD9]  }
0x89: {  	s3 =	sld [smem:$0x3FFE];
	_ =	sdelay $0x1  }
0x8a: {  	s1 =	srdreg.scid  }
0x8b: {  	s0 =	sand.u32 $0x1, s1  }
0x8c: {  	s16 =	sshll.u32 s0, $0xA;
	s2 =	sadd.s32 s3, s2  }
0x8d: {  	s2 =	sadd.s32 s2, s16  }
0x8e: {  	[smem:$0x3FB5] =	sst s2  }
0x8f: {  	_ = 	snop  }
0x90: {  	(tm) =	ssettm $0x1  }
0x91: {  	s17 =	sld [smem:$0x3FFB];
	_ =	sdelay $0x3  }
0x92: {  	_ =	strace s17  }
0x93: {  	s2 =	sld [smem:$0x3FFC];
	_ =	sdelay $0x3  }
0x94: {  	_ =	strace s2  }
0x95: {  	s2 =	sld [smem:$0x3FFD];
	_ =	sdelay $0x3  }
0x96: {  	_ =	strace s2  }
0x97: {  	_ =	strace $0x8FFFFFFF  }
0x98: {  	s18 =	sld [smem:$0x3FDB];
	_ =	sdelay $0x1  }
0x99: {  	s19 =	simm.s32 $_scs_section_size  }
0x9a: {  	s4 =	simm.s32 $_size__tile_overlayer_lowered;
	s5 =	simm.s32 $_tile_overlayer_lowered  }
0x9b: {  	s22 =	simm.s32 $0x1BFF;
	s21 =	sshll.u32 s5, $0x1;
	s2 =	sadd.s32 s19, s18  }
0x9c: {  	s6 =	simm.s32 $0x0;
	s20 =	sshll.u32 s4, $0x1;
	s4 =	sadd.s32 s21, s2  }
0x9d: {  	[timem:s6], [sflag:s22] =	dma.local [hbm:s4], s20  }
0x9e: {  	_ =	swait.ge [sflag:s22], s20  }
0x9f: {  	s3 =	ssub.s32 $0x0, s20;
	[sflag:s22] =	ssyncset.done $0x0  }
0xa0: {  	[sflag:s22] =	ssyncadd.s32 s3;
	_ =	sdelay $0x1  }
0xa1: {  	s23 =	simm.s32 $0x1B8B  }
0xa2: {  	_ =	swait.ge [sflag:s23], $0x1  }
0xa3: {  	[sflag:s23] =	ssyncset.done $0x0  }
0xa4: {  	s25 =	simm.s32 $0x1B8E;
	s24 =	sld [smem:$0x3FFE];
	[sflag:s23] =	ssyncadd.s32 $0xFFFFFFFF  }
0xa5: {  	s26 =	simm.s32 $execute0_lowered;
	[smem:$0x3FD2] =	sst s25  }
0xa6: {  	s4 =	sshll.u32 s26, $0x1;
	_ =	strace $0x80000049;
	[dreg:$0x1] =	wrdreg $0xFFFFFFFF  }
0xa7: {  	s28 =	simm.s32 $_size_execute0_lowered;
	s2 =	sadd.s32 s2, s4;
	[dreg:$0x0] =	wrdreg $0x0  }
0xa8: {  	s4 =	sshll.u32 s28, $0x1;
	[dreg:$0x2] =	wrdreg s2  }
0xa9: {  	[dreg:$0x3] =	wrdreg s4  }
0xaa: {  	[dreg:$0x4] =	wrdreg $0xC0  }
0xab: {  	_ =	task [dreg:s6], $0x5FFFF  }
0xac: {  	[dreg:$0x1] =	wrdreg $0xFFFFFFFF  }
0xad: {  	[dreg:$0x0] =	wrdreg $0x60  }
0xae: {  	[dreg:$0x2] =	wrdreg s24  }
0xaf: {  	[dreg:$0x3] =	wrdreg $0x0  }
0xb0: {  	[dreg:$0x4] =	wrdreg $0x9  }
0xb1: {  	_ =	task.clear_ibuf [dreg:s6], $0x5FFFF;
	_ =	strace $0x90000049  }
0xb2: {  	s29 =	simm.s32 $0x9;
	_ =	strace $0x8000004B  }
0xb3: {  	_ =	swait.ge [sflag:s29], $0x1  }
0xb4: {  	[sflag:s29] =	ssyncadd.s32 $0xFFFFFFFF  }
0xb5: {  	_ =	strace $0x9000004B  }
0xb6: {  	_ =	sfence  }
0xb7: {  	s30 =	sld [smem:$0x0];
	_ =	sdelay $0x2  }
0xb8: {  	s31 =	sshll.u32 s1, $0xD;
	s1 =	sshrl.u32 s1, $0x2  }
0xb9: {  	s3 =	sand.u32 $0x4000, s31;
	s1 =	sadd.s32 s1, s30  }
0xba: {  	s0 =	sor.u32 s3, s0;
	s1 =	sshll.u32 s1, $0x11  }
0xbb: {  	s0 =	sor.u32 s1, s0  }
0xbc: {  	s0 =	sadd.s32 $0x8F2B, s0  }
0xbd: {  	[sflag:s0] =	ssyncadd.remote.s32 $0x1  }
0xbe: {  	_ =	sfence.sel $0xFFFF  }
0xbf: {  	[dreg:$0x0] =	wrdreg $0xFFFFFFFF;
	(pc) =	sbr.abs _section_cstart, $3  }
0xc0: {  	[dreg:$0x1] =	wrdreg $0xFFFFFFFF  }
0xc1: {  	_ =	task.clear_ibuf [dreg:s6], $0x2FFFF;
	_ =	strace $0x9FFFFFFF  }
0xc2: {  	(tm) =	ssettm $0x7FFFFFFF  }
0xc3: {  	_ =	shalt  }
tec
execute0_lowered:
.L_overlay_start_1:
0x0: {  	(tag) =	ssettag $0x1  }
0x1: {  	s0 =	rddreg [dreg:$0x0]  }
0x2: {  	s1 =	rddreg [dreg:$0x1]  }
0x3: {  	s2 =	simm.s32 $0x0;
	s3 =	srdreg.scid;
	s12 =	stileid.u32  }
0x4: {  	s28 =	simm.s32 $0x9;
	s30 =	simm.s32 $0x13A80;
	s31 =	simm.s32 $0x13900  }
0x5: {  	[smem:$0x7FF] =	sst s2;
	s3 =	sand.u32 $0x1, s3;
	s6 =	sadd.s32 $0x8400, s0  }
0x6: {  	s7 =	sadd.s32 $0x3400, s0;
	s5 =	smul.u32 $0x4E000, s12;
	p0 =	sgt.u32 s12, $0x1  }
0x7: {  	p1 =	slt.u32 s12, $0x2;
	s8 =	smul.u32 $0x4E, s12;
	s9 =	smin.u32 s12, $0x2  }
0x8: {  	_ =	strace $0x8000004A;
	s4 =	smul.u32 $0x27100, s3;
	s3 =	ssub.s32 $0x2, s3  }
0x9: {  	s14 =	sshrl.u32 s3, $0x1;
	s5 =	sshrl.u32 s5, $0x2;
	s8 =	sadd.s32 s9, s8  }
0xa: {  	s0 =	sadd.s32 s4, s0;
	s3 =	ssub.s32 s3, s14;
	s4 =	simm.s32 $0x4F  }
0xb: {  	s5 =	sadd.s32 s5, s1;
	s8 =	sshll.u32 s8, $0x4;
	s4 =	simm.s32 @!p1 $0x4E  }
0xc: {  	s15 =	sadd.s32 $0x4000, s5;
	s16 =	sadd.s32 $0x8000, s5;
	s17 =	sadd.s32 $0xC000, s5  }
0xd: {  	s18 =	sadd.s32 $0x10000, s5;
	s19 =	sadd.s32 s6, s8;
	[dreg:$0x6] =	wrdreg s15  }
0xe: {  	s20 =	sadd.s32 s7, s8;
	s21 =	sadd.s32 $0x10, s8;
	[dreg:$0x7] =	wrdreg s16  }
0xf: {  	s14 =	sadd.s32 $0xD400, s0;
	s11 =	sadd.s32 $0x30, s8;
	[dreg:$0x8] =	wrdreg s17  }
0x10: {  	s24 =	sadd.s32 $0x20, s8;
	s26 =	sadd.s32 $0x40, s8;
	[dreg:$0x9] =	wrdreg s18  }
0x11: {  	s8 =	smul.u32 $0x2700, s12;
	s3 =	smax.u32 s3, $0x1;
	[dreg:$0xa] =	wrdreg s19  }
0x12: {  	[dreg:$0xb] =	wrdreg s20;
	s10 =	sadd.s32 s6, s21;
	s9 =	sadd.s32 s7, s21  }
0x13: {  	s15 =	simm.s32 $0x1;
	s22 =	sshll.u32 s4, $0x4;
	[dreg:$0x10] =	wrdreg s3  }
0x14: {  	s23 =	sadd.s32 s11, s6;
	s25 =	sadd.s32 s6, s24;
	[dreg:$0xc] =	wrdreg s10  }
0x15: {  	s6 =	sadd.s32 s26, s6;
	s3 =	simm.s32 $0x80;
	[dreg:$0xd] =	wrdreg s9  }
0x16: {  	s9 =	simm.s32 $0x1;
	s10 =	sadd.s32 $0xFFFFFFE0, s22;
	[dreg:$0x3] =	wrdreg s23  }
0x17: {  	[dreg:$0xe] =	wrdreg s25;
	s29 =	sadd.s32 $0xFFFFFFF0, s6;
	s9 =	simm.s32 @!p1 $0x0  }
0x18: {  	[dreg:$0x5] =	wrdreg s10;
	s10 =	sadd.s32 $0x5B600, s0;
	s0 =	sadd.s32 s7, s24  }
0x19: {  	[dreg:$0x12] =	wrdreg s29;
	s16 =	sadd.s32 $0x7, s9;
	s9 =	simm.s32 $0x1  }
0x1a: {  	[dreg:$0xf] =	wrdreg s0;
	s0 =	sadd.s32 s26, s7;
	s7 =	sadd.s32 s11, s7  }
0x1b: {  	s6 =	simm.s32 $0x5;
	s9 =	simm.s32 @!p0 $0x0;
	[dreg:$0x4] =	wrdreg s7  }
0x1c: {  	s7 =	sadd.s32 $0x124800, s1;
	s0 =	sadd.s32 $0xFFFFFFF0, s0;
	p0 =	seq.s32 s12, $0xF  }
0x1d: {  	s25 =	smov.u32 s10;
	[dreg:$0x11] =	wrdreg s0;
	s0 =	sshrl.u32 @p0 s7, $0x3  }
0x1e: {  	s26 =	simm.s32 $0x13C80;
	[dreg:$0x13] =	wrdreg s0;
	s0 =	sadd.s32 @!p0 s8, s10  }
0x1f: {  	v0 =	vimm.f32 $0.0e+00;
	s17 =	sadd.s32 $0x7, s9;
	[dreg:$0x14] =	wrdreg s0;
	s0 =	simm.s32 $0x2  }
.LBB2_1:
0x20: {  	s7 =	simm.s32 $0x0;
	s8 =	simm.s32 $0x200  }
.LBB2_2:
0x21: {  	p1 =	sne.s32 s8, $0xFE00;
	[tilespmem:s7+$0x13CF0] =	vst v0  }
0x22: {  	[tilespmem:s7+$0x13C80] =	vst v0  }
0x23: {  	[tilespmem:s7+$0x13C90] =	vst v0  }
.Ltmp0:
0x24: {  	[tilespmem:s7+$0x13CA0] =	vst v0;
	(pc) =	sbr.rel @p1 .LBB2_2-.Ltmp0, $4  }
0x25: {  	[tilespmem:s7+$0x13CB0] =	vst v0  }
0x26: {  	[tilespmem:s7+$0x13CC0] =	vst v0  }
0x27: {  	[tilespmem:s7+$0x13CD0] =	vst v0  }
0x28: {  	[tilespmem:s7+$0x13CE0] =	vst v0;
	s7 =	sshra.s32 s8, $0x2;
	s8 =	sadd.s32 $0x200, s8  }
0x29: {  	[tilespmem:s7+$0x13CF0] =	vst v0  }
0x2a: {  	[tilespmem:s7+$0x13C80] =	vst v0  }
0x2b: {  	[tilespmem:s7+$0x13C90] =	vst v0  }
0x2c: {  	[tilespmem:s7+$0x13CA0] =	vst v0  }
0x2d: {  	[tilespmem:s7+$0x13CB0] =	vst v0  }
0x2e: {  	[tilespmem:s7+$0x13CC0] =	vst v0  }
0x2f: {  	[tilespmem:s7+$0x13CD0] =	vst v0  }
0x30: {  	[tilespmem:s7+$0x13CE0] =	vst v0  }
0x31: {  	[spmem:s5] =	stream.linear.scatter [tilespmem:s26], [sflag:$0x9], $0x4000, $0x38;
	[tilespmem:$0x1BC80] =	vst v63  }
0x32: {  	_ =	swait.ge [sflag:s28], $0x4000  }
0x33: {  	[sflag:s28] =	ssyncset.done $0x0  }
0x34: {  	s10 =	rddreg [dreg:$0x6];
	[sflag:s28] =	ssyncadd.s32 $0xFFFFC000  }
0x35: {  	[spmem:s10] =	stream.linear.scatter [tilespmem:s26], [sflag:$0x9], $0x4000, $0x38;
	[tilespmem:$0x1BC80] =	vst v63  }
0x36: {  	_ =	swait.ge [sflag:s28], $0x4000  }
0x37: {  	[sflag:s28] =	ssyncset.done $0x0  }
0x38: {  	s11 =	rddreg [dreg:$0x7];
	[sflag:s28] =	ssyncadd.s32 $0xFFFFC000  }
0x39: {  	[spmem:s11] =	stream.linear.scatter [tilespmem:s26], [sflag:$0x9], $0x4000, $0x38;
	[tilespmem:$0x1BC80] =	vst v63  }
0x3a: {  	_ =	swait.ge [sflag:s28], $0x4000  }
0x3b: {  	[sflag:s28] =	ssyncset.done $0x0  }
0x3c: {  	s12 =	rddreg [dreg:$0x8];
	[sflag:s28] =	ssyncadd.s32 $0xFFFFC000  }
0x3d: {  	[spmem:s12] =	stream.linear.scatter [tilespmem:s26], [sflag:$0x9], $0x4000, $0x38;
	[tilespmem:$0x1BC80] =	vst v63  }
0x3e: {  	_ =	swait.ge [sflag:s28], $0x4000  }
0x3f: {  	[sflag:s28] =	ssyncset.done $0x0  }
0x40: {  	s13 =	rddreg [dreg:$0x9];
	[sflag:s28] =	ssyncadd.s32 $0xFFFFC000  }
0x41: {  	[spmem:s13] =	stream.linear.scatter [tilespmem:s26], [sflag:$0x9], $0x4000, $0x38;
	[tilespmem:$0x1BC80] =	vst v63  }
0x42: {  	_ =	swait.ge [sflag:s28], $0x4000  }
0x43: {  	[sflag:s28] =	ssyncset.done $0x0  }
0x44: {  	[sflag:s28] =	ssyncadd.s32 $0xFFFFC000  }
0x45: {  	[bflag:$0x0] =	sbarrier.arrive $0xFFFF  }
0x46: {  	s7 =	simm.s32 $0x0;
	s9 =	simm.s32 $0x13880;
	s8 =	rddreg [dreg:$0xa]  }
0x47: {  	[tilespmem:s9], [sflag:$0x1] =	stream.linear.gather [hbm4b:s8+s7], $0x80, $0x38;
	[tilespmem:$0x1BC80] =	vst v63  }
0x48: {  	s18 =	rddreg [dreg:$0xb]  }
0x49: {  	[tilespmem:s30], [sflag:$0x1] =	stream.linear.gather [hbm4b:s18+s7], $0x80, $0x38;
	[tilespmem:$0x1BC80] =	vst v63  }
0x4a: {  	s19 =	rddreg [dreg:$0xc]  }
0x4b: {  	[tilespmem:s31], [sflag:$0x2] =	stream.linear.gather [hbm4b:s19+s7], $0x80, $0x38;
	[tilespmem:$0x1BC80] =	vst v63  }
0x4c: {  	s10 =	simm.s32 $0x13B00;
	s20 =	rddreg [dreg:$0xd]  }
0x4d: {  	[tilespmem:s10], [sflag:$0x2] =	stream.linear.gather [hbm4b:s20+s7], $0x80, $0x38;
	[tilespmem:$0x1BC80] =	vst v63  }
0x4e: {  	_ =	swait.ge [sflag:s15], $0x80  }
0x4f: {  	[sflag:s15] =	ssyncset.done $0x0  }
0x50: {  	[sflag:s15] =	ssyncadd.s32 $0xFFFFFF80  }
0x51: {  	_ =	swait.ge [sflag:s15], $0x80  }
0x52: {  	[sflag:s15] =	ssyncset.done $0x0  }
0x53: {  	[sflag:s15] =	ssyncadd.s32 $0xFFFFFF80  }
0x54: {  	[tilespmem:s26], [sflag:$0x5] =	stream.indirect.gather [hbm4b:s14+s3], $0x80, s9, s3, $0xb8;
	[tilespmem:$0x1BC80] =	vst v63  }
0x55: {  	_ =	swait.ge [sflag:s0], $0x80  }
0x56: {  	[sflag:s0] =	ssyncset.done $0x0  }
0x57: {  	[sflag:s0] =	ssyncadd.s32 $0xFFFFFF80  }
0x58: {  	_ =	swait.ge [sflag:s0], $0x80  }
0x59: {  	[sflag:s0] =	ssyncset.done $0x0  }
0x5a: {  	s21 =	simm.s32 $0x17C80;
	[sflag:s0] =	ssyncadd.s32 $0xFFFFFF80  }
0x5b: {  	[tilespmem:s21], [sflag:$0x6] =	stream.indirect.gather [hbm4b:s14+s3], $0x80, s31, s3, $0xb8;
	[tilespmem:$0x1BC80] =	vst v63  }
0x5c: {  	_ =	swait.ge [sflag:s6], $0x4000  }
0x5d: {  	[sflag:s6] =	ssyncset.done $0x0  }
0x5e: {  	[sflag:s6] =	ssyncadd.s32 $0xFFFFC000  }
0x5f: {  	[spmem:s1] =	stream.indirect.scatter.add.f32 [tilespmem:s26], [sflag:$0x7], $0x80, s30, s3, $0xb8;
	[tilespmem:$0x1BC80] =	vst v63  }
0x60: {  	s23 =	simm.s32 $0x13980;
	s29 =	simm.s32 $0x13B80;
	s22 =	rddreg [dreg:$0xe]  }
0x61: {  	[tilespmem:s23], [sflag:$0x3] =	stream.linear.gather [hbm4b:s22+s7], $0x80, $0x38;
	[tilespmem:$0x1BC80] =	vst v63  }
0x62: {  	s8 =	simm.s32 $0x3;
	s10 =	simm.s32 $0x200;
	s24 =	rddreg [dreg:$0xf]  }
0x63: {  	[tilespmem:s29], [sflag:$0x3] =	stream.linear.gather [hbm4b:s24+s7], $0x80, $0x38;
	[tilespmem:$0x1BC80] =	vst v63  }
.LBB2_4:
0x64: {  	s11 =	sadd.s32 $0xFFFFFFFF, s8  }
0x65: {  	s12 =	sand.u32 $0x1, s11  }
0x66: {  	s9 =	sadd.s32 $0x7, s12  }
0x67: {  	_ =	swait.ge [sflag:s9], $0x4000  }
0x68: {  	s11 =	sand.u32 $0x3, s11;
	[sflag:s9] =	ssyncset.done $0x0  }
0x69: {  	s18 =	sadd.s32 $0xFFFFFFFE, s8;
	s13 =	sadd.s32 $0x1, s11;
	[sflag:s9] =	ssyncadd.s32 $0xFFFFC000  }
0x6a: {  	s20 =	sand.u32 $0x600, s10;
	p1 =	sge.u32 s8, s4;
	_ =	swait.ge [sflag:s13], $0x80  }
0x6b: {  	s18 =	sand.u32 $0x1, s18;
	s20 =	sshrl.u32 s20, $0x2;
	[sflag:s13] =	ssyncset.done $0x0  }
0x6c: {  	s21 =	sand.u32 @!p1 $0x3, s8;
	s11 =	sshll.u32 s11, $0x7;
	[sflag:s13] =	ssyncadd.s32 $0xFFFFFF80  }
0x6d: {  	s24 =	sshll.u32 s12, $0xE;
	s12 =	sadd.s32 $0x5, s12;
	_ =	swait.ge [sflag:s13], $0x80  }
0x6e: {  	s29 =	sshll.u32 s18, $0xE;
	s19 =	sadd.s32 $0x13880, s11;
	[sflag:s13] =	ssyncset.done $0x0  }
0x6f: {  	s11 =	sor.u32 $0x13C80, s24;
	[sflag:s13] =	ssyncadd.s32 $0xFFFFFF80;
	s13 =	sadd.s32 $0x5, s18  }
0x70: {  	[tilespmem:s11], [sflag:s12] =	stream.indirect.gather [hbm4b:s14+s3], $0x80, s19, s3, $0xb8;
	[tilespmem:$0x1BC80] =	vst v63  }
0x71: {  	s20 =	sadd.s32 $0x13A80, s20;
	s23 =	sshll.u32 @!p1 s21, $0x7;
	_ =	swait.ge [sflag:s13], $0x4000  }
0x72: {  	s18 =	sadd.s32 $0x7, s18;
	s19 =	sor.u32 $0x13C80, s29;
	[sflag:s13] =	ssyncset.done $0x0  }
0x73: {  	s29 =	simm.s32 @!p1 $0x0;
	s22 =	rddreg [dreg:$0x3];
	[sflag:s13] =	ssyncadd.s32 $0xFFFFC000  }
0x74: {  	[spmem:s1] =	stream.indirect.scatter.add.f32 [tilespmem:s19], [sflag:s18], $0x80, s20, s3, $0xb8;
	[tilespmem:$0x1BC80] =	vst v63  }
0x75: {  	s22 =	sadd.s32 @!p1 s7, s22;
	s20 =	sadd.s32 @!p1 $0x1, s21;
	s21 =	sadd.s32 @!p1 $0x13880, s23  }
0x76: {  	[tilespmem:s21], [sflag:s20] =	stream.linear.gather @!p1 [hbm4b:s22+s29], $0x80, $0x38;
	[tilespmem:$0x1BC80] =	vst v63  }
0x77: {  	s24 =	rddreg [dreg:$0x4];
	s22 =	sadd.s32 @!p1 $0x13A80, s23  }
0x78: {  	s23 =	sadd.s32 @!p1 s7, s24;
	s24 =	rddreg [dreg:$0x5];
	s7 =	sadd.s32 $0x10, s7  }
0x79: {  	p2 =	sne.s32 s24, s7  }
.Ltmp1:
0x7a: {  	_ = 	snop;
	(pc) =	sbr.rel @p2 .LBB2_4-.Ltmp1, $3  }
0x7b: {  	_ =	sdelay $0x1  }
0x7c: {  	s10 =	sadd.s32 $0x200, s10;
	s8 =	sadd.s32 $0x1, s8  }
0x7d: {  	[tilespmem:s22], [sflag:s20] =	stream.linear.gather @!p1 [hbm4b:s23+s29], $0x80, $0x38;
	[tilespmem:$0x1BC80] =	vst v63  }
0x7e: {  	_ =	swait.ge @!p1 [sflag:s18], $0x4000  }
0x7f: {  	[sflag:s18] =	ssyncset.done @!p1 $0x0  }
0x80: {  	[sflag:s18] =	ssyncadd.s32 @!p1 $0xFFFFC000  }
0x81: {  	_ =	swait.ge @!p1 [sflag:s20], $0x80  }
0x82: {  	[sflag:s20] =	ssyncset.done @!p1 $0x0  }
0x83: {  	[sflag:s20] =	ssyncadd.s32 @!p1 $0xFFFFFF80  }
0x84: {  	_ =	swait.ge @!p1 [sflag:s20], $0x80  }
0x85: {  	[sflag:s20] =	ssyncset.done @!p1 $0x0  }
0x86: {  	s18 =	simm.s32 @!p1 $0x80;
	[sflag:s20] =	ssyncadd.s32 @!p1 $0xFFFFFF80  }
0x87: {  	[tilespmem:s19], [sflag:s13] =	stream.indirect.gather @!p1 [hbm4b:s14+s18], $0x80, s21, s18, $0xb8;
	[tilespmem:$0x1BC80] =	vst v63  }
0x88: {  	s10 =	sand.u32 $0x600, s10;
	_ =	swait.ge [sflag:s12], $0x4000  }
0x89: {  	s10 =	sshrl.u32 s10, $0x2;
	p1 =	sge.u32 s8, s4;
	[sflag:s12] =	ssyncset.done $0x0  }
0x8a: {  	s10 =	sadd.s32 $0x13A80, s10;
	s8 =	sand.u32 @!p1 $0x3, s8;
	[sflag:s12] =	ssyncadd.s32 $0xFFFFC000  }
0x8b: {  	[spmem:s1] =	stream.indirect.scatter.add.f32 [tilespmem:s11], [sflag:s9], $0x80, s10, s3, $0xb8;
	[tilespmem:$0x1BC80] =	vst v63  }
0x8c: {  	s9 =	sadd.s32 @!p1 $0x1, s8;
	s8 =	sshll.u32 @!p1 s8, $0x7;
	s11 =	rddreg [dreg:$0x12]  }
0x8d: {  	s12 =	simm.s32 @!p1 $0x0;
	s10 =	sadd.s32 @!p1 $0x13880, s8;
	s11 =	sadd.s32 @!p1 s7, s11  }
0x8e: {  	[tilespmem:s10], [sflag:s9] =	stream.linear.gather @!p1 [hbm4b:s11+s12], $0x80, $0x38;
	[tilespmem:$0x1BC80] =	vst v63  }
0x8f: {  	s10 =	rddreg [dreg:$0x11]  }
0x90: {  	s8 =	sadd.s32 @!p1 $0x13A80, s8;
	s7 =	sadd.s32 @!p1 s7, s10  }
0x91: {  	[tilespmem:s8], [sflag:s9] =	stream.linear.gather @!p1 [hbm4b:s7+s12], $0x80, $0x38;
	[tilespmem:$0x1BC80] =	vst v63  }
0x92: {  	_ =	swait.ge [sflag:s16], $0x4000  }
0x93: {  	[sflag:s16] =	ssyncset.done $0x0  }
0x94: {  	[sflag:s16] =	ssyncadd.s32 $0xFFFFC000  }
0x95: {  	_ =	swait.ge [sflag:s17], $0x4000  }
0x96: {  	[sflag:s17] =	ssyncset.done $0x0  }
0x97: {  	[sflag:s17] =	ssyncadd.s32 $0xFFFFC000  }
0x98: {  	[bflag:$0x0] =	sbarrier.arrive $0xFFFF  }
0x99: {  	s7 =	sadd.s32 @p0 $0x24900, s25;
	s8 =	simm.s32 @p0 $0x1FC9;
	s9 =	rddreg [dreg:$0x13]  }
0x9a: {  	[hbm:s7], [sflag:s8] =	dma.local @p0 [spmem:s9], $0x2800  }
0x9b: {  	s7 =	simm.s32 @p0 $0x9  }
0x9c: {  	s8 =	stileid.u32;
	_ =	swait.ge @p0 [sflag:s7], $0x2800  }
0x9d: {  	s8 =	sshll.u32 @!p0 s8, $0x6;
	[sflag:s7] =	ssyncset.done @p0 $0x0;
	s9 =	rddreg [dreg:$0x14]  }
0x9e: {  	[sflag:s7] =	ssyncadd.s32 @p0 $0xFFFFD800;
	s7 =	sor.u32 @!p0 $0x1C09, s8;
	s8 =	sshrl.u32 @!p0 s5, $0x3  }
0x9f: {  	[hbm:s9], [sflag:s7] =	dma.local @!p0 [spmem:s8], $0x2700  }
0xa0: {  	s7 =	simm.s32 @!p0 $0x9  }
0xa1: {  	_ =	swait.ge @!p0 [sflag:s7], $0x2700  }
0xa2: {  	s2 =	sadd.s32 $0x1, s2;
	s29 =	rddreg [dreg:$0x10]  }
0xa3: {  	p1 =	sne.s32 s2, s29  }
.Ltmp2:
0xa4: {  	_ = 	snop;
	(pc) =	sbr.rel @p1 .LBB2_1-.Ltmp2, $3  }
0xa5: {  	_ =	sdelay $0x1  }
0xa6: {  	[sflag:s7] =	ssyncset.done @!p0 $0x0  }
0xa7: {  	[sflag:s7] =	ssyncadd.s32 @!p0 $0xFFFFD900  }
0xa8: {  	_ =	sfence.sel $0x180000  }
0xa9: {  	[bflag:$0x0] =	sbarrier.arrive $0xFFFF  }
0xaa: {  	_ =	strace $0x9000004A  }
0xab: {  	s0 =	stileid.u32;
	[bflag:$0x2] =	sbarrier.arrive $0xFFFF  }
0xac: {  	p0 =	sne.s32 s0, $0x0;
	s0 =	rddreg [dreg:$0x2]  }
0xad: {  	s0 =	sadd.s32 @!p0 $0x100000, s0  }
0xae: {  	[sflag:s0] =	ssyncadd.tile.s32 @!p0 $0x1;
	_ =	shalt  }
.Lfunc_end2:
_tile_overlayer_lowered:
.L_overlay_start_2:
0xaf: {  	(tag) =	ssettag $0x2  }
0xb0: {  	s0 =	rddreg [dreg:$0x0];
	s2 =	stileid.u32  }
0xb1: {  	s1 =	rddreg [dreg:$0x1];
	p0 =	sne.s32 s2, $0x0  }
0xb2: {  	s3 =	rddreg [dreg:$0x2];
	[bflag:$0x3] =	sbarrier.arrive $0xFFFF;
	s2 =	simm.s32 @!p0 $0x1C09  }
0xb3: {  	[timem:s3], [sflag:s2] =	dma.local @!p0 [hbm:s0], s1  }
0xb4: {  	s0 =	simm.s32 @!p0 $0x9  }
0xb5: {  	_ =	swait.ge @!p0 [sflag:s0], s1  }
0xb6: {  	s1 =	ssub.s32 @!p0 $0x0, s1;
	[sflag:s0] =	ssyncset.done @!p0 $0x0  }
0xb7: {  	[sflag:s0] =	ssyncadd.s32 @!p0 s1  }
0xb8: {  	[bflag:$0x3] =	sbarrier.arrive $0xFFFF  }
0xb9: {  	_ =	shalt  }

// kernel: kernel.16.cloned.1.call-start
scs
__scs_entry_jumppad:
0x0: {  	(pc) =	sbr.rel $0x88, $3  }
0x1: {  	(tag) =	ssettag $0x0;
	lr =	simm.s32 $0x1  }
0x2: {  	[smem:$0x3F8E] =	sst lr;
	_ =	strace $0xD0000000  }
0x3: {  	_ = 	snop  }
0x4: {  	_ = 	snop  }
0x5: {  	_ = 	snop  }
0x6: {  	_ = 	snop  }
0x7: {  	_ = 	snop  }
__scs_overlays_trampoline_lowered:
0x8: {  	[smem:$0x3F9D] =	sst s0  }
0x9: {  	[smem:$0x3F9E] =	sst s1  }
0xa: {  	[smem:$0x3F9F] =	sst s2  }
0xb: {  	[smem:$0x3FA0] =	sst s3  }
0xc: {  	[smem:$0x3FA1] =	sst s4  }
0xd: {  	[smem:$0x3FA2] =	sst s5  }
0xe: {  	[smem:$0x3FA3] =	sst s6  }
0xf: {  	[smem:$0x3FA4] =	sst s7  }
0x10: {  	[smem:$0x3FA5] =	sst s8  }
0x11: {  	[smem:$0x3FA6] =	sst s9;
	s0 =	simm.s32 @!p0 $0x0  }
0x12: {  	s1 =	sld [smem:$0x3F8C];
	s0 =	simm.s32 @p0 $0x1  }
0x13: {  	[smem:$0x3FA7] =	sst s0;
	s0 =	simm.s32 @!p1 $0x0  }
0x14: {  	s2 =	sld [smem:$0x3F8B];
	s0 =	simm.s32 @p1 $0x1  }
0x15: {  	[smem:$0x3FA8] =	sst s0;
	s0 =	simm.s32 @!p2 $0x0  }
0x16: {  	s3 =	sld [smem:$0x3FDB];
	s0 =	simm.s32 @p2 $0x1  }
0x17: {  	s4 =	simm.s32 $0x1BF5;
	[smem:$0x3FAA] =	sst s0  }
0x18: {  	s0 =	sld [smem:$0x3F8D];
	_ =	swait.ge [sflag:s4], $0x0  }
0x19: {  	s7 =	sld [smem:$0x3F8E]  }
0x1a: {  	s8 =	sadd.s32 $0xFFFFE003, lr  }
0x1b: {  	s9 =	sadd.s32 $0xFFFFFEF7, lr;
	s5 =	simm.s32 $0xFFFFFFFF;
	p2 =	slt.u32 s8, $0xFFFFF086  }
0x1c: {  	p1 =	slt.u32 s9, $0xF7A;
	s5 =	simm.s32 @!p2 $0x0  }
0x1d: {  	s5 =	simm.s32 @p1 $0x1;
	p0 =	seq.s32 s7, s2  }
0x1e: {  	s7 =	smul.u32 @!p0 $0xF7A, s2;
	p2 =	seq.s32 @!p0 s5, $0x0  }
0x1f: {  	s9 =	smul.u32 $0xF7A, s1;
	s8 =	simm.s32 @!p0 $0x1BF5;
	p2 =	por !p2, p0  }
0x20: {  	[sflag:s8] =	ssyncset.s32 @!p0 $0xFFFFF086;
	s6 =	sadd.s32 @!p0 s3, s7;
	s7 =	simm.s32 @!p0 $0x108  }
0x21: {  	s3 =	sadd.s32 s3, s9;
	s6 =	sadd.s32 @!p0 $0x88, s6;
	s7 =	simm.s32 @p2 $0x1082  }
0x22: {  	[simem:s7], [sflag:s8] =	dma.local @!p0 [hbm:s6], $0xF7A  }
0x23: {  	s9 =	sor.u32 $0xD0000000, s2;
	s6 =	simm.s32 $0x108;
	_ =	swait.ge @!p0 [sflag:s8], $0x0  }
0x24: {  	s3 =	sadd.s32 $0x88, s3;
	s6 =	simm.s32 @!p1 $0x1082;
	[sflag:s4] =	ssyncset.s32 $0xFFFFF086  }
0x25: {  	[simem:s6], [sflag:s4] =	dma.local [hbm:s3], $0xF7A  }
0x26: {  	[smem:$0x3F8E] =	sst s1;
	(tag) =	ssettag s2;
	_ =	strace s9  }
0x27: {  	s1 =	sld [smem:$0x3F9E]  }
0x28: {  	s2 =	sld [smem:$0x3F9F]  }
0x29: {  	s4 =	sld [smem:$0x3FA1]  }
0x2a: {  	p0 =	seq.s32 s5, $0x0;
	s5 =	sld [smem:$0x3FA2]  }
0x2b: {  	s6 =	sld [smem:$0x3FA3]  }
0x2c: {  	s7 =	sld [smem:$0x3FA4]  }
0x2d: {  	s3 =	simm.s32 $0x108;
	s8 =	sld [smem:$0x3FA5]  }
0x2e: {  	s3 =	simm.s32 @!p0 $0x1082;
	s9 =	sld [smem:$0x3FA6]  }
0x2f: {  	lr =	sadd.s32 s0, s3;
	s0 =	sld [smem:$0x3F9D]  }
0x30: {  	s3 =	sld [smem:$0x3FA0]  }
0x31: {  	[smem:$0x3FA9] =	sst s10  }
0x32: {  	s10 =	sld [smem:$0x3FA7];
	_ =	sdelay $0x3  }
0x33: {  	p0 =	seq.s32 s10, $0x1;
	s10 =	sld [smem:$0x3FA9];
	_ =	sdelay $0x3  }
0x34: {  	[smem:$0x3FA9] =	sst s10  }
0x35: {  	s10 =	sld [smem:$0x3FA8];
	_ =	sdelay $0x3  }
0x36: {  	p1 =	seq.s32 s10, $0x1;
	s10 =	sld [smem:$0x3FA9];
	_ =	sdelay $0x3  }
0x37: {  	[smem:$0x3FA9] =	sst s10  }
0x38: {  	s10 =	sld [smem:$0x3FAA]  }
0x39: {  	_ = 	snop;
	(pc) =	sbr.ind lr, $3  }
0x3a: {  	_ = 	snop  }
0x3b: {  	_ = 	snop  }
0x3c: {  	p2 =	seq.s32 s10, $0x1;
	s10 =	sld [smem:$0x3FA9]  }
0x3d: {  	_ =	shalt  }
0x3e: {  	_ =	shalt  }
0x3f: {  	_ =	shalt  }
0x40: {  	_ =	shalt  }
0x41: {  	_ =	shalt  }
0x42: {  	_ =	shalt  }
0x43: {  	_ =	shalt  }
0x44: {  	_ =	shalt  }
0x45: {  	_ =	shalt  }
0x46: {  	_ =	shalt  }
0x47: {  	_ =	shalt  }
0x48: {  	_ =	shalt  }
0x49: {  	_ =	shalt  }
0x4a: {  	_ =	shalt  }
0x4b: {  	_ =	shalt  }
0x4c: {  	_ =	shalt  }
0x4d: {  	_ =	shalt  }
0x4e: {  	_ =	shalt  }
0x4f: {  	_ =	shalt  }
0x50: {  	_ =	shalt  }
0x51: {  	_ =	shalt  }
0x52: {  	_ =	shalt  }
0x53: {  	_ =	shalt  }
0x54: {  	_ =	shalt  }
0x55: {  	_ =	shalt  }
0x56: {  	_ =	shalt  }
0x57: {  	_ =	shalt  }
0x58: {  	_ =	shalt  }
0x59: {  	_ =	shalt  }
0x5a: {  	_ =	shalt  }
0x5b: {  	_ =	shalt  }
0x5c: {  	_ =	shalt  }
0x5d: {  	_ =	shalt  }
0x5e: {  	_ =	shalt  }
0x5f: {  	_ =	shalt  }
0x60: {  	_ =	shalt  }
0x61: {  	_ =	shalt  }
0x62: {  	_ =	shalt  }
0x63: {  	_ =	shalt  }
0x64: {  	_ =	shalt  }
0x65: {  	_ =	shalt  }
0x66: {  	_ =	shalt  }
0x67: {  	_ =	shalt  }
0x68: {  	_ =	shalt  }
0x69: {  	_ =	shalt  }
0x6a: {  	_ =	shalt  }
0x6b: {  	_ =	shalt  }
0x6c: {  	_ =	shalt  }
0x6d: {  	_ =	shalt  }
0x6e: {  	_ =	shalt  }
0x6f: {  	_ =	shalt  }
0x70: {  	_ =	shalt  }
0x71: {  	_ =	shalt  }
0x72: {  	_ =	shalt  }
0x73: {  	_ =	shalt  }
0x74: {  	_ =	shalt  }
0x75: {  	_ =	shalt  }
0x76: {  	_ =	shalt  }
0x77: {  	_ =	shalt  }
0x78: {  	_ =	shalt  }
0x79: {  	_ =	shalt  }
0x7a: {  	_ =	shalt  }
0x7b: {  	_ =	shalt  }
0x7c: {  	_ =	shalt  }
0x7d: {  	_ =	shalt  }
0x7e: {  	_ =	shalt  }
0x7f: {  	_ =	shalt  }
0x80: {  	_ =	shalt  }
0x81: {  	_ =	shalt  }
0x82: {  	_ =	shalt  }
0x83: {  	_ =	shalt  }
0x84: {  	_ =	shalt  }
0x85: {  	_ =	shalt  }
0x86: {  	_ =	shalt  }
0x87: {  	_ =	shalt  }
.Lfunc_end0:
.L_simem_size_0:
called_computation.2_lowered:
.L_overlay_start_0:
0x88: {  	s2 =	sld [smem:$0x3FD9]  }
0x89: {  	s3 =	sld [smem:$0x3FFE];
	_ =	sdelay $0x1  }
0x8a: {  	s1 =	srdreg.scid  }
0x8b: {  	s0 =	sand.u32 $0x1, s1  }
0x8c: {  	s16 =	sshll.u32 s0, $0xA;
	s2 =	sadd.s32 s3, s2  }
0x8d: {  	s2 =	sadd.s32 s2, s16  }
0x8e: {  	[smem:$0x3FB5] =	sst s2  }
0x8f: {  	_ = 	snop  }
0x90: {  	(tm) =	ssettm $0x1  }
0x91: {  	s17 =	sld [smem:$0x3FFB];
	_ =	sdelay $0x3  }
0x92: {  	_ =	strace s17  }
0x93: {  	s2 =	sld [smem:$0x3FFC];
	_ =	sdelay $0x3  }
0x94: {  	_ =	strace s2  }
0x95: {  	s2 =	sld [smem:$0x3FFD];
	_ =	sdelay $0x3  }
0x96: {  	_ =	strace s2  }
0x97: {  	_ =	strace $0x8FFFFFFF  }
0x98: {  	s18 =	sld [smem:$0x3FDB];
	_ =	sdelay $0x1  }
0x99: {  	s19 =	simm.s32 $_scs_section_size  }
0x9a: {  	s4 =	simm.s32 $_size__tile_overlayer_lowered;
	s5 =	simm.s32 $_tile_overlayer_lowered  }
0x9b: {  	s22 =	simm.s32 $0x1BFF;
	s21 =	sshll.u32 s5, $0x1;
	s2 =	sadd.s32 s19, s18  }
0x9c: {  	s6 =	simm.s32 $0x0;
	s20 =	sshll.u32 s4, $0x1;
	s4 =	sadd.s32 s21, s2  }
0x9d: {  	[timem:s6], [sflag:s22] =	dma.local [hbm:s4], s20  }
0x9e: {  	_ =	swait.ge [sflag:s22], s20  }
0x9f: {  	s3 =	ssub.s32 $0x0, s20;
	[sflag:s22] =	ssyncset.done $0x0  }
0xa0: {  	[sflag:s22] =	ssyncadd.s32 s3;
	_ =	sdelay $0x1  }
0xa1: {  	s23 =	simm.s32 $0x1B8B  }
0xa2: {  	_ =	swait.ge [sflag:s23], $0x1  }
0xa3: {  	[sflag:s23] =	ssyncset.done $0x0  }
0xa4: {  	s25 =	simm.s32 $0x1B8E;
	s24 =	sld [smem:$0x3FFE];
	[sflag:s23] =	ssyncadd.s32 $0xFFFFFFFF  }
0xa5: {  	s26 =	simm.s32 $execute0_lowered;
	[smem:$0x3FD2] =	sst s25  }
0xa6: {  	s4 =	sshll.u32 s26, $0x1;
	_ =	strace $0x8000004C;
	[dreg:$0x1] =	wrdreg $0xFFFFFFFF  }
0xa7: {  	s28 =	simm.s32 $_size_execute0_lowered;
	s2 =	sadd.s32 s2, s4;
	[dreg:$0x0] =	wrdreg $0x0  }
0xa8: {  	s4 =	sshll.u32 s28, $0x1;
	[dreg:$0x2] =	wrdreg s2  }
0xa9: {  	[dreg:$0x3] =	wrdreg s4  }
0xaa: {  	[dreg:$0x4] =	wrdreg $0xC0  }
0xab: {  	_ =	task [dreg:s6], $0x5FFFF  }
0xac: {  	[dreg:$0x1] =	wrdreg $0xFFFFFFFF  }
0xad: {  	[dreg:$0x0] =	wrdreg $0x60  }
0xae: {  	[dreg:$0x2] =	wrdreg s24  }
0xaf: {  	[dreg:$0x3] =	wrdreg $0x0  }
0xb0: {  	[dreg:$0x4] =	wrdreg $0x9  }
0xb1: {  	_ =	task.clear_ibuf [dreg:s6], $0x5FFFF;
	_ =	strace $0x9000004C  }
0xb2: {  	s29 =	simm.s32 $0x9;
	_ =	strace $0x8000004E  }
0xb3: {  	_ =	swait.ge [sflag:s29], $0x1  }
0xb4: {  	[sflag:s29] =	ssyncadd.s32 $0xFFFFFFFF  }
0xb5: {  	_ =	strace $0x9000004E  }
0xb6: {  	_ =	sfence  }
0xb7: {  	s30 =	sld [smem:$0x0];
	_ =	sdelay $0x2  }
0xb8: {  	s31 =	sshll.u32 s1, $0xD;
	s1 =	sshrl.u32 s1, $0x2  }
0xb9: {  	s3 =	sand.u32 $0x4000, s31;
	s1 =	sadd.s32 s1, s30  }
0xba: {  	s0 =	sor.u32 s3, s0;
	s1 =	sshll.u32 s1, $0x11  }
0xbb: {  	s0 =	sor.u32 s1, s0  }
0xbc: {  	s0 =	sadd.s32 $0x8F2B, s0  }
0xbd: {  	[sflag:s0] =	ssyncadd.remote.s32 $0x1  }
0xbe: {  	_ =	sfence.sel $0xFFFF  }
0xbf: {  	[dreg:$0x0] =	wrdreg $0xFFFFFFFF;
	(pc) =	sbr.abs _section_cstart, $3  }
0xc0: {  	[dreg:$0x1] =	wrdreg $0xFFFFFFFF  }
0xc1: {  	_ =	task.clear_ibuf [dreg:s6], $0x2FFFF;
	_ =	strace $0x9FFFFFFF  }
0xc2: {  	(tm) =	ssettm $0x7FFFFFFF  }
0xc3: {  	_ =	shalt  }
tec
execute0_lowered:
.L_overlay_start_1:
0x0: {  	(tag) =	ssettag $0x1  }
0x1: {  	s0 =	rddreg [dreg:$0x0]  }
0x2: {  	s1 =	rddreg [dreg:$0x1]  }
0x3: {  	s2 =	simm.s32 $0x0;
	s3 =	srdreg.scid;
	s12 =	stileid.u32  }
0x4: {  	s28 =	simm.s32 $0x9;
	s30 =	simm.s32 $0x13A80;
	s31 =	simm.s32 $0x13900  }
0x5: {  	[smem:$0x7FF] =	sst s2;
	s3 =	sand.u32 $0x1, s3;
	s6 =	sadd.s32 $0x8400, s0  }
0x6: {  	s7 =	sadd.s32 $0x3400, s0;
	s5 =	smul.u32 $0x4E000, s12;
	p0 =	sgt.u32 s12, $0x1  }
0x7: {  	p1 =	slt.u32 s12, $0x2;
	s8 =	smul.u32 $0x4E, s12;
	s9 =	smin.u32 s12, $0x2  }
0x8: {  	_ =	strace $0x8000004D;
	s4 =	smul.u32 $0x27100, s3;
	s3 =	ssub.s32 $0x2, s3  }
0x9: {  	s14 =	sshrl.u32 s3, $0x1;
	s5 =	sshrl.u32 s5, $0x2;
	s8 =	sadd.s32 s9, s8  }
0xa: {  	s0 =	sadd.s32 s4, s0;
	s3 =	ssub.s32 s3, s14;
	s4 =	simm.s32 $0x4F  }
0xb: {  	s5 =	sadd.s32 s5, s1;
	s8 =	sshll.u32 s8, $0x4;
	s4 =	simm.s32 @!p1 $0x4E  }
0xc: {  	s15 =	sadd.s32 $0x4000, s5;
	s16 =	sadd.s32 $0x8000, s5;
	s17 =	sadd.s32 $0xC000, s5  }
0xd: {  	s18 =	sadd.s32 $0x10000, s5;
	s19 =	sadd.s32 s6, s8;
	[dreg:$0x6] =	wrdreg s15  }
0xe: {  	s20 =	sadd.s32 s7, s8;
	s21 =	sadd.s32 $0x10, s8;
	[dreg:$0x7] =	wrdreg s16  }
0xf: {  	s14 =	sadd.s32 $0xD400, s0;
	s11 =	sadd.s32 $0x30, s8;
	[dreg:$0x8] =	wrdreg s17  }
0x10: {  	s24 =	sadd.s32 $0x20, s8;
	s26 =	sadd.s32 $0x40, s8;
	[dreg:$0x9] =	wrdreg s18  }
0x11: {  	s8 =	smul.u32 $0x2700, s12;
	s3 =	smax.u32 s3, $0x1;
	[dreg:$0xa] =	wrdreg s19  }
0x12: {  	[dreg:$0xb] =	wrdreg s20;
	s10 =	sadd.s32 s6, s21;
	s9 =	sadd.s32 s7, s21  }
0x13: {  	s15 =	simm.s32 $0x1;
	s22 =	sshll.u32 s4, $0x4;
	[dreg:$0x10] =	wrdreg s3  }
0x14: {  	s23 =	sadd.s32 s11, s6;
	s25 =	sadd.s32 s6, s24;
	[dreg:$0xc] =	wrdreg s10  }
0x15: {  	s6 =	sadd.s32 s26, s6;
	s3 =	simm.s32 $0x80;
	[dreg:$0xd] =	wrdreg s9  }
0x16: {  	s9 =	simm.s32 $0x1;
	s10 =	sadd.s32 $0xFFFFFFE0, s22;
	[dreg:$0x3] =	wrdreg s23  }
0x17: {  	[dreg:$0xe] =	wrdreg s25;
	s29 =	sadd.s32 $0xFFFFFFF0, s6;
	s9 =	simm.s32 @!p1 $0x0  }
0x18: {  	[dreg:$0x5] =	wrdreg s10;
	s10 =	sadd.s32 $0x5B600, s0;
	s0 =	sadd.s32 s7, s24  }
0x19: {  	[dreg:$0x12] =	wrdreg s29;
	s16 =	sadd.s32 $0x7, s9;
	s9 =	simm.s32 $0x1  }
0x1a: {  	[dreg:$0xf] =	wrdreg s0;
	s0 =	sadd.s32 s26, s7;
	s7 =	sadd.s32 s11, s7  }
0x1b: {  	s6 =	simm.s32 $0x5;
	s9 =	simm.s32 @!p0 $0x0;
	[dreg:$0x4] =	wrdreg s7  }
0x1c: {  	s7 =	sadd.s32 $0x124800, s1;
	s0 =	sadd.s32 $0xFFFFFFF0, s0;
	p0 =	seq.s32 s12, $0xF  }
0x1d: {  	s25 =	smov.u32 s10;
	[dreg:$0x11] =	wrdreg s0;
	s0 =	sshrl.u32 @p0 s7, $0x3  }
0x1e: {  	s26 =	simm.s32 $0x13C80;
	[dreg:$0x13] =	wrdreg s0;
	s0 =	sadd.s32 @!p0 s8, s10  }
0x1f: {  	v0 =	vimm.f32 $0.0e+00;
	s17 =	sadd.s32 $0x7, s9;
	[dreg:$0x14] =	wrdreg s0;
	s0 =	simm.s32 $0x2  }
.LBB2_1:
0x20: {  	s7 =	simm.s32 $0x0;
	s8 =	simm.s32 $0x200  }
.LBB2_2:
0x21: {  	p1 =	sne.s32 s8, $0xFE00;
	[tilespmem:s7+$0x13CF0] =	vst v0  }
0x22: {  	[tilespmem:s7+$0x13C80] =	vst v0  }
0x23: {  	[tilespmem:s7+$0x13C90] =	vst v0  }
.Ltmp0:
0x24: {  	[tilespmem:s7+$0x13CA0] =	vst v0;
	(pc) =	sbr.rel @p1 .LBB2_2-.Ltmp0, $4  }
0x25: {  	[tilespmem:s7+$0x13CB0] =	vst v0  }
0x26: {  	[tilespmem:s7+$0x13CC0] =	vst v0  }
0x27: {  	[tilespmem:s7+$0x13CD0] =	vst v0  }
0x28: {  	[tilespmem:s7+$0x13CE0] =	vst v0;
	s7 =	sshra.s32 s8, $0x2;
	s8 =	sadd.s32 $0x200, s8  }
0x29: {  	[tilespmem:s7+$0x13CF0] =	vst v0  }
0x2a: {  	[tilespmem:s7+$0x13C80] =	vst v0  }
0x2b: {  	[tilespmem:s7+$0x13C90] =	vst v0  }
0x2c: {  	[tilespmem:s7+$0x13CA0] =	vst v0  }
0x2d: {  	[tilespmem:s7+$0x13CB0] =	vst v0  }
0x2e: {  	[tilespmem:s7+$0x13CC0] =	vst v0  }
0x2f: {  	[tilespmem:s7+$0x13CD0] =	vst v0  }
0x30: {  	[tilespmem:s7+$0x13CE0] =	vst v0  }
0x31: {  	[spmem:s5] =	stream.linear.scatter [tilespmem:s26], [sflag:$0x9], $0x4000, $0x38;
	[tilespmem:$0x1BC80] =	vst v63  }
0x32: {  	_ =	swait.ge [sflag:s28], $0x4000  }
0x33: {  	[sflag:s28] =	ssyncset.done $0x0  }
0x34: {  	s10 =	rddreg [dreg:$0x6];
	[sflag:s28] =	ssyncadd.s32 $0xFFFFC000  }
0x35: {  	[spmem:s10] =	stream.linear.scatter [tilespmem:s26], [sflag:$0x9], $0x4000, $0x38;
	[tilespmem:$0x1BC80] =	vst v63  }
0x36: {  	_ =	swait.ge [sflag:s28], $0x4000  }
0x37: {  	[sflag:s28] =	ssyncset.done $0x0  }
0x38: {  	s11 =	rddreg [dreg:$0x7];
	[sflag:s28] =	ssyncadd.s32 $0xFFFFC000  }
0x39: {  	[spmem:s11] =	stream.linear.scatter [tilespmem:s26], [sflag:$0x9], $0x4000, $0x38;
	[tilespmem:$0x1BC80] =	vst v63  }
0x3a: {  	_ =	swait.ge [sflag:s28], $0x4000  }
0x3b: {  	[sflag:s28] =	ssyncset.done $0x0  }
0x3c: {  	s12 =	rddreg [dreg:$0x8];
	[sflag:s28] =	ssyncadd.s32 $0xFFFFC000  }
0x3d: {  	[spmem:s12] =	stream.linear.scatter [tilespmem:s26], [sflag:$0x9], $0x4000, $0x38;
	[tilespmem:$0x1BC80] =	vst v63  }
0x3e: {  	_ =	swait.ge [sflag:s28], $0x4000  }
0x3f: {  	[sflag:s28] =	ssyncset.done $0x0  }
0x40: {  	s13 =	rddreg [dreg:$0x9];
	[sflag:s28] =	ssyncadd.s32 $0xFFFFC000  }
0x41: {  	[spmem:s13] =	stream.linear.scatter [tilespmem:s26], [sflag:$0x9], $0x4000, $0x38;
	[tilespmem:$0x1BC80] =	vst v63  }
0x42: {  	_ =	swait.ge [sflag:s28], $0x4000  }
0x43: {  	[sflag:s28] =	ssyncset.done $0x0  }
0x44: {  	[sflag:s28] =	ssyncadd.s32 $0xFFFFC000  }
0x45: {  	[bflag:$0x0] =	sbarrier.arrive $0xFFFF  }
0x46: {  	s7 =	simm.s32 $0x0;
	s9 =	simm.s32 $0x13880;
	s8 =	rddreg [dreg:$0xa]  }
0x47: {  	[tilespmem:s9], [sflag:$0x1] =	stream.linear.gather [hbm4b:s8+s7], $0x80, $0x38;
	[tilespmem:$0x1BC80] =	vst v63  }
0x48: {  	s18 =	rddreg [dreg:$0xb]  }
0x49: {  	[tilespmem:s30], [sflag:$0x1] =	stream.linear.gather [hbm4b:s18+s7], $0x80, $0x38;
	[tilespmem:$0x1BC80] =	vst v63  }
0x4a: {  	s19 =	rddreg [dreg:$0xc]  }
0x4b: {  	[tilespmem:s31], [sflag:$0x2] =	stream.linear.gather [hbm4b:s19+s7], $0x80, $0x38;
	[tilespmem:$0x1BC80] =	vst v63  }
0x4c: {  	s10 =	simm.s32 $0x13B00;
	s20 =	rddreg [dreg:$0xd]  }
0x4d: {  	[tilespmem:s10], [sflag:$0x2] =	stream.linear.gather [hbm4b:s20+s7], $0x80, $0x38;
	[tilespmem:$0x1BC80] =	vst v63  }
0x4e: {  	_ =	swait.ge [sflag:s15], $0x80  }
0x4f: {  	[sflag:s15] =	ssyncset.done $0x0  }
0x50: {  	[sflag:s15] =	ssyncadd.s32 $0xFFFFFF80  }
0x51: {  	_ =	swait.ge [sflag:s15], $0x80  }
0x52: {  	[sflag:s15] =	ssyncset.done $0x0  }
0x53: {  	[sflag:s15] =	ssyncadd.s32 $0xFFFFFF80  }
0x54: {  	[tilespmem:s26], [sflag:$0x5] =	stream.indirect.gather [hbm4b:s14+s3], $0x80, s9, s3, $0xb8;
	[tilespmem:$0x1BC80] =	vst v63  }
0x55: {  	_ =	swait.ge [sflag:s0], $0x80  }
0x56: {  	[sflag:s0] =	ssyncset.done $0x0  }
0x57: {  	[sflag:s0] =	ssyncadd.s32 $0xFFFFFF80  }
0x58: {  	_ =	swait.ge [sflag:s0], $0x80  }
0x59: {  	[sflag:s0] =	ssyncset.done $0x0  }
0x5a: {  	s21 =	simm.s32 $0x17C80;
	[sflag:s0] =	ssyncadd.s32 $0xFFFFFF80  }
0x5b: {  	[tilespmem:s21], [sflag:$0x6] =	stream.indirect.gather [hbm4b:s14+s3], $0x80, s31, s3, $0xb8;
	[tilespmem:$0x1BC80] =	vst v63  }
0x5c: {  	_ =	swait.ge [sflag:s6], $0x4000  }
0x5d: {  	[sflag:s6] =	ssyncset.done $0x0  }
0x5e: {  	[sflag:s6] =	ssyncadd.s32 $0xFFFFC000  }
0x5f: {  	[spmem:s1] =	stream.indirect.scatter.add.f32 [tilespmem:s26], [sflag:$0x7], $0x80, s30, s3, $0xb8;
	[tilespmem:$0x1BC80] =	vst v63  }
0x60: {  	s23 =	simm.s32 $0x13980;
	s29 =	simm.s32 $0x13B80;
	s22 =	rddreg [dreg:$0xe]  }
0x61: {  	[tilespmem:s23], [sflag:$0x3] =	stream.linear.gather [hbm4b:s22+s7], $0x80, $0x38;
	[tilespmem:$0x1BC80] =	vst v63  }
0x62: {  	s8 =	simm.s32 $0x3;
	s10 =	simm.s32 $0x200;
	s24 =	rddreg [dreg:$0xf]  }
0x63: {  	[tilespmem:s29], [sflag:$0x3] =	stream.linear.gather [hbm4b:s24+s7], $0x80, $0x38;
	[tilespmem:$0x1BC80] =	vst v63  }
.LBB2_4:
0x64: {  	s11 =	sadd.s32 $0xFFFFFFFF, s8  }
0x65: {  	s12 =	sand.u32 $0x1, s11  }
0x66: {  	s9 =	sadd.s32 $0x7, s12  }
0x67: {  	_ =	swait.ge [sflag:s9], $0x4000  }
0x68: {  	s11 =	sand.u32 $0x3, s11;
	[sflag:s9] =	ssyncset.done $0x0  }
0x69: {  	s18 =	sadd.s32 $0xFFFFFFFE, s8;
	s13 =	sadd.s32 $0x1, s11;
	[sflag:s9] =	ssyncadd.s32 $0xFFFFC000  }
0x6a: {  	s20 =	sand.u32 $0x600, s10;
	p1 =	sge.u32 s8, s4;
	_ =	swait.ge [sflag:s13], $0x80  }
0x6b: {  	s18 =	sand.u32 $0x1, s18;
	s20 =	sshrl.u32 s20, $0x2;
	[sflag:s13] =	ssyncset.done $0x0  }
0x6c: {  	s21 =	sand.u32 @!p1 $0x3, s8;
	s11 =	sshll.u32 s11, $0x7;
	[sflag:s13] =	ssyncadd.s32 $0xFFFFFF80  }
0x6d: {  	s24 =	sshll.u32 s12, $0xE;
	s12 =	sadd.s32 $0x5, s12;
	_ =	swait.ge [sflag:s13], $0x80  }
0x6e: {  	s29 =	sshll.u32 s18, $0xE;
	s19 =	sadd.s32 $0x13880, s11;
	[sflag:s13] =	ssyncset.done $0x0  }
0x6f: {  	s11 =	sor.u32 $0x13C80, s24;
	[sflag:s13] =	ssyncadd.s32 $0xFFFFFF80;
	s13 =	sadd.s32 $0x5, s18  }
0x70: {  	[tilespmem:s11], [sflag:s12] =	stream.indirect.gather [hbm4b:s14+s3], $0x80, s19, s3, $0xb8;
	[tilespmem:$0x1BC80] =	vst v63  }
0x71: {  	s20 =	sadd.s32 $0x13A80, s20;
	s23 =	sshll.u32 @!p1 s21, $0x7;
	_ =	swait.ge [sflag:s13], $0x4000  }
0x72: {  	s18 =	sadd.s32 $0x7, s18;
	s19 =	sor.u32 $0x13C80, s29;
	[sflag:s13] =	ssyncset.done $0x0  }
0x73: {  	s29 =	simm.s32 @!p1 $0x0;
	s22 =	rddreg [dreg:$0x3];
	[sflag:s13] =	ssyncadd.s32 $0xFFFFC000  }
0x74: {  	[spmem:s1] =	stream.indirect.scatter.add.f32 [tilespmem:s19], [sflag:s18], $0x80, s20, s3, $0xb8;
	[tilespmem:$0x1BC80] =	vst v63  }
0x75: {  	s22 =	sadd.s32 @!p1 s7, s22;
	s20 =	sadd.s32 @!p1 $0x1, s21;
	s21 =	sadd.s32 @!p1 $0x13880, s23  }
0x76: {  	[tilespmem:s21], [sflag:s20] =	stream.linear.gather @!p1 [hbm4b:s22+s29], $0x80, $0x38;
	[tilespmem:$0x1BC80] =	vst v63  }
0x77: {  	s24 =	rddreg [dreg:$0x4];
	s22 =	sadd.s32 @!p1 $0x13A80, s23  }
0x78: {  	s23 =	sadd.s32 @!p1 s7, s24;
	s24 =	rddreg [dreg:$0x5];
	s7 =	sadd.s32 $0x10, s7  }
0x79: {  	p2 =	sne.s32 s24, s7  }
.Ltmp1:
0x7a: {  	_ = 	snop;
	(pc) =	sbr.rel @p2 .LBB2_4-.Ltmp1, $3  }
0x7b: {  	_ =	sdelay $0x1  }
0x7c: {  	s10 =	sadd.s32 $0x200, s10;
	s8 =	sadd.s32 $0x1, s8  }
0x7d: {  	[tilespmem:s22], [sflag:s20] =	stream.linear.gather @!p1 [hbm4b:s23+s29], $0x80, $0x38;
	[tilespmem:$0x1BC80] =	vst v63  }
0x7e: {  	_ =	swait.ge @!p1 [sflag:s18], $0x4000  }
0x7f: {  	[sflag:s18] =	ssyncset.done @!p1 $0x0  }
0x80: {  	[sflag:s18] =	ssyncadd.s32 @!p1 $0xFFFFC000  }
0x81: {  	_ =	swait.ge @!p1 [sflag:s20], $0x80  }
0x82: {  	[sflag:s20] =	ssyncset.done @!p1 $0x0  }
0x83: {  	[sflag:s20] =	ssyncadd.s32 @!p1 $0xFFFFFF80  }
0x84: {  	_ =	swait.ge @!p1 [sflag:s20], $0x80  }
0x85: {  	[sflag:s20] =	ssyncset.done @!p1 $0x0  }
0x86: {  	s18 =	simm.s32 @!p1 $0x80;
	[sflag:s20] =	ssyncadd.s32 @!p1 $0xFFFFFF80  }
0x87: {  	[tilespmem:s19], [sflag:s13] =	stream.indirect.gather @!p1 [hbm4b:s14+s18], $0x80, s21, s18, $0xb8;
	[tilespmem:$0x1BC80] =	vst v63  }
0x88: {  	s10 =	sand.u32 $0x600, s10;
	_ =	swait.ge [sflag:s12], $0x4000  }
0x89: {  	s10 =	sshrl.u32 s10, $0x2;
	p1 =	sge.u32 s8, s4;
	[sflag:s12] =	ssyncset.done $0x0  }
0x8a: {  	s10 =	sadd.s32 $0x13A80, s10;
	s8 =	sand.u32 @!p1 $0x3, s8;
	[sflag:s12] =	ssyncadd.s32 $0xFFFFC000  }
0x8b: {  	[spmem:s1] =	stream.indirect.scatter.add.f32 [tilespmem:s11], [sflag:s9], $0x80, s10, s3, $0xb8;
	[tilespmem:$0x1BC80] =	vst v63  }
0x8c: {  	s9 =	sadd.s32 @!p1 $0x1, s8;
	s8 =	sshll.u32 @!p1 s8, $0x7;
	s11 =	rddreg [dreg:$0x12]  }
0x8d: {  	s12 =	simm.s32 @!p1 $0x0;
	s10 =	sadd.s32 @!p1 $0x13880, s8;
	s11 =	sadd.s32 @!p1 s7, s11  }
0x8e: {  	[tilespmem:s10], [sflag:s9] =	stream.linear.gather @!p1 [hbm4b:s11+s12], $0x80, $0x38;
	[tilespmem:$0x1BC80] =	vst v63  }
0x8f: {  	s10 =	rddreg [dreg:$0x11]  }
0x90: {  	s8 =	sadd.s32 @!p1 $0x13A80, s8;
	s7 =	sadd.s32 @!p1 s7, s10  }
0x91: {  	[tilespmem:s8], [sflag:s9] =	stream.linear.gather @!p1 [hbm4b:s7+s12], $0x80, $0x38;
	[tilespmem:$0x1BC80] =	vst v63  }
0x92: {  	_ =	swait.ge [sflag:s16], $0x4000  }
0x93: {  	[sflag:s16] =	ssyncset.done $0x0  }
0x94: {  	[sflag:s16] =	ssyncadd.s32 $0xFFFFC000  }
0x95: {  	_ =	swait.ge [sflag:s17], $0x4000  }
0x96: {  	[sflag:s17] =	ssyncset.done $0x0  }
0x97: {  	[sflag:s17] =	ssyncadd.s32 $0xFFFFC000  }
0x98: {  	[bflag:$0x0] =	sbarrier.arrive $0xFFFF  }
0x99: {  	s7 =	sadd.s32 @p0 $0x24900, s25;
	s8 =	simm.s32 @p0 $0x1FC9;
	s9 =	rddreg [dreg:$0x13]  }
0x9a: {  	[hbm:s7], [sflag:s8] =	dma.local @p0 [spmem:s9], $0x2800  }
0x9b: {  	s7 =	simm.s32 @p0 $0x9  }
0x9c: {  	s8 =	stileid.u32;
	_ =	swait.ge @p0 [sflag:s7], $0x2800  }
0x9d: {  	s8 =	sshll.u32 @!p0 s8, $0x6;
	[sflag:s7] =	ssyncset.done @p0 $0x0;
	s9 =	rddreg [dreg:$0x14]  }
0x9e: {  	[sflag:s7] =	ssyncadd.s32 @p0 $0xFFFFD800;
	s7 =	sor.u32 @!p0 $0x1C09, s8;
	s8 =	sshrl.u32 @!p0 s5, $0x3  }
0x9f: {  	[hbm:s9], [sflag:s7] =	dma.local @!p0 [spmem:s8], $0x2700  }
0xa0: {  	s7 =	simm.s32 @!p0 $0x9  }
0xa1: {  	_ =	swait.ge @!p0 [sflag:s7], $0x2700  }
0xa2: {  	s2 =	sadd.s32 $0x1, s2;
	s29 =	rddreg [dreg:$0x10]  }
0xa3: {  	p1 =	sne.s32 s2, s29  }
.Ltmp2:
0xa4: {  	_ = 	snop;
	(pc) =	sbr.rel @p1 .LBB2_1-.Ltmp2, $3  }
0xa5: {  	_ =	sdelay $0x1  }
0xa6: {  	[sflag:s7] =	ssyncset.done @!p0 $0x0  }
0xa7: {  	[sflag:s7] =	ssyncadd.s32 @!p0 $0xFFFFD900  }
0xa8: {  	_ =	sfence.sel $0x180000  }
0xa9: {  	[bflag:$0x0] =	sbarrier.arrive $0xFFFF  }
0xaa: {  	_ =	strace $0x9000004D  }
0xab: {  	s0 =	stileid.u32;
	[bflag:$0x2] =	sbarrier.arrive $0xFFFF  }
0xac: {  	p0 =	sne.s32 s0, $0x0;
	s0 =	rddreg [dreg:$0x2]  }
0xad: {  	s0 =	sadd.s32 @!p0 $0x100000, s0  }
0xae: {  	[sflag:s0] =	ssyncadd.tile.s32 @!p0 $0x1;
	_ =	shalt  }
.Lfunc_end2:
_tile_overlayer_lowered:
.L_overlay_start_2:
0xaf: {  	(tag) =	ssettag $0x2  }
0xb0: {  	s0 =	rddreg [dreg:$0x0];
	s2 =	stileid.u32  }
0xb1: {  	s1 =	rddreg [dreg:$0x1];
	p0 =	sne.s32 s2, $0x0  }
0xb2: {  	s3 =	rddreg [dreg:$0x2];
	[bflag:$0x3] =	sbarrier.arrive $0xFFFF;
	s2 =	simm.s32 @!p0 $0x1C09  }
0xb3: {  	[timem:s3], [sflag:s2] =	dma.local @!p0 [hbm:s0], s1  }
0xb4: {  	s0 =	simm.s32 @!p0 $0x9  }
0xb5: {  	_ =	swait.ge @!p0 [sflag:s0], s1  }
0xb6: {  	s1 =	ssub.s32 @!p0 $0x0, s1;
	[sflag:s0] =	ssyncset.done @!p0 $0x0  }
0xb7: {  	[sflag:s0] =	ssyncadd.s32 @!p0 s1  }
0xb8: {  	[bflag:$0x3] =	sbarrier.arrive $0xFFFF  }
0xb9: {  	_ =	shalt  }

// kernel: kernel.19.cloned.1.call-start
scs
__scs_entry_jumppad:
0x0: {  	(pc) =	sbr.rel $0x88, $3  }
0x1: {  	(tag) =	ssettag $0x0;
	lr =	simm.s32 $0x1  }
0x2: {  	[smem:$0x3F8E] =	sst lr;
	_ =	strace $0xD0000000  }
0x3: {  	_ = 	snop  }
0x4: {  	_ = 	snop  }
0x5: {  	_ = 	snop  }
0x6: {  	_ = 	snop  }
0x7: {  	_ = 	snop  }
__scs_overlays_trampoline_lowered:
0x8: {  	[smem:$0x3F9D] =	sst s0  }
0x9: {  	[smem:$0x3F9E] =	sst s1  }
0xa: {  	[smem:$0x3F9F] =	sst s2  }
0xb: {  	[smem:$0x3FA0] =	sst s3  }
0xc: {  	[smem:$0x3FA1] =	sst s4  }
0xd: {  	[smem:$0x3FA2] =	sst s5  }
0xe: {  	[smem:$0x3FA3] =	sst s6  }
0xf: {  	[smem:$0x3FA4] =	sst s7  }
0x10: {  	[smem:$0x3FA5] =	sst s8  }
0x11: {  	[smem:$0x3FA6] =	sst s9;
	s0 =	simm.s32 @!p0 $0x0  }
0x12: {  	s1 =	sld [smem:$0x3F8C];
	s0 =	simm.s32 @p0 $0x1  }
0x13: {  	[smem:$0x3FA7] =	sst s0;
	s0 =	simm.s32 @!p1 $0x0  }
0x14: {  	s2 =	sld [smem:$0x3F8B];
	s0 =	simm.s32 @p1 $0x1  }
0x15: {  	[smem:$0x3FA8] =	sst s0;
	s0 =	simm.s32 @!p2 $0x0  }
0x16: {  	s3 =	sld [smem:$0x3FDB];
	s0 =	simm.s32 @p2 $0x1  }
0x17: {  	s4 =	simm.s32 $0x1BF5;
	[smem:$0x3FAA] =	sst s0  }
0x18: {  	s0 =	sld [smem:$0x3F8D];
	_ =	swait.ge [sflag:s4], $0x0  }
0x19: {  	s7 =	sld [smem:$0x3F8E]  }
0x1a: {  	s8 =	sadd.s32 $0xFFFFE003, lr  }
0x1b: {  	s9 =	sadd.s32 $0xFFFFFEF7, lr;
	s5 =	simm.s32 $0xFFFFFFFF;
	p2 =	slt.u32 s8, $0xFFFFF086  }
0x1c: {  	p1 =	slt.u32 s9, $0xF7A;
	s5 =	simm.s32 @!p2 $0x0  }
0x1d: {  	s5 =	simm.s32 @p1 $0x1;
	p0 =	seq.s32 s7, s2  }
0x1e: {  	s7 =	smul.u32 @!p0 $0xF7A, s2;
	p2 =	seq.s32 @!p0 s5, $0x0  }
0x1f: {  	s9 =	smul.u32 $0xF7A, s1;
	s8 =	simm.s32 @!p0 $0x1BF5;
	p2 =	por !p2, p0  }
0x20: {  	[sflag:s8] =	ssyncset.s32 @!p0 $0xFFFFF086;
	s6 =	sadd.s32 @!p0 s3, s7;
	s7 =	simm.s32 @!p0 $0x108  }
0x21: {  	s3 =	sadd.s32 s3, s9;
	s6 =	sadd.s32 @!p0 $0x88, s6;
	s7 =	simm.s32 @p2 $0x1082  }
0x22: {  	[simem:s7], [sflag:s8] =	dma.local @!p0 [hbm:s6], $0xF7A  }
0x23: {  	s9 =	sor.u32 $0xD0000000, s2;
	s6 =	simm.s32 $0x108;
	_ =	swait.ge @!p0 [sflag:s8], $0x0  }
0x24: {  	s3 =	sadd.s32 $0x88, s3;
	s6 =	simm.s32 @!p1 $0x1082;
	[sflag:s4] =	ssyncset.s32 $0xFFFFF086  }
0x25: {  	[simem:s6], [sflag:s4] =	dma.local [hbm:s3], $0xF7A  }
0x26: {  	[smem:$0x3F8E] =	sst s1;
	(tag) =	ssettag s2;
	_ =	strace s9  }
0x27: {  	s1 =	sld [smem:$0x3F9E]  }
0x28: {  	s2 =	sld [smem:$0x3F9F]  }
0x29: {  	s4 =	sld [smem:$0x3FA1]  }
0x2a: {  	p0 =	seq.s32 s5, $0x0;
	s5 =	sld [smem:$0x3FA2]  }
0x2b: {  	s6 =	sld [smem:$0x3FA3]  }
0x2c: {  	s7 =	sld [smem:$0x3FA4]  }
0x2d: {  	s3 =	simm.s32 $0x108;
	s8 =	sld [smem:$0x3FA5]  }
0x2e: {  	s3 =	simm.s32 @!p0 $0x1082;
	s9 =	sld [smem:$0x3FA6]  }
0x2f: {  	lr =	sadd.s32 s0, s3;
	s0 =	sld [smem:$0x3F9D]  }
0x30: {  	s3 =	sld [smem:$0x3FA0]  }
0x31: {  	[smem:$0x3FA9] =	sst s10  }
0x32: {  	s10 =	sld [smem:$0x3FA7];
	_ =	sdelay $0x3  }
0x33: {  	p0 =	seq.s32 s10, $0x1;
	s10 =	sld [smem:$0x3FA9];
	_ =	sdelay $0x3  }
0x34: {  	[smem:$0x3FA9] =	sst s10  }
0x35: {  	s10 =	sld [smem:$0x3FA8];
	_ =	sdelay $0x3  }
0x36: {  	p1 =	seq.s32 s10, $0x1;
	s10 =	sld [smem:$0x3FA9];
	_ =	sdelay $0x3  }
0x37: {  	[smem:$0x3FA9] =	sst s10  }
0x38: {  	s10 =	sld [smem:$0x3FAA]  }
0x39: {  	_ = 	snop;
	(pc) =	sbr.ind lr, $3  }
0x3a: {  	_ = 	snop  }
0x3b: {  	_ = 	snop  }
0x3c: {  	p2 =	seq.s32 s10, $0x1;
	s10 =	sld [smem:$0x3FA9]  }
0x3d: {  	_ =	shalt  }
0x3e: {  	_ =	shalt  }
0x3f: {  	_ =	shalt  }
0x40: {  	_ =	shalt  }
0x41: {  	_ =	shalt  }
0x42: {  	_ =	shalt  }
0x43: {  	_ =	shalt  }
0x44: {  	_ =	shalt  }
0x45: {  	_ =	shalt  }
0x46: {  	_ =	shalt  }
0x47: {  	_ =	shalt  }
0x48: {  	_ =	shalt  }
0x49: {  	_ =	shalt  }
0x4a: {  	_ =	shalt  }
0x4b: {  	_ =	shalt  }
0x4c: {  	_ =	shalt  }
0x4d: {  	_ =	shalt  }
0x4e: {  	_ =	shalt  }
0x4f: {  	_ =	shalt  }
0x50: {  	_ =	shalt  }
0x51: {  	_ =	shalt  }
0x52: {  	_ =	shalt  }
0x53: {  	_ =	shalt  }
0x54: {  	_ =	shalt  }
0x55: {  	_ =	shalt  }
0x56: {  	_ =	shalt  }
0x57: {  	_ =	shalt  }
0x58: {  	_ =	shalt  }
0x59: {  	_ =	shalt  }
0x5a: {  	_ =	shalt  }
0x5b: {  	_ =	shalt  }
0x5c: {  	_ =	shalt  }
0x5d: {  	_ =	shalt  }
0x5e: {  	_ =	shalt  }
0x5f: {  	_ =	shalt  }
0x60: {  	_ =	shalt  }
0x61: {  	_ =	shalt  }
0x62: {  	_ =	shalt  }
0x63: {  	_ =	shalt  }
0x64: {  	_ =	shalt  }
0x65: {  	_ =	shalt  }
0x66: {  	_ =	shalt  }
0x67: {  	_ =	shalt  }
0x68: {  	_ =	shalt  }
0x69: {  	_ =	shalt  }
0x6a: {  	_ =	shalt  }
0x6b: {  	_ =	shalt  }
0x6c: {  	_ =	shalt  }
0x6d: {  	_ =	shalt  }
0x6e: {  	_ =	shalt  }
0x6f: {  	_ =	shalt  }
0x70: {  	_ =	shalt  }
0x71: {  	_ =	shalt  }
0x72: {  	_ =	shalt  }
0x73: {  	_ =	shalt  }
0x74: {  	_ =	shalt  }
0x75: {  	_ =	shalt  }
0x76: {  	_ =	shalt  }
0x77: {  	_ =	shalt  }
0x78: {  	_ =	shalt  }
0x79: {  	_ =	shalt  }
0x7a: {  	_ =	shalt  }
0x7b: {  	_ =	shalt  }
0x7c: {  	_ =	shalt  }
0x7d: {  	_ =	shalt  }
0x7e: {  	_ =	shalt  }
0x7f: {  	_ =	shalt  }
0x80: {  	_ =	shalt  }
0x81: {  	_ =	shalt  }
0x82: {  	_ =	shalt  }
0x83: {  	_ =	shalt  }
0x84: {  	_ =	shalt  }
0x85: {  	_ =	shalt  }
0x86: {  	_ =	shalt  }
0x87: {  	_ =	shalt  }
.Lfunc_end0:
.L_simem_size_0:
called_computation.3_lowered:
.L_overlay_start_0:
0x88: {  	s2 =	sld [smem:$0x3FD9]  }
0x89: {  	s3 =	sld [smem:$0x3FFE];
	_ =	sdelay $0x1  }
0x8a: {  	s1 =	srdreg.scid  }
0x8b: {  	s0 =	sand.u32 $0x1, s1  }
0x8c: {  	s16 =	sshll.u32 s0, $0xA;
	s2 =	sadd.s32 s3, s2  }
0x8d: {  	s2 =	sadd.s32 s2, s16  }
0x8e: {  	[smem:$0x3FB5] =	sst s2  }
0x8f: {  	_ = 	snop  }
0x90: {  	(tm) =	ssettm $0x1  }
0x91: {  	s17 =	sld [smem:$0x3FFB];
	_ =	sdelay $0x3  }
0x92: {  	_ =	strace s17  }
0x93: {  	s2 =	sld [smem:$0x3FFC];
	_ =	sdelay $0x3  }
0x94: {  	_ =	strace s2  }
0x95: {  	s2 =	sld [smem:$0x3FFD];
	_ =	sdelay $0x3  }
0x96: {  	_ =	strace s2  }
0x97: {  	_ =	strace $0x8FFFFFFF  }
0x98: {  	s18 =	sld [smem:$0x3FDB];
	_ =	sdelay $0x1  }
0x99: {  	s19 =	simm.s32 $_scs_section_size  }
0x9a: {  	s4 =	simm.s32 $_size__tile_overlayer_lowered;
	s5 =	simm.s32 $_tile_overlayer_lowered  }
0x9b: {  	s22 =	simm.s32 $0x1BFF;
	s21 =	sshll.u32 s5, $0x1;
	s2 =	sadd.s32 s19, s18  }
0x9c: {  	s6 =	simm.s32 $0x0;
	s20 =	sshll.u32 s4, $0x1;
	s4 =	sadd.s32 s21, s2  }
0x9d: {  	[timem:s6], [sflag:s22] =	dma.local [hbm:s4], s20  }
0x9e: {  	_ =	swait.ge [sflag:s22], s20  }
0x9f: {  	s3 =	ssub.s32 $0x0, s20;
	[sflag:s22] =	ssyncset.done $0x0  }
0xa0: {  	[sflag:s22] =	ssyncadd.s32 s3;
	_ =	sdelay $0x1  }
0xa1: {  	s23 =	simm.s32 $0x1B8B  }
0xa2: {  	_ =	swait.ge [sflag:s23], $0x1  }
0xa3: {  	[sflag:s23] =	ssyncset.done $0x0  }
0xa4: {  	s25 =	simm.s32 $0x1B8E;
	s24 =	sld [smem:$0x3FFE];
	[sflag:s23] =	ssyncadd.s32 $0xFFFFFFFF  }
0xa5: {  	s26 =	simm.s32 $execute0_lowered;
	[smem:$0x3FD2] =	sst s25  }
0xa6: {  	s4 =	sshll.u32 s26, $0x1;
	_ =	strace $0x8000004F;
	[dreg:$0x1] =	wrdreg $0xFFFFFFFF  }
0xa7: {  	s28 =	simm.s32 $_size_execute0_lowered;
	s2 =	sadd.s32 s2, s4;
	[dreg:$0x0] =	wrdreg $0x0  }
0xa8: {  	s4 =	sshll.u32 s28, $0x1;
	[dreg:$0x2] =	wrdreg s2  }
0xa9: {  	[dreg:$0x3] =	wrdreg s4  }
0xaa: {  	[dreg:$0x4] =	wrdreg $0xC0  }
0xab: {  	_ =	task [dreg:s6], $0x5FFFF  }
0xac: {  	[dreg:$0x1] =	wrdreg $0xFFFFFFFF  }
0xad: {  	[dreg:$0x0] =	wrdreg $0x60  }
0xae: {  	[dreg:$0x2] =	wrdreg s24  }
0xaf: {  	[dreg:$0x3] =	wrdreg $0x0  }
0xb0: {  	[dreg:$0x4] =	wrdreg $0x9  }
0xb1: {  	_ =	task.clear_ibuf [dreg:s6], $0x5FFFF;
	_ =	strace $0x9000004F  }
0xb2: {  	s29 =	simm.s32 $0x9;
	_ =	strace $0x80000051  }
0xb3: {  	_ =	swait.ge [sflag:s29], $0x1  }
0xb4: {  	[sflag:s29] =	ssyncadd.s32 $0xFFFFFFFF  }
0xb5: {  	_ =	strace $0x90000051  }
0xb6: {  	_ =	sfence  }
0xb7: {  	s30 =	sld [smem:$0x0];
	_ =	sdelay $0x2  }
0xb8: {  	s31 =	sshll.u32 s1, $0xD;
	s1 =	sshrl.u32 s1, $0x2  }
0xb9: {  	s3 =	sand.u32 $0x4000, s31;
	s1 =	sadd.s32 s1, s30  }
0xba: {  	s0 =	sor.u32 s3, s0;
	s1 =	sshll.u32 s1, $0x11  }
0xbb: {  	s0 =	sor.u32 s1, s0  }
0xbc: {  	s0 =	sadd.s32 $0x8F2B, s0  }
0xbd: {  	[sflag:s0] =	ssyncadd.remote.s32 $0x1  }
0xbe: {  	_ =	sfence.sel $0xFFFF  }
0xbf: {  	[dreg:$0x0] =	wrdreg $0xFFFFFFFF;
	(pc) =	sbr.abs _section_cstart, $3  }
0xc0: {  	[dreg:$0x1] =	wrdreg $0xFFFFFFFF  }
0xc1: {  	_ =	task.clear_ibuf [dreg:s6], $0x2FFFF;
	_ =	strace $0x9FFFFFFF  }
0xc2: {  	(tm) =	ssettm $0x7FFFFFFF  }
0xc3: {  	_ =	shalt  }
tec
execute0_lowered:
.L_overlay_start_1:
0x0: {  	(tag) =	ssettag $0x1  }
0x1: {  	s0 =	rddreg [dreg:$0x0]  }
0x2: {  	s1 =	rddreg [dreg:$0x1]  }
0x3: {  	s2 =	simm.s32 $0x0;
	s3 =	srdreg.scid;
	s12 =	stileid.u32  }
0x4: {  	s28 =	simm.s32 $0x9;
	s30 =	simm.s32 $0x13A80;
	s31 =	simm.s32 $0x13900  }
0x5: {  	[smem:$0x7FF] =	sst s2;
	s3 =	sand.u32 $0x1, s3;
	s6 =	sadd.s32 $0x8400, s0  }
0x6: {  	s7 =	sadd.s32 $0x3400, s0;
	s5 =	smul.u32 $0x4E000, s12;
	p0 =	sgt.u32 s12, $0x1  }
0x7: {  	p1 =	slt.u32 s12, $0x2;
	s8 =	smul.u32 $0x4E, s12;
	s9 =	smin.u32 s12, $0x2  }
0x8: {  	_ =	strace $0x80000050;
	s4 =	smul.u32 $0x27100, s3;
	s3 =	ssub.s32 $0x2, s3  }
0x9: {  	s14 =	sshrl.u32 s3, $0x1;
	s5 =	sshrl.u32 s5, $0x2;
	s8 =	sadd.s32 s9, s8  }
0xa: {  	s0 =	sadd.s32 s4, s0;
	s3 =	ssub.s32 s3, s14;
	s4 =	simm.s32 $0x4F  }
0xb: {  	s5 =	sadd.s32 s5, s1;
	s8 =	sshll.u32 s8, $0x4;
	s4 =	simm.s32 @!p1 $0x4E  }
0xc: {  	s15 =	sadd.s32 $0x4000, s5;
	s16 =	sadd.s32 $0x8000, s5;
	s17 =	sadd.s32 $0xC000, s5  }
0xd: {  	s18 =	sadd.s32 $0x10000, s5;
	s19 =	sadd.s32 s6, s8;
	[dreg:$0x6] =	wrdreg s15  }
0xe: {  	s20 =	sadd.s32 s7, s8;
	s21 =	sadd.s32 $0x10, s8;
	[dreg:$0x7] =	wrdreg s16  }
0xf: {  	s14 =	sadd.s32 $0xD400, s0;
	s11 =	sadd.s32 $0x30, s8;
	[dreg:$0x8] =	wrdreg s17  }
0x10: {  	s24 =	sadd.s32 $0x20, s8;
	s26 =	sadd.s32 $0x40, s8;
	[dreg:$0x9] =	wrdreg s18  }
0x11: {  	s8 =	smul.u32 $0x2700, s12;
	s3 =	smax.u32 s3, $0x1;
	[dreg:$0xa] =	wrdreg s19  }
0x12: {  	[dreg:$0xb] =	wrdreg s20;
	s10 =	sadd.s32 s6, s21;
	s9 =	sadd.s32 s7, s21  }
0x13: {  	s15 =	simm.s32 $0x1;
	s22 =	sshll.u32 s4, $0x4;
	[dreg:$0x10] =	wrdreg s3  }
0x14: {  	s23 =	sadd.s32 s11, s6;
	s25 =	sadd.s32 s6, s24;
	[dreg:$0xc] =	wrdreg s10  }
0x15: {  	s6 =	sadd.s32 s26, s6;
	s3 =	simm.s32 $0x80;
	[dreg:$0xd] =	wrdreg s9  }
0x16: {  	s9 =	simm.s32 $0x1;
	s10 =	sadd.s32 $0xFFFFFFE0, s22;
	[dreg:$0x3] =	wrdreg s23  }
0x17: {  	[dreg:$0xe] =	wrdreg s25;
	s29 =	sadd.s32 $0xFFFFFFF0, s6;
	s9 =	simm.s32 @!p1 $0x0  }
0x18: {  	[dreg:$0x5] =	wrdreg s10;
	s10 =	sadd.s32 $0x5B600, s0;
	s0 =	sadd.s32 s7, s24  }
0x19: {  	[dreg:$0x12] =	wrdreg s29;
	s16 =	sadd.s32 $0x7, s9;
	s9 =	simm.s32 $0x1  }
0x1a: {  	[dreg:$0xf] =	wrdreg s0;
	s0 =	sadd.s32 s26, s7;
	s7 =	sadd.s32 s11, s7  }
0x1b: {  	s6 =	simm.s32 $0x5;
	s9 =	simm.s32 @!p0 $0x0;
	[dreg:$0x4] =	wrdreg s7  }
0x1c: {  	s7 =	sadd.s32 $0x124800, s1;
	s0 =	sadd.s32 $0xFFFFFFF0, s0;
	p0 =	seq.s32 s12, $0xF  }
0x1d: {  	s25 =	smov.u32 s10;
	[dreg:$0x11] =	wrdreg s0;
	s0 =	sshrl.u32 @p0 s7, $0x3  }
0x1e: {  	s26 =	simm.s32 $0x13C80;
	[dreg:$0x13] =	wrdreg s0;
	s0 =	sadd.s32 @!p0 s8, s10  }
0x1f: {  	v0 =	vimm.f32 $0.0e+00;
	s17 =	sadd.s32 $0x7, s9;
	[dreg:$0x14] =	wrdreg s0;
	s0 =	simm.s32 $0x2  }
.LBB2_1:
0x20: {  	s7 =	simm.s32 $0x0;
	s8 =	simm.s32 $0x200  }
.LBB2_2:
0x21: {  	p1 =	sne.s32 s8, $0xFE00;
	[tilespmem:s7+$0x13CF0] =	vst v0  }
0x22: {  	[tilespmem:s7+$0x13C80] =	vst v0  }
0x23: {  	[tilespmem:s7+$0x13C90] =	vst v0  }
.Ltmp0:
0x24: {  	[tilespmem:s7+$0x13CA0] =	vst v0;
	(pc) =	sbr.rel @p1 .LBB2_2-.Ltmp0, $4  }
0x25: {  	[tilespmem:s7+$0x13CB0] =	vst v0  }
0x26: {  	[tilespmem:s7+$0x13CC0] =	vst v0  }
0x27: {  	[tilespmem:s7+$0x13CD0] =	vst v0  }
0x28: {  	[tilespmem:s7+$0x13CE0] =	vst v0;
	s7 =	sshra.s32 s8, $0x2;
	s8 =	sadd.s32 $0x200, s8  }
0x29: {  	[tilespmem:s7+$0x13CF0] =	vst v0  }
0x2a: {  	[tilespmem:s7+$0x13C80] =	vst v0  }
0x2b: {  	[tilespmem:s7+$0x13C90] =	vst v0  }
0x2c: {  	[tilespmem:s7+$0x13CA0] =	vst v0  }
0x2d: {  	[tilespmem:s7+$0x13CB0] =	vst v0  }
0x2e: {  	[tilespmem:s7+$0x13CC0] =	vst v0  }
0x2f: {  	[tilespmem:s7+$0x13CD0] =	vst v0  }
0x30: {  	[tilespmem:s7+$0x13CE0] =	vst v0  }
0x31: {  	[spmem:s5] =	stream.linear.scatter [tilespmem:s26], [sflag:$0x9], $0x4000, $0x38;
	[tilespmem:$0x1BC80] =	vst v63  }
0x32: {  	_ =	swait.ge [sflag:s28], $0x4000  }
0x33: {  	[sflag:s28] =	ssyncset.done $0x0  }
0x34: {  	s10 =	rddreg [dreg:$0x6];
	[sflag:s28] =	ssyncadd.s32 $0xFFFFC000  }
0x35: {  	[spmem:s10] =	stream.linear.scatter [tilespmem:s26], [sflag:$0x9], $0x4000, $0x38;
	[tilespmem:$0x1BC80] =	vst v63  }
0x36: {  	_ =	swait.ge [sflag:s28], $0x4000  }
0x37: {  	[sflag:s28] =	ssyncset.done $0x0  }
0x38: {  	s11 =	rddreg [dreg:$0x7];
	[sflag:s28] =	ssyncadd.s32 $0xFFFFC000  }
0x39: {  	[spmem:s11] =	stream.linear.scatter [tilespmem:s26], [sflag:$0x9], $0x4000, $0x38;
	[tilespmem:$0x1BC80] =	vst v63  }
0x3a: {  	_ =	swait.ge [sflag:s28], $0x4000  }
0x3b: {  	[sflag:s28] =	ssyncset.done $0x0  }
0x3c: {  	s12 =	rddreg [dreg:$0x8];
	[sflag:s28] =	ssyncadd.s32 $0xFFFFC000  }
0x3d: {  	[spmem:s12] =	stream.linear.scatter [tilespmem:s26], [sflag:$0x9], $0x4000, $0x38;
	[tilespmem:$0x1BC80] =	vst v63  }
0x3e: {  	_ =	swait.ge [sflag:s28], $0x4000  }
0x3f: {  	[sflag:s28] =	ssyncset.done $0x0  }
0x40: {  	s13 =	rddreg [dreg:$0x9];
	[sflag:s28] =	ssyncadd.s32 $0xFFFFC000  }
0x41: {  	[spmem:s13] =	stream.linear.scatter [tilespmem:s26], [sflag:$0x9], $0x4000, $0x38;
	[tilespmem:$0x1BC80] =	vst v63  }
0x42: {  	_ =	swait.ge [sflag:s28], $0x4000  }
0x43: {  	[sflag:s28] =	ssyncset.done $0x0  }
0x44: {  	[sflag:s28] =	ssyncadd.s32 $0xFFFFC000  }
0x45: {  	[bflag:$0x0] =	sbarrier.arrive $0xFFFF  }
0x46: {  	s7 =	simm.s32 $0x0;
	s9 =	simm.s32 $0x13880;
	s8 =	rddreg [dreg:$0xa]  }
0x47: {  	[tilespmem:s9], [sflag:$0x1] =	stream.linear.gather [hbm4b:s8+s7], $0x80, $0x38;
	[tilespmem:$0x1BC80] =	vst v63  }
0x48: {  	s18 =	rddreg [dreg:$0xb]  }
0x49: {  	[tilespmem:s30], [sflag:$0x1] =	stream.linear.gather [hbm4b:s18+s7], $0x80, $0x38;
	[tilespmem:$0x1BC80] =	vst v63  }
0x4a: {  	s19 =	rddreg [dreg:$0xc]  }
0x4b: {  	[tilespmem:s31], [sflag:$0x2] =	stream.linear.gather [hbm4b:s19+s7], $0x80, $0x38;
	[tilespmem:$0x1BC80] =	vst v63  }
0x4c: {  	s10 =	simm.s32 $0x13B00;
	s20 =	rddreg [dreg:$0xd]  }
0x4d: {  	[tilespmem:s10], [sflag:$0x2] =	stream.linear.gather [hbm4b:s20+s7], $0x80, $0x38;
	[tilespmem:$0x1BC80] =	vst v63  }
0x4e: {  	_ =	swait.ge [sflag:s15], $0x80  }
0x4f: {  	[sflag:s15] =	ssyncset.done $0x0  }
0x50: {  	[sflag:s15] =	ssyncadd.s32 $0xFFFFFF80  }
0x51: {  	_ =	swait.ge [sflag:s15], $0x80  }
0x52: {  	[sflag:s15] =	ssyncset.done $0x0  }
0x53: {  	[sflag:s15] =	ssyncadd.s32 $0xFFFFFF80  }
0x54: {  	[tilespmem:s26], [sflag:$0x5] =	stream.indirect.gather [hbm4b:s14+s3], $0x80, s9, s3, $0xb8;
	[tilespmem:$0x1BC80] =	vst v63  }
0x55: {  	_ =	swait.ge [sflag:s0], $0x80  }
0x56: {  	[sflag:s0] =	ssyncset.done $0x0  }
0x57: {  	[sflag:s0] =	ssyncadd.s32 $0xFFFFFF80  }
0x58: {  	_ =	swait.ge [sflag:s0], $0x80  }
0x59: {  	[sflag:s0] =	ssyncset.done $0x0  }
0x5a: {  	s21 =	simm.s32 $0x17C80;
	[sflag:s0] =	ssyncadd.s32 $0xFFFFFF80  }
0x5b: {  	[tilespmem:s21], [sflag:$0x6] =	stream.indirect.gather [hbm4b:s14+s3], $0x80, s31, s3, $0xb8;
	[tilespmem:$0x1BC80] =	vst v63  }
0x5c: {  	_ =	swait.ge [sflag:s6], $0x4000  }
0x5d: {  	[sflag:s6] =	ssyncset.done $0x0  }
0x5e: {  	[sflag:s6] =	ssyncadd.s32 $0xFFFFC000  }
0x5f: {  	[spmem:s1] =	stream.indirect.scatter.add.f32 [tilespmem:s26], [sflag:$0x7], $0x80, s30, s3, $0xb8;
	[tilespmem:$0x1BC80] =	vst v63  }
0x60: {  	s23 =	simm.s32 $0x13980;
	s29 =	simm.s32 $0x13B80;
	s22 =	rddreg [dreg:$0xe]  }
0x61: {  	[tilespmem:s23], [sflag:$0x3] =	stream.linear.gather [hbm4b:s22+s7], $0x80, $0x38;
	[tilespmem:$0x1BC80] =	vst v63  }
0x62: {  	s8 =	simm.s32 $0x3;
	s10 =	simm.s32 $0x200;
	s24 =	rddreg [dreg:$0xf]  }
0x63: {  	[tilespmem:s29], [sflag:$0x3] =	stream.linear.gather [hbm4b:s24+s7], $0x80, $0x38;
	[tilespmem:$0x1BC80] =	vst v63  }
.LBB2_4:
0x64: {  	s11 =	sadd.s32 $0xFFFFFFFF, s8  }
0x65: {  	s12 =	sand.u32 $0x1, s11  }
0x66: {  	s9 =	sadd.s32 $0x7, s12  }
0x67: {  	_ =	swait.ge [sflag:s9], $0x4000  }
0x68: {  	s11 =	sand.u32 $0x3, s11;
	[sflag:s9] =	ssyncset.done $0x0  }
0x69: {  	s18 =	sadd.s32 $0xFFFFFFFE, s8;
	s13 =	sadd.s32 $0x1, s11;
	[sflag:s9] =	ssyncadd.s32 $0xFFFFC000  }
0x6a: {  	s20 =	sand.u32 $0x600, s10;
	p1 =	sge.u32 s8, s4;
	_ =	swait.ge [sflag:s13], $0x80  }
0x6b: {  	s18 =	sand.u32 $0x1, s18;
	s20 =	sshrl.u32 s20, $0x2;
	[sflag:s13] =	ssyncset.done $0x0  }
0x6c: {  	s21 =	sand.u32 @!p1 $0x3, s8;
	s11 =	sshll.u32 s11, $0x7;
	[sflag:s13] =	ssyncadd.s32 $0xFFFFFF80  }
0x6d: {  	s24 =	sshll.u32 s12, $0xE;
	s12 =	sadd.s32 $0x5, s12;
	_ =	swait.ge [sflag:s13], $0x80  }
0x6e: {  	s29 =	sshll.u32 s18, $0xE;
	s19 =	sadd.s32 $0x13880, s11;
	[sflag:s13] =	ssyncset.done $0x0  }
0x6f: {  	s11 =	sor.u32 $0x13C80, s24;
	[sflag:s13] =	ssyncadd.s32 $0xFFFFFF80;
	s13 =	sadd.s32 $0x5, s18  }
0x70: {  	[tilespmem:s11], [sflag:s12] =	stream.indirect.gather [hbm4b:s14+s3], $0x80, s19, s3, $0xb8;
	[tilespmem:$0x1BC80] =	vst v63  }
0x71: {  	s20 =	sadd.s32 $0x13A80, s20;
	s23 =	sshll.u32 @!p1 s21, $0x7;
	_ =	swait.ge [sflag:s13], $0x4000  }
0x72: {  	s18 =	sadd.s32 $0x7, s18;
	s19 =	sor.u32 $0x13C80, s29;
	[sflag:s13] =	ssyncset.done $0x0  }
0x73: {  	s29 =	simm.s32 @!p1 $0x0;
	s22 =	rddreg [dreg:$0x3];
	[sflag:s13] =	ssyncadd.s32 $0xFFFFC000  }
0x74: {  	[spmem:s1] =	stream.indirect.scatter.add.f32 [tilespmem:s19], [sflag:s18], $0x80, s20, s3, $0xb8;
	[tilespmem:$0x1BC80] =	vst v63  }
0x75: {  	s22 =	sadd.s32 @!p1 s7, s22;
	s20 =	sadd.s32 @!p1 $0x1, s21;
	s21 =	sadd.s32 @!p1 $0x13880, s23  }
0x76: {  	[tilespmem:s21], [sflag:s20] =	stream.linear.gather @!p1 [hbm4b:s22+s29], $0x80, $0x38;
	[tilespmem:$0x1BC80] =	vst v63  }
0x77: {  	s24 =	rddreg [dreg:$0x4];
	s22 =	sadd.s32 @!p1 $0x13A80, s23  }
0x78: {  	s23 =	sadd.s32 @!p1 s7, s24;
	s24 =	rddreg [dreg:$0x5];
	s7 =	sadd.s32 $0x10, s7  }
0x79: {  	p2 =	sne.s32 s24, s7  }
.Ltmp1:
0x7a: {  	_ = 	snop;
	(pc) =	sbr.rel @p2 .LBB2_4-.Ltmp1, $3  }
0x7b: {  	_ =	sdelay $0x1  }
0x7c: {  	s10 =	sadd.s32 $0x200, s10;
	s8 =	sadd.s32 $0x1, s8  }
0x7d: {  	[tilespmem:s22], [sflag:s20] =	stream.linear.gather @!p1 [hbm4b:s23+s29], $0x80, $0x38;
	[tilespmem:$0x1BC80] =	vst v63  }
0x7e: {  	_ =	swait.ge @!p1 [sflag:s18], $0x4000  }
0x7f: {  	[sflag:s18] =	ssyncset.done @!p1 $0x0  }
0x80: {  	[sflag:s18] =	ssyncadd.s32 @!p1 $0xFFFFC000  }
0x81: {  	_ =	swait.ge @!p1 [sflag:s20], $0x80  }
0x82: {  	[sflag:s20] =	ssyncset.done @!p1 $0x0  }
0x83: {  	[sflag:s20] =	ssyncadd.s32 @!p1 $0xFFFFFF80  }
0x84: {  	_ =	swait.ge @!p1 [sflag:s20], $0x80  }
0x85: {  	[sflag:s20] =	ssyncset.done @!p1 $0x0  }
0x86: {  	s18 =	simm.s32 @!p1 $0x80;
	[sflag:s20] =	ssyncadd.s32 @!p1 $0xFFFFFF80  }
0x87: {  	[tilespmem:s19], [sflag:s13] =	stream.indirect.gather @!p1 [hbm4b:s14+s18], $0x80, s21, s18, $0xb8;
	[tilespmem:$0x1BC80] =	vst v63  }
0x88: {  	s10 =	sand.u32 $0x600, s10;
	_ =	swait.ge [sflag:s12], $0x4000  }
0x89: {  	s10 =	sshrl.u32 s10, $0x2;
	p1 =	sge.u32 s8, s4;
	[sflag:s12] =	ssyncset.done $0x0  }
0x8a: {  	s10 =	sadd.s32 $0x13A80, s10;
	s8 =	sand.u32 @!p1 $0x3, s8;
	[sflag:s12] =	ssyncadd.s32 $0xFFFFC000  }
0x8b: {  	[spmem:s1] =	stream.indirect.scatter.add.f32 [tilespmem:s11], [sflag:s9], $0x80, s10, s3, $0xb8;
	[tilespmem:$0x1BC80] =	vst v63  }
0x8c: {  	s9 =	sadd.s32 @!p1 $0x1, s8;
	s8 =	sshll.u32 @!p1 s8, $0x7;
	s11 =	rddreg [dreg:$0x12]  }
0x8d: {  	s12 =	simm.s32 @!p1 $0x0;
	s10 =	sadd.s32 @!p1 $0x13880, s8;
	s11 =	sadd.s32 @!p1 s7, s11  }
0x8e: {  	[tilespmem:s10], [sflag:s9] =	stream.linear.gather @!p1 [hbm4b:s11+s12], $0x80, $0x38;
	[tilespmem:$0x1BC80] =	vst v63  }
0x8f: {  	s10 =	rddreg [dreg:$0x11]  }
0x90: {  	s8 =	sadd.s32 @!p1 $0x13A80, s8;
	s7 =	sadd.s32 @!p1 s7, s10  }
0x91: {  	[tilespmem:s8], [sflag:s9] =	stream.linear.gather @!p1 [hbm4b:s7+s12], $0x80, $0x38;
	[tilespmem:$0x1BC80] =	vst v63  }
0x92: {  	_ =	swait.ge [sflag:s16], $0x4000  }
0x93: {  	[sflag:s16] =	ssyncset.done $0x0  }
0x94: {  	[sflag:s16] =	ssyncadd.s32 $0xFFFFC000  }
0x95: {  	_ =	swait.ge [sflag:s17], $0x4000  }
0x96: {  	[sflag:s17] =	ssyncset.done $0x0  }
0x97: {  	[sflag:s17] =	ssyncadd.s32 $0xFFFFC000  }
0x98: {  	[bflag:$0x0] =	sbarrier.arrive $0xFFFF  }
0x99: {  	s7 =	sadd.s32 @p0 $0x24900, s25;
	s8 =	simm.s32 @p0 $0x1FC9;
	s9 =	rddreg [dreg:$0x13]  }
0x9a: {  	[hbm:s7], [sflag:s8] =	dma.local @p0 [spmem:s9], $0x2800  }
0x9b: {  	s7 =	simm.s32 @p0 $0x9  }
0x9c: {  	s8 =	stileid.u32;
	_ =	swait.ge @p0 [sflag:s7], $0x2800  }
0x9d: {  	s8 =	sshll.u32 @!p0 s8, $0x6;
	[sflag:s7] =	ssyncset.done @p0 $0x0;
	s9 =	rddreg [dreg:$0x14]  }
0x9e: {  	[sflag:s7] =	ssyncadd.s32 @p0 $0xFFFFD800;
	s7 =	sor.u32 @!p0 $0x1C09, s8;
	s8 =	sshrl.u32 @!p0 s5, $0x3  }
0x9f: {  	[hbm:s9], [sflag:s7] =	dma.local @!p0 [spmem:s8], $0x2700  }
0xa0: {  	s7 =	simm.s32 @!p0 $0x9  }
0xa1: {  	_ =	swait.ge @!p0 [sflag:s7], $0x2700  }
0xa2: {  	s2 =	sadd.s32 $0x1, s2;
	s29 =	rddreg [dreg:$0x10]  }
0xa3: {  	p1 =	sne.s32 s2, s29  }
.Ltmp2:
0xa4: {  	_ = 	snop;
	(pc) =	sbr.rel @p1 .LBB2_1-.Ltmp2, $3  }
0xa5: {  	_ =	sdelay $0x1  }
0xa6: {  	[sflag:s7] =	ssyncset.done @!p0 $0x0  }
0xa7: {  	[sflag:s7] =	ssyncadd.s32 @!p0 $0xFFFFD900  }
0xa8: {  	_ =	sfence.sel $0x180000  }
0xa9: {  	[bflag:$0x0] =	sbarrier.arrive $0xFFFF  }
0xaa: {  	_ =	strace $0x90000050  }
0xab: {  	s0 =	stileid.u32;
	[bflag:$0x2] =	sbarrier.arrive $0xFFFF  }
0xac: {  	p0 =	sne.s32 s0, $0x0;
	s0 =	rddreg [dreg:$0x2]  }
0xad: {  	s0 =	sadd.s32 @!p0 $0x100000, s0  }
0xae: {  	[sflag:s0] =	ssyncadd.tile.s32 @!p0 $0x1;
	_ =	shalt  }
.Lfunc_end2:
_tile_overlayer_lowered:
.L_overlay_start_2:
0xaf: {  	(tag) =	ssettag $0x2  }
0xb0: {  	s0 =	rddreg [dreg:$0x0];
	s2 =	stileid.u32  }
0xb1: {  	s1 =	rddreg [dreg:$0x1];
	p0 =	sne.s32 s2, $0x0  }
0xb2: {  	s3 =	rddreg [dreg:$0x2];
	[bflag:$0x3] =	sbarrier.arrive $0xFFFF;
	s2 =	simm.s32 @!p0 $0x1C09  }
0xb3: {  	[timem:s3], [sflag:s2] =	dma.local @!p0 [hbm:s0], s1  }
0xb4: {  	s0 =	simm.s32 @!p0 $0x9  }
0xb5: {  	_ =	swait.ge @!p0 [sflag:s0], s1  }
0xb6: {  	s1 =	ssub.s32 @!p0 $0x0, s1;
	[sflag:s0] =	ssyncset.done @!p0 $0x0  }
0xb7: {  	[sflag:s0] =	ssyncadd.s32 @!p0 s1  }
0xb8: {  	[bflag:$0x3] =	sbarrier.arrive $0xFFFF  }
0xb9: {  	_ =	shalt  }

</sc_bundles>
